<compile_context>
chip_gen: v7x
topology: tpu7x:2x2x1
jax: 0.10.2.dev20260603
libtpu: 0.0.44.dev20260713+nightly
codegen_flags: <defaults>
</compile_context>

<pallas_src>
import functools

import jax
import jax.numpy as jnp
from jax import lax
from jax.experimental import pallas as pl
from jax.experimental.pallas import tpu as pltpu
from jax.experimental.pallas import tpu_sc as plsc

WORD_DIM = 100
POS_DIM = 16
LEM_DIM = 100
OUT_DIM = WORD_DIM + POS_DIM + LEM_DIM
LANE_TILE = 128
POS_VOCAB = 64

CHUNK = 64
PAIR = 2
NTILE = 4


def _sc_embed(word_idx, pos_idx, lem_idx, wtab_p, pos_flat, ltab_p):
    n = word_idx.shape[0]
    info = plsc.get_sparse_core_info()
    nw = info.num_cores * info.num_subcores
    per_w = n // nw
    chunks = per_w // CHUNK
    assert chunks % NTILE == 0 and chunks >= 2 * NTILE
    mesh = plsc.VectorSubcoreMesh(core_axis_name="c", subcore_axis_name="s")

    idx_t = pltpu.VMEM((CHUNK,), jnp.int32)
    lrows_t = pltpu.VMEM((CHUNK, LANE_TILE), jnp.float32)
    tile_t = pltpu.VMEM((CHUNK, OUT_DIM), jnp.float32)
    sem_t = pltpu.SemaphoreType.DMA

    @functools.partial(
        pl.kernel,
        mesh=mesh,
        compiler_params=pltpu.CompilerParams(needs_layout_passes=False),
        out_type=jax.ShapeDtypeStruct((n, OUT_DIM), jnp.float32),
        scratch_types=[
            idx_t, idx_t, idx_t, idx_t, idx_t, idx_t,
            lrows_t, lrows_t,
            tile_t, tile_t, tile_t, tile_t,
            pltpu.VMEM((POS_VOCAB * POS_DIM,), jnp.float32),
            sem_t, sem_t, sem_t, sem_t, sem_t, sem_t,
            sem_t, sem_t, sem_t, sem_t,
        ],
    )
    def k(widx_hbm, pidx_hbm, lidx_hbm, wtab_hbm, pflat_hbm, ltab_hbm,
          out_hbm, wi0, li0, pi0, wi1, li1, pi1, lr0, lr1,
          tile0, tile1, tile2, tile3, pos_v,
          isem0, isem1, psem0, psem1, gsem0, gsem1,
          wsem0, wsem1, wsem2, wsem3):
        wid = lax.axis_index("s") * info.num_cores + lax.axis_index("c")
        w_base = wid * per_w
        lane = lax.iota(jnp.int32, 16)
        wl_idx = ((wi0, li0), (wi1, li1))
        pi_bufs = (pi0, pi1)
        l_bufs = (lr0, lr1)
        tiles = (tile0, tile1, tile2, tile3)
        isems = (isem0, isem1)
        psems = (psem0, psem1)
        gsems = (gsem0, gsem1)
        wsems = (wsem0, wsem1, wsem2, wsem3)

        def base(g):
            return w_base + g * CHUNK

        def fire_idx_wl(g, s):
            b = base(g)
            pltpu.async_copy(widx_hbm.at[pl.ds(b, CHUNK)], wl_idx[s][0],
                             isems[s])
            pltpu.async_copy(lidx_hbm.at[pl.ds(b, CHUNK)], wl_idx[s][1],
                             isems[s])

        def wait_idx_wl(g, s):
            b = base(g)
            pltpu.make_async_copy(widx_hbm.at[pl.ds(b, CHUNK)], wl_idx[s][0],
                                  isems[s]).wait()
            pltpu.make_async_copy(lidx_hbm.at[pl.ds(b, CHUNK)], wl_idx[s][1],
                                  isems[s]).wait()

        def fire_idx_p(g, s):
            pltpu.async_copy(
                pidx_hbm.at[pl.ds(base(g), CHUNK)], pi_bufs[s], psems[s])

        def wait_idx_p(g, s):
            pltpu.make_async_copy(
                pidx_hbm.at[pl.ds(base(g), CHUNK)], pi_bufs[s],
                psems[s]).wait()

        def fire_gathers(s, t):
            pltpu.async_copy(wtab_hbm.at[wl_idx[s][0]],
                             tiles[t].at[:, 0:LANE_TILE], gsems[s])
            pltpu.async_copy(ltab_hbm.at[wl_idx[s][1]], l_bufs[s], gsems[s])

        def wait_gathers(s, t):
            pltpu.make_async_copy(wtab_hbm.at[wl_idx[s][0]],
                                  tiles[t].at[:, 0:LANE_TILE],
                                  gsems[s]).wait()
            pltpu.make_async_copy(ltab_hbm.at[wl_idx[s][1]], l_bufs[s],
                                  gsems[s]).wait()

        def write_copy(g, t):
            return pltpu.make_async_copy(
                tiles[t], out_hbm.at[pl.ds(base(g), CHUNK)], wsems[t])

        def fire_write(g, t):
            pltpu.async_copy(
                tiles[t], out_hbm.at[pl.ds(base(g), CHUNK)], wsems[t])

        def assemble(s, t):
            lr = l_bufs[s]
            pi_v = pi_bufs[s]
            tile_v = tiles[t]

            def pos_row_splat(r):
                return plsc.load_gather(pi_v, [jnp.broadcast_to(r, (16,))])

            def pos_fetch(splat16, colv, mask):
                cv = jnp.where(mask, colv, 0)
                return plsc.load_gather(pos_v, [splat16 * POS_DIM + cv],
                                        mask=mask)

            def lem_fetch(r, colv, mask):
                cv = jnp.where(mask, colv, 0)
                return plsc.load_gather(lr, [jnp.broadcast_to(r, (16,)), cv],
                                        mask=mask)

            def assemble_pair(g, carry):
                r0 = PAIR * g
                r1 = r0 + 1
                p0 = pos_row_splat(r0) * POS_DIM
                p1 = pos_row_splat(r1) * POS_DIM
                m = lane >= 4
                v = plsc.load_gather(
                    pos_v, [p0 + jnp.where(m, lane - 4, 0)], mask=m)
                plsc.store_scatter(tile_v,
                                   [jnp.broadcast_to(r0, (16,)), 96 + lane],
                                   v, mask=m)
                m = lane < 4
                va = plsc.load_gather(pos_v, [p0 + jnp.where(m, lane + 12, 0)],
                                      mask=m)
                vb = lem_fetch(r0, lane - 4, ~m)
                tile_v[r0, pl.ds(112, 16)] = jnp.where(m, va, vb)
                for jj in range(5):
                    tile_v[r0, pl.ds(128 + 16 * jj, 16)] = (
                        lr[r0, pl.ds(12 + 16 * jj, 16)])
                m = lane < 8
                v = lem_fetch(r0, 92 + lane, m)
                plsc.store_scatter(tile_v,
                                   [jnp.broadcast_to(r0, (16,)), 208 + lane],
                                   v, mask=m)
                m = lane >= 12
                v = plsc.load_gather(
                    pos_v, [p1 + jnp.where(m, lane - 12, 0)], mask=m)
                plsc.store_scatter(tile_v,
                                   [jnp.broadcast_to(r1, (16,)), 88 + lane],
                                   v, mask=m)
                m = lane < 12
                va = plsc.load_gather(pos_v, [p1 + jnp.where(m, lane + 4, 0)],
                                      mask=m)
                vb = lem_fetch(r1, lane - 12, ~m)
                tile_v[r1, pl.ds(104, 16)] = jnp.where(m, va, vb)
                v = lr[r1, pl.ds(4, 16)]
                plsc.store_scatter(tile_v,
                                   [jnp.broadcast_to(r1, (16,)), 120 + lane],
                                   v)
                for jj in range(5):
                    tile_v[r1, pl.ds(136 + 16 * jj, 16)] = (
                        lr[r1, pl.ds(20 + 16 * jj, 16)])
                return carry

            lax.fori_loop(0, CHUNK // PAIR, assemble_pair, 0)

        pltpu.sync_copy(pflat_hbm, pos_v)

        fire_idx_wl(0, 0)
        fire_idx_p(0, 0)
        fire_idx_wl(1, 1)
        fire_idx_p(1, 1)
        wait_idx_wl(0, 0)
        fire_gathers(0, 0)

        def chunk_step(g, jmod, m_pos, steady):
            s = jmod % 2
            t = jmod % NTILE
            s1 = (jmod + 1) % 2
            t1 = (jmod + 1) % NTILE
            if steady or g + 1 < chunks:
                wait_idx_wl(g + 1, s1)
                if m_pos is None:
                    write_copy(g + 1 - NTILE, t1).wait()
                else:
                    @pl.when(m_pos)
                    def _():
                        write_copy(g + 1 - NTILE, t1).wait()
                fire_gathers(s1, t1)
            wait_gathers(s, t)
            if steady or g + 2 < chunks:
                fire_idx_wl(g + 2, s)
            wait_idx_p(g, s)
            assemble(s, t)
            if steady or g + 2 < chunks:
                fire_idx_p(g + 2, s)
            fire_write(g, t)

        def steady_body(m, carry):
            G = NTILE * m
            for j in range(NTILE):
                guard = (m > 0) if j < NTILE - 1 else None
                chunk_step(G + j, j, guard, True)
            return carry

        lax.fori_loop(0, chunks // NTILE - 1, steady_body, 0)

        G = chunks - NTILE
        for j in range(NTILE):
            g = G + j
            m_pos = None if g + 1 - NTILE >= 0 else False
            chunk_step(g, j, m_pos, False)
        for j in range(NTILE):
            write_copy(chunks - NTILE + j, j % NTILE).wait()

    return k(word_idx, pos_idx, lem_idx, wtab_p, pos_flat, ltab_p)


def kernel(word_idx, pos_idx, lem_idx, word_table, pos_table, lem_table):
    b, l = word_idx.shape
    n = b * l
    wi = word_idx.reshape(n).astype(jnp.int32)
    pi = pos_idx.reshape(n).astype(jnp.int32)
    li = lem_idx.reshape(n).astype(jnp.int32)
    wtab_p = jnp.pad(word_table, ((0, 0), (0, LANE_TILE - WORD_DIM)))
    ltab_p = jnp.pad(lem_table, ((0, 0), (0, LANE_TILE - LEM_DIM)))
    pos_flat = pos_table.reshape(POS_VOCAB * POS_DIM)
    out = _sc_embed(wi, pi, li, wtab_p, pos_flat, ltab_p)
    return out.reshape(b, l, OUT_DIM)

# --- scband reference (transcript-rebuilt; emitter-appended) ---
"""Pipeline reference for scband-syn-ag-24687472018100 (READ-ONLY COPY).

The authoritative reference and input builder live on the scoring server;
editing this copy changes nothing except your own understanding.
"""

import jax, jax.numpy as jnp
import numpy as np

WORD_VOCAB = 100000
POS_VOCAB = 64
LEM_VOCAB = 100000
WORD_DIM = 100
POS_DIM = 16
LEM_DIM = 100
B, L = 4096, 200


def setup_inputs(seed: int = 0) -> dict:
    key = jax.random.key(seed)
    k1, k2, k3, k4, k5, k6 = jax.random.split(key, 6)
    word_idx = jax.random.randint(k1, (B, L), 0, WORD_VOCAB, dtype=jnp.int64 if jax.config.read('jax_enable_x64') else jnp.int32)
    pos_idx = jax.random.randint(k2, (B, L), 0, POS_VOCAB, dtype=jnp.int64 if jax.config.read('jax_enable_x64') else jnp.int32)
    lem_idx = jax.random.randint(k3, (B, L), 0, LEM_VOCAB, dtype=jnp.int64 if jax.config.read('jax_enable_x64') else jnp.int32)
    # nn.Embedding default init: N(0, 1)
    word_table = jax.random.normal(k4, (WORD_VOCAB, WORD_DIM), dtype=jnp.float32)
    pos_table = jax.random.normal(k5, (POS_VOCAB, POS_DIM), dtype=jnp.float32)
    lem_table = jax.random.normal(k6, (LEM_VOCAB, LEM_DIM), dtype=jnp.float32)
    return {
        'word_idx': word_idx,
        'pos_idx': pos_idx,
        'lem_idx': lem_idx,
        'word_table': word_table,
        'pos_table': pos_table,
        'lem_table': lem_table,
    }


def reference(word_idx, pos_idx, lem_idx, word_table, pos_table, lem_table):
    # Faithful translation: three nn.Embedding lookups; outputs concatenated
    # along the feature dim (standard SynAg feature construction).
    w = jnp.take(word_table, word_idx, axis=0)   # [B, L, 100]
    p = jnp.take(pos_table, pos_idx, axis=0)     # [B, L, 16]
    l = jnp.take(lem_table, lem_idx, axis=0)     # [B, L, 100]
    return jnp.concatenate([w, p, l], axis=-1)   # [B, L, 216]

if __name__ == "__main__":
    import jax
    _d = setup_inputs()
    print(jax.jit(kernel)(*tuple(_d.values())))

</pallas_src>

<mosaic_0001>
#map = affine_map<(d0, d1) -> (0)>
#map1 = affine_map<(d0, d1) -> (0, 0)>
module attributes {stable_mosaic.version = 14 : i64} {
  func.func @k(%arg0: i32, %arg1: i32, %arg2: memref<819200xi32, #tpu.memory_space<hbm>>, %arg3: memref<819200xi32, #tpu.memory_space<hbm>>, %arg4: memref<819200xi32, #tpu.memory_space<hbm>>, %arg5: memref<100000x128xf32, #tpu.memory_space<hbm>>, %arg6: memref<1024xf32, #tpu.memory_space<hbm>>, %arg7: memref<100000x128xf32, #tpu.memory_space<hbm>>, %arg8: memref<819200x216xf32, #tpu.memory_space<hbm>>, %arg9: memref<64xi32, #tpu.memory_space<vmem>>, %arg10: memref<64xi32, #tpu.memory_space<vmem>>, %arg11: memref<64xi32, #tpu.memory_space<vmem>>, %arg12: memref<64xi32, #tpu.memory_space<vmem>>, %arg13: memref<64xi32, #tpu.memory_space<vmem>>, %arg14: memref<64xi32, #tpu.memory_space<vmem>>, %arg15: memref<64x128xf32, #tpu.memory_space<vmem>>, %arg16: memref<64x128xf32, #tpu.memory_space<vmem>>, %arg17: memref<64x216xf32, #tpu.memory_space<vmem>>, %arg18: memref<64x216xf32, #tpu.memory_space<vmem>>, %arg19: memref<64x216xf32, #tpu.memory_space<vmem>>, %arg20: memref<64x216xf32, #tpu.memory_space<vmem>>, %arg21: memref<1024xf32, #tpu.memory_space<vmem>>, %arg22: memref<!tpu.dma_semaphore, #tpu.memory_space<semaphore_mem>>, %arg23: memref<!tpu.dma_semaphore, #tpu.memory_space<semaphore_mem>>, %arg24: memref<!tpu.dma_semaphore, #tpu.memory_space<semaphore_mem>>, %arg25: memref<!tpu.dma_semaphore, #tpu.memory_space<semaphore_mem>>, %arg26: memref<!tpu.dma_semaphore, #tpu.memory_space<semaphore_mem>>, %arg27: memref<!tpu.dma_semaphore, #tpu.memory_space<semaphore_mem>>, %arg28: memref<!tpu.dma_semaphore, #tpu.memory_space<semaphore_mem>>, %arg29: memref<!tpu.dma_semaphore, #tpu.memory_space<semaphore_mem>>, %arg30: memref<!tpu.dma_semaphore, #tpu.memory_space<semaphore_mem>>, %arg31: memref<!tpu.dma_semaphore, #tpu.memory_space<semaphore_mem>>) attributes {dimension_semantics = [#tpu.dimension_semantics<core_parallel>, #tpu.dimension_semantics<subcore_parallel>], iteration_bounds = array<i64: 2, 16>, scalar_prefetch = 0 : i64, scratch_operands = 23 : i64, tpu.core_type = #tpu.core_type<sc_vector_subcore>, window_params = [{transform_indices = #map}, {transform_indices = #map}, {transform_indices = #map}, {transform_indices = #map1}, {transform_indices = #map}, {transform_indices = #map1}, {transform_indices = #map1}]} {
    %mul3A = arith.constant 2 : i32
    %mul3A_0 = arith.muli %arg1, %mul3A : i32
    %add3A = arith.addi %mul3A_0, %arg0 : i32
    %mul3A_1 = arith.constant 25600 : i32
    %mul3A_2 = arith.muli %add3A, %mul3A_1 : i32
    %iota3A = tpu.iota {dimensions = array<i32: 0>} : vector<16xi32>
    "tpu.region"() ({
      %run_scoped3A = tpu.sem_alloc : memref<!tpu.dma_semaphore, #tpu.memory_space<semaphore_mem>>
      tpu.enqueue_dma source(%arg6 : memref<1024xf32, #tpu.memory_space<hbm>>) target(%arg21 : memref<1024xf32, #tpu.memory_space<vmem>>) target_semaphore(%run_scoped3A : memref<!tpu.dma_semaphore, #tpu.memory_space<semaphore_mem>>)
      tpu.wait_dma2 semaphore(%run_scoped3A : memref<!tpu.dma_semaphore, #tpu.memory_space<semaphore_mem>>) src(%arg6 : memref<1024xf32, #tpu.memory_space<hbm>>) dst(%arg21 : memref<1024xf32, #tpu.memory_space<vmem>>)
      tpu.yield
    }) : () -> ()
    %add3A_3 = arith.constant 0 : i32
    %add3A_4 = arith.addi %mul3A_2, %add3A_3 : i32
    %dma_start3A = tpu.memref_slice %arg2[%add3A_4] : memref<819200xi32, #tpu.memory_space<hbm>> -> memref<64xi32, #tpu.memory_space<hbm>>
    %dma_start3A_5 = tpu.memref_slice %arg2[%add3A_4] : memref<819200xi32, #tpu.memory_space<hbm>> -> memref<64xi32, #tpu.memory_space<hbm>>
    tpu.enqueue_dma source(%dma_start3A_5 : memref<64xi32, #tpu.memory_space<hbm>>) target(%arg9 : memref<64xi32, #tpu.memory_space<vmem>>) target_semaphore(%arg22 : memref<!tpu.dma_semaphore, #tpu.memory_space<semaphore_mem>>)
    %dma_start3A_6 = tpu.memref_slice %arg4[%add3A_4] : memref<819200xi32, #tpu.memory_space<hbm>> -> memref<64xi32, #tpu.memory_space<hbm>>
    %dma_start3A_7 = tpu.memref_slice %arg4[%add3A_4] : memref<819200xi32, #tpu.memory_space<hbm>> -> memref<64xi32, #tpu.memory_space<hbm>>
    tpu.enqueue_dma source(%dma_start3A_7 : memref<64xi32, #tpu.memory_space<hbm>>) target(%arg10 : memref<64xi32, #tpu.memory_space<vmem>>) target_semaphore(%arg22 : memref<!tpu.dma_semaphore, #tpu.memory_space<semaphore_mem>>)
    %add3A_8 = arith.constant 0 : i32
    %add3A_9 = arith.addi %mul3A_2, %add3A_8 : i32
    %dma_start3A_10 = tpu.memref_slice %arg3[%add3A_9] : memref<819200xi32, #tpu.memory_space<hbm>> -> memref<64xi32, #tpu.memory_space<hbm>>
    %dma_start3A_11 = tpu.memref_slice %arg3[%add3A_9] : memref<819200xi32, #tpu.memory_space<hbm>> -> memref<64xi32, #tpu.memory_space<hbm>>
    tpu.enqueue_dma source(%dma_start3A_11 : memref<64xi32, #tpu.memory_space<hbm>>) target(%arg11 : memref<64xi32, #tpu.memory_space<vmem>>) target_semaphore(%arg24 : memref<!tpu.dma_semaphore, #tpu.memory_space<semaphore_mem>>)
    %add3A_12 = arith.constant 64 : i32
    %add3A_13 = arith.addi %mul3A_2, %add3A_12 : i32
    %dma_start3A_14 = tpu.memref_slice %arg2[%add3A_13] : memref<819200xi32, #tpu.memory_space<hbm>> -> memref<64xi32, #tpu.memory_space<hbm>>
    %dma_start3A_15 = tpu.memref_slice %arg2[%add3A_13] : memref<819200xi32, #tpu.memory_space<hbm>> -> memref<64xi32, #tpu.memory_space<hbm>>
    tpu.enqueue_dma source(%dma_start3A_15 : memref<64xi32, #tpu.memory_space<hbm>>) target(%arg12 : memref<64xi32, #tpu.memory_space<vmem>>) target_semaphore(%arg23 : memref<!tpu.dma_semaphore, #tpu.memory_space<semaphore_mem>>)
    %dma_start3A_16 = tpu.memref_slice %arg4[%add3A_13] : memref<819200xi32, #tpu.memory_space<hbm>> -> memref<64xi32, #tpu.memory_space<hbm>>
    %dma_start3A_17 = tpu.memref_slice %arg4[%add3A_13] : memref<819200xi32, #tpu.memory_space<hbm>> -> memref<64xi32, #tpu.memory_space<hbm>>
    tpu.enqueue_dma source(%dma_start3A_17 : memref<64xi32, #tpu.memory_space<hbm>>) target(%arg13 : memref<64xi32, #tpu.memory_space<vmem>>) target_semaphore(%arg23 : memref<!tpu.dma_semaphore, #tpu.memory_space<semaphore_mem>>)
    %add3A_18 = arith.constant 64 : i32
    %add3A_19 = arith.addi %mul3A_2, %add3A_18 : i32
    %dma_start3A_20 = tpu.memref_slice %arg3[%add3A_19] : memref<819200xi32, #tpu.memory_space<hbm>> -> memref<64xi32, #tpu.memory_space<hbm>>
    %dma_start3A_21 = tpu.memref_slice %arg3[%add3A_19] : memref<819200xi32, #tpu.memory_space<hbm>> -> memref<64xi32, #tpu.memory_space<hbm>>
    tpu.enqueue_dma source(%dma_start3A_21 : memref<64xi32, #tpu.memory_space<hbm>>) target(%arg14 : memref<64xi32, #tpu.memory_space<vmem>>) target_semaphore(%arg25 : memref<!tpu.dma_semaphore, #tpu.memory_space<semaphore_mem>>)
    %add3A_22 = arith.constant 0 : i32
    %add3A_23 = arith.addi %mul3A_2, %add3A_22 : i32
    %dma_wait3A = tpu.memref_slice %arg2[%add3A_23] : memref<819200xi32, #tpu.memory_space<hbm>> -> memref<64xi32, #tpu.memory_space<hbm>>
    %dma_wait3A_24 = tpu.memref_slice %arg2[%add3A_23] : memref<819200xi32, #tpu.memory_space<hbm>> -> memref<64xi32, #tpu.memory_space<hbm>>
    tpu.wait_dma2 semaphore(%arg22 : memref<!tpu.dma_semaphore, #tpu.memory_space<semaphore_mem>>) src(%dma_wait3A_24 : memref<64xi32, #tpu.memory_space<hbm>>) dst(%arg9 : memref<64xi32, #tpu.memory_space<vmem>>)
    %dma_wait3A_25 = tpu.memref_slice %arg4[%add3A_23] : memref<819200xi32, #tpu.memory_space<hbm>> -> memref<64xi32, #tpu.memory_space<hbm>>
    %dma_wait3A_26 = tpu.memref_slice %arg4[%add3A_23] : memref<819200xi32, #tpu.memory_space<hbm>> -> memref<64xi32, #tpu.memory_space<hbm>>
    tpu.wait_dma2 semaphore(%arg22 : memref<!tpu.dma_semaphore, #tpu.memory_space<semaphore_mem>>) src(%dma_wait3A_26 : memref<64xi32, #tpu.memory_space<hbm>>) dst(%arg10 : memref<64xi32, #tpu.memory_space<vmem>>)
    %dma_start3A_27 = arith.constant 0 : i32
    %dma_start3A_28 = arith.constant 0 : i32
    %dma_start3A_29 = tpu.memref_slice %arg17[%dma_start3A_27, %dma_start3A_28] : memref<64x216xf32, #tpu.memory_space<vmem>> -> memref<64x128xf32, #tpu.memory_space<vmem>>
    %dma_start3A_30 = arith.constant 0 : i32
    %dma_start3A_31 = arith.constant 0 : i32
    %dma_start3A_32 = tpu.memref_slice %arg5[%dma_start3A_30, %dma_start3A_31] : memref<100000x128xf32, #tpu.memory_space<hbm>> -> memref<100000x128xf32, #tpu.memory_space<hbm>>
    tpu.enqueue_indirect_dma source(%dma_start3A_32 : memref<100000x128xf32, #tpu.memory_space<hbm>>) target(%dma_start3A_29 : memref<64x128xf32, #tpu.memory_space<vmem>>) offsets(%arg9 : memref<64xi32, #tpu.memory_space<vmem>>) semaphore(%arg26 : memref<!tpu.dma_semaphore, #tpu.memory_space<semaphore_mem>>)
    %dma_start3A_33 = arith.constant 0 : i32
    %dma_start3A_34 = arith.constant 0 : i32
    %dma_start3A_35 = tpu.memref_slice %arg7[%dma_start3A_33, %dma_start3A_34] : memref<100000x128xf32, #tpu.memory_space<hbm>> -> memref<100000x128xf32, #tpu.memory_space<hbm>>
    tpu.enqueue_indirect_dma source(%dma_start3A_35 : memref<100000x128xf32, #tpu.memory_space<hbm>>) target(%arg15 : memref<64x128xf32, #tpu.memory_space<vmem>>) offsets(%arg10 : memref<64xi32, #tpu.memory_space<vmem>>) semaphore(%arg26 : memref<!tpu.dma_semaphore, #tpu.memory_space<semaphore_mem>>)
    %scan3A = arith.constant 0 : i32
    %scan3A_36 = arith.constant 0 : i32
    %scan3A_37 = arith.constant 99 : i32
    %scan3A_38 = arith.addi %scan3A_36, %scan3A_37 : i32
    %scan3A_39 = arith.constant 1 : i32
    scf.for %scan3A_248 = %scan3A_36 to %scan3A_38 step %scan3A_39  : i32 {
      %mul3A_249 = arith.constant 4 : i32
      %mul3A_250 = arith.muli %mul3A_249, %scan3A_248 : i32
      %gt3A = arith.constant 0 : i32
      %gt3A_251 = arith.cmpi sgt, %scan3A_248, %gt3A : i32
      %add3A_252 = arith.constant 0 : i32
      %add3A_253 = arith.addi %mul3A_250, %add3A_252 : i32
      %add3A_254 = arith.constant 1 : i32
      %add3A_255 = arith.addi %add3A_253, %add3A_254 : i32
      %mul3A_256 = arith.constant 64 : i32
      %mul3A_257 = arith.muli %add3A_255, %mul3A_256 : i32
      %add3A_258 = arith.addi %mul3A_2, %mul3A_257 : i32
      %dma_wait3A_259 = tpu.memref_slice %arg2[%add3A_258] : memref<819200xi32, #tpu.memory_space<hbm>> -> memref<64xi32, #tpu.memory_space<hbm>>
      %dma_wait3A_260 = tpu.memref_slice %arg2[%add3A_258] : memref<819200xi32, #tpu.memory_space<hbm>> -> memref<64xi32, #tpu.memory_space<hbm>>
      tpu.wait_dma2 semaphore(%arg23 : memref<!tpu.dma_semaphore, #tpu.memory_space<semaphore_mem>>) src(%dma_wait3A_260 : memref<64xi32, #tpu.memory_space<hbm>>) dst(%arg12 : memref<64xi32, #tpu.memory_space<vmem>>)
      %dma_wait3A_261 = tpu.memref_slice %arg4[%add3A_258] : memref<819200xi32, #tpu.memory_space<hbm>> -> memref<64xi32, #tpu.memory_space<hbm>>
      %dma_wait3A_262 = tpu.memref_slice %arg4[%add3A_258] : memref<819200xi32, #tpu.memory_space<hbm>> -> memref<64xi32, #tpu.memory_space<hbm>>
      tpu.wait_dma2 semaphore(%arg23 : memref<!tpu.dma_semaphore, #tpu.memory_space<semaphore_mem>>) src(%dma_wait3A_262 : memref<64xi32, #tpu.memory_space<hbm>>) dst(%arg13 : memref<64xi32, #tpu.memory_space<vmem>>)
      %convert_element_type3A = arith.extui %gt3A_251 : i1 to i32
      %cond3A = arith.constant 0 : i32
      %cond3A_263 = arith.cmpi ne, %convert_element_type3A, %cond3A : i32
      scf.if %cond3A_263 {
        %add3A_525 = arith.constant 1 : i32
        %add3A_526 = arith.addi %add3A_253, %add3A_525 : i32
        %sub3A_527 = arith.constant 4 : i32
        %sub3A_528 = arith.subi %add3A_526, %sub3A_527 : i32
        %mul3A_529 = arith.constant 64 : i32
        %mul3A_530 = arith.muli %sub3A_528, %mul3A_529 : i32
        %add3A_531 = arith.addi %mul3A_2, %mul3A_530 : i32
        %dma_wait3A_532 = arith.constant 0 : i32
        %dma_wait3A_533 = tpu.memref_slice %arg8[%add3A_531, %dma_wait3A_532] : memref<819200x216xf32, #tpu.memory_space<hbm>> -> memref<64x216xf32, #tpu.memory_space<hbm>>
        %dma_wait3A_534 = arith.constant 0 : i32
        %dma_wait3A_535 = tpu.memref_slice %arg8[%add3A_531, %dma_wait3A_534] : memref<819200x216xf32, #tpu.memory_space<hbm>> -> memref<64x216xf32, #tpu.memory_space<hbm>>
        tpu.wait_dma2 semaphore(%arg29 : memref<!tpu.dma_semaphore, #tpu.memory_space<semaphore_mem>>) src(%arg18 : memref<64x216xf32, #tpu.memory_space<vmem>>) dst(%dma_wait3A_535 : memref<64x216xf32, #tpu.memory_space<hbm>>)
      } else {
      }
      %dma_start3A_264 = arith.constant 0 : i32
      %dma_start3A_265 = arith.constant 0 : i32
      %dma_start3A_266 = tpu.memref_slice %arg18[%dma_start3A_264, %dma_start3A_265] : memref<64x216xf32, #tpu.memory_space<vmem>> -> memref<64x128xf32, #tpu.memory_space<vmem>>
      %dma_start3A_267 = arith.constant 0 : i32
      %dma_start3A_268 = arith.constant 0 : i32
      %dma_start3A_269 = tpu.memref_slice %arg5[%dma_start3A_267, %dma_start3A_268] : memref<100000x128xf32, #tpu.memory_space<hbm>> -> memref<100000x128xf32, #tpu.memory_space<hbm>>
      tpu.enqueue_indirect_dma source(%dma_start3A_269 : memref<100000x128xf32, #tpu.memory_space<hbm>>) target(%dma_start3A_266 : memref<64x128xf32, #tpu.memory_space<vmem>>) offsets(%arg12 : memref<64xi32, #tpu.memory_space<vmem>>) semaphore(%arg27 : memref<!tpu.dma_semaphore, #tpu.memory_space<semaphore_mem>>)
      %dma_start3A_270 = arith.constant 0 : i32
      %dma_start3A_271 = arith.constant 0 : i32
      %dma_start3A_272 = tpu.memref_slice %arg7[%dma_start3A_270, %dma_start3A_271] : memref<100000x128xf32, #tpu.memory_space<hbm>> -> memref<100000x128xf32, #tpu.memory_space<hbm>>
      tpu.enqueue_indirect_dma source(%dma_start3A_272 : memref<100000x128xf32, #tpu.memory_space<hbm>>) target(%arg16 : memref<64x128xf32, #tpu.memory_space<vmem>>) offsets(%arg13 : memref<64xi32, #tpu.memory_space<vmem>>) semaphore(%arg27 : memref<!tpu.dma_semaphore, #tpu.memory_space<semaphore_mem>>)
      %dma_wait3A_273 = arith.constant 0 : i32
      %dma_wait3A_274 = arith.constant 0 : i32
      %dma_wait3A_275 = tpu.memref_slice %arg17[%dma_wait3A_273, %dma_wait3A_274] : memref<64x216xf32, #tpu.memory_space<vmem>> -> memref<64x128xf32, #tpu.memory_space<vmem>>
      %dma_wait3A_276 = arith.constant 0 : i32
      %dma_wait3A_277 = arith.constant 0 : i32
      %dma_wait3A_278 = tpu.memref_slice %arg5[%dma_wait3A_276, %dma_wait3A_277] : memref<100000x128xf32, #tpu.memory_space<hbm>> -> memref<100000x128xf32, #tpu.memory_space<hbm>>
      tpu.wait_indirect_dma semaphore(%arg26 : memref<!tpu.dma_semaphore, #tpu.memory_space<semaphore_mem>>) src(%dma_wait3A_278 : memref<100000x128xf32, #tpu.memory_space<hbm>>) dst(%dma_wait3A_275 : memref<64x128xf32, #tpu.memory_space<vmem>>)
      %dma_wait3A_279 = arith.constant 0 : i32
      %dma_wait3A_280 = arith.constant 0 : i32
      %dma_wait3A_281 = tpu.memref_slice %arg7[%dma_wait3A_279, %dma_wait3A_280] : memref<100000x128xf32, #tpu.memory_space<hbm>> -> memref<100000x128xf32, #tpu.memory_space<hbm>>
      tpu.wait_indirect_dma semaphore(%arg26 : memref<!tpu.dma_semaphore, #tpu.memory_space<semaphore_mem>>) src(%dma_wait3A_281 : memref<100000x128xf32, #tpu.memory_space<hbm>>) dst(%arg15 : memref<64x128xf32, #tpu.memory_space<vmem>>)
      %add3A_282 = arith.constant 2 : i32
      %add3A_283 = arith.addi %add3A_253, %add3A_282 : i32
      %mul3A_284 = arith.constant 64 : i32
      %mul3A_285 = arith.muli %add3A_283, %mul3A_284 : i32
      %add3A_286 = arith.addi %mul3A_2, %mul3A_285 : i32
      %dma_start3A_287 = tpu.memref_slice %arg2[%add3A_286] : memref<819200xi32, #tpu.memory_space<hbm>> -> memref<64xi32, #tpu.memory_space<hbm>>
      %dma_start3A_288 = tpu.memref_slice %arg2[%add3A_286] : memref<819200xi32, #tpu.memory_space<hbm>> -> memref<64xi32, #tpu.memory_space<hbm>>
      tpu.enqueue_dma source(%dma_start3A_288 : memref<64xi32, #tpu.memory_space<hbm>>) target(%arg9 : memref<64xi32, #tpu.memory_space<vmem>>) target_semaphore(%arg22 : memref<!tpu.dma_semaphore, #tpu.memory_space<semaphore_mem>>)
      %dma_start3A_289 = tpu.memref_slice %arg4[%add3A_286] : memref<819200xi32, #tpu.memory_space<hbm>> -> memref<64xi32, #tpu.memory_space<hbm>>
      %dma_start3A_290 = tpu.memref_slice %arg4[%add3A_286] : memref<819200xi32, #tpu.memory_space<hbm>> -> memref<64xi32, #tpu.memory_space<hbm>>
      tpu.enqueue_dma source(%dma_start3A_290 : memref<64xi32, #tpu.memory_space<hbm>>) target(%arg10 : memref<64xi32, #tpu.memory_space<vmem>>) target_semaphore(%arg22 : memref<!tpu.dma_semaphore, #tpu.memory_space<semaphore_mem>>)
      %mul3A_291 = arith.constant 64 : i32
      %mul3A_292 = arith.muli %add3A_253, %mul3A_291 : i32
      %add3A_293 = arith.addi %mul3A_2, %mul3A_292 : i32
      %dma_wait3A_294 = tpu.memref_slice %arg3[%add3A_293] : memref<819200xi32, #tpu.memory_space<hbm>> -> memref<64xi32, #tpu.memory_space<hbm>>
      %dma_wait3A_295 = tpu.memref_slice %arg3[%add3A_293] : memref<819200xi32, #tpu.memory_space<hbm>> -> memref<64xi32, #tpu.memory_space<hbm>>
      tpu.wait_dma2 semaphore(%arg24 : memref<!tpu.dma_semaphore, #tpu.memory_space<semaphore_mem>>) src(%dma_wait3A_295 : memref<64xi32, #tpu.memory_space<hbm>>) dst(%arg11 : memref<64xi32, #tpu.memory_space<vmem>>)
      %scan3A_296 = arith.constant 0 : i32
      %scan3A_297 = arith.constant 0 : i32
      %scan3A_298 = arith.constant 32 : i32
      %scan3A_299 = arith.addi %scan3A_297, %scan3A_298 : i32
      %scan3A_300 = arith.constant 1 : i32
      scf.for %scan3A_525 = %scan3A_297 to %scan3A_299 step %scan3A_300  : i32 {
        %mul3A_526 = arith.constant 2 : i32
        %mul3A_527 = arith.muli %mul3A_526, %scan3A_525 : i32
        %add3A_528 = arith.constant 1 : i32
        %add3A_529 = arith.addi %mul3A_527, %add3A_528 : i32
        %broadcast_in_dim3A = vector.broadcast %mul3A_527 : i32 to vector<16xi32>
        %gather3A = tpu.vector_load_idx %arg11[%broadcast_in_dim3A] : memref<64xi32, #tpu.memory_space<vmem>>[vector<16xi32>], vector<16xi32>,
        %mul3A_530 = arith.constant 16 : i32
        %mul3A_531 = vector.broadcast %mul3A_530 : i32 to vector<16xi32>
        %mul3A_532 = arith.muli %gather3A, %mul3A_531 : vector<16xi32>
        %broadcast_in_dim3A_533 = vector.broadcast %add3A_529 : i32 to vector<16xi32>
        %gather3A_534 = tpu.vector_load_idx %arg11[%broadcast_in_dim3A_533] : memref<64xi32, #tpu.memory_space<vmem>>[vector<16xi32>], vector<16xi32>,
        %mul3A_535 = arith.constant 16 : i32
        %mul3A_536 = vector.broadcast %mul3A_535 : i32 to vector<16xi32>
        %mul3A_537 = arith.muli %gather3A_534, %mul3A_536 : vector<16xi32>
        %ge3A = arith.constant 4 : i32
        %ge3A_538 = vector.broadcast %ge3A : i32 to vector<16xi32>
        %ge3A_539 = arith.cmpi sge, %iota3A, %ge3A_538 : vector<16xi32>
        %sub3A_540 = arith.constant 4 : i32
        %sub3A_541 = vector.broadcast %sub3A_540 : i32 to vector<16xi32>
        %sub3A_542 = arith.subi %iota3A, %sub3A_541 : vector<16xi32>
        %jit3A = arith.constant 0 : i32
        %broadcast_in_dim3A_543 = vector.broadcast %jit3A : i32 to vector<16xi32>
        %select_n3A = arith.select %ge3A_539, %sub3A_542, %broadcast_in_dim3A_543 : vector<16xi1>, vector<16xi32>
        %add3A_544 = arith.addi %mul3A_532, %select_n3A : vector<16xi32>
        %gather3A_545 = tpu.vector_load_idx %arg21[%add3A_544] masked %ge3A_539 : memref<1024xf32, #tpu.memory_space<vmem>>[vector<16xi32>], vector<16xf32>, vector<16xi1>
        %broadcast_in_dim3A_546 = vector.broadcast %mul3A_527 : i32 to vector<16xi32>
        %add3A_547 = arith.constant 96 : i32
        %add3A_548 = vector.broadcast %add3A_547 : i32 to vector<16xi32>
        %add3A_549 = arith.addi %add3A_548, %iota3A : vector<16xi32>
        tpu.vector_store_idx %arg17[%broadcast_in_dim3A_546, %add3A_549], %gather3A_545 masked %ge3A_539 : memref<64x216xf32, #tpu.memory_space<vmem>>[vector<16xi32>, vector<16xi32>], vector<16xf32>, vector<16xi1>
        %lt3A = arith.constant 4 : i32
        %lt3A_550 = vector.broadcast %lt3A : i32 to vector<16xi32>
        %lt3A_551 = arith.cmpi slt, %iota3A, %lt3A_550 : vector<16xi32>
        %add3A_552 = arith.constant 12 : i32
        %add3A_553 = vector.broadcast %add3A_552 : i32 to vector<16xi32>
        %add3A_554 = arith.addi %iota3A, %add3A_553 : vector<16xi32>
        %jit3A_555 = arith.constant 0 : i32
        %broadcast_in_dim3A_556 = vector.broadcast %jit3A_555 : i32 to vector<16xi32>
        %select_n3A_557 = arith.select %lt3A_551, %add3A_554, %broadcast_in_dim3A_556 : vector<16xi1>, vector<16xi32>
        %add3A_558 = arith.addi %mul3A_532, %select_n3A_557 : vector<16xi32>
        %gather3A_559 = tpu.vector_load_idx %arg21[%add3A_558] masked %lt3A_551 : memref<1024xf32, #tpu.memory_space<vmem>>[vector<16xi32>], vector<16xf32>, vector<16xi1>
        %sub3A_560 = arith.constant 4 : i32
        %sub3A_561 = vector.broadcast %sub3A_560 : i32 to vector<16xi32>
        %sub3A_562 = arith.subi %iota3A, %sub3A_561 : vector<16xi32>
        %not3A = arith.constant dense<true> : vector<16xi1>
        %not3A_563 = arith.xori %lt3A_551, %not3A : vector<16xi1>
        %jit3A_564 = arith.constant 0 : i32
        %broadcast_in_dim3A_565 = vector.broadcast %jit3A_564 : i32 to vector<16xi32>
        %select_n3A_566 = arith.select %not3A_563, %sub3A_562, %broadcast_in_dim3A_565 : vector<16xi1>, vector<16xi32>
        %broadcast_in_dim3A_567 = vector.broadcast %mul3A_527 : i32 to vector<16xi32>
        %gather3A_568 = tpu.vector_load_idx %arg15[%broadcast_in_dim3A_567, %select_n3A_566] masked %not3A_563 : memref<64x128xf32, #tpu.memory_space<vmem>>[vector<16xi32>, vector<16xi32>], vector<16xf32>, vector<16xi1>
        %select_n3A_569 = arith.select %lt3A_551, %gather3A_559, %gather3A_568 : vector<16xi1>, vector<16xf32>
        %swap3A = arith.index_cast %mul3A_527 : i32 to index
        %swap3A_570 = arith.constant 112 : index
        %swap3A_571 = tpu.vector_load %arg17[%swap3A, %swap3A_570] {strides = array<i32>} : memref<64x216xf32, #tpu.memory_space<vmem>>, vector<16xf32>,
        tpu.vector_store %arg17[%swap3A, %swap3A_570], %select_n3A_569 {strides = array<i32>} : memref<64x216xf32, #tpu.memory_space<vmem>>, vector<16xf32>,
        %get3A = arith.index_cast %mul3A_527 : i32 to index
        %get3A_572 = arith.constant 12 : index
        %get3A_573 = tpu.vector_load %arg15[%get3A, %get3A_572] {strides = array<i32>} : memref<64x128xf32, #tpu.memory_space<vmem>>, vector<16xf32>,
        %swap3A_574 = arith.index_cast %mul3A_527 : i32 to index
        %swap3A_575 = arith.constant 128 : index
        %swap3A_576 = tpu.vector_load %arg17[%swap3A_574, %swap3A_575] {strides = array<i32>} : memref<64x216xf32, #tpu.memory_space<vmem>>, vector<16xf32>,
        tpu.vector_store %arg17[%swap3A_574, %swap3A_575], %get3A_573 {strides = array<i32>} : memref<64x216xf32, #tpu.memory_space<vmem>>, vector<16xf32>,
        %get3A_577 = arith.index_cast %mul3A_527 : i32 to index
        %get3A_578 = arith.constant 28 : index
        %get3A_579 = tpu.vector_load %arg15[%get3A_577, %get3A_578] {strides = array<i32>} : memref<64x128xf32, #tpu.memory_space<vmem>>, vector<16xf32>,
        %swap3A_580 = arith.index_cast %mul3A_527 : i32 to index
        %swap3A_581 = arith.constant 144 : index
        %swap3A_582 = tpu.vector_load %arg17[%swap3A_580, %swap3A_581] {strides = array<i32>} : memref<64x216xf32, #tpu.memory_space<vmem>>, vector<16xf32>,
        tpu.vector_store %arg17[%swap3A_580, %swap3A_581], %get3A_579 {strides = array<i32>} : memref<64x216xf32, #tpu.memory_space<vmem>>, vector<16xf32>,
        %get3A_583 = arith.index_cast %mul3A_527 : i32 to index
        %get3A_584 = arith.constant 44 : index
        %get3A_585 = tpu.vector_load %arg15[%get3A_583, %get3A_584] {strides = array<i32>} : memref<64x128xf32, #tpu.memory_space<vmem>>, vector<16xf32>,
        %swap3A_586 = arith.index_cast %mul3A_527 : i32 to index
        %swap3A_587 = arith.constant 160 : index
        %swap3A_588 = tpu.vector_load %arg17[%swap3A_586, %swap3A_587] {strides = array<i32>} : memref<64x216xf32, #tpu.memory_space<vmem>>, vector<16xf32>,
        tpu.vector_store %arg17[%swap3A_586, %swap3A_587], %get3A_585 {strides = array<i32>} : memref<64x216xf32, #tpu.memory_space<vmem>>, vector<16xf32>,
        %get3A_589 = arith.index_cast %mul3A_527 : i32 to index
        %get3A_590 = arith.constant 60 : index
        %get3A_591 = tpu.vector_load %arg15[%get3A_589, %get3A_590] {strides = array<i32>} : memref<64x128xf32, #tpu.memory_space<vmem>>, vector<16xf32>,
        %swap3A_592 = arith.index_cast %mul3A_527 : i32 to index
        %swap3A_593 = arith.constant 176 : index
        %swap3A_594 = tpu.vector_load %arg17[%swap3A_592, %swap3A_593] {strides = array<i32>} : memref<64x216xf32, #tpu.memory_space<vmem>>, vector<16xf32>,
        tpu.vector_store %arg17[%swap3A_592, %swap3A_593], %get3A_591 {strides = array<i32>} : memref<64x216xf32, #tpu.memory_space<vmem>>, vector<16xf32>,
        %get3A_595 = arith.index_cast %mul3A_527 : i32 to index
        %get3A_596 = arith.constant 76 : index
        %get3A_597 = tpu.vector_load %arg15[%get3A_595, %get3A_596] {strides = array<i32>} : memref<64x128xf32, #tpu.memory_space<vmem>>, vector<16xf32>,
        %swap3A_598 = arith.index_cast %mul3A_527 : i32 to index
        %swap3A_599 = arith.constant 192 : index
        %swap3A_600 = tpu.vector_load %arg17[%swap3A_598, %swap3A_599] {strides = array<i32>} : memref<64x216xf32, #tpu.memory_space<vmem>>, vector<16xf32>,
        tpu.vector_store %arg17[%swap3A_598, %swap3A_599], %get3A_597 {strides = array<i32>} : memref<64x216xf32, #tpu.memory_space<vmem>>, vector<16xf32>,
        %lt3A_601 = arith.constant 8 : i32
        %lt3A_602 = vector.broadcast %lt3A_601 : i32 to vector<16xi32>
        %lt3A_603 = arith.cmpi slt, %iota3A, %lt3A_602 : vector<16xi32>
        %add3A_604 = arith.constant 92 : i32
        %add3A_605 = vector.broadcast %add3A_604 : i32 to vector<16xi32>
        %add3A_606 = arith.addi %add3A_605, %iota3A : vector<16xi32>
        %jit3A_607 = arith.constant 0 : i32
        %broadcast_in_dim3A_608 = vector.broadcast %jit3A_607 : i32 to vector<16xi32>
        %select_n3A_609 = arith.select %lt3A_603, %add3A_606, %broadcast_in_dim3A_608 : vector<16xi1>, vector<16xi32>
        %broadcast_in_dim3A_610 = vector.broadcast %mul3A_527 : i32 to vector<16xi32>
        %gather3A_611 = tpu.vector_load_idx %arg15[%broadcast_in_dim3A_610, %select_n3A_609] masked %lt3A_603 : memref<64x128xf32, #tpu.memory_space<vmem>>[vector<16xi32>, vector<16xi32>], vector<16xf32>, vector<16xi1>
        %broadcast_in_dim3A_612 = vector.broadcast %mul3A_527 : i32 to vector<16xi32>
        %add3A_613 = arith.constant 208 : i32
        %add3A_614 = vector.broadcast %add3A_613 : i32 to vector<16xi32>
        %add3A_615 = arith.addi %add3A_614, %iota3A : vector<16xi32>
        tpu.vector_store_idx %arg17[%broadcast_in_dim3A_612, %add3A_615], %gather3A_611 masked %lt3A_603 : memref<64x216xf32, #tpu.memory_space<vmem>>[vector<16xi32>, vector<16xi32>], vector<16xf32>, vector<16xi1>
        %ge3A_616 = arith.constant 12 : i32
        %ge3A_617 = vector.broadcast %ge3A_616 : i32 to vector<16xi32>
        %ge3A_618 = arith.cmpi sge, %iota3A, %ge3A_617 : vector<16xi32>
        %sub3A_619 = arith.constant 12 : i32
        %sub3A_620 = vector.broadcast %sub3A_619 : i32 to vector<16xi32>
        %sub3A_621 = arith.subi %iota3A, %sub3A_620 : vector<16xi32>
        %jit3A_622 = arith.constant 0 : i32
        %broadcast_in_dim3A_623 = vector.broadcast %jit3A_622 : i32 to vector<16xi32>
        %select_n3A_624 = arith.select %ge3A_618, %sub3A_621, %broadcast_in_dim3A_623 : vector<16xi1>, vector<16xi32>
        %add3A_625 = arith.addi %mul3A_537, %select_n3A_624 : vector<16xi32>
        %gather3A_626 = tpu.vector_load_idx %arg21[%add3A_625] masked %ge3A_618 : memref<1024xf32, #tpu.memory_space<vmem>>[vector<16xi32>], vector<16xf32>, vector<16xi1>
        %broadcast_in_dim3A_627 = vector.broadcast %add3A_529 : i32 to vector<16xi32>
        %add3A_628 = arith.constant 88 : i32
        %add3A_629 = vector.broadcast %add3A_628 : i32 to vector<16xi32>
        %add3A_630 = arith.addi %add3A_629, %iota3A : vector<16xi32>
        tpu.vector_store_idx %arg17[%broadcast_in_dim3A_627, %add3A_630], %gather3A_626 masked %ge3A_618 : memref<64x216xf32, #tpu.memory_space<vmem>>[vector<16xi32>, vector<16xi32>], vector<16xf32>, vector<16xi1>
        %lt3A_631 = arith.constant 12 : i32
        %lt3A_632 = vector.broadcast %lt3A_631 : i32 to vector<16xi32>
        %lt3A_633 = arith.cmpi slt, %iota3A, %lt3A_632 : vector<16xi32>
        %add3A_634 = arith.constant 4 : i32
        %add3A_635 = vector.broadcast %add3A_634 : i32 to vector<16xi32>
        %add3A_636 = arith.addi %iota3A, %add3A_635 : vector<16xi32>
        %jit3A_637 = arith.constant 0 : i32
        %broadcast_in_dim3A_638 = vector.broadcast %jit3A_637 : i32 to vector<16xi32>
        %select_n3A_639 = arith.select %lt3A_633, %add3A_636, %broadcast_in_dim3A_638 : vector<16xi1>, vector<16xi32>
        %add3A_640 = arith.addi %mul3A_537, %select_n3A_639 : vector<16xi32>
        %gather3A_641 = tpu.vector_load_idx %arg21[%add3A_640] masked %lt3A_633 : memref<1024xf32, #tpu.memory_space<vmem>>[vector<16xi32>], vector<16xf32>, vector<16xi1>
        %sub3A_642 = arith.constant 12 : i32
        %sub3A_643 = vector.broadcast %sub3A_642 : i32 to vector<16xi32>
        %sub3A_644 = arith.subi %iota3A, %sub3A_643 : vector<16xi32>
        %not3A_645 = arith.constant dense<true> : vector<16xi1>
        %not3A_646 = arith.xori %lt3A_633, %not3A_645 : vector<16xi1>
        %jit3A_647 = arith.constant 0 : i32
        %broadcast_in_dim3A_648 = vector.broadcast %jit3A_647 : i32 to vector<16xi32>
        %select_n3A_649 = arith.select %not3A_646, %sub3A_644, %broadcast_in_dim3A_648 : vector<16xi1>, vector<16xi32>
        %broadcast_in_dim3A_650 = vector.broadcast %add3A_529 : i32 to vector<16xi32>
        %gather3A_651 = tpu.vector_load_idx %arg15[%broadcast_in_dim3A_650, %select_n3A_649] masked %not3A_646 : memref<64x128xf32, #tpu.memory_space<vmem>>[vector<16xi32>, vector<16xi32>], vector<16xf32>, vector<16xi1>
        %select_n3A_652 = arith.select %lt3A_633, %gather3A_641, %gather3A_651 : vector<16xi1>, vector<16xf32>
        %swap3A_653 = arith.index_cast %add3A_529 : i32 to index
        %swap3A_654 = arith.constant 104 : index
        %swap3A_655 = tpu.vector_load %arg17[%swap3A_653, %swap3A_654] {strides = array<i32>} : memref<64x216xf32, #tpu.memory_space<vmem>>, vector<16xf32>,
        tpu.vector_store %arg17[%swap3A_653, %swap3A_654], %select_n3A_652 {strides = array<i32>} : memref<64x216xf32, #tpu.memory_space<vmem>>, vector<16xf32>,
        %get3A_656 = arith.index_cast %add3A_529 : i32 to index
        %get3A_657 = arith.constant 4 : index
        %get3A_658 = tpu.vector_load %arg15[%get3A_656, %get3A_657] {strides = array<i32>} : memref<64x128xf32, #tpu.memory_space<vmem>>, vector<16xf32>,
        %broadcast_in_dim3A_659 = vector.broadcast %add3A_529 : i32 to vector<16xi32>
        %add3A_660 = arith.constant 120 : i32
        %add3A_661 = vector.broadcast %add3A_660 : i32 to vector<16xi32>
        %add3A_662 = arith.addi %add3A_661, %iota3A : vector<16xi32>
        tpu.vector_store_idx %arg17[%broadcast_in_dim3A_659, %add3A_662], %get3A_658 : memref<64x216xf32, #tpu.memory_space<vmem>>[vector<16xi32>, vector<16xi32>], vector<16xf32>,
        %get3A_663 = arith.index_cast %add3A_529 : i32 to index
        %get3A_664 = arith.constant 20 : index
        %get3A_665 = tpu.vector_load %arg15[%get3A_663, %get3A_664] {strides = array<i32>} : memref<64x128xf32, #tpu.memory_space<vmem>>, vector<16xf32>,
        %swap3A_666 = arith.index_cast %add3A_529 : i32 to index
        %swap3A_667 = arith.constant 136 : index
        %swap3A_668 = tpu.vector_load %arg17[%swap3A_666, %swap3A_667] {strides = array<i32>} : memref<64x216xf32, #tpu.memory_space<vmem>>, vector<16xf32>,
        tpu.vector_store %arg17[%swap3A_666, %swap3A_667], %get3A_665 {strides = array<i32>} : memref<64x216xf32, #tpu.memory_space<vmem>>, vector<16xf32>,
        %get3A_669 = arith.index_cast %add3A_529 : i32 to index
        %get3A_670 = arith.constant 36 : index
        %get3A_671 = tpu.vector_load %arg15[%get3A_669, %get3A_670] {strides = array<i32>} : memref<64x128xf32, #tpu.memory_space<vmem>>, vector<16xf32>,
        %swap3A_672 = arith.index_cast %add3A_529 : i32 to index
        %swap3A_673 = arith.constant 152 : index
        %swap3A_674 = tpu.vector_load %arg17[%swap3A_672, %swap3A_673] {strides = array<i32>} : memref<64x216xf32, #tpu.memory_space<vmem>>, vector<16xf32>,
        tpu.vector_store %arg17[%swap3A_672, %swap3A_673], %get3A_671 {strides = array<i32>} : memref<64x216xf32, #tpu.memory_space<vmem>>, vector<16xf32>,
        %get3A_675 = arith.index_cast %add3A_529 : i32 to index
        %get3A_676 = arith.constant 52 : index
        %get3A_677 = tpu.vector_load %arg15[%get3A_675, %get3A_676] {strides = array<i32>} : memref<64x128xf32, #tpu.memory_space<vmem>>, vector<16xf32>,
        %swap3A_678 = arith.index_cast %add3A_529 : i32 to index
        %swap3A_679 = arith.constant 168 : index
        %swap3A_680 = tpu.vector_load %arg17[%swap3A_678, %swap3A_679] {strides = array<i32>} : memref<64x216xf32, #tpu.memory_space<vmem>>, vector<16xf32>,
        tpu.vector_store %arg17[%swap3A_678, %swap3A_679], %get3A_677 {strides = array<i32>} : memref<64x216xf32, #tpu.memory_space<vmem>>, vector<16xf32>,
        %get3A_681 = arith.index_cast %add3A_529 : i32 to index
        %get3A_682 = arith.constant 68 : index
        %get3A_683 = tpu.vector_load %arg15[%get3A_681, %get3A_682] {strides = array<i32>} : memref<64x128xf32, #tpu.memory_space<vmem>>, vector<16xf32>,
        %swap3A_684 = arith.index_cast %add3A_529 : i32 to index
        %swap3A_685 = arith.constant 184 : index
        %swap3A_686 = tpu.vector_load %arg17[%swap3A_684, %swap3A_685] {strides = array<i32>} : memref<64x216xf32, #tpu.memory_space<vmem>>, vector<16xf32>,
        tpu.vector_store %arg17[%swap3A_684, %swap3A_685], %get3A_683 {strides = array<i32>} : memref<64x216xf32, #tpu.memory_space<vmem>>, vector<16xf32>,
        %get3A_687 = arith.index_cast %add3A_529 : i32 to index
        %get3A_688 = arith.constant 84 : index
        %get3A_689 = tpu.vector_load %arg15[%get3A_687, %get3A_688] {strides = array<i32>} : memref<64x128xf32, #tpu.memory_space<vmem>>, vector<16xf32>,
        %swap3A_690 = arith.index_cast %add3A_529 : i32 to index
        %swap3A_691 = arith.constant 200 : index
        %swap3A_692 = tpu.vector_load %arg17[%swap3A_690, %swap3A_691] {strides = array<i32>} : memref<64x216xf32, #tpu.memory_space<vmem>>, vector<16xf32>,
        tpu.vector_store %arg17[%swap3A_690, %swap3A_691], %get3A_689 {strides = array<i32>} : memref<64x216xf32, #tpu.memory_space<vmem>>, vector<16xf32>,
      }
      %scan3A_301 = arith.constant 32 : i32
      %add3A_302 = arith.constant 2 : i32
      %add3A_303 = arith.addi %add3A_253, %add3A_302 : i32
      %mul3A_304 = arith.constant 64 : i32
      %mul3A_305 = arith.muli %add3A_303, %mul3A_304 : i32
      %add3A_306 = arith.addi %mul3A_2, %mul3A_305 : i32
      %dma_start3A_307 = tpu.memref_slice %arg3[%add3A_306] : memref<819200xi32, #tpu.memory_space<hbm>> -> memref<64xi32, #tpu.memory_space<hbm>>
      %dma_start3A_308 = tpu.memref_slice %arg3[%add3A_306] : memref<819200xi32, #tpu.memory_space<hbm>> -> memref<64xi32, #tpu.memory_space<hbm>>
      tpu.enqueue_dma source(%dma_start3A_308 : memref<64xi32, #tpu.memory_space<hbm>>) target(%arg11 : memref<64xi32, #tpu.memory_space<vmem>>) target_semaphore(%arg24 : memref<!tpu.dma_semaphore, #tpu.memory_space<semaphore_mem>>)
      %mul3A_309 = arith.constant 64 : i32
      %mul3A_310 = arith.muli %add3A_253, %mul3A_309 : i32
      %add3A_311 = arith.addi %mul3A_2, %mul3A_310 : i32
      %dma_start3A_312 = arith.constant 0 : i32
      %dma_start3A_313 = tpu.memref_slice %arg8[%add3A_311, %dma_start3A_312] : memref<819200x216xf32, #tpu.memory_space<hbm>> -> memref<64x216xf32, #tpu.memory_space<hbm>>
      %dma_start3A_314 = arith.constant 0 : i32
      %dma_start3A_315 = tpu.memref_slice %arg8[%add3A_311, %dma_start3A_314] : memref<819200x216xf32, #tpu.memory_space<hbm>> -> memref<64x216xf32, #tpu.memory_space<hbm>>
      tpu.enqueue_dma source(%arg17 : memref<64x216xf32, #tpu.memory_space<vmem>>) target(%dma_start3A_315 : memref<64x216xf32, #tpu.memory_space<hbm>>) target_semaphore(%arg28 : memref<!tpu.dma_semaphore, #tpu.memory_space<semaphore_mem>>)
      %gt3A_316 = arith.constant 0 : i32
      %gt3A_317 = arith.cmpi sgt, %scan3A_248, %gt3A_316 : i32
      %add3A_318 = arith.constant 1 : i32
      %add3A_319 = arith.addi %mul3A_250, %add3A_318 : i32
      %add3A_320 = arith.constant 1 : i32
      %add3A_321 = arith.addi %add3A_319, %add3A_320 : i32
      %mul3A_322 = arith.constant 64 : i32
      %mul3A_323 = arith.muli %add3A_321, %mul3A_322 : i32
      %add3A_324 = arith.addi %mul3A_2, %mul3A_323 : i32
      %dma_wait3A_325 = tpu.memref_slice %arg2[%add3A_324] : memref<819200xi32, #tpu.memory_space<hbm>> -> memref<64xi32, #tpu.memory_space<hbm>>
      %dma_wait3A_326 = tpu.memref_slice %arg2[%add3A_324] : memref<819200xi32, #tpu.memory_space<hbm>> -> memref<64xi32, #tpu.memory_space<hbm>>
      tpu.wait_dma2 semaphore(%arg22 : memref<!tpu.dma_semaphore, #tpu.memory_space<semaphore_mem>>) src(%dma_wait3A_326 : memref<64xi32, #tpu.memory_space<hbm>>) dst(%arg9 : memref<64xi32, #tpu.memory_space<vmem>>)
      %dma_wait3A_327 = tpu.memref_slice %arg4[%add3A_324] : memref<819200xi32, #tpu.memory_space<hbm>> -> memref<64xi32, #tpu.memory_space<hbm>>
      %dma_wait3A_328 = tpu.memref_slice %arg4[%add3A_324] : memref<819200xi32, #tpu.memory_space<hbm>> -> memref<64xi32, #tpu.memory_space<hbm>>
      tpu.wait_dma2 semaphore(%arg22 : memref<!tpu.dma_semaphore, #tpu.memory_space<semaphore_mem>>) src(%dma_wait3A_328 : memref<64xi32, #tpu.memory_space<hbm>>) dst(%arg10 : memref<64xi32, #tpu.memory_space<vmem>>)
      %convert_element_type3A_329 = arith.extui %gt3A_317 : i1 to i32
      %cond3A_330 = arith.constant 0 : i32
      %cond3A_331 = arith.cmpi ne, %convert_element_type3A_329, %cond3A_330 : i32
      scf.if %cond3A_331 {
        %add3A_525 = arith.constant 1 : i32
        %add3A_526 = arith.addi %add3A_319, %add3A_525 : i32
        %sub3A_527 = arith.constant 4 : i32
        %sub3A_528 = arith.subi %add3A_526, %sub3A_527 : i32
        %mul3A_529 = arith.constant 64 : i32
        %mul3A_530 = arith.muli %sub3A_528, %mul3A_529 : i32
        %add3A_531 = arith.addi %mul3A_2, %mul3A_530 : i32
        %dma_wait3A_532 = arith.constant 0 : i32
        %dma_wait3A_533 = tpu.memref_slice %arg8[%add3A_531, %dma_wait3A_532] : memref<819200x216xf32, #tpu.memory_space<hbm>> -> memref<64x216xf32, #tpu.memory_space<hbm>>
        %dma_wait3A_534 = arith.constant 0 : i32
        %dma_wait3A_535 = tpu.memref_slice %arg8[%add3A_531, %dma_wait3A_534] : memref<819200x216xf32, #tpu.memory_space<hbm>> -> memref<64x216xf32, #tpu.memory_space<hbm>>
        tpu.wait_dma2 semaphore(%arg30 : memref<!tpu.dma_semaphore, #tpu.memory_space<semaphore_mem>>) src(%arg19 : memref<64x216xf32, #tpu.memory_space<vmem>>) dst(%dma_wait3A_535 : memref<64x216xf32, #tpu.memory_space<hbm>>)
      } else {
      }
      %dma_start3A_332 = arith.constant 0 : i32
      %dma_start3A_333 = arith.constant 0 : i32
      %dma_start3A_334 = tpu.memref_slice %arg19[%dma_start3A_332, %dma_start3A_333] : memref<64x216xf32, #tpu.memory_space<vmem>> -> memref<64x128xf32, #tpu.memory_space<vmem>>
      %dma_start3A_335 = arith.constant 0 : i32
      %dma_start3A_336 = arith.constant 0 : i32
      %dma_start3A_337 = tpu.memref_slice %arg5[%dma_start3A_335, %dma_start3A_336] : memref<100000x128xf32, #tpu.memory_space<hbm>> -> memref<100000x128xf32, #tpu.memory_space<hbm>>
      tpu.enqueue_indirect_dma source(%dma_start3A_337 : memref<100000x128xf32, #tpu.memory_space<hbm>>) target(%dma_start3A_334 : memref<64x128xf32, #tpu.memory_space<vmem>>) offsets(%arg9 : memref<64xi32, #tpu.memory_space<vmem>>) semaphore(%arg26 : memref<!tpu.dma_semaphore, #tpu.memory_space<semaphore_mem>>)
      %dma_start3A_338 = arith.constant 0 : i32
      %dma_start3A_339 = arith.constant 0 : i32
      %dma_start3A_340 = tpu.memref_slice %arg7[%dma_start3A_338, %dma_start3A_339] : memref<100000x128xf32, #tpu.memory_space<hbm>> -> memref<100000x128xf32, #tpu.memory_space<hbm>>
      tpu.enqueue_indirect_dma source(%dma_start3A_340 : memref<100000x128xf32, #tpu.memory_space<hbm>>) target(%arg15 : memref<64x128xf32, #tpu.memory_space<vmem>>) offsets(%arg10 : memref<64xi32, #tpu.memory_space<vmem>>) semaphore(%arg26 : memref<!tpu.dma_semaphore, #tpu.memory_space<semaphore_mem>>)
      %dma_wait3A_341 = arith.constant 0 : i32
      %dma_wait3A_342 = arith.constant 0 : i32
      %dma_wait3A_343 = tpu.memref_slice %arg18[%dma_wait3A_341, %dma_wait3A_342] : memref<64x216xf32, #tpu.memory_space<vmem>> -> memref<64x128xf32, #tpu.memory_space<vmem>>
      %dma_wait3A_344 = arith.constant 0 : i32
      %dma_wait3A_345 = arith.constant 0 : i32
      %dma_wait3A_346 = tpu.memref_slice %arg5[%dma_wait3A_344, %dma_wait3A_345] : memref<100000x128xf32, #tpu.memory_space<hbm>> -> memref<100000x128xf32, #tpu.memory_space<hbm>>
      tpu.wait_indirect_dma semaphore(%arg27 : memref<!tpu.dma_semaphore, #tpu.memory_space<semaphore_mem>>) src(%dma_wait3A_346 : memref<100000x128xf32, #tpu.memory_space<hbm>>) dst(%dma_wait3A_343 : memref<64x128xf32, #tpu.memory_space<vmem>>)
      %dma_wait3A_347 = arith.constant 0 : i32
      %dma_wait3A_348 = arith.constant 0 : i32
      %dma_wait3A_349 = tpu.memref_slice %arg7[%dma_wait3A_347, %dma_wait3A_348] : memref<100000x128xf32, #tpu.memory_space<hbm>> -> memref<100000x128xf32, #tpu.memory_space<hbm>>
      tpu.wait_indirect_dma semaphore(%arg27 : memref<!tpu.dma_semaphore, #tpu.memory_space<semaphore_mem>>) src(%dma_wait3A_349 : memref<100000x128xf32, #tpu.memory_space<hbm>>) dst(%arg16 : memref<64x128xf32, #tpu.memory_space<vmem>>)
      %add3A_350 = arith.constant 2 : i32
      %add3A_351 = arith.addi %add3A_319, %add3A_350 : i32
      %mul3A_352 = arith.constant 64 : i32
      %mul3A_353 = arith.muli %add3A_351, %mul3A_352 : i32
      %add3A_354 = arith.addi %mul3A_2, %mul3A_353 : i32
      %dma_start3A_355 = tpu.memref_slice %arg2[%add3A_354] : memref<819200xi32, #tpu.memory_space<hbm>> -> memref<64xi32, #tpu.memory_space<hbm>>
      %dma_start3A_356 = tpu.memref_slice %arg2[%add3A_354] : memref<819200xi32, #tpu.memory_space<hbm>> -> memref<64xi32, #tpu.memory_space<hbm>>
      tpu.enqueue_dma source(%dma_start3A_356 : memref<64xi32, #tpu.memory_space<hbm>>) target(%arg12 : memref<64xi32, #tpu.memory_space<vmem>>) target_semaphore(%arg23 : memref<!tpu.dma_semaphore, #tpu.memory_space<semaphore_mem>>)
      %dma_start3A_357 = tpu.memref_slice %arg4[%add3A_354] : memref<819200xi32, #tpu.memory_space<hbm>> -> memref<64xi32, #tpu.memory_space<hbm>>
      %dma_start3A_358 = tpu.memref_slice %arg4[%add3A_354] : memref<819200xi32, #tpu.memory_space<hbm>> -> memref<64xi32, #tpu.memory_space<hbm>>
      tpu.enqueue_dma source(%dma_start3A_358 : memref<64xi32, #tpu.memory_space<hbm>>) target(%arg13 : memref<64xi32, #tpu.memory_space<vmem>>) target_semaphore(%arg23 : memref<!tpu.dma_semaphore, #tpu.memory_space<semaphore_mem>>)
      %mul3A_359 = arith.constant 64 : i32
      %mul3A_360 = arith.muli %add3A_319, %mul3A_359 : i32
      %add3A_361 = arith.addi %mul3A_2, %mul3A_360 : i32
      %dma_wait3A_362 = tpu.memref_slice %arg3[%add3A_361] : memref<819200xi32, #tpu.memory_space<hbm>> -> memref<64xi32, #tpu.memory_space<hbm>>
      %dma_wait3A_363 = tpu.memref_slice %arg3[%add3A_361] : memref<819200xi32, #tpu.memory_space<hbm>> -> memref<64xi32, #tpu.memory_space<hbm>>
      tpu.wait_dma2 semaphore(%arg25 : memref<!tpu.dma_semaphore, #tpu.memory_space<semaphore_mem>>) src(%dma_wait3A_363 : memref<64xi32, #tpu.memory_space<hbm>>) dst(%arg14 : memref<64xi32, #tpu.memory_space<vmem>>)
      %scan3A_364 = arith.constant 0 : i32
      %scan3A_365 = arith.constant 0 : i32
      %scan3A_366 = arith.constant 32 : i32
      %scan3A_367 = arith.addi %scan3A_365, %scan3A_366 : i32
      %scan3A_368 = arith.constant 1 : i32
      scf.for %scan3A_525 = %scan3A_365 to %scan3A_367 step %scan3A_368  : i32 {
        %mul3A_526 = arith.constant 2 : i32
        %mul3A_527 = arith.muli %mul3A_526, %scan3A_525 : i32
        %add3A_528 = arith.constant 1 : i32
        %add3A_529 = arith.addi %mul3A_527, %add3A_528 : i32
        %broadcast_in_dim3A = vector.broadcast %mul3A_527 : i32 to vector<16xi32>
        %gather3A = tpu.vector_load_idx %arg14[%broadcast_in_dim3A] : memref<64xi32, #tpu.memory_space<vmem>>[vector<16xi32>], vector<16xi32>,
        %mul3A_530 = arith.constant 16 : i32
        %mul3A_531 = vector.broadcast %mul3A_530 : i32 to vector<16xi32>
        %mul3A_532 = arith.muli %gather3A, %mul3A_531 : vector<16xi32>
        %broadcast_in_dim3A_533 = vector.broadcast %add3A_529 : i32 to vector<16xi32>
        %gather3A_534 = tpu.vector_load_idx %arg14[%broadcast_in_dim3A_533] : memref<64xi32, #tpu.memory_space<vmem>>[vector<16xi32>], vector<16xi32>,
        %mul3A_535 = arith.constant 16 : i32
        %mul3A_536 = vector.broadcast %mul3A_535 : i32 to vector<16xi32>
        %mul3A_537 = arith.muli %gather3A_534, %mul3A_536 : vector<16xi32>
        %ge3A = arith.constant 4 : i32
        %ge3A_538 = vector.broadcast %ge3A : i32 to vector<16xi32>
        %ge3A_539 = arith.cmpi sge, %iota3A, %ge3A_538 : vector<16xi32>
        %sub3A_540 = arith.constant 4 : i32
        %sub3A_541 = vector.broadcast %sub3A_540 : i32 to vector<16xi32>
        %sub3A_542 = arith.subi %iota3A, %sub3A_541 : vector<16xi32>
        %jit3A = arith.constant 0 : i32
        %broadcast_in_dim3A_543 = vector.broadcast %jit3A : i32 to vector<16xi32>
        %select_n3A = arith.select %ge3A_539, %sub3A_542, %broadcast_in_dim3A_543 : vector<16xi1>, vector<16xi32>
        %add3A_544 = arith.addi %mul3A_532, %select_n3A : vector<16xi32>
        %gather3A_545 = tpu.vector_load_idx %arg21[%add3A_544] masked %ge3A_539 : memref<1024xf32, #tpu.memory_space<vmem>>[vector<16xi32>], vector<16xf32>, vector<16xi1>
        %broadcast_in_dim3A_546 = vector.broadcast %mul3A_527 : i32 to vector<16xi32>
        %add3A_547 = arith.constant 96 : i32
        %add3A_548 = vector.broadcast %add3A_547 : i32 to vector<16xi32>
        %add3A_549 = arith.addi %add3A_548, %iota3A : vector<16xi32>
        tpu.vector_store_idx %arg18[%broadcast_in_dim3A_546, %add3A_549], %gather3A_545 masked %ge3A_539 : memref<64x216xf32, #tpu.memory_space<vmem>>[vector<16xi32>, vector<16xi32>], vector<16xf32>, vector<16xi1>
        %lt3A = arith.constant 4 : i32
        %lt3A_550 = vector.broadcast %lt3A : i32 to vector<16xi32>
        %lt3A_551 = arith.cmpi slt, %iota3A, %lt3A_550 : vector<16xi32>
        %add3A_552 = arith.constant 12 : i32
        %add3A_553 = vector.broadcast %add3A_552 : i32 to vector<16xi32>
        %add3A_554 = arith.addi %iota3A, %add3A_553 : vector<16xi32>
        %jit3A_555 = arith.constant 0 : i32
        %broadcast_in_dim3A_556 = vector.broadcast %jit3A_555 : i32 to vector<16xi32>
        %select_n3A_557 = arith.select %lt3A_551, %add3A_554, %broadcast_in_dim3A_556 : vector<16xi1>, vector<16xi32>
        %add3A_558 = arith.addi %mul3A_532, %select_n3A_557 : vector<16xi32>
        %gather3A_559 = tpu.vector_load_idx %arg21[%add3A_558] masked %lt3A_551 : memref<1024xf32, #tpu.memory_space<vmem>>[vector<16xi32>], vector<16xf32>, vector<16xi1>
        %sub3A_560 = arith.constant 4 : i32
        %sub3A_561 = vector.broadcast %sub3A_560 : i32 to vector<16xi32>
        %sub3A_562 = arith.subi %iota3A, %sub3A_561 : vector<16xi32>
        %not3A = arith.constant dense<true> : vector<16xi1>
        %not3A_563 = arith.xori %lt3A_551, %not3A : vector<16xi1>
        %jit3A_564 = arith.constant 0 : i32
        %broadcast_in_dim3A_565 = vector.broadcast %jit3A_564 : i32 to vector<16xi32>
        %select_n3A_566 = arith.select %not3A_563, %sub3A_562, %broadcast_in_dim3A_565 : vector<16xi1>, vector<16xi32>
        %broadcast_in_dim3A_567 = vector.broadcast %mul3A_527 : i32 to vector<16xi32>
        %gather3A_568 = tpu.vector_load_idx %arg16[%broadcast_in_dim3A_567, %select_n3A_566] masked %not3A_563 : memref<64x128xf32, #tpu.memory_space<vmem>>[vector<16xi32>, vector<16xi32>], vector<16xf32>, vector<16xi1>
        %select_n3A_569 = arith.select %lt3A_551, %gather3A_559, %gather3A_568 : vector<16xi1>, vector<16xf32>
        %swap3A = arith.index_cast %mul3A_527 : i32 to index
        %swap3A_570 = arith.constant 112 : index
        %swap3A_571 = tpu.vector_load %arg18[%swap3A, %swap3A_570] {strides = array<i32>} : memref<64x216xf32, #tpu.memory_space<vmem>>, vector<16xf32>,
        tpu.vector_store %arg18[%swap3A, %swap3A_570], %select_n3A_569 {strides = array<i32>} : memref<64x216xf32, #tpu.memory_space<vmem>>, vector<16xf32>,
        %get3A = arith.index_cast %mul3A_527 : i32 to index
        %get3A_572 = arith.constant 12 : index
        %get3A_573 = tpu.vector_load %arg16[%get3A, %get3A_572] {strides = array<i32>} : memref<64x128xf32, #tpu.memory_space<vmem>>, vector<16xf32>,
        %swap3A_574 = arith.index_cast %mul3A_527 : i32 to index
        %swap3A_575 = arith.constant 128 : index
        %swap3A_576 = tpu.vector_load %arg18[%swap3A_574, %swap3A_575] {strides = array<i32>} : memref<64x216xf32, #tpu.memory_space<vmem>>, vector<16xf32>,
        tpu.vector_store %arg18[%swap3A_574, %swap3A_575], %get3A_573 {strides = array<i32>} : memref<64x216xf32, #tpu.memory_space<vmem>>, vector<16xf32>,
        %get3A_577 = arith.index_cast %mul3A_527 : i32 to index
        %get3A_578 = arith.constant 28 : index
        %get3A_579 = tpu.vector_load %arg16[%get3A_577, %get3A_578] {strides = array<i32>} : memref<64x128xf32, #tpu.memory_space<vmem>>, vector<16xf32>,
        %swap3A_580 = arith.index_cast %mul3A_527 : i32 to index
        %swap3A_581 = arith.constant 144 : index
        %swap3A_582 = tpu.vector_load %arg18[%swap3A_580, %swap3A_581] {strides = array<i32>} : memref<64x216xf32, #tpu.memory_space<vmem>>, vector<16xf32>,
        tpu.vector_store %arg18[%swap3A_580, %swap3A_581], %get3A_579 {strides = array<i32>} : memref<64x216xf32, #tpu.memory_space<vmem>>, vector<16xf32>,
        %get3A_583 = arith.index_cast %mul3A_527 : i32 to index
        %get3A_584 = arith.constant 44 : index
        %get3A_585 = tpu.vector_load %arg16[%get3A_583, %get3A_584] {strides = array<i32>} : memref<64x128xf32, #tpu.memory_space<vmem>>, vector<16xf32>,
        %swap3A_586 = arith.index_cast %mul3A_527 : i32 to index
        %swap3A_587 = arith.constant 160 : index
        %swap3A_588 = tpu.vector_load %arg18[%swap3A_586, %swap3A_587] {strides = array<i32>} : memref<64x216xf32, #tpu.memory_space<vmem>>, vector<16xf32>,
        tpu.vector_store %arg18[%swap3A_586, %swap3A_587], %get3A_585 {strides = array<i32>} : memref<64x216xf32, #tpu.memory_space<vmem>>, vector<16xf32>,
        %get3A_589 = arith.index_cast %mul3A_527 : i32 to index
        %get3A_590 = arith.constant 60 : index
        %get3A_591 = tpu.vector_load %arg16[%get3A_589, %get3A_590] {strides = array<i32>} : memref<64x128xf32, #tpu.memory_space<vmem>>, vector<16xf32>,
        %swap3A_592 = arith.index_cast %mul3A_527 : i32 to index
        %swap3A_593 = arith.constant 176 : index
        %swap3A_594 = tpu.vector_load %arg18[%swap3A_592, %swap3A_593] {strides = array<i32>} : memref<64x216xf32, #tpu.memory_space<vmem>>, vector<16xf32>,
        tpu.vector_store %arg18[%swap3A_592, %swap3A_593], %get3A_591 {strides = array<i32>} : memref<64x216xf32, #tpu.memory_space<vmem>>, vector<16xf32>,
        %get3A_595 = arith.index_cast %mul3A_527 : i32 to index
        %get3A_596 = arith.constant 76 : index
        %get3A_597 = tpu.vector_load %arg16[%get3A_595, %get3A_596] {strides = array<i32>} : memref<64x128xf32, #tpu.memory_space<vmem>>, vector<16xf32>,
        %swap3A_598 = arith.index_cast %mul3A_527 : i32 to index
        %swap3A_599 = arith.constant 192 : index
        %swap3A_600 = tpu.vector_load %arg18[%swap3A_598, %swap3A_599] {strides = array<i32>} : memref<64x216xf32, #tpu.memory_space<vmem>>, vector<16xf32>,
        tpu.vector_store %arg18[%swap3A_598, %swap3A_599], %get3A_597 {strides = array<i32>} : memref<64x216xf32, #tpu.memory_space<vmem>>, vector<16xf32>,
        %lt3A_601 = arith.constant 8 : i32
        %lt3A_602 = vector.broadcast %lt3A_601 : i32 to vector<16xi32>
        %lt3A_603 = arith.cmpi slt, %iota3A, %lt3A_602 : vector<16xi32>
        %add3A_604 = arith.constant 92 : i32
        %add3A_605 = vector.broadcast %add3A_604 : i32 to vector<16xi32>
        %add3A_606 = arith.addi %add3A_605, %iota3A : vector<16xi32>
        %jit3A_607 = arith.constant 0 : i32
        %broadcast_in_dim3A_608 = vector.broadcast %jit3A_607 : i32 to vector<16xi32>
        %select_n3A_609 = arith.select %lt3A_603, %add3A_606, %broadcast_in_dim3A_608 : vector<16xi1>, vector<16xi32>
        %broadcast_in_dim3A_610 = vector.broadcast %mul3A_527 : i32 to vector<16xi32>
        %gather3A_611 = tpu.vector_load_idx %arg16[%broadcast_in_dim3A_610, %select_n3A_609] masked %lt3A_603 : memref<64x128xf32, #tpu.memory_space<vmem>>[vector<16xi32>, vector<16xi32>], vector<16xf32>, vector<16xi1>
        %broadcast_in_dim3A_612 = vector.broadcast %mul3A_527 : i32 to vector<16xi32>
        %add3A_613 = arith.constant 208 : i32
        %add3A_614 = vector.broadcast %add3A_613 : i32 to vector<16xi32>
        %add3A_615 = arith.addi %add3A_614, %iota3A : vector<16xi32>
        tpu.vector_store_idx %arg18[%broadcast_in_dim3A_612, %add3A_615], %gather3A_611 masked %lt3A_603 : memref<64x216xf32, #tpu.memory_space<vmem>>[vector<16xi32>, vector<16xi32>], vector<16xf32>, vector<16xi1>
        %ge3A_616 = arith.constant 12 : i32
        %ge3A_617 = vector.broadcast %ge3A_616 : i32 to vector<16xi32>
        %ge3A_618 = arith.cmpi sge, %iota3A, %ge3A_617 : vector<16xi32>
        %sub3A_619 = arith.constant 12 : i32
        %sub3A_620 = vector.broadcast %sub3A_619 : i32 to vector<16xi32>
        %sub3A_621 = arith.subi %iota3A, %sub3A_620 : vector<16xi32>
        %jit3A_622 = arith.constant 0 : i32
        %broadcast_in_dim3A_623 = vector.broadcast %jit3A_622 : i32 to vector<16xi32>
        %select_n3A_624 = arith.select %ge3A_618, %sub3A_621, %broadcast_in_dim3A_623 : vector<16xi1>, vector<16xi32>
        %add3A_625 = arith.addi %mul3A_537, %select_n3A_624 : vector<16xi32>
        %gather3A_626 = tpu.vector_load_idx %arg21[%add3A_625] masked %ge3A_618 : memref<1024xf32, #tpu.memory_space<vmem>>[vector<16xi32>], vector<16xf32>, vector<16xi1>
        %broadcast_in_dim3A_627 = vector.broadcast %add3A_529 : i32 to vector<16xi32>
        %add3A_628 = arith.constant 88 : i32
        %add3A_629 = vector.broadcast %add3A_628 : i32 to vector<16xi32>
        %add3A_630 = arith.addi %add3A_629, %iota3A : vector<16xi32>
        tpu.vector_store_idx %arg18[%broadcast_in_dim3A_627, %add3A_630], %gather3A_626 masked %ge3A_618 : memref<64x216xf32, #tpu.memory_space<vmem>>[vector<16xi32>, vector<16xi32>], vector<16xf32>, vector<16xi1>
        %lt3A_631 = arith.constant 12 : i32
        %lt3A_632 = vector.broadcast %lt3A_631 : i32 to vector<16xi32>
        %lt3A_633 = arith.cmpi slt, %iota3A, %lt3A_632 : vector<16xi32>
        %add3A_634 = arith.constant 4 : i32
        %add3A_635 = vector.broadcast %add3A_634 : i32 to vector<16xi32>
        %add3A_636 = arith.addi %iota3A, %add3A_635 : vector<16xi32>
        %jit3A_637 = arith.constant 0 : i32
        %broadcast_in_dim3A_638 = vector.broadcast %jit3A_637 : i32 to vector<16xi32>
        %select_n3A_639 = arith.select %lt3A_633, %add3A_636, %broadcast_in_dim3A_638 : vector<16xi1>, vector<16xi32>
        %add3A_640 = arith.addi %mul3A_537, %select_n3A_639 : vector<16xi32>
        %gather3A_641 = tpu.vector_load_idx %arg21[%add3A_640] masked %lt3A_633 : memref<1024xf32, #tpu.memory_space<vmem>>[vector<16xi32>], vector<16xf32>, vector<16xi1>
        %sub3A_642 = arith.constant 12 : i32
        %sub3A_643 = vector.broadcast %sub3A_642 : i32 to vector<16xi32>
        %sub3A_644 = arith.subi %iota3A, %sub3A_643 : vector<16xi32>
        %not3A_645 = arith.constant dense<true> : vector<16xi1>
        %not3A_646 = arith.xori %lt3A_633, %not3A_645 : vector<16xi1>
        %jit3A_647 = arith.constant 0 : i32
        %broadcast_in_dim3A_648 = vector.broadcast %jit3A_647 : i32 to vector<16xi32>
        %select_n3A_649 = arith.select %not3A_646, %sub3A_644, %broadcast_in_dim3A_648 : vector<16xi1>, vector<16xi32>
        %broadcast_in_dim3A_650 = vector.broadcast %add3A_529 : i32 to vector<16xi32>
        %gather3A_651 = tpu.vector_load_idx %arg16[%broadcast_in_dim3A_650, %select_n3A_649] masked %not3A_646 : memref<64x128xf32, #tpu.memory_space<vmem>>[vector<16xi32>, vector<16xi32>], vector<16xf32>, vector<16xi1>
        %select_n3A_652 = arith.select %lt3A_633, %gather3A_641, %gather3A_651 : vector<16xi1>, vector<16xf32>
        %swap3A_653 = arith.index_cast %add3A_529 : i32 to index
        %swap3A_654 = arith.constant 104 : index
        %swap3A_655 = tpu.vector_load %arg18[%swap3A_653, %swap3A_654] {strides = array<i32>} : memref<64x216xf32, #tpu.memory_space<vmem>>, vector<16xf32>,
        tpu.vector_store %arg18[%swap3A_653, %swap3A_654], %select_n3A_652 {strides = array<i32>} : memref<64x216xf32, #tpu.memory_space<vmem>>, vector<16xf32>,
        %get3A_656 = arith.index_cast %add3A_529 : i32 to index
        %get3A_657 = arith.constant 4 : index
        %get3A_658 = tpu.vector_load %arg16[%get3A_656, %get3A_657] {strides = array<i32>} : memref<64x128xf32, #tpu.memory_space<vmem>>, vector<16xf32>,
        %broadcast_in_dim3A_659 = vector.broadcast %add3A_529 : i32 to vector<16xi32>
        %add3A_660 = arith.constant 120 : i32
        %add3A_661 = vector.broadcast %add3A_660 : i32 to vector<16xi32>
        %add3A_662 = arith.addi %add3A_661, %iota3A : vector<16xi32>
        tpu.vector_store_idx %arg18[%broadcast_in_dim3A_659, %add3A_662], %get3A_658 : memref<64x216xf32, #tpu.memory_space<vmem>>[vector<16xi32>, vector<16xi32>], vector<16xf32>,
        %get3A_663 = arith.index_cast %add3A_529 : i32 to index
        %get3A_664 = arith.constant 20 : index
        %get3A_665 = tpu.vector_load %arg16[%get3A_663, %get3A_664] {strides = array<i32>} : memref<64x128xf32, #tpu.memory_space<vmem>>, vector<16xf32>,
        %swap3A_666 = arith.index_cast %add3A_529 : i32 to index
        %swap3A_667 = arith.constant 136 : index
        %swap3A_668 = tpu.vector_load %arg18[%swap3A_666, %swap3A_667] {strides = array<i32>} : memref<64x216xf32, #tpu.memory_space<vmem>>, vector<16xf32>,
        tpu.vector_store %arg18[%swap3A_666, %swap3A_667], %get3A_665 {strides = array<i32>} : memref<64x216xf32, #tpu.memory_space<vmem>>, vector<16xf32>,
        %get3A_669 = arith.index_cast %add3A_529 : i32 to index
        %get3A_670 = arith.constant 36 : index
        %get3A_671 = tpu.vector_load %arg16[%get3A_669, %get3A_670] {strides = array<i32>} : memref<64x128xf32, #tpu.memory_space<vmem>>, vector<16xf32>,
        %swap3A_672 = arith.index_cast %add3A_529 : i32 to index
        %swap3A_673 = arith.constant 152 : index
        %swap3A_674 = tpu.vector_load %arg18[%swap3A_672, %swap3A_673] {strides = array<i32>} : memref<64x216xf32, #tpu.memory_space<vmem>>, vector<16xf32>,
        tpu.vector_store %arg18[%swap3A_672, %swap3A_673], %get3A_671 {strides = array<i32>} : memref<64x216xf32, #tpu.memory_space<vmem>>, vector<16xf32>,
        %get3A_675 = arith.index_cast %add3A_529 : i32 to index
        %get3A_676 = arith.constant 52 : index
        %get3A_677 = tpu.vector_load %arg16[%get3A_675, %get3A_676] {strides = array<i32>} : memref<64x128xf32, #tpu.memory_space<vmem>>, vector<16xf32>,
        %swap3A_678 = arith.index_cast %add3A_529 : i32 to index
        %swap3A_679 = arith.constant 168 : index
        %swap3A_680 = tpu.vector_load %arg18[%swap3A_678, %swap3A_679] {strides = array<i32>} : memref<64x216xf32, #tpu.memory_space<vmem>>, vector<16xf32>,
        tpu.vector_store %arg18[%swap3A_678, %swap3A_679], %get3A_677 {strides = array<i32>} : memref<64x216xf32, #tpu.memory_space<vmem>>, vector<16xf32>,
        %get3A_681 = arith.index_cast %add3A_529 : i32 to index
        %get3A_682 = arith.constant 68 : index
        %get3A_683 = tpu.vector_load %arg16[%get3A_681, %get3A_682] {strides = array<i32>} : memref<64x128xf32, #tpu.memory_space<vmem>>, vector<16xf32>,
        %swap3A_684 = arith.index_cast %add3A_529 : i32 to index
        %swap3A_685 = arith.constant 184 : index
        %swap3A_686 = tpu.vector_load %arg18[%swap3A_684, %swap3A_685] {strides = array<i32>} : memref<64x216xf32, #tpu.memory_space<vmem>>, vector<16xf32>,
        tpu.vector_store %arg18[%swap3A_684, %swap3A_685], %get3A_683 {strides = array<i32>} : memref<64x216xf32, #tpu.memory_space<vmem>>, vector<16xf32>,
        %get3A_687 = arith.index_cast %add3A_529 : i32 to index
        %get3A_688 = arith.constant 84 : index
        %get3A_689 = tpu.vector_load %arg16[%get3A_687, %get3A_688] {strides = array<i32>} : memref<64x128xf32, #tpu.memory_space<vmem>>, vector<16xf32>,
        %swap3A_690 = arith.index_cast %add3A_529 : i32 to index
        %swap3A_691 = arith.constant 200 : index
        %swap3A_692 = tpu.vector_load %arg18[%swap3A_690, %swap3A_691] {strides = array<i32>} : memref<64x216xf32, #tpu.memory_space<vmem>>, vector<16xf32>,
        tpu.vector_store %arg18[%swap3A_690, %swap3A_691], %get3A_689 {strides = array<i32>} : memref<64x216xf32, #tpu.memory_space<vmem>>, vector<16xf32>,
      }
      %scan3A_369 = arith.constant 32 : i32
      %add3A_370 = arith.constant 2 : i32
      %add3A_371 = arith.addi %add3A_319, %add3A_370 : i32
      %mul3A_372 = arith.constant 64 : i32
      %mul3A_373 = arith.muli %add3A_371, %mul3A_372 : i32
      %add3A_374 = arith.addi %mul3A_2, %mul3A_373 : i32
      %dma_start3A_375 = tpu.memref_slice %arg3[%add3A_374] : memref<819200xi32, #tpu.memory_space<hbm>> -> memref<64xi32, #tpu.memory_space<hbm>>
      %dma_start3A_376 = tpu.memref_slice %arg3[%add3A_374] : memref<819200xi32, #tpu.memory_space<hbm>> -> memref<64xi32, #tpu.memory_space<hbm>>
      tpu.enqueue_dma source(%dma_start3A_376 : memref<64xi32, #tpu.memory_space<hbm>>) target(%arg14 : memref<64xi32, #tpu.memory_space<vmem>>) target_semaphore(%arg25 : memref<!tpu.dma_semaphore, #tpu.memory_space<semaphore_mem>>)
      %mul3A_377 = arith.constant 64 : i32
      %mul3A_378 = arith.muli %add3A_319, %mul3A_377 : i32
      %add3A_379 = arith.addi %mul3A_2, %mul3A_378 : i32
      %dma_start3A_380 = arith.constant 0 : i32
      %dma_start3A_381 = tpu.memref_slice %arg8[%add3A_379, %dma_start3A_380] : memref<819200x216xf32, #tpu.memory_space<hbm>> -> memref<64x216xf32, #tpu.memory_space<hbm>>
      %dma_start3A_382 = arith.constant 0 : i32
      %dma_start3A_383 = tpu.memref_slice %arg8[%add3A_379, %dma_start3A_382] : memref<819200x216xf32, #tpu.memory_space<hbm>> -> memref<64x216xf32, #tpu.memory_space<hbm>>
      tpu.enqueue_dma source(%arg18 : memref<64x216xf32, #tpu.memory_space<vmem>>) target(%dma_start3A_383 : memref<64x216xf32, #tpu.memory_space<hbm>>) target_semaphore(%arg29 : memref<!tpu.dma_semaphore, #tpu.memory_space<semaphore_mem>>)
      %gt3A_384 = arith.constant 0 : i32
      %gt3A_385 = arith.cmpi sgt, %scan3A_248, %gt3A_384 : i32
      %add3A_386 = arith.constant 2 : i32
      %add3A_387 = arith.addi %mul3A_250, %add3A_386 : i32
      %add3A_388 = arith.constant 1 : i32
      %add3A_389 = arith.addi %add3A_387, %add3A_388 : i32
      %mul3A_390 = arith.constant 64 : i32
      %mul3A_391 = arith.muli %add3A_389, %mul3A_390 : i32
      %add3A_392 = arith.addi %mul3A_2, %mul3A_391 : i32
      %dma_wait3A_393 = tpu.memref_slice %arg2[%add3A_392] : memref<819200xi32, #tpu.memory_space<hbm>> -> memref<64xi32, #tpu.memory_space<hbm>>
      %dma_wait3A_394 = tpu.memref_slice %arg2[%add3A_392] : memref<819200xi32, #tpu.memory_space<hbm>> -> memref<64xi32, #tpu.memory_space<hbm>>
      tpu.wait_dma2 semaphore(%arg23 : memref<!tpu.dma_semaphore, #tpu.memory_space<semaphore_mem>>) src(%dma_wait3A_394 : memref<64xi32, #tpu.memory_space<hbm>>) dst(%arg12 : memref<64xi32, #tpu.memory_space<vmem>>)
      %dma_wait3A_395 = tpu.memref_slice %arg4[%add3A_392] : memref<819200xi32, #tpu.memory_space<hbm>> -> memref<64xi32, #tpu.memory_space<hbm>>
      %dma_wait3A_396 = tpu.memref_slice %arg4[%add3A_392] : memref<819200xi32, #tpu.memory_space<hbm>> -> memref<64xi32, #tpu.memory_space<hbm>>
      tpu.wait_dma2 semaphore(%arg23 : memref<!tpu.dma_semaphore, #tpu.memory_space<semaphore_mem>>) src(%dma_wait3A_396 : memref<64xi32, #tpu.memory_space<hbm>>) dst(%arg13 : memref<64xi32, #tpu.memory_space<vmem>>)
      %convert_element_type3A_397 = arith.extui %gt3A_385 : i1 to i32
      %cond3A_398 = arith.constant 0 : i32
      %cond3A_399 = arith.cmpi ne, %convert_element_type3A_397, %cond3A_398 : i32
      scf.if %cond3A_399 {
        %add3A_525 = arith.constant 1 : i32
        %add3A_526 = arith.addi %add3A_387, %add3A_525 : i32
        %sub3A_527 = arith.constant 4 : i32
        %sub3A_528 = arith.subi %add3A_526, %sub3A_527 : i32
        %mul3A_529 = arith.constant 64 : i32
        %mul3A_530 = arith.muli %sub3A_528, %mul3A_529 : i32
        %add3A_531 = arith.addi %mul3A_2, %mul3A_530 : i32
        %dma_wait3A_532 = arith.constant 0 : i32
        %dma_wait3A_533 = tpu.memref_slice %arg8[%add3A_531, %dma_wait3A_532] : memref<819200x216xf32, #tpu.memory_space<hbm>> -> memref<64x216xf32, #tpu.memory_space<hbm>>
        %dma_wait3A_534 = arith.constant 0 : i32
        %dma_wait3A_535 = tpu.memref_slice %arg8[%add3A_531, %dma_wait3A_534] : memref<819200x216xf32, #tpu.memory_space<hbm>> -> memref<64x216xf32, #tpu.memory_space<hbm>>
        tpu.wait_dma2 semaphore(%arg31 : memref<!tpu.dma_semaphore, #tpu.memory_space<semaphore_mem>>) src(%arg20 : memref<64x216xf32, #tpu.memory_space<vmem>>) dst(%dma_wait3A_535 : memref<64x216xf32, #tpu.memory_space<hbm>>)
      } else {
      }
      %dma_start3A_400 = arith.constant 0 : i32
      %dma_start3A_401 = arith.constant 0 : i32
      %dma_start3A_402 = tpu.memref_slice %arg20[%dma_start3A_400, %dma_start3A_401] : memref<64x216xf32, #tpu.memory_space<vmem>> -> memref<64x128xf32, #tpu.memory_space<vmem>>
      %dma_start3A_403 = arith.constant 0 : i32
      %dma_start3A_404 = arith.constant 0 : i32
      %dma_start3A_405 = tpu.memref_slice %arg5[%dma_start3A_403, %dma_start3A_404] : memref<100000x128xf32, #tpu.memory_space<hbm>> -> memref<100000x128xf32, #tpu.memory_space<hbm>>
      tpu.enqueue_indirect_dma source(%dma_start3A_405 : memref<100000x128xf32, #tpu.memory_space<hbm>>) target(%dma_start3A_402 : memref<64x128xf32, #tpu.memory_space<vmem>>) offsets(%arg12 : memref<64xi32, #tpu.memory_space<vmem>>) semaphore(%arg27 : memref<!tpu.dma_semaphore, #tpu.memory_space<semaphore_mem>>)
      %dma_start3A_406 = arith.constant 0 : i32
      %dma_start3A_407 = arith.constant 0 : i32
      %dma_start3A_408 = tpu.memref_slice %arg7[%dma_start3A_406, %dma_start3A_407] : memref<100000x128xf32, #tpu.memory_space<hbm>> -> memref<100000x128xf32, #tpu.memory_space<hbm>>
      tpu.enqueue_indirect_dma source(%dma_start3A_408 : memref<100000x128xf32, #tpu.memory_space<hbm>>) target(%arg16 : memref<64x128xf32, #tpu.memory_space<vmem>>) offsets(%arg13 : memref<64xi32, #tpu.memory_space<vmem>>) semaphore(%arg27 : memref<!tpu.dma_semaphore, #tpu.memory_space<semaphore_mem>>)
      %dma_wait3A_409 = arith.constant 0 : i32
      %dma_wait3A_410 = arith.constant 0 : i32
      %dma_wait3A_411 = tpu.memref_slice %arg19[%dma_wait3A_409, %dma_wait3A_410] : memref<64x216xf32, #tpu.memory_space<vmem>> -> memref<64x128xf32, #tpu.memory_space<vmem>>
      %dma_wait3A_412 = arith.constant 0 : i32
      %dma_wait3A_413 = arith.constant 0 : i32
      %dma_wait3A_414 = tpu.memref_slice %arg5[%dma_wait3A_412, %dma_wait3A_413] : memref<100000x128xf32, #tpu.memory_space<hbm>> -> memref<100000x128xf32, #tpu.memory_space<hbm>>
      tpu.wait_indirect_dma semaphore(%arg26 : memref<!tpu.dma_semaphore, #tpu.memory_space<semaphore_mem>>) src(%dma_wait3A_414 : memref<100000x128xf32, #tpu.memory_space<hbm>>) dst(%dma_wait3A_411 : memref<64x128xf32, #tpu.memory_space<vmem>>)
      %dma_wait3A_415 = arith.constant 0 : i32
      %dma_wait3A_416 = arith.constant 0 : i32
      %dma_wait3A_417 = tpu.memref_slice %arg7[%dma_wait3A_415, %dma_wait3A_416] : memref<100000x128xf32, #tpu.memory_space<hbm>> -> memref<100000x128xf32, #tpu.memory_space<hbm>>
      tpu.wait_indirect_dma semaphore(%arg26 : memref<!tpu.dma_semaphore, #tpu.memory_space<semaphore_mem>>) src(%dma_wait3A_417 : memref<100000x128xf32, #tpu.memory_space<hbm>>) dst(%arg15 : memref<64x128xf32, #tpu.memory_space<vmem>>)
      %add3A_418 = arith.constant 2 : i32
      %add3A_419 = arith.addi %add3A_387, %add3A_418 : i32
      %mul3A_420 = arith.constant 64 : i32
      %mul3A_421 = arith.muli %add3A_419, %mul3A_420 : i32
      %add3A_422 = arith.addi %mul3A_2, %mul3A_421 : i32
      %dma_start3A_423 = tpu.memref_slice %arg2[%add3A_422] : memref<819200xi32, #tpu.memory_space<hbm>> -> memref<64xi32, #tpu.memory_space<hbm>>
      %dma_start3A_424 = tpu.memref_slice %arg2[%add3A_422] : memref<819200xi32, #tpu.memory_space<hbm>> -> memref<64xi32, #tpu.memory_space<hbm>>
      tpu.enqueue_dma source(%dma_start3A_424 : memref<64xi32, #tpu.memory_space<hbm>>) target(%arg9 : memref<64xi32, #tpu.memory_space<vmem>>) target_semaphore(%arg22 : memref<!tpu.dma_semaphore, #tpu.memory_space<semaphore_mem>>)
      %dma_start3A_425 = tpu.memref_slice %arg4[%add3A_422] : memref<819200xi32, #tpu.memory_space<hbm>> -> memref<64xi32, #tpu.memory_space<hbm>>
      %dma_start3A_426 = tpu.memref_slice %arg4[%add3A_422] : memref<819200xi32, #tpu.memory_space<hbm>> -> memref<64xi32, #tpu.memory_space<hbm>>
      tpu.enqueue_dma source(%dma_start3A_426 : memref<64xi32, #tpu.memory_space<hbm>>) target(%arg10 : memref<64xi32, #tpu.memory_space<vmem>>) target_semaphore(%arg22 : memref<!tpu.dma_semaphore, #tpu.memory_space<semaphore_mem>>)
      %mul3A_427 = arith.constant 64 : i32
      %mul3A_428 = arith.muli %add3A_387, %mul3A_427 : i32
      %add3A_429 = arith.addi %mul3A_2, %mul3A_428 : i32
      %dma_wait3A_430 = tpu.memref_slice %arg3[%add3A_429] : memref<819200xi32, #tpu.memory_space<hbm>> -> memref<64xi32, #tpu.memory_space<hbm>>
      %dma_wait3A_431 = tpu.memref_slice %arg3[%add3A_429] : memref<819200xi32, #tpu.memory_space<hbm>> -> memref<64xi32, #tpu.memory_space<hbm>>
      tpu.wait_dma2 semaphore(%arg24 : memref<!tpu.dma_semaphore, #tpu.memory_space<semaphore_mem>>) src(%dma_wait3A_431 : memref<64xi32, #tpu.memory_space<hbm>>) dst(%arg11 : memref<64xi32, #tpu.memory_space<vmem>>)
      %scan3A_432 = arith.constant 0 : i32
      %scan3A_433 = arith.constant 0 : i32
      %scan3A_434 = arith.constant 32 : i32
      %scan3A_435 = arith.addi %scan3A_433, %scan3A_434 : i32
      %scan3A_436 = arith.constant 1 : i32
      scf.for %scan3A_525 = %scan3A_433 to %scan3A_435 step %scan3A_436  : i32 {
        %mul3A_526 = arith.constant 2 : i32
        %mul3A_527 = arith.muli %mul3A_526, %scan3A_525 : i32
        %add3A_528 = arith.constant 1 : i32
        %add3A_529 = arith.addi %mul3A_527, %add3A_528 : i32
        %broadcast_in_dim3A = vector.broadcast %mul3A_527 : i32 to vector<16xi32>
        %gather3A = tpu.vector_load_idx %arg11[%broadcast_in_dim3A] : memref<64xi32, #tpu.memory_space<vmem>>[vector<16xi32>], vector<16xi32>,
        %mul3A_530 = arith.constant 16 : i32
        %mul3A_531 = vector.broadcast %mul3A_530 : i32 to vector<16xi32>
        %mul3A_532 = arith.muli %gather3A, %mul3A_531 : vector<16xi32>
        %broadcast_in_dim3A_533 = vector.broadcast %add3A_529 : i32 to vector<16xi32>
        %gather3A_534 = tpu.vector_load_idx %arg11[%broadcast_in_dim3A_533] : memref<64xi32, #tpu.memory_space<vmem>>[vector<16xi32>], vector<16xi32>,
        %mul3A_535 = arith.constant 16 : i32
        %mul3A_536 = vector.broadcast %mul3A_535 : i32 to vector<16xi32>
        %mul3A_537 = arith.muli %gather3A_534, %mul3A_536 : vector<16xi32>
        %ge3A = arith.constant 4 : i32
        %ge3A_538 = vector.broadcast %ge3A : i32 to vector<16xi32>
        %ge3A_539 = arith.cmpi sge, %iota3A, %ge3A_538 : vector<16xi32>
        %sub3A_540 = arith.constant 4 : i32
        %sub3A_541 = vector.broadcast %sub3A_540 : i32 to vector<16xi32>
        %sub3A_542 = arith.subi %iota3A, %sub3A_541 : vector<16xi32>
        %jit3A = arith.constant 0 : i32
        %broadcast_in_dim3A_543 = vector.broadcast %jit3A : i32 to vector<16xi32>
        %select_n3A = arith.select %ge3A_539, %sub3A_542, %broadcast_in_dim3A_543 : vector<16xi1>, vector<16xi32>
        %add3A_544 = arith.addi %mul3A_532, %select_n3A : vector<16xi32>
        %gather3A_545 = tpu.vector_load_idx %arg21[%add3A_544] masked %ge3A_539 : memref<1024xf32, #tpu.memory_space<vmem>>[vector<16xi32>], vector<16xf32>, vector<16xi1>
        %broadcast_in_dim3A_546 = vector.broadcast %mul3A_527 : i32 to vector<16xi32>
        %add3A_547 = arith.constant 96 : i32
        %add3A_548 = vector.broadcast %add3A_547 : i32 to vector<16xi32>
        %add3A_549 = arith.addi %add3A_548, %iota3A : vector<16xi32>
        tpu.vector_store_idx %arg19[%broadcast_in_dim3A_546, %add3A_549], %gather3A_545 masked %ge3A_539 : memref<64x216xf32, #tpu.memory_space<vmem>>[vector<16xi32>, vector<16xi32>], vector<16xf32>, vector<16xi1>
        %lt3A = arith.constant 4 : i32
        %lt3A_550 = vector.broadcast %lt3A : i32 to vector<16xi32>
        %lt3A_551 = arith.cmpi slt, %iota3A, %lt3A_550 : vector<16xi32>
        %add3A_552 = arith.constant 12 : i32
        %add3A_553 = vector.broadcast %add3A_552 : i32 to vector<16xi32>
        %add3A_554 = arith.addi %iota3A, %add3A_553 : vector<16xi32>
        %jit3A_555 = arith.constant 0 : i32
        %broadcast_in_dim3A_556 = vector.broadcast %jit3A_555 : i32 to vector<16xi32>
        %select_n3A_557 = arith.select %lt3A_551, %add3A_554, %broadcast_in_dim3A_556 : vector<16xi1>, vector<16xi32>
        %add3A_558 = arith.addi %mul3A_532, %select_n3A_557 : vector<16xi32>
        %gather3A_559 = tpu.vector_load_idx %arg21[%add3A_558] masked %lt3A_551 : memref<1024xf32, #tpu.memory_space<vmem>>[vector<16xi32>], vector<16xf32>, vector<16xi1>
        %sub3A_560 = arith.constant 4 : i32
        %sub3A_561 = vector.broadcast %sub3A_560 : i32 to vector<16xi32>
        %sub3A_562 = arith.subi %iota3A, %sub3A_561 : vector<16xi32>
        %not3A = arith.constant dense<true> : vector<16xi1>
        %not3A_563 = arith.xori %lt3A_551, %not3A : vector<16xi1>
        %jit3A_564 = arith.constant 0 : i32
        %broadcast_in_dim3A_565 = vector.broadcast %jit3A_564 : i32 to vector<16xi32>
        %select_n3A_566 = arith.select %not3A_563, %sub3A_562, %broadcast_in_dim3A_565 : vector<16xi1>, vector<16xi32>
        %broadcast_in_dim3A_567 = vector.broadcast %mul3A_527 : i32 to vector<16xi32>
        %gather3A_568 = tpu.vector_load_idx %arg15[%broadcast_in_dim3A_567, %select_n3A_566] masked %not3A_563 : memref<64x128xf32, #tpu.memory_space<vmem>>[vector<16xi32>, vector<16xi32>], vector<16xf32>, vector<16xi1>
        %select_n3A_569 = arith.select %lt3A_551, %gather3A_559, %gather3A_568 : vector<16xi1>, vector<16xf32>
        %swap3A = arith.index_cast %mul3A_527 : i32 to index
        %swap3A_570 = arith.constant 112 : index
        %swap3A_571 = tpu.vector_load %arg19[%swap3A, %swap3A_570] {strides = array<i32>} : memref<64x216xf32, #tpu.memory_space<vmem>>, vector<16xf32>,
        tpu.vector_store %arg19[%swap3A, %swap3A_570], %select_n3A_569 {strides = array<i32>} : memref<64x216xf32, #tpu.memory_space<vmem>>, vector<16xf32>,
        %get3A = arith.index_cast %mul3A_527 : i32 to index
        %get3A_572 = arith.constant 12 : index
        %get3A_573 = tpu.vector_load %arg15[%get3A, %get3A_572] {strides = array<i32>} : memref<64x128xf32, #tpu.memory_space<vmem>>, vector<16xf32>,
        %swap3A_574 = arith.index_cast %mul3A_527 : i32 to index
        %swap3A_575 = arith.constant 128 : index
        %swap3A_576 = tpu.vector_load %arg19[%swap3A_574, %swap3A_575] {strides = array<i32>} : memref<64x216xf32, #tpu.memory_space<vmem>>, vector<16xf32>,
        tpu.vector_store %arg19[%swap3A_574, %swap3A_575], %get3A_573 {strides = array<i32>} : memref<64x216xf32, #tpu.memory_space<vmem>>, vector<16xf32>,
        %get3A_577 = arith.index_cast %mul3A_527 : i32 to index
        %get3A_578 = arith.constant 28 : index
        %get3A_579 = tpu.vector_load %arg15[%get3A_577, %get3A_578] {strides = array<i32>} : memref<64x128xf32, #tpu.memory_space<vmem>>, vector<16xf32>,
        %swap3A_580 = arith.index_cast %mul3A_527 : i32 to index
        %swap3A_581 = arith.constant 144 : index
        %swap3A_582 = tpu.vector_load %arg19[%swap3A_580, %swap3A_581] {strides = array<i32>} : memref<64x216xf32, #tpu.memory_space<vmem>>, vector<16xf32>,
        tpu.vector_store %arg19[%swap3A_580, %swap3A_581], %get3A_579 {strides = array<i32>} : memref<64x216xf32, #tpu.memory_space<vmem>>, vector<16xf32>,
        %get3A_583 = arith.index_cast %mul3A_527 : i32 to index
        %get3A_584 = arith.constant 44 : index
        %get3A_585 = tpu.vector_load %arg15[%get3A_583, %get3A_584] {strides = array<i32>} : memref<64x128xf32, #tpu.memory_space<vmem>>, vector<16xf32>,
        %swap3A_586 = arith.index_cast %mul3A_527 : i32 to index
        %swap3A_587 = arith.constant 160 : index
        %swap3A_588 = tpu.vector_load %arg19[%swap3A_586, %swap3A_587] {strides = array<i32>} : memref<64x216xf32, #tpu.memory_space<vmem>>, vector<16xf32>,
        tpu.vector_store %arg19[%swap3A_586, %swap3A_587], %get3A_585 {strides = array<i32>} : memref<64x216xf32, #tpu.memory_space<vmem>>, vector<16xf32>,
        %get3A_589 = arith.index_cast %mul3A_527 : i32 to index
        %get3A_590 = arith.constant 60 : index
        %get3A_591 = tpu.vector_load %arg15[%get3A_589, %get3A_590] {strides = array<i32>} : memref<64x128xf32, #tpu.memory_space<vmem>>, vector<16xf32>,
        %swap3A_592 = arith.index_cast %mul3A_527 : i32 to index
        %swap3A_593 = arith.constant 176 : index
        %swap3A_594 = tpu.vector_load %arg19[%swap3A_592, %swap3A_593] {strides = array<i32>} : memref<64x216xf32, #tpu.memory_space<vmem>>, vector<16xf32>,
        tpu.vector_store %arg19[%swap3A_592, %swap3A_593], %get3A_591 {strides = array<i32>} : memref<64x216xf32, #tpu.memory_space<vmem>>, vector<16xf32>,
        %get3A_595 = arith.index_cast %mul3A_527 : i32 to index
        %get3A_596 = arith.constant 76 : index
        %get3A_597 = tpu.vector_load %arg15[%get3A_595, %get3A_596] {strides = array<i32>} : memref<64x128xf32, #tpu.memory_space<vmem>>, vector<16xf32>,
        %swap3A_598 = arith.index_cast %mul3A_527 : i32 to index
        %swap3A_599 = arith.constant 192 : index
        %swap3A_600 = tpu.vector_load %arg19[%swap3A_598, %swap3A_599] {strides = array<i32>} : memref<64x216xf32, #tpu.memory_space<vmem>>, vector<16xf32>,
        tpu.vector_store %arg19[%swap3A_598, %swap3A_599], %get3A_597 {strides = array<i32>} : memref<64x216xf32, #tpu.memory_space<vmem>>, vector<16xf32>,
        %lt3A_601 = arith.constant 8 : i32
        %lt3A_602 = vector.broadcast %lt3A_601 : i32 to vector<16xi32>
        %lt3A_603 = arith.cmpi slt, %iota3A, %lt3A_602 : vector<16xi32>
        %add3A_604 = arith.constant 92 : i32
        %add3A_605 = vector.broadcast %add3A_604 : i32 to vector<16xi32>
        %add3A_606 = arith.addi %add3A_605, %iota3A : vector<16xi32>
        %jit3A_607 = arith.constant 0 : i32
        %broadcast_in_dim3A_608 = vector.broadcast %jit3A_607 : i32 to vector<16xi32>
        %select_n3A_609 = arith.select %lt3A_603, %add3A_606, %broadcast_in_dim3A_608 : vector<16xi1>, vector<16xi32>
        %broadcast_in_dim3A_610 = vector.broadcast %mul3A_527 : i32 to vector<16xi32>
        %gather3A_611 = tpu.vector_load_idx %arg15[%broadcast_in_dim3A_610, %select_n3A_609] masked %lt3A_603 : memref<64x128xf32, #tpu.memory_space<vmem>>[vector<16xi32>, vector<16xi32>], vector<16xf32>, vector<16xi1>
        %broadcast_in_dim3A_612 = vector.broadcast %mul3A_527 : i32 to vector<16xi32>
        %add3A_613 = arith.constant 208 : i32
        %add3A_614 = vector.broadcast %add3A_613 : i32 to vector<16xi32>
        %add3A_615 = arith.addi %add3A_614, %iota3A : vector<16xi32>
        tpu.vector_store_idx %arg19[%broadcast_in_dim3A_612, %add3A_615], %gather3A_611 masked %lt3A_603 : memref<64x216xf32, #tpu.memory_space<vmem>>[vector<16xi32>, vector<16xi32>], vector<16xf32>, vector<16xi1>
        %ge3A_616 = arith.constant 12 : i32
        %ge3A_617 = vector.broadcast %ge3A_616 : i32 to vector<16xi32>
        %ge3A_618 = arith.cmpi sge, %iota3A, %ge3A_617 : vector<16xi32>
        %sub3A_619 = arith.constant 12 : i32
        %sub3A_620 = vector.broadcast %sub3A_619 : i32 to vector<16xi32>
        %sub3A_621 = arith.subi %iota3A, %sub3A_620 : vector<16xi32>
        %jit3A_622 = arith.constant 0 : i32
        %broadcast_in_dim3A_623 = vector.broadcast %jit3A_622 : i32 to vector<16xi32>
        %select_n3A_624 = arith.select %ge3A_618, %sub3A_621, %broadcast_in_dim3A_623 : vector<16xi1>, vector<16xi32>
        %add3A_625 = arith.addi %mul3A_537, %select_n3A_624 : vector<16xi32>
        %gather3A_626 = tpu.vector_load_idx %arg21[%add3A_625] masked %ge3A_618 : memref<1024xf32, #tpu.memory_space<vmem>>[vector<16xi32>], vector<16xf32>, vector<16xi1>
        %broadcast_in_dim3A_627 = vector.broadcast %add3A_529 : i32 to vector<16xi32>
        %add3A_628 = arith.constant 88 : i32
        %add3A_629 = vector.broadcast %add3A_628 : i32 to vector<16xi32>
        %add3A_630 = arith.addi %add3A_629, %iota3A : vector<16xi32>
        tpu.vector_store_idx %arg19[%broadcast_in_dim3A_627, %add3A_630], %gather3A_626 masked %ge3A_618 : memref<64x216xf32, #tpu.memory_space<vmem>>[vector<16xi32>, vector<16xi32>], vector<16xf32>, vector<16xi1>
        %lt3A_631 = arith.constant 12 : i32
        %lt3A_632 = vector.broadcast %lt3A_631 : i32 to vector<16xi32>
        %lt3A_633 = arith.cmpi slt, %iota3A, %lt3A_632 : vector<16xi32>
        %add3A_634 = arith.constant 4 : i32
        %add3A_635 = vector.broadcast %add3A_634 : i32 to vector<16xi32>
        %add3A_636 = arith.addi %iota3A, %add3A_635 : vector<16xi32>
        %jit3A_637 = arith.constant 0 : i32
        %broadcast_in_dim3A_638 = vector.broadcast %jit3A_637 : i32 to vector<16xi32>
        %select_n3A_639 = arith.select %lt3A_633, %add3A_636, %broadcast_in_dim3A_638 : vector<16xi1>, vector<16xi32>
        %add3A_640 = arith.addi %mul3A_537, %select_n3A_639 : vector<16xi32>
        %gather3A_641 = tpu.vector_load_idx %arg21[%add3A_640] masked %lt3A_633 : memref<1024xf32, #tpu.memory_space<vmem>>[vector<16xi32>], vector<16xf32>, vector<16xi1>
        %sub3A_642 = arith.constant 12 : i32
        %sub3A_643 = vector.broadcast %sub3A_642 : i32 to vector<16xi32>
        %sub3A_644 = arith.subi %iota3A, %sub3A_643 : vector<16xi32>
        %not3A_645 = arith.constant dense<true> : vector<16xi1>
        %not3A_646 = arith.xori %lt3A_633, %not3A_645 : vector<16xi1>
        %jit3A_647 = arith.constant 0 : i32
        %broadcast_in_dim3A_648 = vector.broadcast %jit3A_647 : i32 to vector<16xi32>
        %select_n3A_649 = arith.select %not3A_646, %sub3A_644, %broadcast_in_dim3A_648 : vector<16xi1>, vector<16xi32>
        %broadcast_in_dim3A_650 = vector.broadcast %add3A_529 : i32 to vector<16xi32>
        %gather3A_651 = tpu.vector_load_idx %arg15[%broadcast_in_dim3A_650, %select_n3A_649] masked %not3A_646 : memref<64x128xf32, #tpu.memory_space<vmem>>[vector<16xi32>, vector<16xi32>], vector<16xf32>, vector<16xi1>
        %select_n3A_652 = arith.select %lt3A_633, %gather3A_641, %gather3A_651 : vector<16xi1>, vector<16xf32>
        %swap3A_653 = arith.index_cast %add3A_529 : i32 to index
        %swap3A_654 = arith.constant 104 : index
        %swap3A_655 = tpu.vector_load %arg19[%swap3A_653, %swap3A_654] {strides = array<i32>} : memref<64x216xf32, #tpu.memory_space<vmem>>, vector<16xf32>,
        tpu.vector_store %arg19[%swap3A_653, %swap3A_654], %select_n3A_652 {strides = array<i32>} : memref<64x216xf32, #tpu.memory_space<vmem>>, vector<16xf32>,
        %get3A_656 = arith.index_cast %add3A_529 : i32 to index
        %get3A_657 = arith.constant 4 : index
        %get3A_658 = tpu.vector_load %arg15[%get3A_656, %get3A_657] {strides = array<i32>} : memref<64x128xf32, #tpu.memory_space<vmem>>, vector<16xf32>,
        %broadcast_in_dim3A_659 = vector.broadcast %add3A_529 : i32 to vector<16xi32>
        %add3A_660 = arith.constant 120 : i32
        %add3A_661 = vector.broadcast %add3A_660 : i32 to vector<16xi32>
        %add3A_662 = arith.addi %add3A_661, %iota3A : vector<16xi32>
        tpu.vector_store_idx %arg19[%broadcast_in_dim3A_659, %add3A_662], %get3A_658 : memref<64x216xf32, #tpu.memory_space<vmem>>[vector<16xi32>, vector<16xi32>], vector<16xf32>,
        %get3A_663 = arith.index_cast %add3A_529 : i32 to index
        %get3A_664 = arith.constant 20 : index
        %get3A_665 = tpu.vector_load %arg15[%get3A_663, %get3A_664] {strides = array<i32>} : memref<64x128xf32, #tpu.memory_space<vmem>>, vector<16xf32>,
        %swap3A_666 = arith.index_cast %add3A_529 : i32 to index
        %swap3A_667 = arith.constant 136 : index
        %swap3A_668 = tpu.vector_load %arg19[%swap3A_666, %swap3A_667] {strides = array<i32>} : memref<64x216xf32, #tpu.memory_space<vmem>>, vector<16xf32>,
        tpu.vector_store %arg19[%swap3A_666, %swap3A_667], %get3A_665 {strides = array<i32>} : memref<64x216xf32, #tpu.memory_space<vmem>>, vector<16xf32>,
        %get3A_669 = arith.index_cast %add3A_529 : i32 to index
        %get3A_670 = arith.constant 36 : index
        %get3A_671 = tpu.vector_load %arg15[%get3A_669, %get3A_670] {strides = array<i32>} : memref<64x128xf32, #tpu.memory_space<vmem>>, vector<16xf32>,
        %swap3A_672 = arith.index_cast %add3A_529 : i32 to index
        %swap3A_673 = arith.constant 152 : index
        %swap3A_674 = tpu.vector_load %arg19[%swap3A_672, %swap3A_673] {strides = array<i32>} : memref<64x216xf32, #tpu.memory_space<vmem>>, vector<16xf32>,
        tpu.vector_store %arg19[%swap3A_672, %swap3A_673], %get3A_671 {strides = array<i32>} : memref<64x216xf32, #tpu.memory_space<vmem>>, vector<16xf32>,
        %get3A_675 = arith.index_cast %add3A_529 : i32 to index
        %get3A_676 = arith.constant 52 : index
        %get3A_677 = tpu.vector_load %arg15[%get3A_675, %get3A_676] {strides = array<i32>} : memref<64x128xf32, #tpu.memory_space<vmem>>, vector<16xf32>,
        %swap3A_678 = arith.index_cast %add3A_529 : i32 to index
        %swap3A_679 = arith.constant 168 : index
        %swap3A_680 = tpu.vector_load %arg19[%swap3A_678, %swap3A_679] {strides = array<i32>} : memref<64x216xf32, #tpu.memory_space<vmem>>, vector<16xf32>,
        tpu.vector_store %arg19[%swap3A_678, %swap3A_679], %get3A_677 {strides = array<i32>} : memref<64x216xf32, #tpu.memory_space<vmem>>, vector<16xf32>,
        %get3A_681 = arith.index_cast %add3A_529 : i32 to index
        %get3A_682 = arith.constant 68 : index
        %get3A_683 = tpu.vector_load %arg15[%get3A_681, %get3A_682] {strides = array<i32>} : memref<64x128xf32, #tpu.memory_space<vmem>>, vector<16xf32>,
        %swap3A_684 = arith.index_cast %add3A_529 : i32 to index
        %swap3A_685 = arith.constant 184 : index
        %swap3A_686 = tpu.vector_load %arg19[%swap3A_684, %swap3A_685] {strides = array<i32>} : memref<64x216xf32, #tpu.memory_space<vmem>>, vector<16xf32>,
        tpu.vector_store %arg19[%swap3A_684, %swap3A_685], %get3A_683 {strides = array<i32>} : memref<64x216xf32, #tpu.memory_space<vmem>>, vector<16xf32>,
        %get3A_687 = arith.index_cast %add3A_529 : i32 to index
        %get3A_688 = arith.constant 84 : index
        %get3A_689 = tpu.vector_load %arg15[%get3A_687, %get3A_688] {strides = array<i32>} : memref<64x128xf32, #tpu.memory_space<vmem>>, vector<16xf32>,
        %swap3A_690 = arith.index_cast %add3A_529 : i32 to index
        %swap3A_691 = arith.constant 200 : index
        %swap3A_692 = tpu.vector_load %arg19[%swap3A_690, %swap3A_691] {strides = array<i32>} : memref<64x216xf32, #tpu.memory_space<vmem>>, vector<16xf32>,
        tpu.vector_store %arg19[%swap3A_690, %swap3A_691], %get3A_689 {strides = array<i32>} : memref<64x216xf32, #tpu.memory_space<vmem>>, vector<16xf32>,
      }
      %scan3A_437 = arith.constant 32 : i32
      %add3A_438 = arith.constant 2 : i32
      %add3A_439 = arith.addi %add3A_387, %add3A_438 : i32
      %mul3A_440 = arith.constant 64 : i32
      %mul3A_441 = arith.muli %add3A_439, %mul3A_440 : i32
      %add3A_442 = arith.addi %mul3A_2, %mul3A_441 : i32
      %dma_start3A_443 = tpu.memref_slice %arg3[%add3A_442] : memref<819200xi32, #tpu.memory_space<hbm>> -> memref<64xi32, #tpu.memory_space<hbm>>
      %dma_start3A_444 = tpu.memref_slice %arg3[%add3A_442] : memref<819200xi32, #tpu.memory_space<hbm>> -> memref<64xi32, #tpu.memory_space<hbm>>
      tpu.enqueue_dma source(%dma_start3A_444 : memref<64xi32, #tpu.memory_space<hbm>>) target(%arg11 : memref<64xi32, #tpu.memory_space<vmem>>) target_semaphore(%arg24 : memref<!tpu.dma_semaphore, #tpu.memory_space<semaphore_mem>>)
      %mul3A_445 = arith.constant 64 : i32
      %mul3A_446 = arith.muli %add3A_387, %mul3A_445 : i32
      %add3A_447 = arith.addi %mul3A_2, %mul3A_446 : i32
      %dma_start3A_448 = arith.constant 0 : i32
      %dma_start3A_449 = tpu.memref_slice %arg8[%add3A_447, %dma_start3A_448] : memref<819200x216xf32, #tpu.memory_space<hbm>> -> memref<64x216xf32, #tpu.memory_space<hbm>>
      %dma_start3A_450 = arith.constant 0 : i32
      %dma_start3A_451 = tpu.memref_slice %arg8[%add3A_447, %dma_start3A_450] : memref<819200x216xf32, #tpu.memory_space<hbm>> -> memref<64x216xf32, #tpu.memory_space<hbm>>
      tpu.enqueue_dma source(%arg19 : memref<64x216xf32, #tpu.memory_space<vmem>>) target(%dma_start3A_451 : memref<64x216xf32, #tpu.memory_space<hbm>>) target_semaphore(%arg30 : memref<!tpu.dma_semaphore, #tpu.memory_space<semaphore_mem>>)
      %add3A_452 = arith.constant 3 : i32
      %add3A_453 = arith.addi %mul3A_250, %add3A_452 : i32
      %add3A_454 = arith.constant 1 : i32
      %add3A_455 = arith.addi %add3A_453, %add3A_454 : i32
      %mul3A_456 = arith.constant 64 : i32
      %mul3A_457 = arith.muli %add3A_455, %mul3A_456 : i32
      %add3A_458 = arith.addi %mul3A_2, %mul3A_457 : i32
      %dma_wait3A_459 = tpu.memref_slice %arg2[%add3A_458] : memref<819200xi32, #tpu.memory_space<hbm>> -> memref<64xi32, #tpu.memory_space<hbm>>
      %dma_wait3A_460 = tpu.memref_slice %arg2[%add3A_458] : memref<819200xi32, #tpu.memory_space<hbm>> -> memref<64xi32, #tpu.memory_space<hbm>>
      tpu.wait_dma2 semaphore(%arg22 : memref<!tpu.dma_semaphore, #tpu.memory_space<semaphore_mem>>) src(%dma_wait3A_460 : memref<64xi32, #tpu.memory_space<hbm>>) dst(%arg9 : memref<64xi32, #tpu.memory_space<vmem>>)
      %dma_wait3A_461 = tpu.memref_slice %arg4[%add3A_458] : memref<819200xi32, #tpu.memory_space<hbm>> -> memref<64xi32, #tpu.memory_space<hbm>>
      %dma_wait3A_462 = tpu.memref_slice %arg4[%add3A_458] : memref<819200xi32, #tpu.memory_space<hbm>> -> memref<64xi32, #tpu.memory_space<hbm>>
      tpu.wait_dma2 semaphore(%arg22 : memref<!tpu.dma_semaphore, #tpu.memory_space<semaphore_mem>>) src(%dma_wait3A_462 : memref<64xi32, #tpu.memory_space<hbm>>) dst(%arg10 : memref<64xi32, #tpu.memory_space<vmem>>)
      %add3A_463 = arith.constant 1 : i32
      %add3A_464 = arith.addi %add3A_453, %add3A_463 : i32
      %sub3A = arith.constant 4 : i32
      %sub3A_465 = arith.subi %add3A_464, %sub3A : i32
      %mul3A_466 = arith.constant 64 : i32
      %mul3A_467 = arith.muli %sub3A_465, %mul3A_466 : i32
      %add3A_468 = arith.addi %mul3A_2, %mul3A_467 : i32
      %dma_wait3A_469 = arith.constant 0 : i32
      %dma_wait3A_470 = tpu.memref_slice %arg8[%add3A_468, %dma_wait3A_469] : memref<819200x216xf32, #tpu.memory_space<hbm>> -> memref<64x216xf32, #tpu.memory_space<hbm>>
      %dma_wait3A_471 = arith.constant 0 : i32
      %dma_wait3A_472 = tpu.memref_slice %arg8[%add3A_468, %dma_wait3A_471] : memref<819200x216xf32, #tpu.memory_space<hbm>> -> memref<64x216xf32, #tpu.memory_space<hbm>>
      tpu.wait_dma2 semaphore(%arg28 : memref<!tpu.dma_semaphore, #tpu.memory_space<semaphore_mem>>) src(%arg17 : memref<64x216xf32, #tpu.memory_space<vmem>>) dst(%dma_wait3A_472 : memref<64x216xf32, #tpu.memory_space<hbm>>)
      %dma_start3A_473 = arith.constant 0 : i32
      %dma_start3A_474 = arith.constant 0 : i32
      %dma_start3A_475 = tpu.memref_slice %arg17[%dma_start3A_473, %dma_start3A_474] : memref<64x216xf32, #tpu.memory_space<vmem>> -> memref<64x128xf32, #tpu.memory_space<vmem>>
      %dma_start3A_476 = arith.constant 0 : i32
      %dma_start3A_477 = arith.constant 0 : i32
      %dma_start3A_478 = tpu.memref_slice %arg5[%dma_start3A_476, %dma_start3A_477] : memref<100000x128xf32, #tpu.memory_space<hbm>> -> memref<100000x128xf32, #tpu.memory_space<hbm>>
      tpu.enqueue_indirect_dma source(%dma_start3A_478 : memref<100000x128xf32, #tpu.memory_space<hbm>>) target(%dma_start3A_475 : memref<64x128xf32, #tpu.memory_space<vmem>>) offsets(%arg9 : memref<64xi32, #tpu.memory_space<vmem>>) semaphore(%arg26 : memref<!tpu.dma_semaphore, #tpu.memory_space<semaphore_mem>>)
      %dma_start3A_479 = arith.constant 0 : i32
      %dma_start3A_480 = arith.constant 0 : i32
      %dma_start3A_481 = tpu.memref_slice %arg7[%dma_start3A_479, %dma_start3A_480] : memref<100000x128xf32, #tpu.memory_space<hbm>> -> memref<100000x128xf32, #tpu.memory_space<hbm>>
      tpu.enqueue_indirect_dma source(%dma_start3A_481 : memref<100000x128xf32, #tpu.memory_space<hbm>>) target(%arg15 : memref<64x128xf32, #tpu.memory_space<vmem>>) offsets(%arg10 : memref<64xi32, #tpu.memory_space<vmem>>) semaphore(%arg26 : memref<!tpu.dma_semaphore, #tpu.memory_space<semaphore_mem>>)
      %dma_wait3A_482 = arith.constant 0 : i32
      %dma_wait3A_483 = arith.constant 0 : i32
      %dma_wait3A_484 = tpu.memref_slice %arg20[%dma_wait3A_482, %dma_wait3A_483] : memref<64x216xf32, #tpu.memory_space<vmem>> -> memref<64x128xf32, #tpu.memory_space<vmem>>
      %dma_wait3A_485 = arith.constant 0 : i32
      %dma_wait3A_486 = arith.constant 0 : i32
      %dma_wait3A_487 = tpu.memref_slice %arg5[%dma_wait3A_485, %dma_wait3A_486] : memref<100000x128xf32, #tpu.memory_space<hbm>> -> memref<100000x128xf32, #tpu.memory_space<hbm>>
      tpu.wait_indirect_dma semaphore(%arg27 : memref<!tpu.dma_semaphore, #tpu.memory_space<semaphore_mem>>) src(%dma_wait3A_487 : memref<100000x128xf32, #tpu.memory_space<hbm>>) dst(%dma_wait3A_484 : memref<64x128xf32, #tpu.memory_space<vmem>>)
      %dma_wait3A_488 = arith.constant 0 : i32
      %dma_wait3A_489 = arith.constant 0 : i32
      %dma_wait3A_490 = tpu.memref_slice %arg7[%dma_wait3A_488, %dma_wait3A_489] : memref<100000x128xf32, #tpu.memory_space<hbm>> -> memref<100000x128xf32, #tpu.memory_space<hbm>>
      tpu.wait_indirect_dma semaphore(%arg27 : memref<!tpu.dma_semaphore, #tpu.memory_space<semaphore_mem>>) src(%dma_wait3A_490 : memref<100000x128xf32, #tpu.memory_space<hbm>>) dst(%arg16 : memref<64x128xf32, #tpu.memory_space<vmem>>)
      %add3A_491 = arith.constant 2 : i32
      %add3A_492 = arith.addi %add3A_453, %add3A_491 : i32
      %mul3A_493 = arith.constant 64 : i32
      %mul3A_494 = arith.muli %add3A_492, %mul3A_493 : i32
      %add3A_495 = arith.addi %mul3A_2, %mul3A_494 : i32
      %dma_start3A_496 = tpu.memref_slice %arg2[%add3A_495] : memref<819200xi32, #tpu.memory_space<hbm>> -> memref<64xi32, #tpu.memory_space<hbm>>
      %dma_start3A_497 = tpu.memref_slice %arg2[%add3A_495] : memref<819200xi32, #tpu.memory_space<hbm>> -> memref<64xi32, #tpu.memory_space<hbm>>
      tpu.enqueue_dma source(%dma_start3A_497 : memref<64xi32, #tpu.memory_space<hbm>>) target(%arg12 : memref<64xi32, #tpu.memory_space<vmem>>) target_semaphore(%arg23 : memref<!tpu.dma_semaphore, #tpu.memory_space<semaphore_mem>>)
      %dma_start3A_498 = tpu.memref_slice %arg4[%add3A_495] : memref<819200xi32, #tpu.memory_space<hbm>> -> memref<64xi32, #tpu.memory_space<hbm>>
      %dma_start3A_499 = tpu.memref_slice %arg4[%add3A_495] : memref<819200xi32, #tpu.memory_space<hbm>> -> memref<64xi32, #tpu.memory_space<hbm>>
      tpu.enqueue_dma source(%dma_start3A_499 : memref<64xi32, #tpu.memory_space<hbm>>) target(%arg13 : memref<64xi32, #tpu.memory_space<vmem>>) target_semaphore(%arg23 : memref<!tpu.dma_semaphore, #tpu.memory_space<semaphore_mem>>)
      %mul3A_500 = arith.constant 64 : i32
      %mul3A_501 = arith.muli %add3A_453, %mul3A_500 : i32
      %add3A_502 = arith.addi %mul3A_2, %mul3A_501 : i32
      %dma_wait3A_503 = tpu.memref_slice %arg3[%add3A_502] : memref<819200xi32, #tpu.memory_space<hbm>> -> memref<64xi32, #tpu.memory_space<hbm>>
      %dma_wait3A_504 = tpu.memref_slice %arg3[%add3A_502] : memref<819200xi32, #tpu.memory_space<hbm>> -> memref<64xi32, #tpu.memory_space<hbm>>
      tpu.wait_dma2 semaphore(%arg25 : memref<!tpu.dma_semaphore, #tpu.memory_space<semaphore_mem>>) src(%dma_wait3A_504 : memref<64xi32, #tpu.memory_space<hbm>>) dst(%arg14 : memref<64xi32, #tpu.memory_space<vmem>>)
      %scan3A_505 = arith.constant 0 : i32
      %scan3A_506 = arith.constant 0 : i32
      %scan3A_507 = arith.constant 32 : i32
      %scan3A_508 = arith.addi %scan3A_506, %scan3A_507 : i32
      %scan3A_509 = arith.constant 1 : i32
      scf.for %scan3A_525 = %scan3A_506 to %scan3A_508 step %scan3A_509  : i32 {
        %mul3A_526 = arith.constant 2 : i32
        %mul3A_527 = arith.muli %mul3A_526, %scan3A_525 : i32
        %add3A_528 = arith.constant 1 : i32
        %add3A_529 = arith.addi %mul3A_527, %add3A_528 : i32
        %broadcast_in_dim3A = vector.broadcast %mul3A_527 : i32 to vector<16xi32>
        %gather3A = tpu.vector_load_idx %arg14[%broadcast_in_dim3A] : memref<64xi32, #tpu.memory_space<vmem>>[vector<16xi32>], vector<16xi32>,
        %mul3A_530 = arith.constant 16 : i32
        %mul3A_531 = vector.broadcast %mul3A_530 : i32 to vector<16xi32>
        %mul3A_532 = arith.muli %gather3A, %mul3A_531 : vector<16xi32>
        %broadcast_in_dim3A_533 = vector.broadcast %add3A_529 : i32 to vector<16xi32>
        %gather3A_534 = tpu.vector_load_idx %arg14[%broadcast_in_dim3A_533] : memref<64xi32, #tpu.memory_space<vmem>>[vector<16xi32>], vector<16xi32>,
        %mul3A_535 = arith.constant 16 : i32
        %mul3A_536 = vector.broadcast %mul3A_535 : i32 to vector<16xi32>
        %mul3A_537 = arith.muli %gather3A_534, %mul3A_536 : vector<16xi32>
        %ge3A = arith.constant 4 : i32
        %ge3A_538 = vector.broadcast %ge3A : i32 to vector<16xi32>
        %ge3A_539 = arith.cmpi sge, %iota3A, %ge3A_538 : vector<16xi32>
        %sub3A_540 = arith.constant 4 : i32
        %sub3A_541 = vector.broadcast %sub3A_540 : i32 to vector<16xi32>
        %sub3A_542 = arith.subi %iota3A, %sub3A_541 : vector<16xi32>
        %jit3A = arith.constant 0 : i32
        %broadcast_in_dim3A_543 = vector.broadcast %jit3A : i32 to vector<16xi32>
        %select_n3A = arith.select %ge3A_539, %sub3A_542, %broadcast_in_dim3A_543 : vector<16xi1>, vector<16xi32>
        %add3A_544 = arith.addi %mul3A_532, %select_n3A : vector<16xi32>
        %gather3A_545 = tpu.vector_load_idx %arg21[%add3A_544] masked %ge3A_539 : memref<1024xf32, #tpu.memory_space<vmem>>[vector<16xi32>], vector<16xf32>, vector<16xi1>
        %broadcast_in_dim3A_546 = vector.broadcast %mul3A_527 : i32 to vector<16xi32>
        %add3A_547 = arith.constant 96 : i32
        %add3A_548 = vector.broadcast %add3A_547 : i32 to vector<16xi32>
        %add3A_549 = arith.addi %add3A_548, %iota3A : vector<16xi32>
        tpu.vector_store_idx %arg20[%broadcast_in_dim3A_546, %add3A_549], %gather3A_545 masked %ge3A_539 : memref<64x216xf32, #tpu.memory_space<vmem>>[vector<16xi32>, vector<16xi32>], vector<16xf32>, vector<16xi1>
        %lt3A = arith.constant 4 : i32
        %lt3A_550 = vector.broadcast %lt3A : i32 to vector<16xi32>
        %lt3A_551 = arith.cmpi slt, %iota3A, %lt3A_550 : vector<16xi32>
        %add3A_552 = arith.constant 12 : i32
        %add3A_553 = vector.broadcast %add3A_552 : i32 to vector<16xi32>
        %add3A_554 = arith.addi %iota3A, %add3A_553 : vector<16xi32>
        %jit3A_555 = arith.constant 0 : i32
        %broadcast_in_dim3A_556 = vector.broadcast %jit3A_555 : i32 to vector<16xi32>
        %select_n3A_557 = arith.select %lt3A_551, %add3A_554, %broadcast_in_dim3A_556 : vector<16xi1>, vector<16xi32>
        %add3A_558 = arith.addi %mul3A_532, %select_n3A_557 : vector<16xi32>
        %gather3A_559 = tpu.vector_load_idx %arg21[%add3A_558] masked %lt3A_551 : memref<1024xf32, #tpu.memory_space<vmem>>[vector<16xi32>], vector<16xf32>, vector<16xi1>
        %sub3A_560 = arith.constant 4 : i32
        %sub3A_561 = vector.broadcast %sub3A_560 : i32 to vector<16xi32>
        %sub3A_562 = arith.subi %iota3A, %sub3A_561 : vector<16xi32>
        %not3A = arith.constant dense<true> : vector<16xi1>
        %not3A_563 = arith.xori %lt3A_551, %not3A : vector<16xi1>
        %jit3A_564 = arith.constant 0 : i32
        %broadcast_in_dim3A_565 = vector.broadcast %jit3A_564 : i32 to vector<16xi32>
        %select_n3A_566 = arith.select %not3A_563, %sub3A_562, %broadcast_in_dim3A_565 : vector<16xi1>, vector<16xi32>
        %broadcast_in_dim3A_567 = vector.broadcast %mul3A_527 : i32 to vector<16xi32>
        %gather3A_568 = tpu.vector_load_idx %arg16[%broadcast_in_dim3A_567, %select_n3A_566] masked %not3A_563 : memref<64x128xf32, #tpu.memory_space<vmem>>[vector<16xi32>, vector<16xi32>], vector<16xf32>, vector<16xi1>
        %select_n3A_569 = arith.select %lt3A_551, %gather3A_559, %gather3A_568 : vector<16xi1>, vector<16xf32>
        %swap3A = arith.index_cast %mul3A_527 : i32 to index
        %swap3A_570 = arith.constant 112 : index
        %swap3A_571 = tpu.vector_load %arg20[%swap3A, %swap3A_570] {strides = array<i32>} : memref<64x216xf32, #tpu.memory_space<vmem>>, vector<16xf32>,
        tpu.vector_store %arg20[%swap3A, %swap3A_570], %select_n3A_569 {strides = array<i32>} : memref<64x216xf32, #tpu.memory_space<vmem>>, vector<16xf32>,
        %get3A = arith.index_cast %mul3A_527 : i32 to index
        %get3A_572 = arith.constant 12 : index
        %get3A_573 = tpu.vector_load %arg16[%get3A, %get3A_572] {strides = array<i32>} : memref<64x128xf32, #tpu.memory_space<vmem>>, vector<16xf32>,
        %swap3A_574 = arith.index_cast %mul3A_527 : i32 to index
        %swap3A_575 = arith.constant 128 : index
        %swap3A_576 = tpu.vector_load %arg20[%swap3A_574, %swap3A_575] {strides = array<i32>} : memref<64x216xf32, #tpu.memory_space<vmem>>, vector<16xf32>,
        tpu.vector_store %arg20[%swap3A_574, %swap3A_575], %get3A_573 {strides = array<i32>} : memref<64x216xf32, #tpu.memory_space<vmem>>, vector<16xf32>,
        %get3A_577 = arith.index_cast %mul3A_527 : i32 to index
        %get3A_578 = arith.constant 28 : index
        %get3A_579 = tpu.vector_load %arg16[%get3A_577, %get3A_578] {strides = array<i32>} : memref<64x128xf32, #tpu.memory_space<vmem>>, vector<16xf32>,
        %swap3A_580 = arith.index_cast %mul3A_527 : i32 to index
        %swap3A_581 = arith.constant 144 : index
        %swap3A_582 = tpu.vector_load %arg20[%swap3A_580, %swap3A_581] {strides = array<i32>} : memref<64x216xf32, #tpu.memory_space<vmem>>, vector<16xf32>,
        tpu.vector_store %arg20[%swap3A_580, %swap3A_581], %get3A_579 {strides = array<i32>} : memref<64x216xf32, #tpu.memory_space<vmem>>, vector<16xf32>,
        %get3A_583 = arith.index_cast %mul3A_527 : i32 to index
        %get3A_584 = arith.constant 44 : index
        %get3A_585 = tpu.vector_load %arg16[%get3A_583, %get3A_584] {strides = array<i32>} : memref<64x128xf32, #tpu.memory_space<vmem>>, vector<16xf32>,
        %swap3A_586 = arith.index_cast %mul3A_527 : i32 to index
        %swap3A_587 = arith.constant 160 : index
        %swap3A_588 = tpu.vector_load %arg20[%swap3A_586, %swap3A_587] {strides = array<i32>} : memref<64x216xf32, #tpu.memory_space<vmem>>, vector<16xf32>,
        tpu.vector_store %arg20[%swap3A_586, %swap3A_587], %get3A_585 {strides = array<i32>} : memref<64x216xf32, #tpu.memory_space<vmem>>, vector<16xf32>,
        %get3A_589 = arith.index_cast %mul3A_527 : i32 to index
        %get3A_590 = arith.constant 60 : index
        %get3A_591 = tpu.vector_load %arg16[%get3A_589, %get3A_590] {strides = array<i32>} : memref<64x128xf32, #tpu.memory_space<vmem>>, vector<16xf32>,
        %swap3A_592 = arith.index_cast %mul3A_527 : i32 to index
        %swap3A_593 = arith.constant 176 : index
        %swap3A_594 = tpu.vector_load %arg20[%swap3A_592, %swap3A_593] {strides = array<i32>} : memref<64x216xf32, #tpu.memory_space<vmem>>, vector<16xf32>,
        tpu.vector_store %arg20[%swap3A_592, %swap3A_593], %get3A_591 {strides = array<i32>} : memref<64x216xf32, #tpu.memory_space<vmem>>, vector<16xf32>,
        %get3A_595 = arith.index_cast %mul3A_527 : i32 to index
        %get3A_596 = arith.constant 76 : index
        %get3A_597 = tpu.vector_load %arg16[%get3A_595, %get3A_596] {strides = array<i32>} : memref<64x128xf32, #tpu.memory_space<vmem>>, vector<16xf32>,
        %swap3A_598 = arith.index_cast %mul3A_527 : i32 to index
        %swap3A_599 = arith.constant 192 : index
        %swap3A_600 = tpu.vector_load %arg20[%swap3A_598, %swap3A_599] {strides = array<i32>} : memref<64x216xf32, #tpu.memory_space<vmem>>, vector<16xf32>,
        tpu.vector_store %arg20[%swap3A_598, %swap3A_599], %get3A_597 {strides = array<i32>} : memref<64x216xf32, #tpu.memory_space<vmem>>, vector<16xf32>,
        %lt3A_601 = arith.constant 8 : i32
        %lt3A_602 = vector.broadcast %lt3A_601 : i32 to vector<16xi32>
        %lt3A_603 = arith.cmpi slt, %iota3A, %lt3A_602 : vector<16xi32>
        %add3A_604 = arith.constant 92 : i32
        %add3A_605 = vector.broadcast %add3A_604 : i32 to vector<16xi32>
        %add3A_606 = arith.addi %add3A_605, %iota3A : vector<16xi32>
        %jit3A_607 = arith.constant 0 : i32
        %broadcast_in_dim3A_608 = vector.broadcast %jit3A_607 : i32 to vector<16xi32>
        %select_n3A_609 = arith.select %lt3A_603, %add3A_606, %broadcast_in_dim3A_608 : vector<16xi1>, vector<16xi32>
        %broadcast_in_dim3A_610 = vector.broadcast %mul3A_527 : i32 to vector<16xi32>
        %gather3A_611 = tpu.vector_load_idx %arg16[%broadcast_in_dim3A_610, %select_n3A_609] masked %lt3A_603 : memref<64x128xf32, #tpu.memory_space<vmem>>[vector<16xi32>, vector<16xi32>], vector<16xf32>, vector<16xi1>
        %broadcast_in_dim3A_612 = vector.broadcast %mul3A_527 : i32 to vector<16xi32>
        %add3A_613 = arith.constant 208 : i32
        %add3A_614 = vector.broadcast %add3A_613 : i32 to vector<16xi32>
        %add3A_615 = arith.addi %add3A_614, %iota3A : vector<16xi32>
        tpu.vector_store_idx %arg20[%broadcast_in_dim3A_612, %add3A_615], %gather3A_611 masked %lt3A_603 : memref<64x216xf32, #tpu.memory_space<vmem>>[vector<16xi32>, vector<16xi32>], vector<16xf32>, vector<16xi1>
        %ge3A_616 = arith.constant 12 : i32
        %ge3A_617 = vector.broadcast %ge3A_616 : i32 to vector<16xi32>
        %ge3A_618 = arith.cmpi sge, %iota3A, %ge3A_617 : vector<16xi32>
        %sub3A_619 = arith.constant 12 : i32
        %sub3A_620 = vector.broadcast %sub3A_619 : i32 to vector<16xi32>
        %sub3A_621 = arith.subi %iota3A, %sub3A_620 : vector<16xi32>
        %jit3A_622 = arith.constant 0 : i32
        %broadcast_in_dim3A_623 = vector.broadcast %jit3A_622 : i32 to vector<16xi32>
        %select_n3A_624 = arith.select %ge3A_618, %sub3A_621, %broadcast_in_dim3A_623 : vector<16xi1>, vector<16xi32>
        %add3A_625 = arith.addi %mul3A_537, %select_n3A_624 : vector<16xi32>
        %gather3A_626 = tpu.vector_load_idx %arg21[%add3A_625] masked %ge3A_618 : memref<1024xf32, #tpu.memory_space<vmem>>[vector<16xi32>], vector<16xf32>, vector<16xi1>
        %broadcast_in_dim3A_627 = vector.broadcast %add3A_529 : i32 to vector<16xi32>
        %add3A_628 = arith.constant 88 : i32
        %add3A_629 = vector.broadcast %add3A_628 : i32 to vector<16xi32>
        %add3A_630 = arith.addi %add3A_629, %iota3A : vector<16xi32>
        tpu.vector_store_idx %arg20[%broadcast_in_dim3A_627, %add3A_630], %gather3A_626 masked %ge3A_618 : memref<64x216xf32, #tpu.memory_space<vmem>>[vector<16xi32>, vector<16xi32>], vector<16xf32>, vector<16xi1>
        %lt3A_631 = arith.constant 12 : i32
        %lt3A_632 = vector.broadcast %lt3A_631 : i32 to vector<16xi32>
        %lt3A_633 = arith.cmpi slt, %iota3A, %lt3A_632 : vector<16xi32>
        %add3A_634 = arith.constant 4 : i32
        %add3A_635 = vector.broadcast %add3A_634 : i32 to vector<16xi32>
        %add3A_636 = arith.addi %iota3A, %add3A_635 : vector<16xi32>
        %jit3A_637 = arith.constant 0 : i32
        %broadcast_in_dim3A_638 = vector.broadcast %jit3A_637 : i32 to vector<16xi32>
        %select_n3A_639 = arith.select %lt3A_633, %add3A_636, %broadcast_in_dim3A_638 : vector<16xi1>, vector<16xi32>
        %add3A_640 = arith.addi %mul3A_537, %select_n3A_639 : vector<16xi32>
        %gather3A_641 = tpu.vector_load_idx %arg21[%add3A_640] masked %lt3A_633 : memref<1024xf32, #tpu.memory_space<vmem>>[vector<16xi32>], vector<16xf32>, vector<16xi1>
        %sub3A_642 = arith.constant 12 : i32
        %sub3A_643 = vector.broadcast %sub3A_642 : i32 to vector<16xi32>
        %sub3A_644 = arith.subi %iota3A, %sub3A_643 : vector<16xi32>
        %not3A_645 = arith.constant dense<true> : vector<16xi1>
        %not3A_646 = arith.xori %lt3A_633, %not3A_645 : vector<16xi1>
        %jit3A_647 = arith.constant 0 : i32
        %broadcast_in_dim3A_648 = vector.broadcast %jit3A_647 : i32 to vector<16xi32>
        %select_n3A_649 = arith.select %not3A_646, %sub3A_644, %broadcast_in_dim3A_648 : vector<16xi1>, vector<16xi32>
        %broadcast_in_dim3A_650 = vector.broadcast %add3A_529 : i32 to vector<16xi32>
        %gather3A_651 = tpu.vector_load_idx %arg16[%broadcast_in_dim3A_650, %select_n3A_649] masked %not3A_646 : memref<64x128xf32, #tpu.memory_space<vmem>>[vector<16xi32>, vector<16xi32>], vector<16xf32>, vector<16xi1>
        %select_n3A_652 = arith.select %lt3A_633, %gather3A_641, %gather3A_651 : vector<16xi1>, vector<16xf32>
        %swap3A_653 = arith.index_cast %add3A_529 : i32 to index
        %swap3A_654 = arith.constant 104 : index
        %swap3A_655 = tpu.vector_load %arg20[%swap3A_653, %swap3A_654] {strides = array<i32>} : memref<64x216xf32, #tpu.memory_space<vmem>>, vector<16xf32>,
        tpu.vector_store %arg20[%swap3A_653, %swap3A_654], %select_n3A_652 {strides = array<i32>} : memref<64x216xf32, #tpu.memory_space<vmem>>, vector<16xf32>,
        %get3A_656 = arith.index_cast %add3A_529 : i32 to index
        %get3A_657 = arith.constant 4 : index
        %get3A_658 = tpu.vector_load %arg16[%get3A_656, %get3A_657] {strides = array<i32>} : memref<64x128xf32, #tpu.memory_space<vmem>>, vector<16xf32>,
        %broadcast_in_dim3A_659 = vector.broadcast %add3A_529 : i32 to vector<16xi32>
        %add3A_660 = arith.constant 120 : i32
        %add3A_661 = vector.broadcast %add3A_660 : i32 to vector<16xi32>
        %add3A_662 = arith.addi %add3A_661, %iota3A : vector<16xi32>
        tpu.vector_store_idx %arg20[%broadcast_in_dim3A_659, %add3A_662], %get3A_658 : memref<64x216xf32, #tpu.memory_space<vmem>>[vector<16xi32>, vector<16xi32>], vector<16xf32>,
        %get3A_663 = arith.index_cast %add3A_529 : i32 to index
        %get3A_664 = arith.constant 20 : index
        %get3A_665 = tpu.vector_load %arg16[%get3A_663, %get3A_664] {strides = array<i32>} : memref<64x128xf32, #tpu.memory_space<vmem>>, vector<16xf32>,
        %swap3A_666 = arith.index_cast %add3A_529 : i32 to index
        %swap3A_667 = arith.constant 136 : index
        %swap3A_668 = tpu.vector_load %arg20[%swap3A_666, %swap3A_667] {strides = array<i32>} : memref<64x216xf32, #tpu.memory_space<vmem>>, vector<16xf32>,
        tpu.vector_store %arg20[%swap3A_666, %swap3A_667], %get3A_665 {strides = array<i32>} : memref<64x216xf32, #tpu.memory_space<vmem>>, vector<16xf32>,
        %get3A_669 = arith.index_cast %add3A_529 : i32 to index
        %get3A_670 = arith.constant 36 : index
        %get3A_671 = tpu.vector_load %arg16[%get3A_669, %get3A_670] {strides = array<i32>} : memref<64x128xf32, #tpu.memory_space<vmem>>, vector<16xf32>,
        %swap3A_672 = arith.index_cast %add3A_529 : i32 to index
        %swap3A_673 = arith.constant 152 : index
        %swap3A_674 = tpu.vector_load %arg20[%swap3A_672, %swap3A_673] {strides = array<i32>} : memref<64x216xf32, #tpu.memory_space<vmem>>, vector<16xf32>,
        tpu.vector_store %arg20[%swap3A_672, %swap3A_673], %get3A_671 {strides = array<i32>} : memref<64x216xf32, #tpu.memory_space<vmem>>, vector<16xf32>,
        %get3A_675 = arith.index_cast %add3A_529 : i32 to index
        %get3A_676 = arith.constant 52 : index
        %get3A_677 = tpu.vector_load %arg16[%get3A_675, %get3A_676] {strides = array<i32>} : memref<64x128xf32, #tpu.memory_space<vmem>>, vector<16xf32>,
        %swap3A_678 = arith.index_cast %add3A_529 : i32 to index
        %swap3A_679 = arith.constant 168 : index
        %swap3A_680 = tpu.vector_load %arg20[%swap3A_678, %swap3A_679] {strides = array<i32>} : memref<64x216xf32, #tpu.memory_space<vmem>>, vector<16xf32>,
        tpu.vector_store %arg20[%swap3A_678, %swap3A_679], %get3A_677 {strides = array<i32>} : memref<64x216xf32, #tpu.memory_space<vmem>>, vector<16xf32>,
        %get3A_681 = arith.index_cast %add3A_529 : i32 to index
        %get3A_682 = arith.constant 68 : index
        %get3A_683 = tpu.vector_load %arg16[%get3A_681, %get3A_682] {strides = array<i32>} : memref<64x128xf32, #tpu.memory_space<vmem>>, vector<16xf32>,
        %swap3A_684 = arith.index_cast %add3A_529 : i32 to index
        %swap3A_685 = arith.constant 184 : index
        %swap3A_686 = tpu.vector_load %arg20[%swap3A_684, %swap3A_685] {strides = array<i32>} : memref<64x216xf32, #tpu.memory_space<vmem>>, vector<16xf32>,
        tpu.vector_store %arg20[%swap3A_684, %swap3A_685], %get3A_683 {strides = array<i32>} : memref<64x216xf32, #tpu.memory_space<vmem>>, vector<16xf32>,
        %get3A_687 = arith.index_cast %add3A_529 : i32 to index
        %get3A_688 = arith.constant 84 : index
        %get3A_689 = tpu.vector_load %arg16[%get3A_687, %get3A_688] {strides = array<i32>} : memref<64x128xf32, #tpu.memory_space<vmem>>, vector<16xf32>,
        %swap3A_690 = arith.index_cast %add3A_529 : i32 to index
        %swap3A_691 = arith.constant 200 : index
        %swap3A_692 = tpu.vector_load %arg20[%swap3A_690, %swap3A_691] {strides = array<i32>} : memref<64x216xf32, #tpu.memory_space<vmem>>, vector<16xf32>,
        tpu.vector_store %arg20[%swap3A_690, %swap3A_691], %get3A_689 {strides = array<i32>} : memref<64x216xf32, #tpu.memory_space<vmem>>, vector<16xf32>,
      }
      %scan3A_510 = arith.constant 32 : i32
      %add3A_511 = arith.constant 2 : i32
      %add3A_512 = arith.addi %add3A_453, %add3A_511 : i32
      %mul3A_513 = arith.constant 64 : i32
      %mul3A_514 = arith.muli %add3A_512, %mul3A_513 : i32
      %add3A_515 = arith.addi %mul3A_2, %mul3A_514 : i32
      %dma_start3A_516 = tpu.memref_slice %arg3[%add3A_515] : memref<819200xi32, #tpu.memory_space<hbm>> -> memref<64xi32, #tpu.memory_space<hbm>>
      %dma_start3A_517 = tpu.memref_slice %arg3[%add3A_515] : memref<819200xi32, #tpu.memory_space<hbm>> -> memref<64xi32, #tpu.memory_space<hbm>>
      tpu.enqueue_dma source(%dma_start3A_517 : memref<64xi32, #tpu.memory_space<hbm>>) target(%arg14 : memref<64xi32, #tpu.memory_space<vmem>>) target_semaphore(%arg25 : memref<!tpu.dma_semaphore, #tpu.memory_space<semaphore_mem>>)
      %mul3A_518 = arith.constant 64 : i32
      %mul3A_519 = arith.muli %add3A_453, %mul3A_518 : i32
      %add3A_520 = arith.addi %mul3A_2, %mul3A_519 : i32
      %dma_start3A_521 = arith.constant 0 : i32
      %dma_start3A_522 = tpu.memref_slice %arg8[%add3A_520, %dma_start3A_521] : memref<819200x216xf32, #tpu.memory_space<hbm>> -> memref<64x216xf32, #tpu.memory_space<hbm>>
      %dma_start3A_523 = arith.constant 0 : i32
      %dma_start3A_524 = tpu.memref_slice %arg8[%add3A_520, %dma_start3A_523] : memref<819200x216xf32, #tpu.memory_space<hbm>> -> memref<64x216xf32, #tpu.memory_space<hbm>>
      tpu.enqueue_dma source(%arg20 : memref<64x216xf32, #tpu.memory_space<vmem>>) target(%dma_start3A_524 : memref<64x216xf32, #tpu.memory_space<hbm>>) target_semaphore(%arg31 : memref<!tpu.dma_semaphore, #tpu.memory_space<semaphore_mem>>)
    }
    %scan3A_40 = arith.constant 99 : i32
    %add3A_41 = arith.constant 25408 : i32
    %add3A_42 = arith.addi %mul3A_2, %add3A_41 : i32
    %dma_wait3A_43 = tpu.memref_slice %arg2[%add3A_42] : memref<819200xi32, #tpu.memory_space<hbm>> -> memref<64xi32, #tpu.memory_space<hbm>>
    %dma_wait3A_44 = tpu.memref_slice %arg2[%add3A_42] : memref<819200xi32, #tpu.memory_space<hbm>> -> memref<64xi32, #tpu.memory_space<hbm>>
    tpu.wait_dma2 semaphore(%arg23 : memref<!tpu.dma_semaphore, #tpu.memory_space<semaphore_mem>>) src(%dma_wait3A_44 : memref<64xi32, #tpu.memory_space<hbm>>) dst(%arg12 : memref<64xi32, #tpu.memory_space<vmem>>)
    %dma_wait3A_45 = tpu.memref_slice %arg4[%add3A_42] : memref<819200xi32, #tpu.memory_space<hbm>> -> memref<64xi32, #tpu.memory_space<hbm>>
    %dma_wait3A_46 = tpu.memref_slice %arg4[%add3A_42] : memref<819200xi32, #tpu.memory_space<hbm>> -> memref<64xi32, #tpu.memory_space<hbm>>
    tpu.wait_dma2 semaphore(%arg23 : memref<!tpu.dma_semaphore, #tpu.memory_space<semaphore_mem>>) src(%dma_wait3A_46 : memref<64xi32, #tpu.memory_space<hbm>>) dst(%arg13 : memref<64xi32, #tpu.memory_space<vmem>>)
    %add3A_47 = arith.constant 25152 : i32
    %add3A_48 = arith.addi %mul3A_2, %add3A_47 : i32
    %dma_wait3A_49 = arith.constant 0 : i32
    %dma_wait3A_50 = tpu.memref_slice %arg8[%add3A_48, %dma_wait3A_49] : memref<819200x216xf32, #tpu.memory_space<hbm>> -> memref<64x216xf32, #tpu.memory_space<hbm>>
    %dma_wait3A_51 = arith.constant 0 : i32
    %dma_wait3A_52 = tpu.memref_slice %arg8[%add3A_48, %dma_wait3A_51] : memref<819200x216xf32, #tpu.memory_space<hbm>> -> memref<64x216xf32, #tpu.memory_space<hbm>>
    tpu.wait_dma2 semaphore(%arg29 : memref<!tpu.dma_semaphore, #tpu.memory_space<semaphore_mem>>) src(%arg18 : memref<64x216xf32, #tpu.memory_space<vmem>>) dst(%dma_wait3A_52 : memref<64x216xf32, #tpu.memory_space<hbm>>)
    %dma_start3A_53 = arith.constant 0 : i32
    %dma_start3A_54 = arith.constant 0 : i32
    %dma_start3A_55 = tpu.memref_slice %arg18[%dma_start3A_53, %dma_start3A_54] : memref<64x216xf32, #tpu.memory_space<vmem>> -> memref<64x128xf32, #tpu.memory_space<vmem>>
    %dma_start3A_56 = arith.constant 0 : i32
    %dma_start3A_57 = arith.constant 0 : i32
    %dma_start3A_58 = tpu.memref_slice %arg5[%dma_start3A_56, %dma_start3A_57] : memref<100000x128xf32, #tpu.memory_space<hbm>> -> memref<100000x128xf32, #tpu.memory_space<hbm>>
    tpu.enqueue_indirect_dma source(%dma_start3A_58 : memref<100000x128xf32, #tpu.memory_space<hbm>>) target(%dma_start3A_55 : memref<64x128xf32, #tpu.memory_space<vmem>>) offsets(%arg12 : memref<64xi32, #tpu.memory_space<vmem>>) semaphore(%arg27 : memref<!tpu.dma_semaphore, #tpu.memory_space<semaphore_mem>>)
    %dma_start3A_59 = arith.constant 0 : i32
    %dma_start3A_60 = arith.constant 0 : i32
    %dma_start3A_61 = tpu.memref_slice %arg7[%dma_start3A_59, %dma_start3A_60] : memref<100000x128xf32, #tpu.memory_space<hbm>> -> memref<100000x128xf32, #tpu.memory_space<hbm>>
    tpu.enqueue_indirect_dma source(%dma_start3A_61 : memref<100000x128xf32, #tpu.memory_space<hbm>>) target(%arg16 : memref<64x128xf32, #tpu.memory_space<vmem>>) offsets(%arg13 : memref<64xi32, #tpu.memory_space<vmem>>) semaphore(%arg27 : memref<!tpu.dma_semaphore, #tpu.memory_space<semaphore_mem>>)
    %dma_wait3A_62 = arith.constant 0 : i32
    %dma_wait3A_63 = arith.constant 0 : i32
    %dma_wait3A_64 = tpu.memref_slice %arg17[%dma_wait3A_62, %dma_wait3A_63] : memref<64x216xf32, #tpu.memory_space<vmem>> -> memref<64x128xf32, #tpu.memory_space<vmem>>
    %dma_wait3A_65 = arith.constant 0 : i32
    %dma_wait3A_66 = arith.constant 0 : i32
    %dma_wait3A_67 = tpu.memref_slice %arg5[%dma_wait3A_65, %dma_wait3A_66] : memref<100000x128xf32, #tpu.memory_space<hbm>> -> memref<100000x128xf32, #tpu.memory_space<hbm>>
    tpu.wait_indirect_dma semaphore(%arg26 : memref<!tpu.dma_semaphore, #tpu.memory_space<semaphore_mem>>) src(%dma_wait3A_67 : memref<100000x128xf32, #tpu.memory_space<hbm>>) dst(%dma_wait3A_64 : memref<64x128xf32, #tpu.memory_space<vmem>>)
    %dma_wait3A_68 = arith.constant 0 : i32
    %dma_wait3A_69 = arith.constant 0 : i32
    %dma_wait3A_70 = tpu.memref_slice %arg7[%dma_wait3A_68, %dma_wait3A_69] : memref<100000x128xf32, #tpu.memory_space<hbm>> -> memref<100000x128xf32, #tpu.memory_space<hbm>>
    tpu.wait_indirect_dma semaphore(%arg26 : memref<!tpu.dma_semaphore, #tpu.memory_space<semaphore_mem>>) src(%dma_wait3A_70 : memref<100000x128xf32, #tpu.memory_space<hbm>>) dst(%arg15 : memref<64x128xf32, #tpu.memory_space<vmem>>)
    %add3A_71 = arith.constant 25472 : i32
    %add3A_72 = arith.addi %mul3A_2, %add3A_71 : i32
    %dma_start3A_73 = tpu.memref_slice %arg2[%add3A_72] : memref<819200xi32, #tpu.memory_space<hbm>> -> memref<64xi32, #tpu.memory_space<hbm>>
    %dma_start3A_74 = tpu.memref_slice %arg2[%add3A_72] : memref<819200xi32, #tpu.memory_space<hbm>> -> memref<64xi32, #tpu.memory_space<hbm>>
    tpu.enqueue_dma source(%dma_start3A_74 : memref<64xi32, #tpu.memory_space<hbm>>) target(%arg9 : memref<64xi32, #tpu.memory_space<vmem>>) target_semaphore(%arg22 : memref<!tpu.dma_semaphore, #tpu.memory_space<semaphore_mem>>)
    %dma_start3A_75 = tpu.memref_slice %arg4[%add3A_72] : memref<819200xi32, #tpu.memory_space<hbm>> -> memref<64xi32, #tpu.memory_space<hbm>>
    %dma_start3A_76 = tpu.memref_slice %arg4[%add3A_72] : memref<819200xi32, #tpu.memory_space<hbm>> -> memref<64xi32, #tpu.memory_space<hbm>>
    tpu.enqueue_dma source(%dma_start3A_76 : memref<64xi32, #tpu.memory_space<hbm>>) target(%arg10 : memref<64xi32, #tpu.memory_space<vmem>>) target_semaphore(%arg22 : memref<!tpu.dma_semaphore, #tpu.memory_space<semaphore_mem>>)
    %add3A_77 = arith.constant 25344 : i32
    %add3A_78 = arith.addi %mul3A_2, %add3A_77 : i32
    %dma_wait3A_79 = tpu.memref_slice %arg3[%add3A_78] : memref<819200xi32, #tpu.memory_space<hbm>> -> memref<64xi32, #tpu.memory_space<hbm>>
    %dma_wait3A_80 = tpu.memref_slice %arg3[%add3A_78] : memref<819200xi32, #tpu.memory_space<hbm>> -> memref<64xi32, #tpu.memory_space<hbm>>
    tpu.wait_dma2 semaphore(%arg24 : memref<!tpu.dma_semaphore, #tpu.memory_space<semaphore_mem>>) src(%dma_wait3A_80 : memref<64xi32, #tpu.memory_space<hbm>>) dst(%arg11 : memref<64xi32, #tpu.memory_space<vmem>>)
    %scan3A_81 = arith.constant 0 : i32
    %scan3A_82 = arith.constant 0 : i32
    %scan3A_83 = arith.constant 32 : i32
    %scan3A_84 = arith.addi %scan3A_82, %scan3A_83 : i32
    %scan3A_85 = arith.constant 1 : i32
    scf.for %scan3A_248 = %scan3A_82 to %scan3A_84 step %scan3A_85  : i32 {
      %mul3A_249 = arith.constant 2 : i32
      %mul3A_250 = arith.muli %mul3A_249, %scan3A_248 : i32
      %add3A_251 = arith.constant 1 : i32
      %add3A_252 = arith.addi %mul3A_250, %add3A_251 : i32
      %broadcast_in_dim3A = vector.broadcast %mul3A_250 : i32 to vector<16xi32>
      %gather3A = tpu.vector_load_idx %arg11[%broadcast_in_dim3A] : memref<64xi32, #tpu.memory_space<vmem>>[vector<16xi32>], vector<16xi32>,
      %mul3A_253 = arith.constant 16 : i32
      %mul3A_254 = vector.broadcast %mul3A_253 : i32 to vector<16xi32>
      %mul3A_255 = arith.muli %gather3A, %mul3A_254 : vector<16xi32>
      %broadcast_in_dim3A_256 = vector.broadcast %add3A_252 : i32 to vector<16xi32>
      %gather3A_257 = tpu.vector_load_idx %arg11[%broadcast_in_dim3A_256] : memref<64xi32, #tpu.memory_space<vmem>>[vector<16xi32>], vector<16xi32>,
      %mul3A_258 = arith.constant 16 : i32
      %mul3A_259 = vector.broadcast %mul3A_258 : i32 to vector<16xi32>
      %mul3A_260 = arith.muli %gather3A_257, %mul3A_259 : vector<16xi32>
      %ge3A = arith.constant 4 : i32
      %ge3A_261 = vector.broadcast %ge3A : i32 to vector<16xi32>
      %ge3A_262 = arith.cmpi sge, %iota3A, %ge3A_261 : vector<16xi32>
      %sub3A = arith.constant 4 : i32
      %sub3A_263 = vector.broadcast %sub3A : i32 to vector<16xi32>
      %sub3A_264 = arith.subi %iota3A, %sub3A_263 : vector<16xi32>
      %jit3A = arith.constant 0 : i32
      %broadcast_in_dim3A_265 = vector.broadcast %jit3A : i32 to vector<16xi32>
      %select_n3A = arith.select %ge3A_262, %sub3A_264, %broadcast_in_dim3A_265 : vector<16xi1>, vector<16xi32>
      %add3A_266 = arith.addi %mul3A_255, %select_n3A : vector<16xi32>
      %gather3A_267 = tpu.vector_load_idx %arg21[%add3A_266] masked %ge3A_262 : memref<1024xf32, #tpu.memory_space<vmem>>[vector<16xi32>], vector<16xf32>, vector<16xi1>
      %broadcast_in_dim3A_268 = vector.broadcast %mul3A_250 : i32 to vector<16xi32>
      %add3A_269 = arith.constant 96 : i32
      %add3A_270 = vector.broadcast %add3A_269 : i32 to vector<16xi32>
      %add3A_271 = arith.addi %add3A_270, %iota3A : vector<16xi32>
      tpu.vector_store_idx %arg17[%broadcast_in_dim3A_268, %add3A_271], %gather3A_267 masked %ge3A_262 : memref<64x216xf32, #tpu.memory_space<vmem>>[vector<16xi32>, vector<16xi32>], vector<16xf32>, vector<16xi1>
      %lt3A = arith.constant 4 : i32
      %lt3A_272 = vector.broadcast %lt3A : i32 to vector<16xi32>
      %lt3A_273 = arith.cmpi slt, %iota3A, %lt3A_272 : vector<16xi32>
      %add3A_274 = arith.constant 12 : i32
      %add3A_275 = vector.broadcast %add3A_274 : i32 to vector<16xi32>
      %add3A_276 = arith.addi %iota3A, %add3A_275 : vector<16xi32>
      %jit3A_277 = arith.constant 0 : i32
      %broadcast_in_dim3A_278 = vector.broadcast %jit3A_277 : i32 to vector<16xi32>
      %select_n3A_279 = arith.select %lt3A_273, %add3A_276, %broadcast_in_dim3A_278 : vector<16xi1>, vector<16xi32>
      %add3A_280 = arith.addi %mul3A_255, %select_n3A_279 : vector<16xi32>
      %gather3A_281 = tpu.vector_load_idx %arg21[%add3A_280] masked %lt3A_273 : memref<1024xf32, #tpu.memory_space<vmem>>[vector<16xi32>], vector<16xf32>, vector<16xi1>
      %sub3A_282 = arith.constant 4 : i32
      %sub3A_283 = vector.broadcast %sub3A_282 : i32 to vector<16xi32>
      %sub3A_284 = arith.subi %iota3A, %sub3A_283 : vector<16xi32>
      %not3A = arith.constant dense<true> : vector<16xi1>
      %not3A_285 = arith.xori %lt3A_273, %not3A : vector<16xi1>
      %jit3A_286 = arith.constant 0 : i32
      %broadcast_in_dim3A_287 = vector.broadcast %jit3A_286 : i32 to vector<16xi32>
      %select_n3A_288 = arith.select %not3A_285, %sub3A_284, %broadcast_in_dim3A_287 : vector<16xi1>, vector<16xi32>
      %broadcast_in_dim3A_289 = vector.broadcast %mul3A_250 : i32 to vector<16xi32>
      %gather3A_290 = tpu.vector_load_idx %arg15[%broadcast_in_dim3A_289, %select_n3A_288] masked %not3A_285 : memref<64x128xf32, #tpu.memory_space<vmem>>[vector<16xi32>, vector<16xi32>], vector<16xf32>, vector<16xi1>
      %select_n3A_291 = arith.select %lt3A_273, %gather3A_281, %gather3A_290 : vector<16xi1>, vector<16xf32>
      %swap3A = arith.index_cast %mul3A_250 : i32 to index
      %swap3A_292 = arith.constant 112 : index
      %swap3A_293 = tpu.vector_load %arg17[%swap3A, %swap3A_292] {strides = array<i32>} : memref<64x216xf32, #tpu.memory_space<vmem>>, vector<16xf32>,
      tpu.vector_store %arg17[%swap3A, %swap3A_292], %select_n3A_291 {strides = array<i32>} : memref<64x216xf32, #tpu.memory_space<vmem>>, vector<16xf32>,
      %get3A = arith.index_cast %mul3A_250 : i32 to index
      %get3A_294 = arith.constant 12 : index
      %get3A_295 = tpu.vector_load %arg15[%get3A, %get3A_294] {strides = array<i32>} : memref<64x128xf32, #tpu.memory_space<vmem>>, vector<16xf32>,
      %swap3A_296 = arith.index_cast %mul3A_250 : i32 to index
      %swap3A_297 = arith.constant 128 : index
      %swap3A_298 = tpu.vector_load %arg17[%swap3A_296, %swap3A_297] {strides = array<i32>} : memref<64x216xf32, #tpu.memory_space<vmem>>, vector<16xf32>,
      tpu.vector_store %arg17[%swap3A_296, %swap3A_297], %get3A_295 {strides = array<i32>} : memref<64x216xf32, #tpu.memory_space<vmem>>, vector<16xf32>,
      %get3A_299 = arith.index_cast %mul3A_250 : i32 to index
      %get3A_300 = arith.constant 28 : index
      %get3A_301 = tpu.vector_load %arg15[%get3A_299, %get3A_300] {strides = array<i32>} : memref<64x128xf32, #tpu.memory_space<vmem>>, vector<16xf32>,
      %swap3A_302 = arith.index_cast %mul3A_250 : i32 to index
      %swap3A_303 = arith.constant 144 : index
      %swap3A_304 = tpu.vector_load %arg17[%swap3A_302, %swap3A_303] {strides = array<i32>} : memref<64x216xf32, #tpu.memory_space<vmem>>, vector<16xf32>,
      tpu.vector_store %arg17[%swap3A_302, %swap3A_303], %get3A_301 {strides = array<i32>} : memref<64x216xf32, #tpu.memory_space<vmem>>, vector<16xf32>,
      %get3A_305 = arith.index_cast %mul3A_250 : i32 to index
      %get3A_306 = arith.constant 44 : index
      %get3A_307 = tpu.vector_load %arg15[%get3A_305, %get3A_306] {strides = array<i32>} : memref<64x128xf32, #tpu.memory_space<vmem>>, vector<16xf32>,
      %swap3A_308 = arith.index_cast %mul3A_250 : i32 to index
      %swap3A_309 = arith.constant 160 : index
      %swap3A_310 = tpu.vector_load %arg17[%swap3A_308, %swap3A_309] {strides = array<i32>} : memref<64x216xf32, #tpu.memory_space<vmem>>, vector<16xf32>,
      tpu.vector_store %arg17[%swap3A_308, %swap3A_309], %get3A_307 {strides = array<i32>} : memref<64x216xf32, #tpu.memory_space<vmem>>, vector<16xf32>,
      %get3A_311 = arith.index_cast %mul3A_250 : i32 to index
      %get3A_312 = arith.constant 60 : index
      %get3A_313 = tpu.vector_load %arg15[%get3A_311, %get3A_312] {strides = array<i32>} : memref<64x128xf32, #tpu.memory_space<vmem>>, vector<16xf32>,
      %swap3A_314 = arith.index_cast %mul3A_250 : i32 to index
      %swap3A_315 = arith.constant 176 : index
      %swap3A_316 = tpu.vector_load %arg17[%swap3A_314, %swap3A_315] {strides = array<i32>} : memref<64x216xf32, #tpu.memory_space<vmem>>, vector<16xf32>,
      tpu.vector_store %arg17[%swap3A_314, %swap3A_315], %get3A_313 {strides = array<i32>} : memref<64x216xf32, #tpu.memory_space<vmem>>, vector<16xf32>,
      %get3A_317 = arith.index_cast %mul3A_250 : i32 to index
      %get3A_318 = arith.constant 76 : index
      %get3A_319 = tpu.vector_load %arg15[%get3A_317, %get3A_318] {strides = array<i32>} : memref<64x128xf32, #tpu.memory_space<vmem>>, vector<16xf32>,
      %swap3A_320 = arith.index_cast %mul3A_250 : i32 to index
      %swap3A_321 = arith.constant 192 : index
      %swap3A_322 = tpu.vector_load %arg17[%swap3A_320, %swap3A_321] {strides = array<i32>} : memref<64x216xf32, #tpu.memory_space<vmem>>, vector<16xf32>,
      tpu.vector_store %arg17[%swap3A_320, %swap3A_321], %get3A_319 {strides = array<i32>} : memref<64x216xf32, #tpu.memory_space<vmem>>, vector<16xf32>,
      %lt3A_323 = arith.constant 8 : i32
      %lt3A_324 = vector.broadcast %lt3A_323 : i32 to vector<16xi32>
      %lt3A_325 = arith.cmpi slt, %iota3A, %lt3A_324 : vector<16xi32>
      %add3A_326 = arith.constant 92 : i32
      %add3A_327 = vector.broadcast %add3A_326 : i32 to vector<16xi32>
      %add3A_328 = arith.addi %add3A_327, %iota3A : vector<16xi32>
      %jit3A_329 = arith.constant 0 : i32
      %broadcast_in_dim3A_330 = vector.broadcast %jit3A_329 : i32 to vector<16xi32>
      %select_n3A_331 = arith.select %lt3A_325, %add3A_328, %broadcast_in_dim3A_330 : vector<16xi1>, vector<16xi32>
      %broadcast_in_dim3A_332 = vector.broadcast %mul3A_250 : i32 to vector<16xi32>
      %gather3A_333 = tpu.vector_load_idx %arg15[%broadcast_in_dim3A_332, %select_n3A_331] masked %lt3A_325 : memref<64x128xf32, #tpu.memory_space<vmem>>[vector<16xi32>, vector<16xi32>], vector<16xf32>, vector<16xi1>
      %broadcast_in_dim3A_334 = vector.broadcast %mul3A_250 : i32 to vector<16xi32>
      %add3A_335 = arith.constant 208 : i32
      %add3A_336 = vector.broadcast %add3A_335 : i32 to vector<16xi32>
      %add3A_337 = arith.addi %add3A_336, %iota3A : vector<16xi32>
      tpu.vector_store_idx %arg17[%broadcast_in_dim3A_334, %add3A_337], %gather3A_333 masked %lt3A_325 : memref<64x216xf32, #tpu.memory_space<vmem>>[vector<16xi32>, vector<16xi32>], vector<16xf32>, vector<16xi1>
      %ge3A_338 = arith.constant 12 : i32
      %ge3A_339 = vector.broadcast %ge3A_338 : i32 to vector<16xi32>
      %ge3A_340 = arith.cmpi sge, %iota3A, %ge3A_339 : vector<16xi32>
      %sub3A_341 = arith.constant 12 : i32
      %sub3A_342 = vector.broadcast %sub3A_341 : i32 to vector<16xi32>
      %sub3A_343 = arith.subi %iota3A, %sub3A_342 : vector<16xi32>
      %jit3A_344 = arith.constant 0 : i32
      %broadcast_in_dim3A_345 = vector.broadcast %jit3A_344 : i32 to vector<16xi32>
      %select_n3A_346 = arith.select %ge3A_340, %sub3A_343, %broadcast_in_dim3A_345 : vector<16xi1>, vector<16xi32>
      %add3A_347 = arith.addi %mul3A_260, %select_n3A_346 : vector<16xi32>
      %gather3A_348 = tpu.vector_load_idx %arg21[%add3A_347] masked %ge3A_340 : memref<1024xf32, #tpu.memory_space<vmem>>[vector<16xi32>], vector<16xf32>, vector<16xi1>
      %broadcast_in_dim3A_349 = vector.broadcast %add3A_252 : i32 to vector<16xi32>
      %add3A_350 = arith.constant 88 : i32
      %add3A_351 = vector.broadcast %add3A_350 : i32 to vector<16xi32>
      %add3A_352 = arith.addi %add3A_351, %iota3A : vector<16xi32>
      tpu.vector_store_idx %arg17[%broadcast_in_dim3A_349, %add3A_352], %gather3A_348 masked %ge3A_340 : memref<64x216xf32, #tpu.memory_space<vmem>>[vector<16xi32>, vector<16xi32>], vector<16xf32>, vector<16xi1>
      %lt3A_353 = arith.constant 12 : i32
      %lt3A_354 = vector.broadcast %lt3A_353 : i32 to vector<16xi32>
      %lt3A_355 = arith.cmpi slt, %iota3A, %lt3A_354 : vector<16xi32>
      %add3A_356 = arith.constant 4 : i32
      %add3A_357 = vector.broadcast %add3A_356 : i32 to vector<16xi32>
      %add3A_358 = arith.addi %iota3A, %add3A_357 : vector<16xi32>
      %jit3A_359 = arith.constant 0 : i32
      %broadcast_in_dim3A_360 = vector.broadcast %jit3A_359 : i32 to vector<16xi32>
      %select_n3A_361 = arith.select %lt3A_355, %add3A_358, %broadcast_in_dim3A_360 : vector<16xi1>, vector<16xi32>
      %add3A_362 = arith.addi %mul3A_260, %select_n3A_361 : vector<16xi32>
      %gather3A_363 = tpu.vector_load_idx %arg21[%add3A_362] masked %lt3A_355 : memref<1024xf32, #tpu.memory_space<vmem>>[vector<16xi32>], vector<16xf32>, vector<16xi1>
      %sub3A_364 = arith.constant 12 : i32
      %sub3A_365 = vector.broadcast %sub3A_364 : i32 to vector<16xi32>
      %sub3A_366 = arith.subi %iota3A, %sub3A_365 : vector<16xi32>
      %not3A_367 = arith.constant dense<true> : vector<16xi1>
      %not3A_368 = arith.xori %lt3A_355, %not3A_367 : vector<16xi1>
      %jit3A_369 = arith.constant 0 : i32
      %broadcast_in_dim3A_370 = vector.broadcast %jit3A_369 : i32 to vector<16xi32>
      %select_n3A_371 = arith.select %not3A_368, %sub3A_366, %broadcast_in_dim3A_370 : vector<16xi1>, vector<16xi32>
      %broadcast_in_dim3A_372 = vector.broadcast %add3A_252 : i32 to vector<16xi32>
      %gather3A_373 = tpu.vector_load_idx %arg15[%broadcast_in_dim3A_372, %select_n3A_371] masked %not3A_368 : memref<64x128xf32, #tpu.memory_space<vmem>>[vector<16xi32>, vector<16xi32>], vector<16xf32>, vector<16xi1>
      %select_n3A_374 = arith.select %lt3A_355, %gather3A_363, %gather3A_373 : vector<16xi1>, vector<16xf32>
      %swap3A_375 = arith.index_cast %add3A_252 : i32 to index
      %swap3A_376 = arith.constant 104 : index
      %swap3A_377 = tpu.vector_load %arg17[%swap3A_375, %swap3A_376] {strides = array<i32>} : memref<64x216xf32, #tpu.memory_space<vmem>>, vector<16xf32>,
      tpu.vector_store %arg17[%swap3A_375, %swap3A_376], %select_n3A_374 {strides = array<i32>} : memref<64x216xf32, #tpu.memory_space<vmem>>, vector<16xf32>,
      %get3A_378 = arith.index_cast %add3A_252 : i32 to index
      %get3A_379 = arith.constant 4 : index
      %get3A_380 = tpu.vector_load %arg15[%get3A_378, %get3A_379] {strides = array<i32>} : memref<64x128xf32, #tpu.memory_space<vmem>>, vector<16xf32>,
      %broadcast_in_dim3A_381 = vector.broadcast %add3A_252 : i32 to vector<16xi32>
      %add3A_382 = arith.constant 120 : i32
      %add3A_383 = vector.broadcast %add3A_382 : i32 to vector<16xi32>
      %add3A_384 = arith.addi %add3A_383, %iota3A : vector<16xi32>
      tpu.vector_store_idx %arg17[%broadcast_in_dim3A_381, %add3A_384], %get3A_380 : memref<64x216xf32, #tpu.memory_space<vmem>>[vector<16xi32>, vector<16xi32>], vector<16xf32>,
      %get3A_385 = arith.index_cast %add3A_252 : i32 to index
      %get3A_386 = arith.constant 20 : index
      %get3A_387 = tpu.vector_load %arg15[%get3A_385, %get3A_386] {strides = array<i32>} : memref<64x128xf32, #tpu.memory_space<vmem>>, vector<16xf32>,
      %swap3A_388 = arith.index_cast %add3A_252 : i32 to index
      %swap3A_389 = arith.constant 136 : index
      %swap3A_390 = tpu.vector_load %arg17[%swap3A_388, %swap3A_389] {strides = array<i32>} : memref<64x216xf32, #tpu.memory_space<vmem>>, vector<16xf32>,
      tpu.vector_store %arg17[%swap3A_388, %swap3A_389], %get3A_387 {strides = array<i32>} : memref<64x216xf32, #tpu.memory_space<vmem>>, vector<16xf32>,
      %get3A_391 = arith.index_cast %add3A_252 : i32 to index
      %get3A_392 = arith.constant 36 : index
      %get3A_393 = tpu.vector_load %arg15[%get3A_391, %get3A_392] {strides = array<i32>} : memref<64x128xf32, #tpu.memory_space<vmem>>, vector<16xf32>,
      %swap3A_394 = arith.index_cast %add3A_252 : i32 to index
      %swap3A_395 = arith.constant 152 : index
      %swap3A_396 = tpu.vector_load %arg17[%swap3A_394, %swap3A_395] {strides = array<i32>} : memref<64x216xf32, #tpu.memory_space<vmem>>, vector<16xf32>,
      tpu.vector_store %arg17[%swap3A_394, %swap3A_395], %get3A_393 {strides = array<i32>} : memref<64x216xf32, #tpu.memory_space<vmem>>, vector<16xf32>,
      %get3A_397 = arith.index_cast %add3A_252 : i32 to index
      %get3A_398 = arith.constant 52 : index
      %get3A_399 = tpu.vector_load %arg15[%get3A_397, %get3A_398] {strides = array<i32>} : memref<64x128xf32, #tpu.memory_space<vmem>>, vector<16xf32>,
      %swap3A_400 = arith.index_cast %add3A_252 : i32 to index
      %swap3A_401 = arith.constant 168 : index
      %swap3A_402 = tpu.vector_load %arg17[%swap3A_400, %swap3A_401] {strides = array<i32>} : memref<64x216xf32, #tpu.memory_space<vmem>>, vector<16xf32>,
      tpu.vector_store %arg17[%swap3A_400, %swap3A_401], %get3A_399 {strides = array<i32>} : memref<64x216xf32, #tpu.memory_space<vmem>>, vector<16xf32>,
      %get3A_403 = arith.index_cast %add3A_252 : i32 to index
      %get3A_404 = arith.constant 68 : index
      %get3A_405 = tpu.vector_load %arg15[%get3A_403, %get3A_404] {strides = array<i32>} : memref<64x128xf32, #tpu.memory_space<vmem>>, vector<16xf32>,
      %swap3A_406 = arith.index_cast %add3A_252 : i32 to index
      %swap3A_407 = arith.constant 184 : index
      %swap3A_408 = tpu.vector_load %arg17[%swap3A_406, %swap3A_407] {strides = array<i32>} : memref<64x216xf32, #tpu.memory_space<vmem>>, vector<16xf32>,
      tpu.vector_store %arg17[%swap3A_406, %swap3A_407], %get3A_405 {strides = array<i32>} : memref<64x216xf32, #tpu.memory_space<vmem>>, vector<16xf32>,
      %get3A_409 = arith.index_cast %add3A_252 : i32 to index
      %get3A_410 = arith.constant 84 : index
      %get3A_411 = tpu.vector_load %arg15[%get3A_409, %get3A_410] {strides = array<i32>} : memref<64x128xf32, #tpu.memory_space<vmem>>, vector<16xf32>,
      %swap3A_412 = arith.index_cast %add3A_252 : i32 to index
      %swap3A_413 = arith.constant 200 : index
      %swap3A_414 = tpu.vector_load %arg17[%swap3A_412, %swap3A_413] {strides = array<i32>} : memref<64x216xf32, #tpu.memory_space<vmem>>, vector<16xf32>,
      tpu.vector_store %arg17[%swap3A_412, %swap3A_413], %get3A_411 {strides = array<i32>} : memref<64x216xf32, #tpu.memory_space<vmem>>, vector<16xf32>,
    }
    %scan3A_86 = arith.constant 32 : i32
    %add3A_87 = arith.constant 25472 : i32
    %add3A_88 = arith.addi %mul3A_2, %add3A_87 : i32
    %dma_start3A_89 = tpu.memref_slice %arg3[%add3A_88] : memref<819200xi32, #tpu.memory_space<hbm>> -> memref<64xi32, #tpu.memory_space<hbm>>
    %dma_start3A_90 = tpu.memref_slice %arg3[%add3A_88] : memref<819200xi32, #tpu.memory_space<hbm>> -> memref<64xi32, #tpu.memory_space<hbm>>
    tpu.enqueue_dma source(%dma_start3A_90 : memref<64xi32, #tpu.memory_space<hbm>>) target(%arg11 : memref<64xi32, #tpu.memory_space<vmem>>) target_semaphore(%arg24 : memref<!tpu.dma_semaphore, #tpu.memory_space<semaphore_mem>>)
    %add3A_91 = arith.constant 25344 : i32
    %add3A_92 = arith.addi %mul3A_2, %add3A_91 : i32
    %dma_start3A_93 = arith.constant 0 : i32
    %dma_start3A_94 = tpu.memref_slice %arg8[%add3A_92, %dma_start3A_93] : memref<819200x216xf32, #tpu.memory_space<hbm>> -> memref<64x216xf32, #tpu.memory_space<hbm>>
    %dma_start3A_95 = arith.constant 0 : i32
    %dma_start3A_96 = tpu.memref_slice %arg8[%add3A_92, %dma_start3A_95] : memref<819200x216xf32, #tpu.memory_space<hbm>> -> memref<64x216xf32, #tpu.memory_space<hbm>>
    tpu.enqueue_dma source(%arg17 : memref<64x216xf32, #tpu.memory_space<vmem>>) target(%dma_start3A_96 : memref<64x216xf32, #tpu.memory_space<hbm>>) target_semaphore(%arg28 : memref<!tpu.dma_semaphore, #tpu.memory_space<semaphore_mem>>)
    %add3A_97 = arith.constant 25472 : i32
    %add3A_98 = arith.addi %mul3A_2, %add3A_97 : i32
    %dma_wait3A_99 = tpu.memref_slice %arg2[%add3A_98] : memref<819200xi32, #tpu.memory_space<hbm>> -> memref<64xi32, #tpu.memory_space<hbm>>
    %dma_wait3A_100 = tpu.memref_slice %arg2[%add3A_98] : memref<819200xi32, #tpu.memory_space<hbm>> -> memref<64xi32, #tpu.memory_space<hbm>>
    tpu.wait_dma2 semaphore(%arg22 : memref<!tpu.dma_semaphore, #tpu.memory_space<semaphore_mem>>) src(%dma_wait3A_100 : memref<64xi32, #tpu.memory_space<hbm>>) dst(%arg9 : memref<64xi32, #tpu.memory_space<vmem>>)
    %dma_wait3A_101 = tpu.memref_slice %arg4[%add3A_98] : memref<819200xi32, #tpu.memory_space<hbm>> -> memref<64xi32, #tpu.memory_space<hbm>>
    %dma_wait3A_102 = tpu.memref_slice %arg4[%add3A_98] : memref<819200xi32, #tpu.memory_space<hbm>> -> memref<64xi32, #tpu.memory_space<hbm>>
    tpu.wait_dma2 semaphore(%arg22 : memref<!tpu.dma_semaphore, #tpu.memory_space<semaphore_mem>>) src(%dma_wait3A_102 : memref<64xi32, #tpu.memory_space<hbm>>) dst(%arg10 : memref<64xi32, #tpu.memory_space<vmem>>)
    %add3A_103 = arith.constant 25216 : i32
    %add3A_104 = arith.addi %mul3A_2, %add3A_103 : i32
    %dma_wait3A_105 = arith.constant 0 : i32
    %dma_wait3A_106 = tpu.memref_slice %arg8[%add3A_104, %dma_wait3A_105] : memref<819200x216xf32, #tpu.memory_space<hbm>> -> memref<64x216xf32, #tpu.memory_space<hbm>>
    %dma_wait3A_107 = arith.constant 0 : i32
    %dma_wait3A_108 = tpu.memref_slice %arg8[%add3A_104, %dma_wait3A_107] : memref<819200x216xf32, #tpu.memory_space<hbm>> -> memref<64x216xf32, #tpu.memory_space<hbm>>
    tpu.wait_dma2 semaphore(%arg30 : memref<!tpu.dma_semaphore, #tpu.memory_space<semaphore_mem>>) src(%arg19 : memref<64x216xf32, #tpu.memory_space<vmem>>) dst(%dma_wait3A_108 : memref<64x216xf32, #tpu.memory_space<hbm>>)
    %dma_start3A_109 = arith.constant 0 : i32
    %dma_start3A_110 = arith.constant 0 : i32
    %dma_start3A_111 = tpu.memref_slice %arg19[%dma_start3A_109, %dma_start3A_110] : memref<64x216xf32, #tpu.memory_space<vmem>> -> memref<64x128xf32, #tpu.memory_space<vmem>>
    %dma_start3A_112 = arith.constant 0 : i32
    %dma_start3A_113 = arith.constant 0 : i32
    %dma_start3A_114 = tpu.memref_slice %arg5[%dma_start3A_112, %dma_start3A_113] : memref<100000x128xf32, #tpu.memory_space<hbm>> -> memref<100000x128xf32, #tpu.memory_space<hbm>>
    tpu.enqueue_indirect_dma source(%dma_start3A_114 : memref<100000x128xf32, #tpu.memory_space<hbm>>) target(%dma_start3A_111 : memref<64x128xf32, #tpu.memory_space<vmem>>) offsets(%arg9 : memref<64xi32, #tpu.memory_space<vmem>>) semaphore(%arg26 : memref<!tpu.dma_semaphore, #tpu.memory_space<semaphore_mem>>)
    %dma_start3A_115 = arith.constant 0 : i32
    %dma_start3A_116 = arith.constant 0 : i32
    %dma_start3A_117 = tpu.memref_slice %arg7[%dma_start3A_115, %dma_start3A_116] : memref<100000x128xf32, #tpu.memory_space<hbm>> -> memref<100000x128xf32, #tpu.memory_space<hbm>>
    tpu.enqueue_indirect_dma source(%dma_start3A_117 : memref<100000x128xf32, #tpu.memory_space<hbm>>) target(%arg15 : memref<64x128xf32, #tpu.memory_space<vmem>>) offsets(%arg10 : memref<64xi32, #tpu.memory_space<vmem>>) semaphore(%arg26 : memref<!tpu.dma_semaphore, #tpu.memory_space<semaphore_mem>>)
    %dma_wait3A_118 = arith.constant 0 : i32
    %dma_wait3A_119 = arith.constant 0 : i32
    %dma_wait3A_120 = tpu.memref_slice %arg18[%dma_wait3A_118, %dma_wait3A_119] : memref<64x216xf32, #tpu.memory_space<vmem>> -> memref<64x128xf32, #tpu.memory_space<vmem>>
    %dma_wait3A_121 = arith.constant 0 : i32
    %dma_wait3A_122 = arith.constant 0 : i32
    %dma_wait3A_123 = tpu.memref_slice %arg5[%dma_wait3A_121, %dma_wait3A_122] : memref<100000x128xf32, #tpu.memory_space<hbm>> -> memref<100000x128xf32, #tpu.memory_space<hbm>>
    tpu.wait_indirect_dma semaphore(%arg27 : memref<!tpu.dma_semaphore, #tpu.memory_space<semaphore_mem>>) src(%dma_wait3A_123 : memref<100000x128xf32, #tpu.memory_space<hbm>>) dst(%dma_wait3A_120 : memref<64x128xf32, #tpu.memory_space<vmem>>)
    %dma_wait3A_124 = arith.constant 0 : i32
    %dma_wait3A_125 = arith.constant 0 : i32
    %dma_wait3A_126 = tpu.memref_slice %arg7[%dma_wait3A_124, %dma_wait3A_125] : memref<100000x128xf32, #tpu.memory_space<hbm>> -> memref<100000x128xf32, #tpu.memory_space<hbm>>
    tpu.wait_indirect_dma semaphore(%arg27 : memref<!tpu.dma_semaphore, #tpu.memory_space<semaphore_mem>>) src(%dma_wait3A_126 : memref<100000x128xf32, #tpu.memory_space<hbm>>) dst(%arg16 : memref<64x128xf32, #tpu.memory_space<vmem>>)
    %add3A_127 = arith.constant 25536 : i32
    %add3A_128 = arith.addi %mul3A_2, %add3A_127 : i32
    %dma_start3A_129 = tpu.memref_slice %arg2[%add3A_128] : memref<819200xi32, #tpu.memory_space<hbm>> -> memref<64xi32, #tpu.memory_space<hbm>>
    %dma_start3A_130 = tpu.memref_slice %arg2[%add3A_128] : memref<819200xi32, #tpu.memory_space<hbm>> -> memref<64xi32, #tpu.memory_space<hbm>>
    tpu.enqueue_dma source(%dma_start3A_130 : memref<64xi32, #tpu.memory_space<hbm>>) target(%arg12 : memref<64xi32, #tpu.memory_space<vmem>>) target_semaphore(%arg23 : memref<!tpu.dma_semaphore, #tpu.memory_space<semaphore_mem>>)
    %dma_start3A_131 = tpu.memref_slice %arg4[%add3A_128] : memref<819200xi32, #tpu.memory_space<hbm>> -> memref<64xi32, #tpu.memory_space<hbm>>
    %dma_start3A_132 = tpu.memref_slice %arg4[%add3A_128] : memref<819200xi32, #tpu.memory_space<hbm>> -> memref<64xi32, #tpu.memory_space<hbm>>
    tpu.enqueue_dma source(%dma_start3A_132 : memref<64xi32, #tpu.memory_space<hbm>>) target(%arg13 : memref<64xi32, #tpu.memory_space<vmem>>) target_semaphore(%arg23 : memref<!tpu.dma_semaphore, #tpu.memory_space<semaphore_mem>>)
    %add3A_133 = arith.constant 25408 : i32
    %add3A_134 = arith.addi %mul3A_2, %add3A_133 : i32
    %dma_wait3A_135 = tpu.memref_slice %arg3[%add3A_134] : memref<819200xi32, #tpu.memory_space<hbm>> -> memref<64xi32, #tpu.memory_space<hbm>>
    %dma_wait3A_136 = tpu.memref_slice %arg3[%add3A_134] : memref<819200xi32, #tpu.memory_space<hbm>> -> memref<64xi32, #tpu.memory_space<hbm>>
    tpu.wait_dma2 semaphore(%arg25 : memref<!tpu.dma_semaphore, #tpu.memory_space<semaphore_mem>>) src(%dma_wait3A_136 : memref<64xi32, #tpu.memory_space<hbm>>) dst(%arg14 : memref<64xi32, #tpu.memory_space<vmem>>)
    %scan3A_137 = arith.constant 0 : i32
    %scan3A_138 = arith.constant 0 : i32
    %scan3A_139 = arith.constant 32 : i32
    %scan3A_140 = arith.addi %scan3A_138, %scan3A_139 : i32
    %scan3A_141 = arith.constant 1 : i32
    scf.for %scan3A_248 = %scan3A_138 to %scan3A_140 step %scan3A_141  : i32 {
      %mul3A_249 = arith.constant 2 : i32
      %mul3A_250 = arith.muli %mul3A_249, %scan3A_248 : i32
      %add3A_251 = arith.constant 1 : i32
      %add3A_252 = arith.addi %mul3A_250, %add3A_251 : i32
      %broadcast_in_dim3A = vector.broadcast %mul3A_250 : i32 to vector<16xi32>
      %gather3A = tpu.vector_load_idx %arg14[%broadcast_in_dim3A] : memref<64xi32, #tpu.memory_space<vmem>>[vector<16xi32>], vector<16xi32>,
      %mul3A_253 = arith.constant 16 : i32
      %mul3A_254 = vector.broadcast %mul3A_253 : i32 to vector<16xi32>
      %mul3A_255 = arith.muli %gather3A, %mul3A_254 : vector<16xi32>
      %broadcast_in_dim3A_256 = vector.broadcast %add3A_252 : i32 to vector<16xi32>
      %gather3A_257 = tpu.vector_load_idx %arg14[%broadcast_in_dim3A_256] : memref<64xi32, #tpu.memory_space<vmem>>[vector<16xi32>], vector<16xi32>,
      %mul3A_258 = arith.constant 16 : i32
      %mul3A_259 = vector.broadcast %mul3A_258 : i32 to vector<16xi32>
      %mul3A_260 = arith.muli %gather3A_257, %mul3A_259 : vector<16xi32>
      %ge3A = arith.constant 4 : i32
      %ge3A_261 = vector.broadcast %ge3A : i32 to vector<16xi32>
      %ge3A_262 = arith.cmpi sge, %iota3A, %ge3A_261 : vector<16xi32>
      %sub3A = arith.constant 4 : i32
      %sub3A_263 = vector.broadcast %sub3A : i32 to vector<16xi32>
      %sub3A_264 = arith.subi %iota3A, %sub3A_263 : vector<16xi32>
      %jit3A = arith.constant 0 : i32
      %broadcast_in_dim3A_265 = vector.broadcast %jit3A : i32 to vector<16xi32>
      %select_n3A = arith.select %ge3A_262, %sub3A_264, %broadcast_in_dim3A_265 : vector<16xi1>, vector<16xi32>
      %add3A_266 = arith.addi %mul3A_255, %select_n3A : vector<16xi32>
      %gather3A_267 = tpu.vector_load_idx %arg21[%add3A_266] masked %ge3A_262 : memref<1024xf32, #tpu.memory_space<vmem>>[vector<16xi32>], vector<16xf32>, vector<16xi1>
      %broadcast_in_dim3A_268 = vector.broadcast %mul3A_250 : i32 to vector<16xi32>
      %add3A_269 = arith.constant 96 : i32
      %add3A_270 = vector.broadcast %add3A_269 : i32 to vector<16xi32>
      %add3A_271 = arith.addi %add3A_270, %iota3A : vector<16xi32>
      tpu.vector_store_idx %arg18[%broadcast_in_dim3A_268, %add3A_271], %gather3A_267 masked %ge3A_262 : memref<64x216xf32, #tpu.memory_space<vmem>>[vector<16xi32>, vector<16xi32>], vector<16xf32>, vector<16xi1>
      %lt3A = arith.constant 4 : i32
      %lt3A_272 = vector.broadcast %lt3A : i32 to vector<16xi32>
      %lt3A_273 = arith.cmpi slt, %iota3A, %lt3A_272 : vector<16xi32>
      %add3A_274 = arith.constant 12 : i32
      %add3A_275 = vector.broadcast %add3A_274 : i32 to vector<16xi32>
      %add3A_276 = arith.addi %iota3A, %add3A_275 : vector<16xi32>
      %jit3A_277 = arith.constant 0 : i32
      %broadcast_in_dim3A_278 = vector.broadcast %jit3A_277 : i32 to vector<16xi32>
      %select_n3A_279 = arith.select %lt3A_273, %add3A_276, %broadcast_in_dim3A_278 : vector<16xi1>, vector<16xi32>
      %add3A_280 = arith.addi %mul3A_255, %select_n3A_279 : vector<16xi32>
      %gather3A_281 = tpu.vector_load_idx %arg21[%add3A_280] masked %lt3A_273 : memref<1024xf32, #tpu.memory_space<vmem>>[vector<16xi32>], vector<16xf32>, vector<16xi1>
      %sub3A_282 = arith.constant 4 : i32
      %sub3A_283 = vector.broadcast %sub3A_282 : i32 to vector<16xi32>
      %sub3A_284 = arith.subi %iota3A, %sub3A_283 : vector<16xi32>
      %not3A = arith.constant dense<true> : vector<16xi1>
      %not3A_285 = arith.xori %lt3A_273, %not3A : vector<16xi1>
      %jit3A_286 = arith.constant 0 : i32
      %broadcast_in_dim3A_287 = vector.broadcast %jit3A_286 : i32 to vector<16xi32>
      %select_n3A_288 = arith.select %not3A_285, %sub3A_284, %broadcast_in_dim3A_287 : vector<16xi1>, vector<16xi32>
      %broadcast_in_dim3A_289 = vector.broadcast %mul3A_250 : i32 to vector<16xi32>
      %gather3A_290 = tpu.vector_load_idx %arg16[%broadcast_in_dim3A_289, %select_n3A_288] masked %not3A_285 : memref<64x128xf32, #tpu.memory_space<vmem>>[vector<16xi32>, vector<16xi32>], vector<16xf32>, vector<16xi1>
      %select_n3A_291 = arith.select %lt3A_273, %gather3A_281, %gather3A_290 : vector<16xi1>, vector<16xf32>
      %swap3A = arith.index_cast %mul3A_250 : i32 to index
      %swap3A_292 = arith.constant 112 : index
      %swap3A_293 = tpu.vector_load %arg18[%swap3A, %swap3A_292] {strides = array<i32>} : memref<64x216xf32, #tpu.memory_space<vmem>>, vector<16xf32>,
      tpu.vector_store %arg18[%swap3A, %swap3A_292], %select_n3A_291 {strides = array<i32>} : memref<64x216xf32, #tpu.memory_space<vmem>>, vector<16xf32>,
      %get3A = arith.index_cast %mul3A_250 : i32 to index
      %get3A_294 = arith.constant 12 : index
      %get3A_295 = tpu.vector_load %arg16[%get3A, %get3A_294] {strides = array<i32>} : memref<64x128xf32, #tpu.memory_space<vmem>>, vector<16xf32>,
      %swap3A_296 = arith.index_cast %mul3A_250 : i32 to index
      %swap3A_297 = arith.constant 128 : index
      %swap3A_298 = tpu.vector_load %arg18[%swap3A_296, %swap3A_297] {strides = array<i32>} : memref<64x216xf32, #tpu.memory_space<vmem>>, vector<16xf32>,
      tpu.vector_store %arg18[%swap3A_296, %swap3A_297], %get3A_295 {strides = array<i32>} : memref<64x216xf32, #tpu.memory_space<vmem>>, vector<16xf32>,
      %get3A_299 = arith.index_cast %mul3A_250 : i32 to index
      %get3A_300 = arith.constant 28 : index
      %get3A_301 = tpu.vector_load %arg16[%get3A_299, %get3A_300] {strides = array<i32>} : memref<64x128xf32, #tpu.memory_space<vmem>>, vector<16xf32>,
      %swap3A_302 = arith.index_cast %mul3A_250 : i32 to index
      %swap3A_303 = arith.constant 144 : index
      %swap3A_304 = tpu.vector_load %arg18[%swap3A_302, %swap3A_303] {strides = array<i32>} : memref<64x216xf32, #tpu.memory_space<vmem>>, vector<16xf32>,
      tpu.vector_store %arg18[%swap3A_302, %swap3A_303], %get3A_301 {strides = array<i32>} : memref<64x216xf32, #tpu.memory_space<vmem>>, vector<16xf32>,
      %get3A_305 = arith.index_cast %mul3A_250 : i32 to index
      %get3A_306 = arith.constant 44 : index
      %get3A_307 = tpu.vector_load %arg16[%get3A_305, %get3A_306] {strides = array<i32>} : memref<64x128xf32, #tpu.memory_space<vmem>>, vector<16xf32>,
      %swap3A_308 = arith.index_cast %mul3A_250 : i32 to index
      %swap3A_309 = arith.constant 160 : index
      %swap3A_310 = tpu.vector_load %arg18[%swap3A_308, %swap3A_309] {strides = array<i32>} : memref<64x216xf32, #tpu.memory_space<vmem>>, vector<16xf32>,
      tpu.vector_store %arg18[%swap3A_308, %swap3A_309], %get3A_307 {strides = array<i32>} : memref<64x216xf32, #tpu.memory_space<vmem>>, vector<16xf32>,
      %get3A_311 = arith.index_cast %mul3A_250 : i32 to index
      %get3A_312 = arith.constant 60 : index
      %get3A_313 = tpu.vector_load %arg16[%get3A_311, %get3A_312] {strides = array<i32>} : memref<64x128xf32, #tpu.memory_space<vmem>>, vector<16xf32>,
      %swap3A_314 = arith.index_cast %mul3A_250 : i32 to index
      %swap3A_315 = arith.constant 176 : index
      %swap3A_316 = tpu.vector_load %arg18[%swap3A_314, %swap3A_315] {strides = array<i32>} : memref<64x216xf32, #tpu.memory_space<vmem>>, vector<16xf32>,
      tpu.vector_store %arg18[%swap3A_314, %swap3A_315], %get3A_313 {strides = array<i32>} : memref<64x216xf32, #tpu.memory_space<vmem>>, vector<16xf32>,
      %get3A_317 = arith.index_cast %mul3A_250 : i32 to index
      %get3A_318 = arith.constant 76 : index
      %get3A_319 = tpu.vector_load %arg16[%get3A_317, %get3A_318] {strides = array<i32>} : memref<64x128xf32, #tpu.memory_space<vmem>>, vector<16xf32>,
      %swap3A_320 = arith.index_cast %mul3A_250 : i32 to index
      %swap3A_321 = arith.constant 192 : index
      %swap3A_322 = tpu.vector_load %arg18[%swap3A_320, %swap3A_321] {strides = array<i32>} : memref<64x216xf32, #tpu.memory_space<vmem>>, vector<16xf32>,
      tpu.vector_store %arg18[%swap3A_320, %swap3A_321], %get3A_319 {strides = array<i32>} : memref<64x216xf32, #tpu.memory_space<vmem>>, vector<16xf32>,
      %lt3A_323 = arith.constant 8 : i32
      %lt3A_324 = vector.broadcast %lt3A_323 : i32 to vector<16xi32>
      %lt3A_325 = arith.cmpi slt, %iota3A, %lt3A_324 : vector<16xi32>
      %add3A_326 = arith.constant 92 : i32
      %add3A_327 = vector.broadcast %add3A_326 : i32 to vector<16xi32>
      %add3A_328 = arith.addi %add3A_327, %iota3A : vector<16xi32>
      %jit3A_329 = arith.constant 0 : i32
      %broadcast_in_dim3A_330 = vector.broadcast %jit3A_329 : i32 to vector<16xi32>
      %select_n3A_331 = arith.select %lt3A_325, %add3A_328, %broadcast_in_dim3A_330 : vector<16xi1>, vector<16xi32>
      %broadcast_in_dim3A_332 = vector.broadcast %mul3A_250 : i32 to vector<16xi32>
      %gather3A_333 = tpu.vector_load_idx %arg16[%broadcast_in_dim3A_332, %select_n3A_331] masked %lt3A_325 : memref<64x128xf32, #tpu.memory_space<vmem>>[vector<16xi32>, vector<16xi32>], vector<16xf32>, vector<16xi1>
      %broadcast_in_dim3A_334 = vector.broadcast %mul3A_250 : i32 to vector<16xi32>
      %add3A_335 = arith.constant 208 : i32
      %add3A_336 = vector.broadcast %add3A_335 : i32 to vector<16xi32>
      %add3A_337 = arith.addi %add3A_336, %iota3A : vector<16xi32>
      tpu.vector_store_idx %arg18[%broadcast_in_dim3A_334, %add3A_337], %gather3A_333 masked %lt3A_325 : memref<64x216xf32, #tpu.memory_space<vmem>>[vector<16xi32>, vector<16xi32>], vector<16xf32>, vector<16xi1>
      %ge3A_338 = arith.constant 12 : i32
      %ge3A_339 = vector.broadcast %ge3A_338 : i32 to vector<16xi32>
      %ge3A_340 = arith.cmpi sge, %iota3A, %ge3A_339 : vector<16xi32>
      %sub3A_341 = arith.constant 12 : i32
      %sub3A_342 = vector.broadcast %sub3A_341 : i32 to vector<16xi32>
      %sub3A_343 = arith.subi %iota3A, %sub3A_342 : vector<16xi32>
      %jit3A_344 = arith.constant 0 : i32
      %broadcast_in_dim3A_345 = vector.broadcast %jit3A_344 : i32 to vector<16xi32>
      %select_n3A_346 = arith.select %ge3A_340, %sub3A_343, %broadcast_in_dim3A_345 : vector<16xi1>, vector<16xi32>
      %add3A_347 = arith.addi %mul3A_260, %select_n3A_346 : vector<16xi32>
      %gather3A_348 = tpu.vector_load_idx %arg21[%add3A_347] masked %ge3A_340 : memref<1024xf32, #tpu.memory_space<vmem>>[vector<16xi32>], vector<16xf32>, vector<16xi1>
      %broadcast_in_dim3A_349 = vector.broadcast %add3A_252 : i32 to vector<16xi32>
      %add3A_350 = arith.constant 88 : i32
      %add3A_351 = vector.broadcast %add3A_350 : i32 to vector<16xi32>
      %add3A_352 = arith.addi %add3A_351, %iota3A : vector<16xi32>
      tpu.vector_store_idx %arg18[%broadcast_in_dim3A_349, %add3A_352], %gather3A_348 masked %ge3A_340 : memref<64x216xf32, #tpu.memory_space<vmem>>[vector<16xi32>, vector<16xi32>], vector<16xf32>, vector<16xi1>
      %lt3A_353 = arith.constant 12 : i32
      %lt3A_354 = vector.broadcast %lt3A_353 : i32 to vector<16xi32>
      %lt3A_355 = arith.cmpi slt, %iota3A, %lt3A_354 : vector<16xi32>
      %add3A_356 = arith.constant 4 : i32
      %add3A_357 = vector.broadcast %add3A_356 : i32 to vector<16xi32>
      %add3A_358 = arith.addi %iota3A, %add3A_357 : vector<16xi32>
      %jit3A_359 = arith.constant 0 : i32
      %broadcast_in_dim3A_360 = vector.broadcast %jit3A_359 : i32 to vector<16xi32>
      %select_n3A_361 = arith.select %lt3A_355, %add3A_358, %broadcast_in_dim3A_360 : vector<16xi1>, vector<16xi32>
      %add3A_362 = arith.addi %mul3A_260, %select_n3A_361 : vector<16xi32>
      %gather3A_363 = tpu.vector_load_idx %arg21[%add3A_362] masked %lt3A_355 : memref<1024xf32, #tpu.memory_space<vmem>>[vector<16xi32>], vector<16xf32>, vector<16xi1>
      %sub3A_364 = arith.constant 12 : i32
      %sub3A_365 = vector.broadcast %sub3A_364 : i32 to vector<16xi32>
      %sub3A_366 = arith.subi %iota3A, %sub3A_365 : vector<16xi32>
      %not3A_367 = arith.constant dense<true> : vector<16xi1>
      %not3A_368 = arith.xori %lt3A_355, %not3A_367 : vector<16xi1>
      %jit3A_369 = arith.constant 0 : i32
      %broadcast_in_dim3A_370 = vector.broadcast %jit3A_369 : i32 to vector<16xi32>
      %select_n3A_371 = arith.select %not3A_368, %sub3A_366, %broadcast_in_dim3A_370 : vector<16xi1>, vector<16xi32>
      %broadcast_in_dim3A_372 = vector.broadcast %add3A_252 : i32 to vector<16xi32>
      %gather3A_373 = tpu.vector_load_idx %arg16[%broadcast_in_dim3A_372, %select_n3A_371] masked %not3A_368 : memref<64x128xf32, #tpu.memory_space<vmem>>[vector<16xi32>, vector<16xi32>], vector<16xf32>, vector<16xi1>
      %select_n3A_374 = arith.select %lt3A_355, %gather3A_363, %gather3A_373 : vector<16xi1>, vector<16xf32>
      %swap3A_375 = arith.index_cast %add3A_252 : i32 to index
      %swap3A_376 = arith.constant 104 : index
      %swap3A_377 = tpu.vector_load %arg18[%swap3A_375, %swap3A_376] {strides = array<i32>} : memref<64x216xf32, #tpu.memory_space<vmem>>, vector<16xf32>,
      tpu.vector_store %arg18[%swap3A_375, %swap3A_376], %select_n3A_374 {strides = array<i32>} : memref<64x216xf32, #tpu.memory_space<vmem>>, vector<16xf32>,
      %get3A_378 = arith.index_cast %add3A_252 : i32 to index
      %get3A_379 = arith.constant 4 : index
      %get3A_380 = tpu.vector_load %arg16[%get3A_378, %get3A_379] {strides = array<i32>} : memref<64x128xf32, #tpu.memory_space<vmem>>, vector<16xf32>,
      %broadcast_in_dim3A_381 = vector.broadcast %add3A_252 : i32 to vector<16xi32>
      %add3A_382 = arith.constant 120 : i32
      %add3A_383 = vector.broadcast %add3A_382 : i32 to vector<16xi32>
      %add3A_384 = arith.addi %add3A_383, %iota3A : vector<16xi32>
      tpu.vector_store_idx %arg18[%broadcast_in_dim3A_381, %add3A_384], %get3A_380 : memref<64x216xf32, #tpu.memory_space<vmem>>[vector<16xi32>, vector<16xi32>], vector<16xf32>,
      %get3A_385 = arith.index_cast %add3A_252 : i32 to index
      %get3A_386 = arith.constant 20 : index
      %get3A_387 = tpu.vector_load %arg16[%get3A_385, %get3A_386] {strides = array<i32>} : memref<64x128xf32, #tpu.memory_space<vmem>>, vector<16xf32>,
      %swap3A_388 = arith.index_cast %add3A_252 : i32 to index
      %swap3A_389 = arith.constant 136 : index
      %swap3A_390 = tpu.vector_load %arg18[%swap3A_388, %swap3A_389] {strides = array<i32>} : memref<64x216xf32, #tpu.memory_space<vmem>>, vector<16xf32>,
      tpu.vector_store %arg18[%swap3A_388, %swap3A_389], %get3A_387 {strides = array<i32>} : memref<64x216xf32, #tpu.memory_space<vmem>>, vector<16xf32>,
      %get3A_391 = arith.index_cast %add3A_252 : i32 to index
      %get3A_392 = arith.constant 36 : index
      %get3A_393 = tpu.vector_load %arg16[%get3A_391, %get3A_392] {strides = array<i32>} : memref<64x128xf32, #tpu.memory_space<vmem>>, vector<16xf32>,
      %swap3A_394 = arith.index_cast %add3A_252 : i32 to index
      %swap3A_395 = arith.constant 152 : index
      %swap3A_396 = tpu.vector_load %arg18[%swap3A_394, %swap3A_395] {strides = array<i32>} : memref<64x216xf32, #tpu.memory_space<vmem>>, vector<16xf32>,
      tpu.vector_store %arg18[%swap3A_394, %swap3A_395], %get3A_393 {strides = array<i32>} : memref<64x216xf32, #tpu.memory_space<vmem>>, vector<16xf32>,
      %get3A_397 = arith.index_cast %add3A_252 : i32 to index
      %get3A_398 = arith.constant 52 : index
      %get3A_399 = tpu.vector_load %arg16[%get3A_397, %get3A_398] {strides = array<i32>} : memref<64x128xf32, #tpu.memory_space<vmem>>, vector<16xf32>,
      %swap3A_400 = arith.index_cast %add3A_252 : i32 to index
      %swap3A_401 = arith.constant 168 : index
      %swap3A_402 = tpu.vector_load %arg18[%swap3A_400, %swap3A_401] {strides = array<i32>} : memref<64x216xf32, #tpu.memory_space<vmem>>, vector<16xf32>,
      tpu.vector_store %arg18[%swap3A_400, %swap3A_401], %get3A_399 {strides = array<i32>} : memref<64x216xf32, #tpu.memory_space<vmem>>, vector<16xf32>,
      %get3A_403 = arith.index_cast %add3A_252 : i32 to index
      %get3A_404 = arith.constant 68 : index
      %get3A_405 = tpu.vector_load %arg16[%get3A_403, %get3A_404] {strides = array<i32>} : memref<64x128xf32, #tpu.memory_space<vmem>>, vector<16xf32>,
      %swap3A_406 = arith.index_cast %add3A_252 : i32 to index
      %swap3A_407 = arith.constant 184 : index
      %swap3A_408 = tpu.vector_load %arg18[%swap3A_406, %swap3A_407] {strides = array<i32>} : memref<64x216xf32, #tpu.memory_space<vmem>>, vector<16xf32>,
      tpu.vector_store %arg18[%swap3A_406, %swap3A_407], %get3A_405 {strides = array<i32>} : memref<64x216xf32, #tpu.memory_space<vmem>>, vector<16xf32>,
      %get3A_409 = arith.index_cast %add3A_252 : i32 to index
      %get3A_410 = arith.constant 84 : index
      %get3A_411 = tpu.vector_load %arg16[%get3A_409, %get3A_410] {strides = array<i32>} : memref<64x128xf32, #tpu.memory_space<vmem>>, vector<16xf32>,
      %swap3A_412 = arith.index_cast %add3A_252 : i32 to index
      %swap3A_413 = arith.constant 200 : index
      %swap3A_414 = tpu.vector_load %arg18[%swap3A_412, %swap3A_413] {strides = array<i32>} : memref<64x216xf32, #tpu.memory_space<vmem>>, vector<16xf32>,
      tpu.vector_store %arg18[%swap3A_412, %swap3A_413], %get3A_411 {strides = array<i32>} : memref<64x216xf32, #tpu.memory_space<vmem>>, vector<16xf32>,
    }
    %scan3A_142 = arith.constant 32 : i32
    %add3A_143 = arith.constant 25536 : i32
    %add3A_144 = arith.addi %mul3A_2, %add3A_143 : i32
    %dma_start3A_145 = tpu.memref_slice %arg3[%add3A_144] : memref<819200xi32, #tpu.memory_space<hbm>> -> memref<64xi32, #tpu.memory_space<hbm>>
    %dma_start3A_146 = tpu.memref_slice %arg3[%add3A_144] : memref<819200xi32, #tpu.memory_space<hbm>> -> memref<64xi32, #tpu.memory_space<hbm>>
    tpu.enqueue_dma source(%dma_start3A_146 : memref<64xi32, #tpu.memory_space<hbm>>) target(%arg14 : memref<64xi32, #tpu.memory_space<vmem>>) target_semaphore(%arg25 : memref<!tpu.dma_semaphore, #tpu.memory_space<semaphore_mem>>)
    %add3A_147 = arith.constant 25408 : i32
    %add3A_148 = arith.addi %mul3A_2, %add3A_147 : i32
    %dma_start3A_149 = arith.constant 0 : i32
    %dma_start3A_150 = tpu.memref_slice %arg8[%add3A_148, %dma_start3A_149] : memref<819200x216xf32, #tpu.memory_space<hbm>> -> memref<64x216xf32, #tpu.memory_space<hbm>>
    %dma_start3A_151 = arith.constant 0 : i32
    %dma_start3A_152 = tpu.memref_slice %arg8[%add3A_148, %dma_start3A_151] : memref<819200x216xf32, #tpu.memory_space<hbm>> -> memref<64x216xf32, #tpu.memory_space<hbm>>
    tpu.enqueue_dma source(%arg18 : memref<64x216xf32, #tpu.memory_space<vmem>>) target(%dma_start3A_152 : memref<64x216xf32, #tpu.memory_space<hbm>>) target_semaphore(%arg29 : memref<!tpu.dma_semaphore, #tpu.memory_space<semaphore_mem>>)
    %add3A_153 = arith.constant 25536 : i32
    %add3A_154 = arith.addi %mul3A_2, %add3A_153 : i32
    %dma_wait3A_155 = tpu.memref_slice %arg2[%add3A_154] : memref<819200xi32, #tpu.memory_space<hbm>> -> memref<64xi32, #tpu.memory_space<hbm>>
    %dma_wait3A_156 = tpu.memref_slice %arg2[%add3A_154] : memref<819200xi32, #tpu.memory_space<hbm>> -> memref<64xi32, #tpu.memory_space<hbm>>
    tpu.wait_dma2 semaphore(%arg23 : memref<!tpu.dma_semaphore, #tpu.memory_space<semaphore_mem>>) src(%dma_wait3A_156 : memref<64xi32, #tpu.memory_space<hbm>>) dst(%arg12 : memref<64xi32, #tpu.memory_space<vmem>>)
    %dma_wait3A_157 = tpu.memref_slice %arg4[%add3A_154] : memref<819200xi32, #tpu.memory_space<hbm>> -> memref<64xi32, #tpu.memory_space<hbm>>
    %dma_wait3A_158 = tpu.memref_slice %arg4[%add3A_154] : memref<819200xi32, #tpu.memory_space<hbm>> -> memref<64xi32, #tpu.memory_space<hbm>>
    tpu.wait_dma2 semaphore(%arg23 : memref<!tpu.dma_semaphore, #tpu.memory_space<semaphore_mem>>) src(%dma_wait3A_158 : memref<64xi32, #tpu.memory_space<hbm>>) dst(%arg13 : memref<64xi32, #tpu.memory_space<vmem>>)
    %add3A_159 = arith.constant 25280 : i32
    %add3A_160 = arith.addi %mul3A_2, %add3A_159 : i32
    %dma_wait3A_161 = arith.constant 0 : i32
    %dma_wait3A_162 = tpu.memref_slice %arg8[%add3A_160, %dma_wait3A_161] : memref<819200x216xf32, #tpu.memory_space<hbm>> -> memref<64x216xf32, #tpu.memory_space<hbm>>
    %dma_wait3A_163 = arith.constant 0 : i32
    %dma_wait3A_164 = tpu.memref_slice %arg8[%add3A_160, %dma_wait3A_163] : memref<819200x216xf32, #tpu.memory_space<hbm>> -> memref<64x216xf32, #tpu.memory_space<hbm>>
    tpu.wait_dma2 semaphore(%arg31 : memref<!tpu.dma_semaphore, #tpu.memory_space<semaphore_mem>>) src(%arg20 : memref<64x216xf32, #tpu.memory_space<vmem>>) dst(%dma_wait3A_164 : memref<64x216xf32, #tpu.memory_space<hbm>>)
    %dma_start3A_165 = arith.constant 0 : i32
    %dma_start3A_166 = arith.constant 0 : i32
    %dma_start3A_167 = tpu.memref_slice %arg20[%dma_start3A_165, %dma_start3A_166] : memref<64x216xf32, #tpu.memory_space<vmem>> -> memref<64x128xf32, #tpu.memory_space<vmem>>
    %dma_start3A_168 = arith.constant 0 : i32
    %dma_start3A_169 = arith.constant 0 : i32
    %dma_start3A_170 = tpu.memref_slice %arg5[%dma_start3A_168, %dma_start3A_169] : memref<100000x128xf32, #tpu.memory_space<hbm>> -> memref<100000x128xf32, #tpu.memory_space<hbm>>
    tpu.enqueue_indirect_dma source(%dma_start3A_170 : memref<100000x128xf32, #tpu.memory_space<hbm>>) target(%dma_start3A_167 : memref<64x128xf32, #tpu.memory_space<vmem>>) offsets(%arg12 : memref<64xi32, #tpu.memory_space<vmem>>) semaphore(%arg27 : memref<!tpu.dma_semaphore, #tpu.memory_space<semaphore_mem>>)
    %dma_start3A_171 = arith.constant 0 : i32
    %dma_start3A_172 = arith.constant 0 : i32
    %dma_start3A_173 = tpu.memref_slice %arg7[%dma_start3A_171, %dma_start3A_172] : memref<100000x128xf32, #tpu.memory_space<hbm>> -> memref<100000x128xf32, #tpu.memory_space<hbm>>
    tpu.enqueue_indirect_dma source(%dma_start3A_173 : memref<100000x128xf32, #tpu.memory_space<hbm>>) target(%arg16 : memref<64x128xf32, #tpu.memory_space<vmem>>) offsets(%arg13 : memref<64xi32, #tpu.memory_space<vmem>>) semaphore(%arg27 : memref<!tpu.dma_semaphore, #tpu.memory_space<semaphore_mem>>)
    %dma_wait3A_174 = arith.constant 0 : i32
    %dma_wait3A_175 = arith.constant 0 : i32
    %dma_wait3A_176 = tpu.memref_slice %arg19[%dma_wait3A_174, %dma_wait3A_175] : memref<64x216xf32, #tpu.memory_space<vmem>> -> memref<64x128xf32, #tpu.memory_space<vmem>>
    %dma_wait3A_177 = arith.constant 0 : i32
    %dma_wait3A_178 = arith.constant 0 : i32
    %dma_wait3A_179 = tpu.memref_slice %arg5[%dma_wait3A_177, %dma_wait3A_178] : memref<100000x128xf32, #tpu.memory_space<hbm>> -> memref<100000x128xf32, #tpu.memory_space<hbm>>
    tpu.wait_indirect_dma semaphore(%arg26 : memref<!tpu.dma_semaphore, #tpu.memory_space<semaphore_mem>>) src(%dma_wait3A_179 : memref<100000x128xf32, #tpu.memory_space<hbm>>) dst(%dma_wait3A_176 : memref<64x128xf32, #tpu.memory_space<vmem>>)
    %dma_wait3A_180 = arith.constant 0 : i32
    %dma_wait3A_181 = arith.constant 0 : i32
    %dma_wait3A_182 = tpu.memref_slice %arg7[%dma_wait3A_180, %dma_wait3A_181] : memref<100000x128xf32, #tpu.memory_space<hbm>> -> memref<100000x128xf32, #tpu.memory_space<hbm>>
    tpu.wait_indirect_dma semaphore(%arg26 : memref<!tpu.dma_semaphore, #tpu.memory_space<semaphore_mem>>) src(%dma_wait3A_182 : memref<100000x128xf32, #tpu.memory_space<hbm>>) dst(%arg15 : memref<64x128xf32, #tpu.memory_space<vmem>>)
    %add3A_183 = arith.constant 25472 : i32
    %add3A_184 = arith.addi %mul3A_2, %add3A_183 : i32
    %dma_wait3A_185 = tpu.memref_slice %arg3[%add3A_184] : memref<819200xi32, #tpu.memory_space<hbm>> -> memref<64xi32, #tpu.memory_space<hbm>>
    %dma_wait3A_186 = tpu.memref_slice %arg3[%add3A_184] : memref<819200xi32, #tpu.memory_space<hbm>> -> memref<64xi32, #tpu.memory_space<hbm>>
    tpu.wait_dma2 semaphore(%arg24 : memref<!tpu.dma_semaphore, #tpu.memory_space<semaphore_mem>>) src(%dma_wait3A_186 : memref<64xi32, #tpu.memory_space<hbm>>) dst(%arg11 : memref<64xi32, #tpu.memory_space<vmem>>)
    %scan3A_187 = arith.constant 0 : i32
    %scan3A_188 = arith.constant 0 : i32
    %scan3A_189 = arith.constant 32 : i32
    %scan3A_190 = arith.addi %scan3A_188, %scan3A_189 : i32
    %scan3A_191 = arith.constant 1 : i32
    scf.for %scan3A_248 = %scan3A_188 to %scan3A_190 step %scan3A_191  : i32 {
      %mul3A_249 = arith.constant 2 : i32
      %mul3A_250 = arith.muli %mul3A_249, %scan3A_248 : i32
      %add3A_251 = arith.constant 1 : i32
      %add3A_252 = arith.addi %mul3A_250, %add3A_251 : i32
      %broadcast_in_dim3A = vector.broadcast %mul3A_250 : i32 to vector<16xi32>
      %gather3A = tpu.vector_load_idx %arg11[%broadcast_in_dim3A] : memref<64xi32, #tpu.memory_space<vmem>>[vector<16xi32>], vector<16xi32>,
      %mul3A_253 = arith.constant 16 : i32
      %mul3A_254 = vector.broadcast %mul3A_253 : i32 to vector<16xi32>
      %mul3A_255 = arith.muli %gather3A, %mul3A_254 : vector<16xi32>
      %broadcast_in_dim3A_256 = vector.broadcast %add3A_252 : i32 to vector<16xi32>
      %gather3A_257 = tpu.vector_load_idx %arg11[%broadcast_in_dim3A_256] : memref<64xi32, #tpu.memory_space<vmem>>[vector<16xi32>], vector<16xi32>,
      %mul3A_258 = arith.constant 16 : i32
      %mul3A_259 = vector.broadcast %mul3A_258 : i32 to vector<16xi32>
      %mul3A_260 = arith.muli %gather3A_257, %mul3A_259 : vector<16xi32>
      %ge3A = arith.constant 4 : i32
      %ge3A_261 = vector.broadcast %ge3A : i32 to vector<16xi32>
      %ge3A_262 = arith.cmpi sge, %iota3A, %ge3A_261 : vector<16xi32>
      %sub3A = arith.constant 4 : i32
      %sub3A_263 = vector.broadcast %sub3A : i32 to vector<16xi32>
      %sub3A_264 = arith.subi %iota3A, %sub3A_263 : vector<16xi32>
      %jit3A = arith.constant 0 : i32
      %broadcast_in_dim3A_265 = vector.broadcast %jit3A : i32 to vector<16xi32>
      %select_n3A = arith.select %ge3A_262, %sub3A_264, %broadcast_in_dim3A_265 : vector<16xi1>, vector<16xi32>
      %add3A_266 = arith.addi %mul3A_255, %select_n3A : vector<16xi32>
      %gather3A_267 = tpu.vector_load_idx %arg21[%add3A_266] masked %ge3A_262 : memref<1024xf32, #tpu.memory_space<vmem>>[vector<16xi32>], vector<16xf32>, vector<16xi1>
      %broadcast_in_dim3A_268 = vector.broadcast %mul3A_250 : i32 to vector<16xi32>
      %add3A_269 = arith.constant 96 : i32
      %add3A_270 = vector.broadcast %add3A_269 : i32 to vector<16xi32>
      %add3A_271 = arith.addi %add3A_270, %iota3A : vector<16xi32>
      tpu.vector_store_idx %arg19[%broadcast_in_dim3A_268, %add3A_271], %gather3A_267 masked %ge3A_262 : memref<64x216xf32, #tpu.memory_space<vmem>>[vector<16xi32>, vector<16xi32>], vector<16xf32>, vector<16xi1>
      %lt3A = arith.constant 4 : i32
      %lt3A_272 = vector.broadcast %lt3A : i32 to vector<16xi32>
      %lt3A_273 = arith.cmpi slt, %iota3A, %lt3A_272 : vector<16xi32>
      %add3A_274 = arith.constant 12 : i32
      %add3A_275 = vector.broadcast %add3A_274 : i32 to vector<16xi32>
      %add3A_276 = arith.addi %iota3A, %add3A_275 : vector<16xi32>
      %jit3A_277 = arith.constant 0 : i32
      %broadcast_in_dim3A_278 = vector.broadcast %jit3A_277 : i32 to vector<16xi32>
      %select_n3A_279 = arith.select %lt3A_273, %add3A_276, %broadcast_in_dim3A_278 : vector<16xi1>, vector<16xi32>
      %add3A_280 = arith.addi %mul3A_255, %select_n3A_279 : vector<16xi32>
      %gather3A_281 = tpu.vector_load_idx %arg21[%add3A_280] masked %lt3A_273 : memref<1024xf32, #tpu.memory_space<vmem>>[vector<16xi32>], vector<16xf32>, vector<16xi1>
      %sub3A_282 = arith.constant 4 : i32
      %sub3A_283 = vector.broadcast %sub3A_282 : i32 to vector<16xi32>
      %sub3A_284 = arith.subi %iota3A, %sub3A_283 : vector<16xi32>
      %not3A = arith.constant dense<true> : vector<16xi1>
      %not3A_285 = arith.xori %lt3A_273, %not3A : vector<16xi1>
      %jit3A_286 = arith.constant 0 : i32
      %broadcast_in_dim3A_287 = vector.broadcast %jit3A_286 : i32 to vector<16xi32>
      %select_n3A_288 = arith.select %not3A_285, %sub3A_284, %broadcast_in_dim3A_287 : vector<16xi1>, vector<16xi32>
      %broadcast_in_dim3A_289 = vector.broadcast %mul3A_250 : i32 to vector<16xi32>
      %gather3A_290 = tpu.vector_load_idx %arg15[%broadcast_in_dim3A_289, %select_n3A_288] masked %not3A_285 : memref<64x128xf32, #tpu.memory_space<vmem>>[vector<16xi32>, vector<16xi32>], vector<16xf32>, vector<16xi1>
      %select_n3A_291 = arith.select %lt3A_273, %gather3A_281, %gather3A_290 : vector<16xi1>, vector<16xf32>
      %swap3A = arith.index_cast %mul3A_250 : i32 to index
      %swap3A_292 = arith.constant 112 : index
      %swap3A_293 = tpu.vector_load %arg19[%swap3A, %swap3A_292] {strides = array<i32>} : memref<64x216xf32, #tpu.memory_space<vmem>>, vector<16xf32>,
      tpu.vector_store %arg19[%swap3A, %swap3A_292], %select_n3A_291 {strides = array<i32>} : memref<64x216xf32, #tpu.memory_space<vmem>>, vector<16xf32>,
      %get3A = arith.index_cast %mul3A_250 : i32 to index
      %get3A_294 = arith.constant 12 : index
      %get3A_295 = tpu.vector_load %arg15[%get3A, %get3A_294] {strides = array<i32>} : memref<64x128xf32, #tpu.memory_space<vmem>>, vector<16xf32>,
      %swap3A_296 = arith.index_cast %mul3A_250 : i32 to index
      %swap3A_297 = arith.constant 128 : index
      %swap3A_298 = tpu.vector_load %arg19[%swap3A_296, %swap3A_297] {strides = array<i32>} : memref<64x216xf32, #tpu.memory_space<vmem>>, vector<16xf32>,
      tpu.vector_store %arg19[%swap3A_296, %swap3A_297], %get3A_295 {strides = array<i32>} : memref<64x216xf32, #tpu.memory_space<vmem>>, vector<16xf32>,
      %get3A_299 = arith.index_cast %mul3A_250 : i32 to index
      %get3A_300 = arith.constant 28 : index
      %get3A_301 = tpu.vector_load %arg15[%get3A_299, %get3A_300] {strides = array<i32>} : memref<64x128xf32, #tpu.memory_space<vmem>>, vector<16xf32>,
      %swap3A_302 = arith.index_cast %mul3A_250 : i32 to index
      %swap3A_303 = arith.constant 144 : index
      %swap3A_304 = tpu.vector_load %arg19[%swap3A_302, %swap3A_303] {strides = array<i32>} : memref<64x216xf32, #tpu.memory_space<vmem>>, vector<16xf32>,
      tpu.vector_store %arg19[%swap3A_302, %swap3A_303], %get3A_301 {strides = array<i32>} : memref<64x216xf32, #tpu.memory_space<vmem>>, vector<16xf32>,
      %get3A_305 = arith.index_cast %mul3A_250 : i32 to index
      %get3A_306 = arith.constant 44 : index
      %get3A_307 = tpu.vector_load %arg15[%get3A_305, %get3A_306] {strides = array<i32>} : memref<64x128xf32, #tpu.memory_space<vmem>>, vector<16xf32>,
      %swap3A_308 = arith.index_cast %mul3A_250 : i32 to index
      %swap3A_309 = arith.constant 160 : index
      %swap3A_310 = tpu.vector_load %arg19[%swap3A_308, %swap3A_309] {strides = array<i32>} : memref<64x216xf32, #tpu.memory_space<vmem>>, vector<16xf32>,
      tpu.vector_store %arg19[%swap3A_308, %swap3A_309], %get3A_307 {strides = array<i32>} : memref<64x216xf32, #tpu.memory_space<vmem>>, vector<16xf32>,
      %get3A_311 = arith.index_cast %mul3A_250 : i32 to index
      %get3A_312 = arith.constant 60 : index
      %get3A_313 = tpu.vector_load %arg15[%get3A_311, %get3A_312] {strides = array<i32>} : memref<64x128xf32, #tpu.memory_space<vmem>>, vector<16xf32>,
      %swap3A_314 = arith.index_cast %mul3A_250 : i32 to index
      %swap3A_315 = arith.constant 176 : index
      %swap3A_316 = tpu.vector_load %arg19[%swap3A_314, %swap3A_315] {strides = array<i32>} : memref<64x216xf32, #tpu.memory_space<vmem>>, vector<16xf32>,
      tpu.vector_store %arg19[%swap3A_314, %swap3A_315], %get3A_313 {strides = array<i32>} : memref<64x216xf32, #tpu.memory_space<vmem>>, vector<16xf32>,
      %get3A_317 = arith.index_cast %mul3A_250 : i32 to index
      %get3A_318 = arith.constant 76 : index
      %get3A_319 = tpu.vector_load %arg15[%get3A_317, %get3A_318] {strides = array<i32>} : memref<64x128xf32, #tpu.memory_space<vmem>>, vector<16xf32>,
      %swap3A_320 = arith.index_cast %mul3A_250 : i32 to index
      %swap3A_321 = arith.constant 192 : index
      %swap3A_322 = tpu.vector_load %arg19[%swap3A_320, %swap3A_321] {strides = array<i32>} : memref<64x216xf32, #tpu.memory_space<vmem>>, vector<16xf32>,
      tpu.vector_store %arg19[%swap3A_320, %swap3A_321], %get3A_319 {strides = array<i32>} : memref<64x216xf32, #tpu.memory_space<vmem>>, vector<16xf32>,
      %lt3A_323 = arith.constant 8 : i32
      %lt3A_324 = vector.broadcast %lt3A_323 : i32 to vector<16xi32>
      %lt3A_325 = arith.cmpi slt, %iota3A, %lt3A_324 : vector<16xi32>
      %add3A_326 = arith.constant 92 : i32
      %add3A_327 = vector.broadcast %add3A_326 : i32 to vector<16xi32>
      %add3A_328 = arith.addi %add3A_327, %iota3A : vector<16xi32>
      %jit3A_329 = arith.constant 0 : i32
      %broadcast_in_dim3A_330 = vector.broadcast %jit3A_329 : i32 to vector<16xi32>
      %select_n3A_331 = arith.select %lt3A_325, %add3A_328, %broadcast_in_dim3A_330 : vector<16xi1>, vector<16xi32>
      %broadcast_in_dim3A_332 = vector.broadcast %mul3A_250 : i32 to vector<16xi32>
      %gather3A_333 = tpu.vector_load_idx %arg15[%broadcast_in_dim3A_332, %select_n3A_331] masked %lt3A_325 : memref<64x128xf32, #tpu.memory_space<vmem>>[vector<16xi32>, vector<16xi32>], vector<16xf32>, vector<16xi1>
      %broadcast_in_dim3A_334 = vector.broadcast %mul3A_250 : i32 to vector<16xi32>
      %add3A_335 = arith.constant 208 : i32
      %add3A_336 = vector.broadcast %add3A_335 : i32 to vector<16xi32>
      %add3A_337 = arith.addi %add3A_336, %iota3A : vector<16xi32>
      tpu.vector_store_idx %arg19[%broadcast_in_dim3A_334, %add3A_337], %gather3A_333 masked %lt3A_325 : memref<64x216xf32, #tpu.memory_space<vmem>>[vector<16xi32>, vector<16xi32>], vector<16xf32>, vector<16xi1>
      %ge3A_338 = arith.constant 12 : i32
      %ge3A_339 = vector.broadcast %ge3A_338 : i32 to vector<16xi32>
      %ge3A_340 = arith.cmpi sge, %iota3A, %ge3A_339 : vector<16xi32>
      %sub3A_341 = arith.constant 12 : i32
      %sub3A_342 = vector.broadcast %sub3A_341 : i32 to vector<16xi32>
      %sub3A_343 = arith.subi %iota3A, %sub3A_342 : vector<16xi32>
      %jit3A_344 = arith.constant 0 : i32
      %broadcast_in_dim3A_345 = vector.broadcast %jit3A_344 : i32 to vector<16xi32>
      %select_n3A_346 = arith.select %ge3A_340, %sub3A_343, %broadcast_in_dim3A_345 : vector<16xi1>, vector<16xi32>
      %add3A_347 = arith.addi %mul3A_260, %select_n3A_346 : vector<16xi32>
      %gather3A_348 = tpu.vector_load_idx %arg21[%add3A_347] masked %ge3A_340 : memref<1024xf32, #tpu.memory_space<vmem>>[vector<16xi32>], vector<16xf32>, vector<16xi1>
      %broadcast_in_dim3A_349 = vector.broadcast %add3A_252 : i32 to vector<16xi32>
      %add3A_350 = arith.constant 88 : i32
      %add3A_351 = vector.broadcast %add3A_350 : i32 to vector<16xi32>
      %add3A_352 = arith.addi %add3A_351, %iota3A : vector<16xi32>
      tpu.vector_store_idx %arg19[%broadcast_in_dim3A_349, %add3A_352], %gather3A_348 masked %ge3A_340 : memref<64x216xf32, #tpu.memory_space<vmem>>[vector<16xi32>, vector<16xi32>], vector<16xf32>, vector<16xi1>
      %lt3A_353 = arith.constant 12 : i32
      %lt3A_354 = vector.broadcast %lt3A_353 : i32 to vector<16xi32>
      %lt3A_355 = arith.cmpi slt, %iota3A, %lt3A_354 : vector<16xi32>
      %add3A_356 = arith.constant 4 : i32
      %add3A_357 = vector.broadcast %add3A_356 : i32 to vector<16xi32>
      %add3A_358 = arith.addi %iota3A, %add3A_357 : vector<16xi32>
      %jit3A_359 = arith.constant 0 : i32
      %broadcast_in_dim3A_360 = vector.broadcast %jit3A_359 : i32 to vector<16xi32>
      %select_n3A_361 = arith.select %lt3A_355, %add3A_358, %broadcast_in_dim3A_360 : vector<16xi1>, vector<16xi32>
      %add3A_362 = arith.addi %mul3A_260, %select_n3A_361 : vector<16xi32>
      %gather3A_363 = tpu.vector_load_idx %arg21[%add3A_362] masked %lt3A_355 : memref<1024xf32, #tpu.memory_space<vmem>>[vector<16xi32>], vector<16xf32>, vector<16xi1>
      %sub3A_364 = arith.constant 12 : i32
      %sub3A_365 = vector.broadcast %sub3A_364 : i32 to vector<16xi32>
      %sub3A_366 = arith.subi %iota3A, %sub3A_365 : vector<16xi32>
      %not3A_367 = arith.constant dense<true> : vector<16xi1>
      %not3A_368 = arith.xori %lt3A_355, %not3A_367 : vector<16xi1>
      %jit3A_369 = arith.constant 0 : i32
      %broadcast_in_dim3A_370 = vector.broadcast %jit3A_369 : i32 to vector<16xi32>
      %select_n3A_371 = arith.select %not3A_368, %sub3A_366, %broadcast_in_dim3A_370 : vector<16xi1>, vector<16xi32>
      %broadcast_in_dim3A_372 = vector.broadcast %add3A_252 : i32 to vector<16xi32>
      %gather3A_373 = tpu.vector_load_idx %arg15[%broadcast_in_dim3A_372, %select_n3A_371] masked %not3A_368 : memref<64x128xf32, #tpu.memory_space<vmem>>[vector<16xi32>, vector<16xi32>], vector<16xf32>, vector<16xi1>
      %select_n3A_374 = arith.select %lt3A_355, %gather3A_363, %gather3A_373 : vector<16xi1>, vector<16xf32>
      %swap3A_375 = arith.index_cast %add3A_252 : i32 to index
      %swap3A_376 = arith.constant 104 : index
      %swap3A_377 = tpu.vector_load %arg19[%swap3A_375, %swap3A_376] {strides = array<i32>} : memref<64x216xf32, #tpu.memory_space<vmem>>, vector<16xf32>,
      tpu.vector_store %arg19[%swap3A_375, %swap3A_376], %select_n3A_374 {strides = array<i32>} : memref<64x216xf32, #tpu.memory_space<vmem>>, vector<16xf32>,
      %get3A_378 = arith.index_cast %add3A_252 : i32 to index
      %get3A_379 = arith.constant 4 : index
      %get3A_380 = tpu.vector_load %arg15[%get3A_378, %get3A_379] {strides = array<i32>} : memref<64x128xf32, #tpu.memory_space<vmem>>, vector<16xf32>,
      %broadcast_in_dim3A_381 = vector.broadcast %add3A_252 : i32 to vector<16xi32>
      %add3A_382 = arith.constant 120 : i32
      %add3A_383 = vector.broadcast %add3A_382 : i32 to vector<16xi32>
      %add3A_384 = arith.addi %add3A_383, %iota3A : vector<16xi32>
      tpu.vector_store_idx %arg19[%broadcast_in_dim3A_381, %add3A_384], %get3A_380 : memref<64x216xf32, #tpu.memory_space<vmem>>[vector<16xi32>, vector<16xi32>], vector<16xf32>,
      %get3A_385 = arith.index_cast %add3A_252 : i32 to index
      %get3A_386 = arith.constant 20 : index
      %get3A_387 = tpu.vector_load %arg15[%get3A_385, %get3A_386] {strides = array<i32>} : memref<64x128xf32, #tpu.memory_space<vmem>>, vector<16xf32>,
      %swap3A_388 = arith.index_cast %add3A_252 : i32 to index
      %swap3A_389 = arith.constant 136 : index
      %swap3A_390 = tpu.vector_load %arg19[%swap3A_388, %swap3A_389] {strides = array<i32>} : memref<64x216xf32, #tpu.memory_space<vmem>>, vector<16xf32>,
      tpu.vector_store %arg19[%swap3A_388, %swap3A_389], %get3A_387 {strides = array<i32>} : memref<64x216xf32, #tpu.memory_space<vmem>>, vector<16xf32>,
      %get3A_391 = arith.index_cast %add3A_252 : i32 to index
      %get3A_392 = arith.constant 36 : index
      %get3A_393 = tpu.vector_load %arg15[%get3A_391, %get3A_392] {strides = array<i32>} : memref<64x128xf32, #tpu.memory_space<vmem>>, vector<16xf32>,
      %swap3A_394 = arith.index_cast %add3A_252 : i32 to index
      %swap3A_395 = arith.constant 152 : index
      %swap3A_396 = tpu.vector_load %arg19[%swap3A_394, %swap3A_395] {strides = array<i32>} : memref<64x216xf32, #tpu.memory_space<vmem>>, vector<16xf32>,
      tpu.vector_store %arg19[%swap3A_394, %swap3A_395], %get3A_393 {strides = array<i32>} : memref<64x216xf32, #tpu.memory_space<vmem>>, vector<16xf32>,
      %get3A_397 = arith.index_cast %add3A_252 : i32 to index
      %get3A_398 = arith.constant 52 : index
      %get3A_399 = tpu.vector_load %arg15[%get3A_397, %get3A_398] {strides = array<i32>} : memref<64x128xf32, #tpu.memory_space<vmem>>, vector<16xf32>,
      %swap3A_400 = arith.index_cast %add3A_252 : i32 to index
      %swap3A_401 = arith.constant 168 : index
      %swap3A_402 = tpu.vector_load %arg19[%swap3A_400, %swap3A_401] {strides = array<i32>} : memref<64x216xf32, #tpu.memory_space<vmem>>, vector<16xf32>,
      tpu.vector_store %arg19[%swap3A_400, %swap3A_401], %get3A_399 {strides = array<i32>} : memref<64x216xf32, #tpu.memory_space<vmem>>, vector<16xf32>,
      %get3A_403 = arith.index_cast %add3A_252 : i32 to index
      %get3A_404 = arith.constant 68 : index
      %get3A_405 = tpu.vector_load %arg15[%get3A_403, %get3A_404] {strides = array<i32>} : memref<64x128xf32, #tpu.memory_space<vmem>>, vector<16xf32>,
      %swap3A_406 = arith.index_cast %add3A_252 : i32 to index
      %swap3A_407 = arith.constant 184 : index
      %swap3A_408 = tpu.vector_load %arg19[%swap3A_406, %swap3A_407] {strides = array<i32>} : memref<64x216xf32, #tpu.memory_space<vmem>>, vector<16xf32>,
      tpu.vector_store %arg19[%swap3A_406, %swap3A_407], %get3A_405 {strides = array<i32>} : memref<64x216xf32, #tpu.memory_space<vmem>>, vector<16xf32>,
      %get3A_409 = arith.index_cast %add3A_252 : i32 to index
      %get3A_410 = arith.constant 84 : index
      %get3A_411 = tpu.vector_load %arg15[%get3A_409, %get3A_410] {strides = array<i32>} : memref<64x128xf32, #tpu.memory_space<vmem>>, vector<16xf32>,
      %swap3A_412 = arith.index_cast %add3A_252 : i32 to index
      %swap3A_413 = arith.constant 200 : index
      %swap3A_414 = tpu.vector_load %arg19[%swap3A_412, %swap3A_413] {strides = array<i32>} : memref<64x216xf32, #tpu.memory_space<vmem>>, vector<16xf32>,
      tpu.vector_store %arg19[%swap3A_412, %swap3A_413], %get3A_411 {strides = array<i32>} : memref<64x216xf32, #tpu.memory_space<vmem>>, vector<16xf32>,
    }
    %scan3A_192 = arith.constant 32 : i32
    %add3A_193 = arith.constant 25472 : i32
    %add3A_194 = arith.addi %mul3A_2, %add3A_193 : i32
    %dma_start3A_195 = arith.constant 0 : i32
    %dma_start3A_196 = tpu.memref_slice %arg8[%add3A_194, %dma_start3A_195] : memref<819200x216xf32, #tpu.memory_space<hbm>> -> memref<64x216xf32, #tpu.memory_space<hbm>>
    %dma_start3A_197 = arith.constant 0 : i32
    %dma_start3A_198 = tpu.memref_slice %arg8[%add3A_194, %dma_start3A_197] : memref<819200x216xf32, #tpu.memory_space<hbm>> -> memref<64x216xf32, #tpu.memory_space<hbm>>
    tpu.enqueue_dma source(%arg19 : memref<64x216xf32, #tpu.memory_space<vmem>>) target(%dma_start3A_198 : memref<64x216xf32, #tpu.memory_space<hbm>>) target_semaphore(%arg30 : memref<!tpu.dma_semaphore, #tpu.memory_space<semaphore_mem>>)
    %dma_wait3A_199 = arith.constant 0 : i32
    %dma_wait3A_200 = arith.constant 0 : i32
    %dma_wait3A_201 = tpu.memref_slice %arg20[%dma_wait3A_199, %dma_wait3A_200] : memref<64x216xf32, #tpu.memory_space<vmem>> -> memref<64x128xf32, #tpu.memory_space<vmem>>
    %dma_wait3A_202 = arith.constant 0 : i32
    %dma_wait3A_203 = arith.constant 0 : i32
    %dma_wait3A_204 = tpu.memref_slice %arg5[%dma_wait3A_202, %dma_wait3A_203] : memref<100000x128xf32, #tpu.memory_space<hbm>> -> memref<100000x128xf32, #tpu.memory_space<hbm>>
    tpu.wait_indirect_dma semaphore(%arg27 : memref<!tpu.dma_semaphore, #tpu.memory_space<semaphore_mem>>) src(%dma_wait3A_204 : memref<100000x128xf32, #tpu.memory_space<hbm>>) dst(%dma_wait3A_201 : memref<64x128xf32, #tpu.memory_space<vmem>>)
    %dma_wait3A_205 = arith.constant 0 : i32
    %dma_wait3A_206 = arith.constant 0 : i32
    %dma_wait3A_207 = tpu.memref_slice %arg7[%dma_wait3A_205, %dma_wait3A_206] : memref<100000x128xf32, #tpu.memory_space<hbm>> -> memref<100000x128xf32, #tpu.memory_space<hbm>>
    tpu.wait_indirect_dma semaphore(%arg27 : memref<!tpu.dma_semaphore, #tpu.memory_space<semaphore_mem>>) src(%dma_wait3A_207 : memref<100000x128xf32, #tpu.memory_space<hbm>>) dst(%arg16 : memref<64x128xf32, #tpu.memory_space<vmem>>)
    %add3A_208 = arith.constant 25536 : i32
    %add3A_209 = arith.addi %mul3A_2, %add3A_208 : i32
    %dma_wait3A_210 = tpu.memref_slice %arg3[%add3A_209] : memref<819200xi32, #tpu.memory_space<hbm>> -> memref<64xi32, #tpu.memory_space<hbm>>
    %dma_wait3A_211 = tpu.memref_slice %arg3[%add3A_209] : memref<819200xi32, #tpu.memory_space<hbm>> -> memref<64xi32, #tpu.memory_space<hbm>>
    tpu.wait_dma2 semaphore(%arg25 : memref<!tpu.dma_semaphore, #tpu.memory_space<semaphore_mem>>) src(%dma_wait3A_211 : memref<64xi32, #tpu.memory_space<hbm>>) dst(%arg14 : memref<64xi32, #tpu.memory_space<vmem>>)
    %scan3A_212 = arith.constant 0 : i32
    %scan3A_213 = arith.constant 0 : i32
    %scan3A_214 = arith.constant 32 : i32
    %scan3A_215 = arith.addi %scan3A_213, %scan3A_214 : i32
    %scan3A_216 = arith.constant 1 : i32
    scf.for %scan3A_248 = %scan3A_213 to %scan3A_215 step %scan3A_216  : i32 {
      %mul3A_249 = arith.constant 2 : i32
      %mul3A_250 = arith.muli %mul3A_249, %scan3A_248 : i32
      %add3A_251 = arith.constant 1 : i32
      %add3A_252 = arith.addi %mul3A_250, %add3A_251 : i32
      %broadcast_in_dim3A = vector.broadcast %mul3A_250 : i32 to vector<16xi32>
      %gather3A = tpu.vector_load_idx %arg14[%broadcast_in_dim3A] : memref<64xi32, #tpu.memory_space<vmem>>[vector<16xi32>], vector<16xi32>,
      %mul3A_253 = arith.constant 16 : i32
      %mul3A_254 = vector.broadcast %mul3A_253 : i32 to vector<16xi32>
      %mul3A_255 = arith.muli %gather3A, %mul3A_254 : vector<16xi32>
      %broadcast_in_dim3A_256 = vector.broadcast %add3A_252 : i32 to vector<16xi32>
      %gather3A_257 = tpu.vector_load_idx %arg14[%broadcast_in_dim3A_256] : memref<64xi32, #tpu.memory_space<vmem>>[vector<16xi32>], vector<16xi32>,
      %mul3A_258 = arith.constant 16 : i32
      %mul3A_259 = vector.broadcast %mul3A_258 : i32 to vector<16xi32>
      %mul3A_260 = arith.muli %gather3A_257, %mul3A_259 : vector<16xi32>
      %ge3A = arith.constant 4 : i32
      %ge3A_261 = vector.broadcast %ge3A : i32 to vector<16xi32>
      %ge3A_262 = arith.cmpi sge, %iota3A, %ge3A_261 : vector<16xi32>
      %sub3A = arith.constant 4 : i32
      %sub3A_263 = vector.broadcast %sub3A : i32 to vector<16xi32>
      %sub3A_264 = arith.subi %iota3A, %sub3A_263 : vector<16xi32>
      %jit3A = arith.constant 0 : i32
      %broadcast_in_dim3A_265 = vector.broadcast %jit3A : i32 to vector<16xi32>
      %select_n3A = arith.select %ge3A_262, %sub3A_264, %broadcast_in_dim3A_265 : vector<16xi1>, vector<16xi32>
      %add3A_266 = arith.addi %mul3A_255, %select_n3A : vector<16xi32>
      %gather3A_267 = tpu.vector_load_idx %arg21[%add3A_266] masked %ge3A_262 : memref<1024xf32, #tpu.memory_space<vmem>>[vector<16xi32>], vector<16xf32>, vector<16xi1>
      %broadcast_in_dim3A_268 = vector.broadcast %mul3A_250 : i32 to vector<16xi32>
      %add3A_269 = arith.constant 96 : i32
      %add3A_270 = vector.broadcast %add3A_269 : i32 to vector<16xi32>
      %add3A_271 = arith.addi %add3A_270, %iota3A : vector<16xi32>
      tpu.vector_store_idx %arg20[%broadcast_in_dim3A_268, %add3A_271], %gather3A_267 masked %ge3A_262 : memref<64x216xf32, #tpu.memory_space<vmem>>[vector<16xi32>, vector<16xi32>], vector<16xf32>, vector<16xi1>
      %lt3A = arith.constant 4 : i32
      %lt3A_272 = vector.broadcast %lt3A : i32 to vector<16xi32>
      %lt3A_273 = arith.cmpi slt, %iota3A, %lt3A_272 : vector<16xi32>
      %add3A_274 = arith.constant 12 : i32
      %add3A_275 = vector.broadcast %add3A_274 : i32 to vector<16xi32>
      %add3A_276 = arith.addi %iota3A, %add3A_275 : vector<16xi32>
      %jit3A_277 = arith.constant 0 : i32
      %broadcast_in_dim3A_278 = vector.broadcast %jit3A_277 : i32 to vector<16xi32>
      %select_n3A_279 = arith.select %lt3A_273, %add3A_276, %broadcast_in_dim3A_278 : vector<16xi1>, vector<16xi32>
      %add3A_280 = arith.addi %mul3A_255, %select_n3A_279 : vector<16xi32>
      %gather3A_281 = tpu.vector_load_idx %arg21[%add3A_280] masked %lt3A_273 : memref<1024xf32, #tpu.memory_space<vmem>>[vector<16xi32>], vector<16xf32>, vector<16xi1>
      %sub3A_282 = arith.constant 4 : i32
      %sub3A_283 = vector.broadcast %sub3A_282 : i32 to vector<16xi32>
      %sub3A_284 = arith.subi %iota3A, %sub3A_283 : vector<16xi32>
      %not3A = arith.constant dense<true> : vector<16xi1>
      %not3A_285 = arith.xori %lt3A_273, %not3A : vector<16xi1>
      %jit3A_286 = arith.constant 0 : i32
      %broadcast_in_dim3A_287 = vector.broadcast %jit3A_286 : i32 to vector<16xi32>
      %select_n3A_288 = arith.select %not3A_285, %sub3A_284, %broadcast_in_dim3A_287 : vector<16xi1>, vector<16xi32>
      %broadcast_in_dim3A_289 = vector.broadcast %mul3A_250 : i32 to vector<16xi32>
      %gather3A_290 = tpu.vector_load_idx %arg16[%broadcast_in_dim3A_289, %select_n3A_288] masked %not3A_285 : memref<64x128xf32, #tpu.memory_space<vmem>>[vector<16xi32>, vector<16xi32>], vector<16xf32>, vector<16xi1>
      %select_n3A_291 = arith.select %lt3A_273, %gather3A_281, %gather3A_290 : vector<16xi1>, vector<16xf32>
      %swap3A = arith.index_cast %mul3A_250 : i32 to index
      %swap3A_292 = arith.constant 112 : index
      %swap3A_293 = tpu.vector_load %arg20[%swap3A, %swap3A_292] {strides = array<i32>} : memref<64x216xf32, #tpu.memory_space<vmem>>, vector<16xf32>,
      tpu.vector_store %arg20[%swap3A, %swap3A_292], %select_n3A_291 {strides = array<i32>} : memref<64x216xf32, #tpu.memory_space<vmem>>, vector<16xf32>,
      %get3A = arith.index_cast %mul3A_250 : i32 to index
      %get3A_294 = arith.constant 12 : index
      %get3A_295 = tpu.vector_load %arg16[%get3A, %get3A_294] {strides = array<i32>} : memref<64x128xf32, #tpu.memory_space<vmem>>, vector<16xf32>,
      %swap3A_296 = arith.index_cast %mul3A_250 : i32 to index
      %swap3A_297 = arith.constant 128 : index
      %swap3A_298 = tpu.vector_load %arg20[%swap3A_296, %swap3A_297] {strides = array<i32>} : memref<64x216xf32, #tpu.memory_space<vmem>>, vector<16xf32>,
      tpu.vector_store %arg20[%swap3A_296, %swap3A_297], %get3A_295 {strides = array<i32>} : memref<64x216xf32, #tpu.memory_space<vmem>>, vector<16xf32>,
      %get3A_299 = arith.index_cast %mul3A_250 : i32 to index
      %get3A_300 = arith.constant 28 : index
      %get3A_301 = tpu.vector_load %arg16[%get3A_299, %get3A_300] {strides = array<i32>} : memref<64x128xf32, #tpu.memory_space<vmem>>, vector<16xf32>,
      %swap3A_302 = arith.index_cast %mul3A_250 : i32 to index
      %swap3A_303 = arith.constant 144 : index
      %swap3A_304 = tpu.vector_load %arg20[%swap3A_302, %swap3A_303] {strides = array<i32>} : memref<64x216xf32, #tpu.memory_space<vmem>>, vector<16xf32>,
      tpu.vector_store %arg20[%swap3A_302, %swap3A_303], %get3A_301 {strides = array<i32>} : memref<64x216xf32, #tpu.memory_space<vmem>>, vector<16xf32>,
      %get3A_305 = arith.index_cast %mul3A_250 : i32 to index
      %get3A_306 = arith.constant 44 : index
      %get3A_307 = tpu.vector_load %arg16[%get3A_305, %get3A_306] {strides = array<i32>} : memref<64x128xf32, #tpu.memory_space<vmem>>, vector<16xf32>,
      %swap3A_308 = arith.index_cast %mul3A_250 : i32 to index
      %swap3A_309 = arith.constant 160 : index
      %swap3A_310 = tpu.vector_load %arg20[%swap3A_308, %swap3A_309] {strides = array<i32>} : memref<64x216xf32, #tpu.memory_space<vmem>>, vector<16xf32>,
      tpu.vector_store %arg20[%swap3A_308, %swap3A_309], %get3A_307 {strides = array<i32>} : memref<64x216xf32, #tpu.memory_space<vmem>>, vector<16xf32>,
      %get3A_311 = arith.index_cast %mul3A_250 : i32 to index
      %get3A_312 = arith.constant 60 : index
      %get3A_313 = tpu.vector_load %arg16[%get3A_311, %get3A_312] {strides = array<i32>} : memref<64x128xf32, #tpu.memory_space<vmem>>, vector<16xf32>,
      %swap3A_314 = arith.index_cast %mul3A_250 : i32 to index
      %swap3A_315 = arith.constant 176 : index
      %swap3A_316 = tpu.vector_load %arg20[%swap3A_314, %swap3A_315] {strides = array<i32>} : memref<64x216xf32, #tpu.memory_space<vmem>>, vector<16xf32>,
      tpu.vector_store %arg20[%swap3A_314, %swap3A_315], %get3A_313 {strides = array<i32>} : memref<64x216xf32, #tpu.memory_space<vmem>>, vector<16xf32>,
      %get3A_317 = arith.index_cast %mul3A_250 : i32 to index
      %get3A_318 = arith.constant 76 : index
      %get3A_319 = tpu.vector_load %arg16[%get3A_317, %get3A_318] {strides = array<i32>} : memref<64x128xf32, #tpu.memory_space<vmem>>, vector<16xf32>,
      %swap3A_320 = arith.index_cast %mul3A_250 : i32 to index
      %swap3A_321 = arith.constant 192 : index
      %swap3A_322 = tpu.vector_load %arg20[%swap3A_320, %swap3A_321] {strides = array<i32>} : memref<64x216xf32, #tpu.memory_space<vmem>>, vector<16xf32>,
      tpu.vector_store %arg20[%swap3A_320, %swap3A_321], %get3A_319 {strides = array<i32>} : memref<64x216xf32, #tpu.memory_space<vmem>>, vector<16xf32>,
      %lt3A_323 = arith.constant 8 : i32
      %lt3A_324 = vector.broadcast %lt3A_323 : i32 to vector<16xi32>
      %lt3A_325 = arith.cmpi slt, %iota3A, %lt3A_324 : vector<16xi32>
      %add3A_326 = arith.constant 92 : i32
      %add3A_327 = vector.broadcast %add3A_326 : i32 to vector<16xi32>
      %add3A_328 = arith.addi %add3A_327, %iota3A : vector<16xi32>
      %jit3A_329 = arith.constant 0 : i32
      %broadcast_in_dim3A_330 = vector.broadcast %jit3A_329 : i32 to vector<16xi32>
      %select_n3A_331 = arith.select %lt3A_325, %add3A_328, %broadcast_in_dim3A_330 : vector<16xi1>, vector<16xi32>
      %broadcast_in_dim3A_332 = vector.broadcast %mul3A_250 : i32 to vector<16xi32>
      %gather3A_333 = tpu.vector_load_idx %arg16[%broadcast_in_dim3A_332, %select_n3A_331] masked %lt3A_325 : memref<64x128xf32, #tpu.memory_space<vmem>>[vector<16xi32>, vector<16xi32>], vector<16xf32>, vector<16xi1>
      %broadcast_in_dim3A_334 = vector.broadcast %mul3A_250 : i32 to vector<16xi32>
      %add3A_335 = arith.constant 208 : i32
      %add3A_336 = vector.broadcast %add3A_335 : i32 to vector<16xi32>
      %add3A_337 = arith.addi %add3A_336, %iota3A : vector<16xi32>
      tpu.vector_store_idx %arg20[%broadcast_in_dim3A_334, %add3A_337], %gather3A_333 masked %lt3A_325 : memref<64x216xf32, #tpu.memory_space<vmem>>[vector<16xi32>, vector<16xi32>], vector<16xf32>, vector<16xi1>
      %ge3A_338 = arith.constant 12 : i32
      %ge3A_339 = vector.broadcast %ge3A_338 : i32 to vector<16xi32>
      %ge3A_340 = arith.cmpi sge, %iota3A, %ge3A_339 : vector<16xi32>
      %sub3A_341 = arith.constant 12 : i32
      %sub3A_342 = vector.broadcast %sub3A_341 : i32 to vector<16xi32>
      %sub3A_343 = arith.subi %iota3A, %sub3A_342 : vector<16xi32>
      %jit3A_344 = arith.constant 0 : i32
      %broadcast_in_dim3A_345 = vector.broadcast %jit3A_344 : i32 to vector<16xi32>
      %select_n3A_346 = arith.select %ge3A_340, %sub3A_343, %broadcast_in_dim3A_345 : vector<16xi1>, vector<16xi32>
      %add3A_347 = arith.addi %mul3A_260, %select_n3A_346 : vector<16xi32>
      %gather3A_348 = tpu.vector_load_idx %arg21[%add3A_347] masked %ge3A_340 : memref<1024xf32, #tpu.memory_space<vmem>>[vector<16xi32>], vector<16xf32>, vector<16xi1>
      %broadcast_in_dim3A_349 = vector.broadcast %add3A_252 : i32 to vector<16xi32>
      %add3A_350 = arith.constant 88 : i32
      %add3A_351 = vector.broadcast %add3A_350 : i32 to vector<16xi32>
      %add3A_352 = arith.addi %add3A_351, %iota3A : vector<16xi32>
      tpu.vector_store_idx %arg20[%broadcast_in_dim3A_349, %add3A_352], %gather3A_348 masked %ge3A_340 : memref<64x216xf32, #tpu.memory_space<vmem>>[vector<16xi32>, vector<16xi32>], vector<16xf32>, vector<16xi1>
      %lt3A_353 = arith.constant 12 : i32
      %lt3A_354 = vector.broadcast %lt3A_353 : i32 to vector<16xi32>
      %lt3A_355 = arith.cmpi slt, %iota3A, %lt3A_354 : vector<16xi32>
      %add3A_356 = arith.constant 4 : i32
      %add3A_357 = vector.broadcast %add3A_356 : i32 to vector<16xi32>
      %add3A_358 = arith.addi %iota3A, %add3A_357 : vector<16xi32>
      %jit3A_359 = arith.constant 0 : i32
      %broadcast_in_dim3A_360 = vector.broadcast %jit3A_359 : i32 to vector<16xi32>
      %select_n3A_361 = arith.select %lt3A_355, %add3A_358, %broadcast_in_dim3A_360 : vector<16xi1>, vector<16xi32>
      %add3A_362 = arith.addi %mul3A_260, %select_n3A_361 : vector<16xi32>
      %gather3A_363 = tpu.vector_load_idx %arg21[%add3A_362] masked %lt3A_355 : memref<1024xf32, #tpu.memory_space<vmem>>[vector<16xi32>], vector<16xf32>, vector<16xi1>
      %sub3A_364 = arith.constant 12 : i32
      %sub3A_365 = vector.broadcast %sub3A_364 : i32 to vector<16xi32>
      %sub3A_366 = arith.subi %iota3A, %sub3A_365 : vector<16xi32>
      %not3A_367 = arith.constant dense<true> : vector<16xi1>
      %not3A_368 = arith.xori %lt3A_355, %not3A_367 : vector<16xi1>
      %jit3A_369 = arith.constant 0 : i32
      %broadcast_in_dim3A_370 = vector.broadcast %jit3A_369 : i32 to vector<16xi32>
      %select_n3A_371 = arith.select %not3A_368, %sub3A_366, %broadcast_in_dim3A_370 : vector<16xi1>, vector<16xi32>
      %broadcast_in_dim3A_372 = vector.broadcast %add3A_252 : i32 to vector<16xi32>
      %gather3A_373 = tpu.vector_load_idx %arg16[%broadcast_in_dim3A_372, %select_n3A_371] masked %not3A_368 : memref<64x128xf32, #tpu.memory_space<vmem>>[vector<16xi32>, vector<16xi32>], vector<16xf32>, vector<16xi1>
      %select_n3A_374 = arith.select %lt3A_355, %gather3A_363, %gather3A_373 : vector<16xi1>, vector<16xf32>
      %swap3A_375 = arith.index_cast %add3A_252 : i32 to index
      %swap3A_376 = arith.constant 104 : index
      %swap3A_377 = tpu.vector_load %arg20[%swap3A_375, %swap3A_376] {strides = array<i32>} : memref<64x216xf32, #tpu.memory_space<vmem>>, vector<16xf32>,
      tpu.vector_store %arg20[%swap3A_375, %swap3A_376], %select_n3A_374 {strides = array<i32>} : memref<64x216xf32, #tpu.memory_space<vmem>>, vector<16xf32>,
      %get3A_378 = arith.index_cast %add3A_252 : i32 to index
      %get3A_379 = arith.constant 4 : index
      %get3A_380 = tpu.vector_load %arg16[%get3A_378, %get3A_379] {strides = array<i32>} : memref<64x128xf32, #tpu.memory_space<vmem>>, vector<16xf32>,
      %broadcast_in_dim3A_381 = vector.broadcast %add3A_252 : i32 to vector<16xi32>
      %add3A_382 = arith.constant 120 : i32
      %add3A_383 = vector.broadcast %add3A_382 : i32 to vector<16xi32>
      %add3A_384 = arith.addi %add3A_383, %iota3A : vector<16xi32>
      tpu.vector_store_idx %arg20[%broadcast_in_dim3A_381, %add3A_384], %get3A_380 : memref<64x216xf32, #tpu.memory_space<vmem>>[vector<16xi32>, vector<16xi32>], vector<16xf32>,
      %get3A_385 = arith.index_cast %add3A_252 : i32 to index
      %get3A_386 = arith.constant 20 : index
      %get3A_387 = tpu.vector_load %arg16[%get3A_385, %get3A_386] {strides = array<i32>} : memref<64x128xf32, #tpu.memory_space<vmem>>, vector<16xf32>,
      %swap3A_388 = arith.index_cast %add3A_252 : i32 to index
      %swap3A_389 = arith.constant 136 : index
      %swap3A_390 = tpu.vector_load %arg20[%swap3A_388, %swap3A_389] {strides = array<i32>} : memref<64x216xf32, #tpu.memory_space<vmem>>, vector<16xf32>,
      tpu.vector_store %arg20[%swap3A_388, %swap3A_389], %get3A_387 {strides = array<i32>} : memref<64x216xf32, #tpu.memory_space<vmem>>, vector<16xf32>,
      %get3A_391 = arith.index_cast %add3A_252 : i32 to index
      %get3A_392 = arith.constant 36 : index
      %get3A_393 = tpu.vector_load %arg16[%get3A_391, %get3A_392] {strides = array<i32>} : memref<64x128xf32, #tpu.memory_space<vmem>>, vector<16xf32>,
      %swap3A_394 = arith.index_cast %add3A_252 : i32 to index
      %swap3A_395 = arith.constant 152 : index
      %swap3A_396 = tpu.vector_load %arg20[%swap3A_394, %swap3A_395] {strides = array<i32>} : memref<64x216xf32, #tpu.memory_space<vmem>>, vector<16xf32>,
      tpu.vector_store %arg20[%swap3A_394, %swap3A_395], %get3A_393 {strides = array<i32>} : memref<64x216xf32, #tpu.memory_space<vmem>>, vector<16xf32>,
      %get3A_397 = arith.index_cast %add3A_252 : i32 to index
      %get3A_398 = arith.constant 52 : index
      %get3A_399 = tpu.vector_load %arg16[%get3A_397, %get3A_398] {strides = array<i32>} : memref<64x128xf32, #tpu.memory_space<vmem>>, vector<16xf32>,
      %swap3A_400 = arith.index_cast %add3A_252 : i32 to index
      %swap3A_401 = arith.constant 168 : index
      %swap3A_402 = tpu.vector_load %arg20[%swap3A_400, %swap3A_401] {strides = array<i32>} : memref<64x216xf32, #tpu.memory_space<vmem>>, vector<16xf32>,
      tpu.vector_store %arg20[%swap3A_400, %swap3A_401], %get3A_399 {strides = array<i32>} : memref<64x216xf32, #tpu.memory_space<vmem>>, vector<16xf32>,
      %get3A_403 = arith.index_cast %add3A_252 : i32 to index
      %get3A_404 = arith.constant 68 : index
      %get3A_405 = tpu.vector_load %arg16[%get3A_403, %get3A_404] {strides = array<i32>} : memref<64x128xf32, #tpu.memory_space<vmem>>, vector<16xf32>,
      %swap3A_406 = arith.index_cast %add3A_252 : i32 to index
      %swap3A_407 = arith.constant 184 : index
      %swap3A_408 = tpu.vector_load %arg20[%swap3A_406, %swap3A_407] {strides = array<i32>} : memref<64x216xf32, #tpu.memory_space<vmem>>, vector<16xf32>,
      tpu.vector_store %arg20[%swap3A_406, %swap3A_407], %get3A_405 {strides = array<i32>} : memref<64x216xf32, #tpu.memory_space<vmem>>, vector<16xf32>,
      %get3A_409 = arith.index_cast %add3A_252 : i32 to index
      %get3A_410 = arith.constant 84 : index
      %get3A_411 = tpu.vector_load %arg16[%get3A_409, %get3A_410] {strides = array<i32>} : memref<64x128xf32, #tpu.memory_space<vmem>>, vector<16xf32>,
      %swap3A_412 = arith.index_cast %add3A_252 : i32 to index
      %swap3A_413 = arith.constant 200 : index
      %swap3A_414 = tpu.vector_load %arg20[%swap3A_412, %swap3A_413] {strides = array<i32>} : memref<64x216xf32, #tpu.memory_space<vmem>>, vector<16xf32>,
      tpu.vector_store %arg20[%swap3A_412, %swap3A_413], %get3A_411 {strides = array<i32>} : memref<64x216xf32, #tpu.memory_space<vmem>>, vector<16xf32>,
    }
    %scan3A_217 = arith.constant 32 : i32
    %add3A_218 = arith.constant 25536 : i32
    %add3A_219 = arith.addi %mul3A_2, %add3A_218 : i32
    %dma_start3A_220 = arith.constant 0 : i32
    %dma_start3A_221 = tpu.memref_slice %arg8[%add3A_219, %dma_start3A_220] : memref<819200x216xf32, #tpu.memory_space<hbm>> -> memref<64x216xf32, #tpu.memory_space<hbm>>
    %dma_start3A_222 = arith.constant 0 : i32
    %dma_start3A_223 = tpu.memref_slice %arg8[%add3A_219, %dma_start3A_222] : memref<819200x216xf32, #tpu.memory_space<hbm>> -> memref<64x216xf32, #tpu.memory_space<hbm>>
    tpu.enqueue_dma source(%arg20 : memref<64x216xf32, #tpu.memory_space<vmem>>) target(%dma_start3A_223 : memref<64x216xf32, #tpu.memory_space<hbm>>) target_semaphore(%arg31 : memref<!tpu.dma_semaphore, #tpu.memory_space<semaphore_mem>>)
    %add3A_224 = arith.constant 25344 : i32
    %add3A_225 = arith.addi %mul3A_2, %add3A_224 : i32
    %dma_wait3A_226 = arith.constant 0 : i32
    %dma_wait3A_227 = tpu.memref_slice %arg8[%add3A_225, %dma_wait3A_226] : memref<819200x216xf32, #tpu.memory_space<hbm>> -> memref<64x216xf32, #tpu.memory_space<hbm>>
    %dma_wait3A_228 = arith.constant 0 : i32
    %dma_wait3A_229 = tpu.memref_slice %arg8[%add3A_225, %dma_wait3A_228] : memref<819200x216xf32, #tpu.memory_space<hbm>> -> memref<64x216xf32, #tpu.memory_space<hbm>>
    tpu.wait_dma2 semaphore(%arg28 : memref<!tpu.dma_semaphore, #tpu.memory_space<semaphore_mem>>) src(%arg17 : memref<64x216xf32, #tpu.memory_space<vmem>>) dst(%dma_wait3A_229 : memref<64x216xf32, #tpu.memory_space<hbm>>)
    %add3A_230 = arith.constant 25408 : i32
    %add3A_231 = arith.addi %mul3A_2, %add3A_230 : i32
    %dma_wait3A_232 = arith.constant 0 : i32
    %dma_wait3A_233 = tpu.memref_slice %arg8[%add3A_231, %dma_wait3A_232] : memref<819200x216xf32, #tpu.memory_space<hbm>> -> memref<64x216xf32, #tpu.memory_space<hbm>>
    %dma_wait3A_234 = arith.constant 0 : i32
    %dma_wait3A_235 = tpu.memref_slice %arg8[%add3A_231, %dma_wait3A_234] : memref<819200x216xf32, #tpu.memory_space<hbm>> -> memref<64x216xf32, #tpu.memory_space<hbm>>
    tpu.wait_dma2 semaphore(%arg29 : memref<!tpu.dma_semaphore, #tpu.memory_space<semaphore_mem>>) src(%arg18 : memref<64x216xf32, #tpu.memory_space<vmem>>) dst(%dma_wait3A_235 : memref<64x216xf32, #tpu.memory_space<hbm>>)
    %add3A_236 = arith.constant 25472 : i32
    %add3A_237 = arith.addi %mul3A_2, %add3A_236 : i32
    %dma_wait3A_238 = arith.constant 0 : i32
    %dma_wait3A_239 = tpu.memref_slice %arg8[%add3A_237, %dma_wait3A_238] : memref<819200x216xf32, #tpu.memory_space<hbm>> -> memref<64x216xf32, #tpu.memory_space<hbm>>
    %dma_wait3A_240 = arith.constant 0 : i32
    %dma_wait3A_241 = tpu.memref_slice %arg8[%add3A_237, %dma_wait3A_240] : memref<819200x216xf32, #tpu.memory_space<hbm>> -> memref<64x216xf32, #tpu.memory_space<hbm>>
    tpu.wait_dma2 semaphore(%arg30 : memref<!tpu.dma_semaphore, #tpu.memory_space<semaphore_mem>>) src(%arg19 : memref<64x216xf32, #tpu.memory_space<vmem>>) dst(%dma_wait3A_241 : memref<64x216xf32, #tpu.memory_space<hbm>>)
    %add3A_242 = arith.constant 25536 : i32
    %add3A_243 = arith.addi %mul3A_2, %add3A_242 : i32
    %dma_wait3A_244 = arith.constant 0 : i32
    %dma_wait3A_245 = tpu.memref_slice %arg8[%add3A_243, %dma_wait3A_244] : memref<819200x216xf32, #tpu.memory_space<hbm>> -> memref<64x216xf32, #tpu.memory_space<hbm>>
    %dma_wait3A_246 = arith.constant 0 : i32
    %dma_wait3A_247 = tpu.memref_slice %arg8[%add3A_243, %dma_wait3A_246] : memref<819200x216xf32, #tpu.memory_space<hbm>> -> memref<64x216xf32, #tpu.memory_space<hbm>>
    tpu.wait_dma2 semaphore(%arg31 : memref<!tpu.dma_semaphore, #tpu.memory_space<semaphore_mem>>) src(%arg20 : memref<64x216xf32, #tpu.memory_space<vmem>>) dst(%dma_wait3A_247 : memref<64x216xf32, #tpu.memory_space<hbm>>)
    return
  }
}

</mosaic_0001>

<sc_bundles>
// kernel: kernel.3.cloned.1.call-start
scs
__scs_entry_jumppad:
0x0: {  	(pc) =	sbr.rel $0x88, $3  }
0x1: {  	(tag) =	ssettag $0x0;
	lr =	simm.s32 $0x1  }
0x2: {  	[smem:$0x3F9B] =	sst lr;
	_ =	strace $0xD0000000  }
0x3: {  	_ = 	snop  }
0x4: {  	_ = 	snop  }
0x5: {  	_ = 	snop  }
0x6: {  	_ = 	snop  }
0x7: {  	_ = 	snop  }
__scs_overlays_trampoline_lowered:
0x8: {  	[smem:$0x3FAA] =	sst s0  }
0x9: {  	[smem:$0x3FAB] =	sst s1  }
0xa: {  	[smem:$0x3FAC] =	sst s2  }
0xb: {  	[smem:$0x3FAD] =	sst s3  }
0xc: {  	[smem:$0x3FAE] =	sst s4  }
0xd: {  	[smem:$0x3FAF] =	sst s5  }
0xe: {  	[smem:$0x3FB0] =	sst s6  }
0xf: {  	[smem:$0x3FB1] =	sst s7  }
0x10: {  	[smem:$0x3FB2] =	sst s8  }
0x11: {  	[smem:$0x3FB3] =	sst s9;
	s0 =	simm.s32 @!p0 $0x0  }
0x12: {  	s1 =	sld [smem:$0x3F99];
	s0 =	simm.s32 @p0 $0x1  }
0x13: {  	[smem:$0x3FB4] =	sst s0;
	s0 =	simm.s32 @!p1 $0x0  }
0x14: {  	s2 =	sld [smem:$0x3F98];
	s0 =	simm.s32 @p1 $0x1  }
0x15: {  	[smem:$0x3FB5] =	sst s0;
	s0 =	simm.s32 @!p2 $0x0  }
0x16: {  	s3 =	sld [smem:$0x3FDB];
	s0 =	simm.s32 @p2 $0x1  }
0x17: {  	s4 =	simm.s32 $0x1BF5;
	[smem:$0x3FB7] =	sst s0  }
0x18: {  	s0 =	sld [smem:$0x3F9A];
	_ =	swait.ge [sflag:s4], $0x0  }
0x19: {  	s7 =	sld [smem:$0x3F9B]  }
0x1a: {  	s8 =	sadd.s32 $0xFFFFE003, lr  }
0x1b: {  	s9 =	sadd.s32 $0xFFFFFEF7, lr;
	s5 =	simm.s32 $0xFFFFFFFF;
	p2 =	slt.u32 s8, $0xFFFFF086  }
0x1c: {  	p1 =	slt.u32 s9, $0xF7A;
	s5 =	simm.s32 @!p2 $0x0  }
0x1d: {  	s5 =	simm.s32 @p1 $0x1;
	p0 =	seq.s32 s7, s2  }
0x1e: {  	s7 =	smul.u32 @!p0 $0xF7A, s2;
	p2 =	seq.s32 @!p0 s5, $0x0  }
0x1f: {  	s9 =	smul.u32 $0xF7A, s1;
	s8 =	simm.s32 @!p0 $0x1BF5;
	p2 =	por !p2, p0  }
0x20: {  	[sflag:s8] =	ssyncset.s32 @!p0 $0xFFFFF086;
	s6 =	sadd.s32 @!p0 s3, s7;
	s7 =	simm.s32 @!p0 $0x108  }
0x21: {  	s3 =	sadd.s32 s3, s9;
	s6 =	sadd.s32 @!p0 $0x88, s6;
	s7 =	simm.s32 @p2 $0x1082  }
0x22: {  	[simem:s7], [sflag:s8] =	dma.local @!p0 [hbm:s6], $0xF7A  }
0x23: {  	s9 =	sor.u32 $0xD0000000, s2;
	s6 =	simm.s32 $0x108;
	_ =	swait.ge @!p0 [sflag:s8], $0x0  }
0x24: {  	s3 =	sadd.s32 $0x88, s3;
	s6 =	simm.s32 @!p1 $0x1082;
	[sflag:s4] =	ssyncset.s32 $0xFFFFF086  }
0x25: {  	[simem:s6], [sflag:s4] =	dma.local [hbm:s3], $0xF7A  }
0x26: {  	[smem:$0x3F9B] =	sst s1;
	(tag) =	ssettag s2;
	_ =	strace s9  }
0x27: {  	s1 =	sld [smem:$0x3FAB]  }
0x28: {  	s2 =	sld [smem:$0x3FAC]  }
0x29: {  	s4 =	sld [smem:$0x3FAE]  }
0x2a: {  	p0 =	seq.s32 s5, $0x0;
	s5 =	sld [smem:$0x3FAF]  }
0x2b: {  	s6 =	sld [smem:$0x3FB0]  }
0x2c: {  	s7 =	sld [smem:$0x3FB1]  }
0x2d: {  	s3 =	simm.s32 $0x108;
	s8 =	sld [smem:$0x3FB2]  }
0x2e: {  	s3 =	simm.s32 @!p0 $0x1082;
	s9 =	sld [smem:$0x3FB3]  }
0x2f: {  	lr =	sadd.s32 s0, s3;
	s0 =	sld [smem:$0x3FAA]  }
0x30: {  	s3 =	sld [smem:$0x3FAD]  }
0x31: {  	[smem:$0x3FB6] =	sst s10  }
0x32: {  	s10 =	sld [smem:$0x3FB4];
	_ =	sdelay $0x3  }
0x33: {  	p0 =	seq.s32 s10, $0x1;
	s10 =	sld [smem:$0x3FB6];
	_ =	sdelay $0x3  }
0x34: {  	[smem:$0x3FB6] =	sst s10  }
0x35: {  	s10 =	sld [smem:$0x3FB5];
	_ =	sdelay $0x3  }
0x36: {  	p1 =	seq.s32 s10, $0x1;
	s10 =	sld [smem:$0x3FB6];
	_ =	sdelay $0x3  }
0x37: {  	[smem:$0x3FB6] =	sst s10  }
0x38: {  	s10 =	sld [smem:$0x3FB7]  }
0x39: {  	_ = 	snop;
	(pc) =	sbr.ind lr, $3  }
0x3a: {  	_ = 	snop  }
0x3b: {  	_ = 	snop  }
0x3c: {  	p2 =	seq.s32 s10, $0x1;
	s10 =	sld [smem:$0x3FB6]  }
0x3d: {  	_ =	shalt  }
0x3e: {  	_ =	shalt  }
0x3f: {  	_ =	shalt  }
0x40: {  	_ =	shalt  }
0x41: {  	_ =	shalt  }
0x42: {  	_ =	shalt  }
0x43: {  	_ =	shalt  }
0x44: {  	_ =	shalt  }
0x45: {  	_ =	shalt  }
0x46: {  	_ =	shalt  }
0x47: {  	_ =	shalt  }
0x48: {  	_ =	shalt  }
0x49: {  	_ =	shalt  }
0x4a: {  	_ =	shalt  }
0x4b: {  	_ =	shalt  }
0x4c: {  	_ =	shalt  }
0x4d: {  	_ =	shalt  }
0x4e: {  	_ =	shalt  }
0x4f: {  	_ =	shalt  }
0x50: {  	_ =	shalt  }
0x51: {  	_ =	shalt  }
0x52: {  	_ =	shalt  }
0x53: {  	_ =	shalt  }
0x54: {  	_ =	shalt  }
0x55: {  	_ =	shalt  }
0x56: {  	_ =	shalt  }
0x57: {  	_ =	shalt  }
0x58: {  	_ =	shalt  }
0x59: {  	_ =	shalt  }
0x5a: {  	_ =	shalt  }
0x5b: {  	_ =	shalt  }
0x5c: {  	_ =	shalt  }
0x5d: {  	_ =	shalt  }
0x5e: {  	_ =	shalt  }
0x5f: {  	_ =	shalt  }
0x60: {  	_ =	shalt  }
0x61: {  	_ =	shalt  }
0x62: {  	_ =	shalt  }
0x63: {  	_ =	shalt  }
0x64: {  	_ =	shalt  }
0x65: {  	_ =	shalt  }
0x66: {  	_ =	shalt  }
0x67: {  	_ =	shalt  }
0x68: {  	_ =	shalt  }
0x69: {  	_ =	shalt  }
0x6a: {  	_ =	shalt  }
0x6b: {  	_ =	shalt  }
0x6c: {  	_ =	shalt  }
0x6d: {  	_ =	shalt  }
0x6e: {  	_ =	shalt  }
0x6f: {  	_ =	shalt  }
0x70: {  	_ =	shalt  }
0x71: {  	_ =	shalt  }
0x72: {  	_ =	shalt  }
0x73: {  	_ =	shalt  }
0x74: {  	_ =	shalt  }
0x75: {  	_ =	shalt  }
0x76: {  	_ =	shalt  }
0x77: {  	_ =	shalt  }
0x78: {  	_ =	shalt  }
0x79: {  	_ =	shalt  }
0x7a: {  	_ =	shalt  }
0x7b: {  	_ =	shalt  }
0x7c: {  	_ =	shalt  }
0x7d: {  	_ =	shalt  }
0x7e: {  	_ =	shalt  }
0x7f: {  	_ =	shalt  }
0x80: {  	_ =	shalt  }
0x81: {  	_ =	shalt  }
0x82: {  	_ =	shalt  }
0x83: {  	_ =	shalt  }
0x84: {  	_ =	shalt  }
0x85: {  	_ =	shalt  }
0x86: {  	_ =	shalt  }
0x87: {  	_ =	shalt  }
.Lfunc_end0:
.L_simem_size_0:
called_computation.1_lowered:
.L_overlay_start_0:
0x88: {  	s2 =	sld [smem:$0x3FD9]  }
0x89: {  	s3 =	sld [smem:$0x3FFE];
	_ =	sdelay $0x1  }
0x8a: {  	s1 =	srdreg.scid  }
0x8b: {  	s0 =	sand.u32 $0x1, s1  }
0x8c: {  	s17 =	sshll.u32 s0, $0xA;
	s2 =	sadd.s32 s3, s2  }
0x8d: {  	s2 =	sadd.s32 s2, s17  }
0x8e: {  	[smem:$0x3FC2] =	sst s2  }
0x8f: {  	_ = 	snop  }
0x90: {  	s2 =	sld [smem:$0x3FD0];
	(tm) =	ssettm $0x1  }
0x91: {  	s18 =	sld [smem:$0x3FFB];
	_ =	sdelay $0x3  }
0x92: {  	_ =	strace s18  }
0x93: {  	s3 =	sld [smem:$0x3FFC];
	_ =	sdelay $0x3  }
0x94: {  	_ =	strace s3  }
0x95: {  	s3 =	sld [smem:$0x3FFD];
	_ =	sdelay $0x3  }
0x96: {  	_ =	strace s3  }
0x97: {  	_ =	strace $0x8FFFFFFF  }
0x98: {  	s19 =	sld [smem:$0x3FDB];
	_ =	sdelay $0x1  }
0x99: {  	s4 =	simm.s32 $_scs_section_size  }
0x9a: {  	s5 =	simm.s32 $_size__tile_overlayer_lowered;
	s6 =	simm.s32 $_tile_overlayer_lowered  }
0x9b: {  	s22 =	simm.s32 $0x1BFF;
	s21 =	sshll.u32 s6, $0x1;
	s3 =	sadd.s32 s4, s19  }
0x9c: {  	s7 =	simm.s32 $0x0;
	s20 =	sshll.u32 s5, $0x1;
	s5 =	sadd.s32 s21, s3  }
0x9d: {  	[timem:s7], [sflag:s22] =	dma.local [hbm:s5], s20  }
0x9e: {  	_ =	swait.ge [sflag:s22], s20  }
0x9f: {  	s4 =	ssub.s32 $0x0, s20;
	[sflag:s22] =	ssyncset.done $0x0  }
0xa0: {  	[sflag:s22] =	ssyncadd.s32 s4;
	_ =	sdelay $0x1  }
0xa1: {  	s23 =	simm.s32 $0x1B8B  }
0xa2: {  	_ =	swait.ge [sflag:s23], $0x1  }
0xa3: {  	[sflag:s23] =	ssyncset.done $0x0  }
0xa4: {  	s25 =	simm.s32 $0x1B8E;
	s24 =	sld [smem:$0x3FFE];
	[sflag:s23] =	ssyncadd.s32 $0xFFFFFFFF  }
0xa5: {  	s26 =	simm.s32 $execute0_lowered;
	[smem:$0x3FD2] =	sst s25  }
0xa6: {  	s5 =	sshll.u32 s26, $0x1;
	_ =	strace $0x80000046;
	[dreg:$0x1] =	wrdreg $0xFFFFFFFF  }
0xa7: {  	s28 =	simm.s32 $_size_execute0_lowered;
	s3 =	sadd.s32 s3, s5;
	[dreg:$0x0] =	wrdreg $0x0  }
0xa8: {  	s5 =	sshll.u32 s28, $0x1;
	[dreg:$0x2] =	wrdreg s3  }
0xa9: {  	[dreg:$0x3] =	wrdreg s5  }
0xaa: {  	[dreg:$0x4] =	wrdreg $0xC0  }
0xab: {  	_ =	task [dreg:s7], $0x5FFFF  }
0xac: {  	[dreg:$0x1] =	wrdreg $0xFFFFFFFF  }
0xad: {  	[dreg:$0x0] =	wrdreg $0x60  }
0xae: {  	[dreg:$0x2] =	wrdreg s24  }
0xaf: {  	[dreg:$0x3] =	wrdreg s2  }
0xb0: {  	[dreg:$0x4] =	wrdreg $0x9  }
0xb1: {  	_ =	task.clear_ibuf [dreg:s7], $0x5FFFF;
	_ =	strace $0x90000046  }
0xb2: {  	s29 =	simm.s32 $0x9;
	_ =	strace $0x80000048  }
0xb3: {  	_ =	swait.ge [sflag:s29], $0x1  }
0xb4: {  	[sflag:s29] =	ssyncadd.s32 $0xFFFFFFFF  }
0xb5: {  	_ =	strace $0x90000048  }
0xb6: {  	_ =	sfence  }
0xb7: {  	s30 =	sld [smem:$0x0];
	_ =	sdelay $0x2  }
0xb8: {  	s31 =	sshll.u32 s1, $0xD;
	s1 =	sshrl.u32 s1, $0x2  }
0xb9: {  	s3 =	sand.u32 $0x4000, s31;
	s1 =	sadd.s32 s1, s30  }
0xba: {  	s0 =	sor.u32 s3, s0;
	s1 =	sshll.u32 s1, $0x11  }
0xbb: {  	s0 =	sor.u32 s1, s0  }
0xbc: {  	s0 =	sadd.s32 $0x8F2B, s0  }
0xbd: {  	[sflag:s0] =	ssyncadd.remote.s32 $0x1  }
0xbe: {  	_ =	sfence.sel $0xFFFF  }
0xbf: {  	[dreg:$0x0] =	wrdreg $0xFFFFFFFF;
	(pc) =	sbr.abs _section_cstart, $3  }
0xc0: {  	[dreg:$0x1] =	wrdreg $0xFFFFFFFF  }
0xc1: {  	_ =	task.clear_ibuf [dreg:s7], $0x2FFFF;
	_ =	strace $0x9FFFFFFF  }
0xc2: {  	(tm) =	ssettm $0x7FFFFFFF  }
0xc3: {  	_ =	shalt  }
tec
execute0_lowered:
.L_overlay_start_1:
0x0: {  	(tag) =	ssettag $0x1  }
0x1: {  	s0 =	rddreg [dreg:$0x0]  }
0x2: {  	s26 =	rddreg [dreg:$0x1];
	s5 =	simm.s32 $0x0;
	s1 =	srdreg.scid  }
0x3: {  	s2 =	stileid.u32;
	[smem:$0x7FF] =	sst s5;
	s1 =	sand.u32 $0x1, s1  }
0x4: {  	s2 =	sshll.u32 s2, $0x1;
	s4 =	sadd.s32 $0xE00, s0;
	s9 =	sadd.s32 $0x19E00, s0  }
0x5: {  	s10 =	sadd.s32 $0x32E00, s0;
	s3 =	sadd.s32 $0xC00, s0;
	s2 =	sor.u32 s1, s2  }
0x6: {  	_ =	strace $0x80000047;
	[dreg:$0x5] =	wrdreg s3;
	s11 =	smul.u32 $0x6400, s2  }
0x7: {  	s1 =	ssub.s32 $0x2, s1;
	[dreg:$0x3] =	wrdreg s4;
	s2 =	smul.u32 $0x640000, s2  }
0x8: {  	s8 =	sadd.s32 $0x1D2800, s0;
	[dreg:$0x6] =	wrdreg s10;
	s21 =	sshrl.u32 s1, $0x1  }
0x9: {  	s12 =	sadd.s32 $0x359200, s0;
	s0 =	ssub.s32 s1, s21;
	[dreg:$0xb] =	wrdreg s2  }
0xa: {  	s22 =	sshrl.u32 s11, $0x3;
	s0 =	smax.u32 s0, $0x1;
	[dreg:$0x4] =	wrdreg s11  }
0xb: {  	s31 =	sadd.s32 $0x6380, s11;
	s23 =	sadd.s32 s4, s22;
	[dreg:$0x18] =	wrdreg s0  }
0xc: {  	v0 =	vimm.s32 $0xBA987654;
	s24 =	sadd.s32 s10, s22;
	s25 =	sadd.s32 s9, s22;
	[dreg:$0x7] =	wrdreg s23  }
0xd: {  	v1 =	vimm.s32 $0x32100000;
	v9 =	vlaneseq.u32;
	vm0 =	vmmov $0xff;
	s30 =	sor.u32 $0x8, s22;
	s13 =	sshrl.u32 s31, $0x3;
	[dreg:$0x8] =	wrdreg s24  }
0xe: {  	vm1 =	vcmask $0x3F10;
	v5 =	vimm.s32 $0x5F5E5D5C;
	v6 =	vimm.s32 $0xF0E0D0C;
	s20 =	sshll.u32 s31, $0x5;
	s31 =	sor.u32 $0x140, s11;
	[dreg:$0x9] =	wrdreg s25  }
0xf: {  	vm3 =	vcmask $0xF00;
	v7 =	vimm.s32 $0x63626160;
	vm4 =	vcmask $0x1F10;
	s6 =	sadd.s32 s4, s30;
	[dreg:$0x1b] =	wrdreg s31  }
0x10: {  	v8 =	vimm.s32 $0x7B7A7978;
	v13 =	vimm.s32 $0x7F7E7D7C;
	vm2 =	vmmov $0xf;
	s7 =	sadd.s32 s10, s30;
	[dreg:$0xa] =	wrdreg s6  }
0x11: {  	s28 =	simm.s32 $0x300;
	vm5 =	vcmask $0x1F00;
	vm6 =	vcmask $0x3B38;
	v0 =	vunpack.c.l.s4.s8 v0;
	s1 =	sadd.s32 s9, s30;
	[dreg:$0xc] =	wrdreg s7  }
0x12: {  	v2 =	vunpack.c.l.s4.s8 v1;
	v1 =	vshrl.u32 v9, $0x3;
	v5 =	vunpack.c.0.s8.s32 v5;
	s16 =	sshrl.u32 s2, $0x3;
	s14 =	sadd.s32 s4, s13;
	[dreg:$0xd] =	wrdreg s1  }
0x13: {  	v11 =	vunpack.c.0.s8.s32 v6;
	v6 =	vimm.s32 $0xE4000000;
	v7 =	vunpack.c.0.s8.s32 v7;
	s17 =	sadd.s32 $0x63C0, s11;
	s15 =	sadd.s32 s10, s13;
	[dreg:$0xe] =	wrdreg s14  }
0x14: {  	v8 =	vunpack.c.0.s8.s32 v8;
	v1 =	vmul.u32 $0x8, v1;
	v6 =	vunpack.c.l.s2.s4 v6;
	s18 =	sshrl.u32 s17, $0x3;
	s2 =	sadd.s32 s9, s13;
	[dreg:$0xf] =	wrdreg s15  }
0x15: {  	s29 =	simm.s32 $0x2;
	v3 =	vunpack.c.0.s8.s32 v0;
	v0 =	vand.u32 $0x7, v9;
	v4 =	vunpack.c.0.s8.s32 v2;
	s4 =	sadd.s32 s4, s18;
	[dreg:$0x10] =	wrdreg s2  }
0x16: {  	v2 =	vor.u32 $0x8, v9;
	v5 =	vnsel vm3, $0x0, v5;
	v8 =	vnsel vm3, $0x407, v8;
	s21 =	sshll.u32 s17, $0x5;
	s19 =	sadd.s32 s10, s18;
	[dreg:$0x11] =	wrdreg s4  }
0x17: {  	v12 =	vunpack.c.l.s4.s8 v6;
	v5 =	vsel vm4, v7, v5;
	v7 =	vunpack.c.0.s8.s32 v13;
	s17 =	simm.s32 $0x1;
	s23 =	sadd.s32 s12, s20;
	[dreg:$0x12] =	wrdreg s19  }
0x18: {  	v6 =	vnsel vm3, $0x0, v11;
	vm3 =	vcmask $0x2320;
	v10 =	vand.u32 $0xF, v3;
	s10 =	smov.u32 s9;
	s24 =	sadd.s32 s12, s21;
	[dreg:$0x16] =	wrdreg s23  }
0x19: {  	v3 =	vcombine.low v4, v10;
	v12 =	vunpack.c.0.s8.s32 v12;
	v13 =	vsel vm4, v7, v8;
	s25 =	sor.u32 $0x40, s11;
	s30 =	sor.u32 $0x100, s11;
	[dreg:$0x17] =	wrdreg s24  }
0x1a: {  	v4 =	vor.u32 $0x60, v9;
	vm4 =	vcmask $0x2724;
	s20 =	simm.s32 $0x5;
	v63 =	vsel vm3, $0x400, v13;
	s1 =	sadd.s32 s12, s16;
	[dreg:$0x19] =	wrdreg s25  }
0x1b: {  	s2 =	sadd.s32 s9, s18;
	s6 =	smov.u32 s12;
	[dreg:$0x1a] =	wrdreg s30;
	v8 =	vand.u32 $0x3, v12;
	v12 =	vsel vm4, $0x401, v63;
	vm4 =	vcmask $0x2B28  }
0x1c: {  	v7 =	vor.u32 $0x450, v9;
	s12 =	simm.s32 $0x100;
	s16 =	simm.s32 $0x280;
	s18 =	simm.s32 $0x4300;
	v12 =	vsel vm4, $0x402, v12;
	vm4 =	vcmask $0x2F2C  }
0x1d: {  	v9 =	vadd.s32 $0x58, v9;
	s9 =	simm.s32 $0x8300;
	s19 =	simm.s32 $0x2300;
	s24 =	simm.s32 $0x6;
	v12 =	vsel vm4, $0x403, v12;
	vm4 =	vcmask $0x3330  }
0x1e: {  	v10 =	vnsel vm5, $0x0, v10;
	s23 =	simm.s32 $0x10300;
	[dreg:$0x13] =	wrdreg s2;
	s22 =	sadd.s32 $0xC6000, s1;
	v12 =	vsel vm4, $0x404, v12;
	vm4 =	vcmask $0x3734  }
0x1f: {  	vm5 =	vcmask $0x2F20;
	vm3 =	vcmask $0x3F30;
	s1 =	sadd.s32 $0xC6800, s1;
	s2 =	simm.s32 $0x0;
	[dreg:$0x14] =	wrdreg s22;
	v12 =	vsel vm4, $0x405, v12  }
0x20: {  	v10 =	vsel vm5, v11, v10;
	[dreg:$0x15] =	wrdreg s1;
	s1 =	simm.s32 $0x14300;
	s22 =	simm.s32 $0xC300;
	vm4 =	vmmov $0xfff;
	v11 =	vsel vm6, $0x406, v12  }
.LBB2_1:
0x21: {  	[dreg:$0x1c] =	wrdreg s2  }
0x22: {  	s0 =	rddreg [dreg:$0x5];
	s15 =	simm.s32 $0xB  }
0x23: {  	[tilespmem:s1], [sflag:$0xB] =	stream.linear.gather [hbm4b:s0+s5], $0x400, $0x38;
	[tilespmem:$0x14700] =	vst v63  }
0x24: {  	_ =	swait.ge [sflag:s15], $0x400  }
0x25: {  	[sflag:s15] =	ssyncset.done $0x0  }
0x26: {  	s21 =	rddreg [dreg:$0x7];
	[sflag:s15] =	ssyncadd.s32 $0xFFFFFC00  }
0x27: {  	[tilespmem:s5], [sflag:$0x1] =	stream.linear.gather [hbm4b:s21+s5], $0x40, $0x38;
	[tilespmem:$0x14700] =	vst v63  }
0x28: {  	s2 =	simm.s32 $0x80;
	s25 =	rddreg [dreg:$0x8]  }
0x29: {  	[tilespmem:s2], [sflag:$0x1] =	stream.linear.gather [hbm4b:s25+s5], $0x40, $0x38;
	[tilespmem:$0x14700] =	vst v63  }
0x2a: {  	s30 =	rddreg [dreg:$0x9]  }
0x2b: {  	[tilespmem:s12], [sflag:$0x3] =	stream.linear.gather [hbm4b:s30+s5], $0x40, $0x38;
	[tilespmem:$0x14700] =	vst v63  }
0x2c: {  	s3 =	simm.s32 $0x180;
	s31 =	rddreg [dreg:$0xa]  }
0x2d: {  	[tilespmem:s3], [sflag:$0x2] =	stream.linear.gather [hbm4b:s31+s5], $0x40, $0x38;
	[tilespmem:$0x14700] =	vst v63  }
0x2e: {  	s4 =	simm.s32 $0x200;
	s3 =	rddreg [dreg:$0xc]  }
0x2f: {  	[tilespmem:s4], [sflag:$0x2] =	stream.linear.gather [hbm4b:s3+s5], $0x40, $0x38;
	[tilespmem:$0x14700] =	vst v63  }
0x30: {  	s7 =	rddreg [dreg:$0xd]  }
0x31: {  	[tilespmem:s16], [sflag:$0x4] =	stream.linear.gather [hbm4b:s7+s5], $0x40, $0x38;
	[tilespmem:$0x14700] =	vst v63  }
0x32: {  	_ =	swait.ge [sflag:s17], $0x40  }
0x33: {  	[sflag:s17] =	ssyncset.done $0x0  }
0x34: {  	[sflag:s17] =	ssyncadd.s32 $0xFFFFFFC0  }
0x35: {  	_ =	swait.ge [sflag:s17], $0x40  }
0x36: {  	[sflag:s17] =	ssyncset.done $0x0  }
0x37: {  	[sflag:s17] =	ssyncadd.s32 $0xFFFFFFC0  }
0x38: {  	v12 =	vld [tilespmem:$0x0];
	_ =	sdelay $0x4  }
0x39: {  	v13 =	vperm.xlane v12, v0;
	_ =	sdelay $0x1  }
0x3a: {  	v12 =	vperm.xlane v12, v2;
	v13 =	vadd.s32 v1, v13;
	_ =	sdelay $0x1  }
0x3b: {  	v12 =	vadd.s32 v1, v12;
	_ =	sdelay $0x2  }
0x3c: {  	[tilespmem:s18], [sflag:$0x5] =	stream.indirect_vreg.gather [hbm4b:s8+s5], $0x80, v13, vm0, $0xb8;
	[tilespmem:$0x14700] =	vst v63  }
0x3d: {  	s11 =	simm.s32 $0x4B00  }
0x3e: {  	[tilespmem:s11], [sflag:$0x5] =	stream.indirect_vreg.gather [hbm4b:s8+s5], $0x80, v12, vm0, $0xb8;
	[tilespmem:$0x14700] =	vst v63  }
0x3f: {  	v12 =	vld [tilespmem:$0x10];
	_ =	sdelay $0x4  }
0x40: {  	v61 =	vperm.xlane v12, v0;
	_ =	sdelay $0x1  }
0x41: {  	v12 =	vperm.xlane v12, v2;
	v13 =	vadd.s32 v1, v61;
	_ =	sdelay $0x1  }
0x42: {  	v12 =	vadd.s32 v1, v12;
	_ =	sdelay $0x1  }
0x43: {  	s13 =	simm.s32 $0x5300  }
0x44: {  	[tilespmem:s13], [sflag:$0x5] =	stream.indirect_vreg.gather [hbm4b:s8+s5], $0x80, v13, vm0, $0xb8;
	[tilespmem:$0x14700] =	vst v63  }
0x45: {  	s14 =	simm.s32 $0x5B00  }
0x46: {  	[tilespmem:s14], [sflag:$0x5] =	stream.indirect_vreg.gather [hbm4b:s8+s5], $0x80, v12, vm0, $0xb8;
	[tilespmem:$0x14700] =	vst v63  }
0x47: {  	v12 =	vld [tilespmem:$0x20];
	_ =	sdelay $0x4  }
0x48: {  	v62 =	vperm.xlane v12, v0;
	_ =	sdelay $0x1  }
0x49: {  	v12 =	vperm.xlane v12, v2;
	v13 =	vadd.s32 v1, v62;
	_ =	sdelay $0x1  }
0x4a: {  	v12 =	vadd.s32 v1, v12;
	_ =	sdelay $0x1  }
0x4b: {  	s15 =	simm.s32 $0x6300  }
0x4c: {  	[tilespmem:s15], [sflag:$0x5] =	stream.indirect_vreg.gather [hbm4b:s8+s5], $0x80, v13, vm0, $0xb8;
	[tilespmem:$0x14700] =	vst v63  }
0x4d: {  	s21 =	simm.s32 $0x6B00  }
0x4e: {  	[tilespmem:s21], [sflag:$0x5] =	stream.indirect_vreg.gather [hbm4b:s8+s5], $0x80, v12, vm0, $0xb8;
	[tilespmem:$0x14700] =	vst v63  }
0x4f: {  	v12 =	vld [tilespmem:$0x30];
	_ =	sdelay $0x4  }
0x50: {  	v63 =	vperm.xlane v12, v0;
	_ =	sdelay $0x1  }
0x51: {  	v12 =	vperm.xlane v12, v2;
	v13 =	vadd.s32 v1, v63;
	_ =	sdelay $0x1  }
0x52: {  	v12 =	vadd.s32 v1, v12;
	_ =	sdelay $0x1  }
0x53: {  	s25 =	simm.s32 $0x7300  }
0x54: {  	[tilespmem:s25], [sflag:$0x5] =	stream.indirect_vreg.gather [hbm4b:s8+s5], $0x80, v13, vm0, $0xb8;
	[tilespmem:$0x14700] =	vst v63  }
0x55: {  	s30 =	simm.s32 $0x7B00  }
0x56: {  	[tilespmem:s30], [sflag:$0x5] =	stream.indirect_vreg.gather [hbm4b:s8+s5], $0x80, v12, vm0, $0xb8;
	[tilespmem:$0x14700] =	vst v63  }
0x57: {  	s31 =	simm.s32 $0x40;
	s7 =	simm.s32 $0x0  }
0x58: {  	[tilespmem:s28], [sflag:$0x5] =	stream.indirect.gather [hbm4b:s26+s31], $0x80, s2, s31, $0xb8;
	[tilespmem:$0x14700] =	vst v63  }
.LBB2_2:
0x59: {  	_ =	swait.ge [sflag:s29], $0x40  }
0x5a: {  	[sflag:s29] =	ssyncset.done $0x0  }
0x5b: {  	[sflag:s29] =	ssyncadd.s32 $0xFFFFFFC0  }
0x5c: {  	_ =	swait.ge [sflag:s29], $0x40  }
0x5d: {  	p0 =	seq.s32 s7, $0x0;
	[sflag:s29] =	ssyncset.done $0x0  }
0x5e: {  	s0 =	simm.s32 @!p0 $0x8;
	[sflag:s29] =	ssyncadd.s32 $0xFFFFFFC0  }
0x5f: {  	_ =	swait.ge @!p0 [sflag:s0], $0x4000  }
0x60: {  	[sflag:s0] =	ssyncset.done @!p0 $0x0  }
0x61: {  	[sflag:s0] =	ssyncadd.s32 @!p0 $0xFFFFC000  }
0x62: {  	v12 =	vld [tilespmem:$0x180];
	_ =	sdelay $0x4  }
0x63: {  	v13 =	vperm.xlane v12, v0;
	_ =	sdelay $0x1  }
0x64: {  	v12 =	vperm.xlane v12, v2;
	v13 =	vadd.s32 v1, v13;
	_ =	sdelay $0x1  }
0x65: {  	v12 =	vadd.s32 v1, v12;
	_ =	sdelay $0x1  }
0x66: {  	s2 =	simm.s32 $0x0  }
0x67: {  	[tilespmem:s9], [sflag:$0x6] =	stream.indirect_vreg.gather [hbm4b:s8+s2], $0x80, v13, vm0, $0xb8;
	[tilespmem:$0x14700] =	vst v63  }
0x68: {  	s25 =	simm.s32 $0x8B00  }
0x69: {  	[tilespmem:s25], [sflag:$0x6] =	stream.indirect_vreg.gather [hbm4b:s8+s2], $0x80, v12, vm0, $0xb8;
	[tilespmem:$0x14700] =	vst v63  }
0x6a: {  	v12 =	vld [tilespmem:$0x190];
	_ =	sdelay $0x4  }
0x6b: {  	v13 =	vperm.xlane v12, v0;
	_ =	sdelay $0x1  }
0x6c: {  	v12 =	vperm.xlane v12, v2;
	v13 =	vadd.s32 v1, v13;
	_ =	sdelay $0x1  }
0x6d: {  	v12 =	vadd.s32 v1, v12;
	_ =	sdelay $0x1  }
0x6e: {  	s3 =	simm.s32 $0x9300  }
0x6f: {  	[tilespmem:s3], [sflag:$0x6] =	stream.indirect_vreg.gather [hbm4b:s8+s2], $0x80, v13, vm0, $0xb8;
	[tilespmem:$0x14700] =	vst v63  }
0x70: {  	s4 =	simm.s32 $0x9B00  }
0x71: {  	[tilespmem:s4], [sflag:$0x6] =	stream.indirect_vreg.gather [hbm4b:s8+s2], $0x80, v12, vm0, $0xb8;
	[tilespmem:$0x14700] =	vst v63  }
0x72: {  	v12 =	vld [tilespmem:$0x1A0];
	_ =	sdelay $0x4  }
0x73: {  	v13 =	vperm.xlane v12, v0;
	_ =	sdelay $0x1  }
0x74: {  	v12 =	vperm.xlane v12, v2;
	v13 =	vadd.s32 v1, v13;
	_ =	sdelay $0x1  }
0x75: {  	v12 =	vadd.s32 v1, v12;
	_ =	sdelay $0x1  }
0x76: {  	s5 =	simm.s32 $0xA300  }
0x77: {  	[tilespmem:s5], [sflag:$0x6] =	stream.indirect_vreg.gather [hbm4b:s8+s2], $0x80, v13, vm0, $0xb8;
	[tilespmem:$0x14700] =	vst v63  }
0x78: {  	s11 =	simm.s32 $0xAB00  }
0x79: {  	[tilespmem:s11], [sflag:$0x6] =	stream.indirect_vreg.gather [hbm4b:s8+s2], $0x80, v12, vm0, $0xb8;
	[tilespmem:$0x14700] =	vst v63  }
0x7a: {  	v12 =	vld [tilespmem:$0x1B0];
	_ =	sdelay $0x4  }
0x7b: {  	v13 =	vperm.xlane v12, v0;
	_ =	sdelay $0x1  }
0x7c: {  	v12 =	vperm.xlane v12, v2;
	v13 =	vadd.s32 v1, v13;
	_ =	sdelay $0x1  }
0x7d: {  	v12 =	vadd.s32 v1, v12;
	_ =	sdelay $0x1  }
0x7e: {  	s13 =	simm.s32 $0xB300  }
0x7f: {  	[tilespmem:s13], [sflag:$0x6] =	stream.indirect_vreg.gather [hbm4b:s8+s2], $0x80, v13, vm0, $0xb8;
	[tilespmem:$0x14700] =	vst v63  }
0x80: {  	s14 =	simm.s32 $0xBB00  }
0x81: {  	[tilespmem:s14], [sflag:$0x6] =	stream.indirect_vreg.gather [hbm4b:s8+s2], $0x80, v12, vm0, $0xb8;
	[tilespmem:$0x14700] =	vst v63  }
0x82: {  	s15 =	simm.s32 $0x200;
	s3 =	simm.s32 $0x40  }
0x83: {  	[tilespmem:s19], [sflag:$0x6] =	stream.indirect.gather [hbm4b:s26+s3], $0x80, s15, s3, $0xb8;
	[tilespmem:$0x14700] =	vst v63  }
0x84: {  	_ =	swait.ge [sflag:s20], $0x2000  }
0x85: {  	s30 =	sshll.u32 s7, $0x8;
	[sflag:s20] =	ssyncset.done $0x0;
	s21 =	rddreg [dreg:$0x4]  }
0x86: {  	[sflag:s20] =	ssyncadd.s32 $0xFFFFE000;
	s0 =	sadd.s32 s30, s21  }
0x87: {  	s5 =	smov.u32 s26;
	_ =	swait.ge [sflag:s20], $0x2000;
	s31 =	sadd.s32 $0x80, s0  }
0x88: {  	[sflag:s20] =	ssyncset.done $0x0;
	s15 =	sshrl.u32 s31, $0x3;
	s25 =	rddreg [dreg:$0x3]  }
0x89: {  	s26 =	rddreg [dreg:$0x6];
	[sflag:s20] =	ssyncadd.s32 $0xFFFFE000;
	s3 =	sadd.s32 s25, s15  }
0x8a: {  	[tilespmem:s2], [sflag:$0x1] =	stream.linear.gather [hbm4b:s3+s2], $0x40, $0x38;
	[tilespmem:$0x14700] =	vst v63  }
0x8b: {  	s4 =	simm.s32 $0x80;
	s3 =	sadd.s32 s26, s15  }
0x8c: {  	v12 =	vmov s2;
	[tilespmem:s4], [sflag:$0x1] =	stream.linear.gather [hbm4b:s3+s2], $0x40, $0x38;
	[tilespmem:$0x14700] =	vst v63  }
0x8d: {  	s4 =	simm.s32 $0x3  }
0x8e: {  	_ =	swait.ge [sflag:s4], $0x40  }
0x8f: {  	[sflag:s4] =	ssyncset.done $0x0  }
0x90: {  	[sflag:s4] =	ssyncadd.s32 $0xFFFFFFC0  }
0x91: {  	v13 =	vld.idx.msk [tilespmem:v12+s12+$0x0], $0xffff;
	_ =	sdelay $0x4  }
0x92: {  	v13 =	vshll.u32 v13, $0x4  }
0x93: {  	v14 =	vor.u32 v3, v13;
	_ =	sdelay $0x1  }
0x94: {  	v15 =	vshll.u32 v12, $0x8;
	v12 =	vshll.u32 v12, $0x7  }
0x95: {  	v15 =	vand.u32 $0x3800, v15;
	v16 =	vand.u32 $0x300, v12  }
0x96: {  	s11 =	simm.s32 $0x1;
	v15 =	vor.u32 v16, v15  }
0x97: {  	v17 =	vmov s11;
	v16 =	vor.u32 v4, v15;
	v14 =	vld.idx.msk [tilespmem:v14+s1+$0x0], vm1  }
0x98: {  	v13 =	vor.u32 v6, v13  }
0x99: {  	v18 =	vor.u32 v3, v12;
	_ =	sdelay $0x2  }
0x9a: {  	v19 =	vld.idx.msk [tilespmem:v17+s12+$0x0], $0xffff;
	[tilespmem:v16+s18+$0x0] =	vst.idx.msk vm1, v14  }
0x9b: {  	v13 =	vld.idx.msk [tilespmem:v13+s1+$0x0], $0xf  }
0x9c: {  	v14 =	vld.idx.msk [tilespmem:v18+s28+$0x0], vm1;
	_ =	sdelay $0x2  }
0x9d: {  	s13 =	sand.u32 $0x3800, s2  }
0x9e: {  	s11 =	sand.u32 $0x300, s2;
	s3 =	sor.u32 $0x4300, s13  }
0x9f: {  	s13 =	sadd.s32 s11, s3;
	v13 =	vsel vm2, v13, v14  }
0xa0: {  	s11 =	simm.s32 $0x384;
	[tilespmem:s13+$0x70] =	vst v13  }
0xa1: {  	v13 =	vld [tilespmem:s11+$0xFFFFFF88];
	_ =	sdelay $0x4  }
0xa2: {  	[tilespmem:s13+$0x400] =	vst v13  }
0xa3: {  	v13 =	vld [tilespmem:s11+$0xFFFFFF98];
	_ =	sdelay $0x4  }
0xa4: {  	[tilespmem:s13+$0x410] =	vst v13  }
0xa5: {  	v13 =	vld [tilespmem:s11+$0xFFFFFFA8];
	_ =	sdelay $0x4  }
0xa6: {  	[tilespmem:s13+$0x420] =	vst v13  }
0xa7: {  	v13 =	vld [tilespmem:s11+$0xFFFFFFB8];
	_ =	sdelay $0x4  }
0xa8: {  	[tilespmem:s13+$0x430] =	vst v13  }
0xa9: {  	v13 =	vld [tilespmem:s11+$0xFFFFFFC8]  }
0xaa: {  	v12 =	vor.u32 v5, v12;
	_ =	sdelay $0x3  }
0xab: {  	[tilespmem:s13+$0x440] =	vst v13  }
0xac: {  	v14 =	vor.u32 v7, v15;
	v13 =	vshll.u32 v19, $0x4;
	v12 =	vld.idx.msk [tilespmem:v12+s28+$0x0], $0xff  }
0xad: {  	v15 =	vor.u32 v8, v13;
	_ =	sdelay $0x1  }
0xae: {  	v16 =	vshll.u32 v17, $0x8;
	v17 =	vshll.u32 v17, $0x7  }
0xaf: {  	v16 =	vand.u32 $0x3800, v16;
	v63 =	vand.u32 $0x380, v17  }
0xb0: {  	v16 =	vor.u32 v63, v16;
	[tilespmem:v14+s18+$0x0] =	vst.idx.msk $0xff, v12  }
0xb1: {  	v14 =	vor.u32 v9, v16;
	v12 =	vld.idx.msk [tilespmem:v15+s1+$0x0], vm3  }
0xb2: {  	v13 =	vor.u32 v10, v13  }
0xb3: {  	v15 =	vor.u32 v8, v17;
	_ =	sdelay $0x2  }
0xb4: {  	[tilespmem:v14+s18+$0x0] =	vst.idx.msk vm3, v12  }
0xb5: {  	v12 =	vld.idx.msk [tilespmem:v13+s1+$0x0], $0xfff  }
0xb6: {  	v13 =	vld.idx.msk [tilespmem:v15+s28+$0x0], vm3;
	_ =	sdelay $0x2  }
0xb7: {  	s14 =	simm.s32 $0x80  }
0xb8: {  	s13 =	sand.u32 $0x380, s14  }
0xb9: {  	s25 =	sadd.s32 s13, s3;
	v12 =	vsel vm4, v12, v13  }
0xba: {  	[tilespmem:s25+$0x68] =	vst v12  }
0xbb: {  	v12 =	vor.u32 v11, v16;
	v13 =	vld [tilespmem:s11+$0x0];
	_ =	sdelay $0x4  }
0xbc: {  	[tilespmem:v12+s18+$0x0] =	vst.idx.msk $0xffff, v13  }
0xbd: {  	v12 =	vld [tilespmem:s11+$0x10];
	_ =	sdelay $0x4  }
0xbe: {  	[tilespmem:s25+$0x408] =	vst v12  }
0xbf: {  	v12 =	vld [tilespmem:s11+$0x20];
	_ =	sdelay $0x4  }
0xc0: {  	[tilespmem:s25+$0x418] =	vst v12  }
0xc1: {  	v12 =	vld [tilespmem:s11+$0x30];
	_ =	sdelay $0x4  }
0xc2: {  	[tilespmem:s25+$0x428] =	vst v12  }
0xc3: {  	v12 =	vld [tilespmem:s11+$0x40];
	_ =	sdelay $0x4  }
0xc4: {  	s26 =	simm.s32 $0x2;
	[tilespmem:s25+$0x438] =	vst v12  }
0xc5: {  	s21 =	rddreg [dreg:$0x19];
	v14 =	vmov s26;
	v15 =	vld [tilespmem:s11+$0x50]  }
0xc6: {  	s14 =	simm.s32 $0x200;
	s13 =	sadd.s32 s30, s21;
	s21 =	simm.s32 $0x4;
	v13 =	vshll.u32 v14, $0x8;
	v12 =	vshll.u32 v14, $0x7  }
.LBB2_3:
0xc7: {  	s2 =	sadd.s32 $0x100, s2  }
0xc8: {  	s11 =	sadd.s32 $0x100, s11;
	s4 =	smov.u32 s21;
	s3 =	sadd.s32 $0x2, s21  }
0xc9: {  	p1 =	sne.s32 s21, $0x3E  }
0xca: {  	[tilespmem:s25+$0x448] =	vst v15  }
0xcb: {  	v14 =	vld.idx.msk [tilespmem:v14+s12+$0x0], $0xffff;
	_ =	sdelay $0x5  }
0xcc: {  	v14 =	vshll.u32 v14, $0x4  }
0xcd: {  	v15 =	vor.u32 v3, v14;
	_ =	sdelay $0x3  }
0xce: {  	s21 =	sadd.s32 $0x1, s26;
	v13 =	vand.u32 $0x3800, v13;
	v16 =	vand.u32 $0x300, v12;
	s26 =	smov.u32 s4  }
0xcf: {  	v17 =	vmov s21;
	v13 =	vor.u32 v16, v13;
	v15 =	vld.idx.msk [tilespmem:v15+s1+$0x0], vm1  }
0xd0: {  	v16 =	vor.u32 v4, v13;
	v18 =	vshll.u32 v17, $0x8;
	v19 =	vshll.u32 v17, $0x7  }
0xd1: {  	v20 =	vor.u32 v3, v12;
	v18 =	vand.u32 $0x3800, v18;
	v14 =	vor.u32 v6, v14  }
0xd2: {  	v21 =	vand.u32 $0x380, v19  }
0xd3: {  	v18 =	vor.u32 v21, v18  }
0xd4: {  	v17 =	vld.idx.msk [tilespmem:v17+s12+$0x0], $0xffff  }
0xd5: {  	[tilespmem:v16+s18+$0x0] =	vst.idx.msk vm1, v15  }
0xd6: {  	v14 =	vld.idx.msk [tilespmem:v14+s1+$0x0], $0xf  }
0xd7: {  	v15 =	vld.idx.msk [tilespmem:v20+s28+$0x0], vm1;
	_ =	sdelay $0x2  }
0xd8: {  	s4 =	sand.u32 $0x3800, s14  }
0xd9: {  	s21 =	sand.u32 $0x300, s2;
	s25 =	sor.u32 $0x4300, s4  }
0xda: {  	s4 =	sadd.s32 s21, s25  }
0xdb: {  	v14 =	vsel vm2, v14, v15  }
0xdc: {  	[tilespmem:s4+$0x70] =	vst v14  }
0xdd: {  	v14 =	vld [tilespmem:s11+$0xFFFFFF88];
	_ =	sdelay $0x4  }
0xde: {  	[tilespmem:s4+$0x400] =	vst v14  }
0xdf: {  	v14 =	vld [tilespmem:s11+$0xFFFFFF98];
	_ =	sdelay $0x4  }
0xe0: {  	[tilespmem:s4+$0x410] =	vst v14  }
0xe1: {  	v14 =	vld [tilespmem:s11+$0xFFFFFFA8];
	_ =	sdelay $0x4  }
0xe2: {  	[tilespmem:s4+$0x420] =	vst v14  }
0xe3: {  	v14 =	vld [tilespmem:s11+$0xFFFFFFB8];
	_ =	sdelay $0x4  }
0xe4: {  	[tilespmem:s4+$0x430] =	vst v14  }
0xe5: {  	v12 =	vor.u32 v5, v12;
	v14 =	vld [tilespmem:s11+$0xFFFFFFC8];
	_ =	sdelay $0x4  }
0xe6: {  	[tilespmem:s4+$0x440] =	vst v14  }
0xe7: {  	v13 =	vor.u32 v7, v13;
	v14 =	vshll.u32 v17, $0x4;
	v12 =	vld.idx.msk [tilespmem:v12+s28+$0x0], $0xff  }
0xe8: {  	v15 =	vor.u32 v8, v14;
	_ =	sdelay $0x4  }
0xe9: {  	[tilespmem:v13+s18+$0x0] =	vst.idx.msk $0xff, v12  }
0xea: {  	v13 =	vor.u32 v9, v18;
	v12 =	vld.idx.msk [tilespmem:v15+s1+$0x0], vm3;
	_ =	sdelay $0x1  }
0xeb: {  	v14 =	vor.u32 v10, v14;
	v15 =	vor.u32 v8, v19;
	_ =	sdelay $0x3  }
0xec: {  	[tilespmem:v13+s18+$0x0] =	vst.idx.msk vm3, v12  }
0xed: {  	v12 =	vld.idx.msk [tilespmem:v14+s1+$0x0], $0xfff  }
0xee: {  	v13 =	vld.idx.msk [tilespmem:v15+s28+$0x0], vm3;
	_ =	sdelay $0x1  }
0xef: {  	s4 =	sadd.s32 $0x80, s2  }
0xf0: {  	s4 =	sand.u32 $0x380, s4  }
0xf1: {  	s25 =	sadd.s32 s4, s25;
	_ =	sdelay $0x1  }
0xf2: {  	v12 =	vsel vm4, v12, v13;
	v13 =	vor.u32 v11, v18  }
0xf3: {  	[tilespmem:s25+$0x68] =	vst v12  }
0xf4: {  	v12 =	vld [tilespmem:s11+$0x0];
	_ =	sdelay $0x4  }
0xf5: {  	[tilespmem:v13+s18+$0x0] =	vst.idx.msk $0xffff, v12  }
0xf6: {  	v12 =	vld [tilespmem:s11+$0x10];
	_ =	sdelay $0x4  }
0xf7: {  	[tilespmem:s25+$0x408] =	vst v12  }
0xf8: {  	v12 =	vld [tilespmem:s11+$0x20];
	_ =	sdelay $0x4  }
0xf9: {  	[tilespmem:s25+$0x418] =	vst v12  }
0xfa: {  	v12 =	vld [tilespmem:s11+$0x30];
	_ =	sdelay $0x4  }
0xfb: {  	[tilespmem:s25+$0x428] =	vst v12  }
0xfc: {  	v12 =	vld [tilespmem:s11+$0x40];
	_ =	sdelay $0x3  }
.Ltmp0:
0xfd: {  	(pc) =	sbr.rel @p1 .LBB2_3-.Ltmp0, $4  }
0xfe: {  	[tilespmem:s25+$0x438] =	vst v12  }
0xff: {  	v15 =	vld [tilespmem:s11+$0x50]  }
0x100: {  	v14 =	vmov s26  }
0x101: {  	s14 =	sadd.s32 $0x200, s14;
	s21 =	smov.u32 s3;
	v13 =	vshll.u32 v14, $0x8;
	v12 =	vshll.u32 v14, $0x7  }
0x102: {  	_ =	sdelay $0x2  }
0x103: {  	[tilespmem:s25+$0x448] =	vst v15  }
0x104: {  	v14 =	vld.idx.msk [tilespmem:v14+s12+$0x0], $0xffff;
	_ =	sdelay $0x4  }
0x105: {  	v14 =	vshll.u32 v14, $0x4  }
0x106: {  	v15 =	vor.u32 v3, v14;
	_ =	sdelay $0x2  }
0x107: {  	v13 =	vand.u32 $0x3800, v13;
	v16 =	vand.u32 $0x300, v12  }
0x108: {  	s3 =	sadd.s32 $0x1, s26;
	v13 =	vor.u32 v16, v13  }
0x109: {  	v17 =	vmov s3;
	v16 =	vor.u32 v4, v13;
	v15 =	vld.idx.msk [tilespmem:v15+s1+$0x0], vm1  }
0x10a: {  	v14 =	vor.u32 v6, v14  }
0x10b: {  	v18 =	vor.u32 v3, v12;
	_ =	sdelay $0x2  }
0x10c: {  	v19 =	vld.idx.msk [tilespmem:v17+s12+$0x0], $0xffff;
	[tilespmem:v16+s18+$0x0] =	vst.idx.msk vm1, v15  }
0x10d: {  	v14 =	vld.idx.msk [tilespmem:v14+s1+$0x0], $0xf  }
0x10e: {  	v15 =	vld.idx.msk [tilespmem:v18+s28+$0x0], vm1;
	_ =	sdelay $0x2  }
0x10f: {  	s2 =	sadd.s32 $0x100, s2;
	s14 =	sand.u32 $0x3800, s14  }
0x110: {  	s4 =	sand.u32 $0x300, s2;
	s3 =	sor.u32 $0x4300, s14  }
0x111: {  	s4 =	sadd.s32 s4, s3;
	v14 =	vsel vm2, v14, v15  }
0x112: {  	s11 =	sadd.s32 $0x100, s11;
	[tilespmem:s4+$0x70] =	vst v14  }
0x113: {  	v14 =	vld [tilespmem:s11+$0xFFFFFF88];
	_ =	sdelay $0x4  }
0x114: {  	[tilespmem:s4+$0x400] =	vst v14  }
0x115: {  	v14 =	vld [tilespmem:s11+$0xFFFFFF98];
	_ =	sdelay $0x4  }
0x116: {  	[tilespmem:s4+$0x410] =	vst v14  }
0x117: {  	v14 =	vld [tilespmem:s11+$0xFFFFFFA8];
	_ =	sdelay $0x4  }
0x118: {  	[tilespmem:s4+$0x420] =	vst v14  }
0x119: {  	v14 =	vld [tilespmem:s11+$0xFFFFFFB8];
	_ =	sdelay $0x4  }
0x11a: {  	[tilespmem:s4+$0x430] =	vst v14  }
0x11b: {  	v14 =	vld [tilespmem:s11+$0xFFFFFFC8]  }
0x11c: {  	v12 =	vor.u32 v5, v12;
	_ =	sdelay $0x3  }
0x11d: {  	[tilespmem:s4+$0x440] =	vst v14  }
0x11e: {  	v13 =	vor.u32 v7, v13;
	v14 =	vshll.u32 v19, $0x4;
	v12 =	vld.idx.msk [tilespmem:v12+s28+$0x0], $0xff  }
0x11f: {  	v15 =	vor.u32 v8, v14;
	_ =	sdelay $0x1  }
0x120: {  	v16 =	vshll.u32 v17, $0x8;
	v17 =	vshll.u32 v17, $0x7  }
0x121: {  	v16 =	vand.u32 $0x3800, v16;
	v60 =	vand.u32 $0x380, v17  }
0x122: {  	v16 =	vor.u32 v60, v16;
	[tilespmem:v13+s18+$0x0] =	vst.idx.msk $0xff, v12  }
0x123: {  	v13 =	vor.u32 v9, v16;
	v12 =	vld.idx.msk [tilespmem:v15+s1+$0x0], vm3  }
0x124: {  	v14 =	vor.u32 v10, v14  }
0x125: {  	v15 =	vor.u32 v8, v17;
	_ =	sdelay $0x2  }
0x126: {  	[tilespmem:v13+s18+$0x0] =	vst.idx.msk vm3, v12  }
0x127: {  	v12 =	vld.idx.msk [tilespmem:v14+s1+$0x0], $0xfff  }
0x128: {  	v13 =	vld.idx.msk [tilespmem:v15+s28+$0x0], vm3;
	_ =	sdelay $0x2  }
0x129: {  	s2 =	sadd.s32 $0x80, s2  }
0x12a: {  	s2 =	sand.u32 $0x380, s2  }
0x12b: {  	s2 =	sadd.s32 s2, s3;
	v12 =	vsel vm4, v12, v13  }
0x12c: {  	[tilespmem:s2+$0x68] =	vst v12  }
0x12d: {  	v12 =	vor.u32 v11, v16;
	v13 =	vld [tilespmem:s11+$0x0];
	_ =	sdelay $0x4  }
0x12e: {  	[tilespmem:v12+s18+$0x0] =	vst.idx.msk $0xffff, v13  }
0x12f: {  	v12 =	vld [tilespmem:s11+$0x10];
	_ =	sdelay $0x4  }
0x130: {  	[tilespmem:s2+$0x408] =	vst v12  }
0x131: {  	v12 =	vld [tilespmem:s11+$0x20];
	_ =	sdelay $0x4  }
0x132: {  	[tilespmem:s2+$0x418] =	vst v12  }
0x133: {  	v12 =	vld [tilespmem:s11+$0x30];
	_ =	sdelay $0x4  }
0x134: {  	[tilespmem:s2+$0x428] =	vst v12  }
0x135: {  	v12 =	vld [tilespmem:s11+$0x40];
	_ =	sdelay $0x4  }
0x136: {  	[tilespmem:s2+$0x438] =	vst v12  }
0x137: {  	v12 =	vld [tilespmem:s11+$0x50];
	_ =	sdelay $0x3  }
0x138: {  	s26 =	rddreg [dreg:$0xb];
	s25 =	sshll.u32 s7, $0x10  }
0x139: {  	s15 =	sadd.s32 s10, s15;
	s21 =	simm.s32 $0x0;
	[tilespmem:s2+$0x448] =	vst v12;
	s2 =	sadd.s32 s26, s25  }
0x13a: {  	[tilespmem:s12], [sflag:$0x3] =	stream.linear.gather [hbm4b:s15+s21], $0x40, $0x38;
	[tilespmem:$0x14700] =	vst v63  }
0x13b: {  	s2 =	sshrl.u32 s2, $0x3  }
0x13c: {  	s2 =	sadd.s32 s6, s2  }
0x13d: {  	[hbm4b:s2+s21] =	stream.linear.scatter [tilespmem:s18], [sflag:$0x7], $0x4000, $0x38;
	[tilespmem:$0x14700] =	vst v63  }
0x13e: {  	_ =	swait.ge [sflag:s17], $0x40  }
0x13f: {  	[sflag:s17] =	ssyncset.done $0x0  }
0x140: {  	[sflag:s17] =	ssyncadd.s32 $0xFFFFFFC0  }
0x141: {  	_ =	swait.ge [sflag:s17], $0x40  }
0x142: {  	[sflag:s17] =	ssyncset.done $0x0  }
0x143: {  	s2 =	simm.s32 @!p0 $0x9;
	[sflag:s17] =	ssyncadd.s32 $0xFFFFFFC0  }
0x144: {  	_ =	swait.ge @!p0 [sflag:s2], $0x4000  }
0x145: {  	[sflag:s2] =	ssyncset.done @!p0 $0x0  }
0x146: {  	[sflag:s2] =	ssyncadd.s32 @!p0 $0xFFFFC000  }
0x147: {  	v12 =	vld [tilespmem:$0x0];
	_ =	sdelay $0x4  }
0x148: {  	v13 =	vperm.xlane v12, v0;
	_ =	sdelay $0x1  }
0x149: {  	v12 =	vperm.xlane v12, v2;
	v13 =	vadd.s32 v1, v13;
	_ =	sdelay $0x1  }
0x14a: {  	v12 =	vadd.s32 v1, v12;
	_ =	sdelay $0x1  }
0x14b: {  	s2 =	simm.s32 $0x0  }
0x14c: {  	[tilespmem:s22], [sflag:$0x5] =	stream.indirect_vreg.gather [hbm4b:s8+s2], $0x80, v13, vm0, $0xb8;
	[tilespmem:$0x14700] =	vst v63  }
0x14d: {  	s4 =	simm.s32 $0xCB00  }
0x14e: {  	[tilespmem:s4], [sflag:$0x5] =	stream.indirect_vreg.gather [hbm4b:s8+s2], $0x80, v12, vm0, $0xb8;
	[tilespmem:$0x14700] =	vst v63  }
0x14f: {  	v12 =	vld [tilespmem:$0x10];
	_ =	sdelay $0x4  }
0x150: {  	v13 =	vperm.xlane v12, v0;
	_ =	sdelay $0x1  }
0x151: {  	v12 =	vperm.xlane v12, v2;
	v13 =	vadd.s32 v1, v13;
	_ =	sdelay $0x1  }
0x152: {  	v12 =	vadd.s32 v1, v12;
	_ =	sdelay $0x1  }
0x153: {  	s11 =	simm.s32 $0xD300  }
0x154: {  	[tilespmem:s11], [sflag:$0x5] =	stream.indirect_vreg.gather [hbm4b:s8+s2], $0x80, v13, vm0, $0xb8;
	[tilespmem:$0x14700] =	vst v63  }
0x155: {  	s14 =	simm.s32 $0xDB00  }
0x156: {  	[tilespmem:s14], [sflag:$0x5] =	stream.indirect_vreg.gather [hbm4b:s8+s2], $0x80, v12, vm0, $0xb8;
	[tilespmem:$0x14700] =	vst v63  }
0x157: {  	v12 =	vld [tilespmem:$0x20];
	_ =	sdelay $0x4  }
0x158: {  	v13 =	vperm.xlane v12, v0;
	_ =	sdelay $0x1  }
0x159: {  	v12 =	vperm.xlane v12, v2;
	v13 =	vadd.s32 v1, v13;
	_ =	sdelay $0x1  }
0x15a: {  	v12 =	vadd.s32 v1, v12;
	_ =	sdelay $0x1  }
0x15b: {  	s15 =	simm.s32 $0xE300  }
0x15c: {  	[tilespmem:s15], [sflag:$0x5] =	stream.indirect_vreg.gather [hbm4b:s8+s2], $0x80, v13, vm0, $0xb8;
	[tilespmem:$0x14700] =	vst v63  }
0x15d: {  	s21 =	simm.s32 $0xEB00  }
0x15e: {  	[tilespmem:s21], [sflag:$0x5] =	stream.indirect_vreg.gather [hbm4b:s8+s2], $0x80, v12, vm0, $0xb8;
	[tilespmem:$0x14700] =	vst v63  }
0x15f: {  	v12 =	vld [tilespmem:$0x30];
	_ =	sdelay $0x4  }
0x160: {  	v13 =	vperm.xlane v12, v0;
	_ =	sdelay $0x1  }
0x161: {  	v12 =	vperm.xlane v12, v2;
	v13 =	vadd.s32 v1, v13;
	_ =	sdelay $0x1  }
0x162: {  	v12 =	vadd.s32 v1, v12;
	_ =	sdelay $0x1  }
0x163: {  	s25 =	simm.s32 $0xF300  }
0x164: {  	[tilespmem:s25], [sflag:$0x5] =	stream.indirect_vreg.gather [hbm4b:s8+s2], $0x80, v13, vm0, $0xb8;
	[tilespmem:$0x14700] =	vst v63  }
0x165: {  	s26 =	simm.s32 $0xFB00  }
0x166: {  	[tilespmem:s26], [sflag:$0x5] =	stream.indirect_vreg.gather [hbm4b:s8+s2], $0x80, v12, vm0, $0xb8;
	[tilespmem:$0x14700] =	vst v63  }
0x167: {  	s4 =	simm.s32 $0x80;
	s11 =	simm.s32 $0x40  }
0x168: {  	[tilespmem:s28], [sflag:$0x5] =	stream.indirect.gather [hbm4b:s5+s11], $0x80, s4, s11, $0xb8;
	[tilespmem:$0x14700] =	vst v63  }
0x169: {  	_ =	swait.ge [sflag:s24], $0x2000  }
0x16a: {  	[sflag:s24] =	ssyncset.done $0x0  }
0x16b: {  	s0 =	sadd.s32 $0xC0, s0;
	[sflag:s24] =	ssyncadd.s32 $0xFFFFE000  }
0x16c: {  	s15 =	sshrl.u32 s0, $0x3;
	_ =	swait.ge [sflag:s24], $0x2000  }
0x16d: {  	s21 =	simm.s32 $0x180;
	[sflag:s24] =	ssyncset.done $0x0;
	s14 =	rddreg [dreg:$0x3]  }
0x16e: {  	s25 =	rddreg [dreg:$0x6];
	[sflag:s24] =	ssyncadd.s32 $0xFFFFE000;
	s3 =	sadd.s32 s14, s15  }
0x16f: {  	[tilespmem:s21], [sflag:$0x2] =	stream.linear.gather [hbm4b:s3+s2], $0x40, $0x38;
	[tilespmem:$0x14700] =	vst v63  }
0x170: {  	v12 =	vmov s2;
	s26 =	simm.s32 $0x200;
	s11 =	simm.s32 $0x4;
	s3 =	sadd.s32 s25, s15  }
0x171: {  	[tilespmem:s26], [sflag:$0x2] =	stream.linear.gather [hbm4b:s3+s2], $0x40, $0x38;
	[tilespmem:$0x14700] =	vst v63  }
0x172: {  	_ =	swait.ge [sflag:s11], $0x40  }
0x173: {  	[sflag:s11] =	ssyncset.done $0x0  }
0x174: {  	[sflag:s11] =	ssyncadd.s32 $0xFFFFFFC0  }
0x175: {  	v13 =	vld.idx.msk [tilespmem:v12+s16+$0x0], $0xffff;
	_ =	sdelay $0x4  }
0x176: {  	v13 =	vshll.u32 v13, $0x4  }
0x177: {  	v14 =	vor.u32 v3, v13;
	_ =	sdelay $0x1  }
0x178: {  	v15 =	vshll.u32 v12, $0x8;
	v12 =	vshll.u32 v12, $0x7  }
0x179: {  	v15 =	vand.u32 $0x3800, v15;
	v16 =	vand.u32 $0x300, v12  }
0x17a: {  	s14 =	simm.s32 $0x1;
	v15 =	vor.u32 v16, v15  }
0x17b: {  	v17 =	vmov s14;
	v16 =	vor.u32 v4, v15;
	v14 =	vld.idx.msk [tilespmem:v14+s1+$0x0], vm1  }
0x17c: {  	v13 =	vor.u32 v6, v13  }
0x17d: {  	v61 =	vor.u32 v3, v12;
	_ =	sdelay $0x2  }
0x17e: {  	v62 =	vld.idx.msk [tilespmem:v17+s16+$0x0], $0xffff;
	[tilespmem:v16+s9+$0x0] =	vst.idx.msk vm1, v14  }
0x17f: {  	v13 =	vld.idx.msk [tilespmem:v13+s1+$0x0], $0xf  }
0x180: {  	v14 =	vld.idx.msk [tilespmem:v61+s19+$0x0], vm1;
	_ =	sdelay $0x2  }
0x181: {  	s21 =	sand.u32 $0x3800, s2  }
0x182: {  	s25 =	sand.u32 $0x300, s2;
	s3 =	sor.u32 $0x8300, s21  }
0x183: {  	s4 =	sadd.s32 s25, s3;
	v13 =	vsel vm2, v13, v14  }
0x184: {  	s11 =	simm.s32 $0x2384;
	[tilespmem:s4+$0x70] =	vst v13  }
0x185: {  	v13 =	vld [tilespmem:s11+$0xFFFFFF88];
	_ =	sdelay $0x4  }
0x186: {  	[tilespmem:s4+$0x400] =	vst v13  }
0x187: {  	v13 =	vld [tilespmem:s11+$0xFFFFFF98];
	_ =	sdelay $0x4  }
0x188: {  	[tilespmem:s4+$0x410] =	vst v13  }
0x189: {  	v13 =	vld [tilespmem:s11+$0xFFFFFFA8];
	_ =	sdelay $0x4  }
0x18a: {  	[tilespmem:s4+$0x420] =	vst v13  }
0x18b: {  	v13 =	vld [tilespmem:s11+$0xFFFFFFB8];
	_ =	sdelay $0x4  }
0x18c: {  	[tilespmem:s4+$0x430] =	vst v13  }
0x18d: {  	v13 =	vld [tilespmem:s11+$0xFFFFFFC8]  }
0x18e: {  	v12 =	vor.u32 v5, v12;
	_ =	sdelay $0x3  }
0x18f: {  	[tilespmem:s4+$0x440] =	vst v13  }
0x190: {  	v14 =	vor.u32 v7, v15;
	v13 =	vshll.u32 v62, $0x4;
	v12 =	vld.idx.msk [tilespmem:v12+s19+$0x0], $0xff  }
0x191: {  	v15 =	vor.u32 v8, v13;
	_ =	sdelay $0x1  }
0x192: {  	v16 =	vshll.u32 v17, $0x8;
	v17 =	vshll.u32 v17, $0x7  }
0x193: {  	v16 =	vand.u32 $0x3800, v16;
	v63 =	vand.u32 $0x380, v17  }
0x194: {  	v16 =	vor.u32 v63, v16;
	[tilespmem:v14+s9+$0x0] =	vst.idx.msk $0xff, v12  }
0x195: {  	v14 =	vor.u32 v9, v16;
	v12 =	vld.idx.msk [tilespmem:v15+s1+$0x0], vm3  }
0x196: {  	v13 =	vor.u32 v10, v13  }
0x197: {  	v15 =	vor.u32 v8, v17;
	_ =	sdelay $0x2  }
0x198: {  	[tilespmem:v14+s9+$0x0] =	vst.idx.msk vm3, v12  }
0x199: {  	v12 =	vld.idx.msk [tilespmem:v13+s1+$0x0], $0xfff  }
0x19a: {  	v13 =	vld.idx.msk [tilespmem:v15+s19+$0x0], vm3;
	_ =	sdelay $0x2  }
0x19b: {  	s26 =	simm.s32 $0x80  }
0x19c: {  	s4 =	sand.u32 $0x380, s26  }
0x19d: {  	s25 =	sadd.s32 s4, s3;
	v12 =	vsel vm4, v12, v13  }
0x19e: {  	[tilespmem:s25+$0x68] =	vst v12  }
0x19f: {  	v12 =	vor.u32 v11, v16;
	v13 =	vld [tilespmem:s11+$0x0];
	_ =	sdelay $0x4  }
0x1a0: {  	[tilespmem:v12+s9+$0x0] =	vst.idx.msk $0xffff, v13  }
0x1a1: {  	v12 =	vld [tilespmem:s11+$0x10];
	_ =	sdelay $0x4  }
0x1a2: {  	[tilespmem:s25+$0x408] =	vst v12  }
0x1a3: {  	v12 =	vld [tilespmem:s11+$0x20];
	_ =	sdelay $0x4  }
0x1a4: {  	[tilespmem:s25+$0x418] =	vst v12  }
0x1a5: {  	v12 =	vld [tilespmem:s11+$0x30];
	_ =	sdelay $0x4  }
0x1a6: {  	[tilespmem:s25+$0x428] =	vst v12  }
0x1a7: {  	v12 =	vld [tilespmem:s11+$0x40];
	_ =	sdelay $0x4  }
0x1a8: {  	s26 =	simm.s32 $0x2;
	[tilespmem:s25+$0x438] =	vst v12  }
0x1a9: {  	v14 =	vmov s26;
	v15 =	vld [tilespmem:s11+$0x50]  }
0x1aa: {  	s14 =	simm.s32 $0x200;
	s3 =	simm.s32 $0x4;
	v13 =	vshll.u32 v14, $0x8;
	v12 =	vshll.u32 v14, $0x7  }
.LBB2_5:
0x1ab: {  	s2 =	sadd.s32 $0x100, s2  }
0x1ac: {  	s11 =	sadd.s32 $0x100, s11;
	s4 =	smov.u32 s3;
	s21 =	sadd.s32 $0x2, s3  }
0x1ad: {  	p1 =	sne.s32 s3, $0x3E  }
0x1ae: {  	[tilespmem:s25+$0x448] =	vst v15  }
0x1af: {  	v14 =	vld.idx.msk [tilespmem:v14+s16+$0x0], $0xffff;
	_ =	sdelay $0x5  }
0x1b0: {  	v14 =	vshll.u32 v14, $0x4  }
0x1b1: {  	v15 =	vor.u32 v3, v14;
	_ =	sdelay $0x3  }
0x1b2: {  	s3 =	sadd.s32 $0x1, s26;
	v13 =	vand.u32 $0x3800, v13;
	v16 =	vand.u32 $0x300, v12;
	s26 =	smov.u32 s4  }
0x1b3: {  	v17 =	vmov s3;
	v13 =	vor.u32 v16, v13;
	v15 =	vld.idx.msk [tilespmem:v15+s1+$0x0], vm1  }
0x1b4: {  	v16 =	vor.u32 v4, v13;
	v18 =	vshll.u32 v17, $0x8;
	v19 =	vshll.u32 v17, $0x7  }
0x1b5: {  	v20 =	vor.u32 v3, v12;
	v18 =	vand.u32 $0x3800, v18;
	v14 =	vor.u32 v6, v14  }
0x1b6: {  	v21 =	vand.u32 $0x380, v19  }
0x1b7: {  	v18 =	vor.u32 v21, v18  }
0x1b8: {  	v17 =	vld.idx.msk [tilespmem:v17+s16+$0x0], $0xffff  }
0x1b9: {  	[tilespmem:v16+s9+$0x0] =	vst.idx.msk vm1, v15  }
0x1ba: {  	v14 =	vld.idx.msk [tilespmem:v14+s1+$0x0], $0xf  }
0x1bb: {  	v15 =	vld.idx.msk [tilespmem:v20+s19+$0x0], vm1;
	_ =	sdelay $0x2  }
0x1bc: {  	s3 =	sand.u32 $0x3800, s14  }
0x1bd: {  	s4 =	sand.u32 $0x300, s2;
	s25 =	sor.u32 $0x8300, s3  }
0x1be: {  	s3 =	sadd.s32 s4, s25  }
0x1bf: {  	v14 =	vsel vm2, v14, v15  }
0x1c0: {  	[tilespmem:s3+$0x70] =	vst v14  }
0x1c1: {  	v14 =	vld [tilespmem:s11+$0xFFFFFF88];
	_ =	sdelay $0x4  }
0x1c2: {  	[tilespmem:s3+$0x400] =	vst v14  }
0x1c3: {  	v14 =	vld [tilespmem:s11+$0xFFFFFF98];
	_ =	sdelay $0x4  }
0x1c4: {  	[tilespmem:s3+$0x410] =	vst v14  }
0x1c5: {  	v14 =	vld [tilespmem:s11+$0xFFFFFFA8];
	_ =	sdelay $0x4  }
0x1c6: {  	[tilespmem:s3+$0x420] =	vst v14  }
0x1c7: {  	v14 =	vld [tilespmem:s11+$0xFFFFFFB8];
	_ =	sdelay $0x4  }
0x1c8: {  	[tilespmem:s3+$0x430] =	vst v14  }
0x1c9: {  	v12 =	vor.u32 v5, v12;
	v14 =	vld [tilespmem:s11+$0xFFFFFFC8];
	_ =	sdelay $0x4  }
0x1ca: {  	[tilespmem:s3+$0x440] =	vst v14  }
0x1cb: {  	v13 =	vor.u32 v7, v13;
	v14 =	vshll.u32 v17, $0x4;
	v12 =	vld.idx.msk [tilespmem:v12+s19+$0x0], $0xff  }
0x1cc: {  	v15 =	vor.u32 v8, v14;
	_ =	sdelay $0x4  }
0x1cd: {  	[tilespmem:v13+s9+$0x0] =	vst.idx.msk $0xff, v12  }
0x1ce: {  	v13 =	vor.u32 v9, v18;
	v12 =	vld.idx.msk [tilespmem:v15+s1+$0x0], vm3;
	_ =	sdelay $0x1  }
0x1cf: {  	v14 =	vor.u32 v10, v14;
	v15 =	vor.u32 v8, v19;
	_ =	sdelay $0x3  }
0x1d0: {  	[tilespmem:v13+s9+$0x0] =	vst.idx.msk vm3, v12  }
0x1d1: {  	v12 =	vld.idx.msk [tilespmem:v14+s1+$0x0], $0xfff  }
0x1d2: {  	v13 =	vld.idx.msk [tilespmem:v15+s19+$0x0], vm3;
	_ =	sdelay $0x1  }
0x1d3: {  	s3 =	sadd.s32 $0x80, s2  }
0x1d4: {  	s3 =	sand.u32 $0x380, s3  }
0x1d5: {  	s25 =	sadd.s32 s3, s25;
	_ =	sdelay $0x1  }
0x1d6: {  	v12 =	vsel vm4, v12, v13;
	v13 =	vor.u32 v11, v18  }
0x1d7: {  	[tilespmem:s25+$0x68] =	vst v12  }
0x1d8: {  	v12 =	vld [tilespmem:s11+$0x0];
	_ =	sdelay $0x4  }
0x1d9: {  	[tilespmem:v13+s9+$0x0] =	vst.idx.msk $0xffff, v12  }
0x1da: {  	v12 =	vld [tilespmem:s11+$0x10];
	_ =	sdelay $0x4  }
0x1db: {  	[tilespmem:s25+$0x408] =	vst v12  }
0x1dc: {  	v12 =	vld [tilespmem:s11+$0x20];
	_ =	sdelay $0x4  }
0x1dd: {  	[tilespmem:s25+$0x418] =	vst v12  }
0x1de: {  	v12 =	vld [tilespmem:s11+$0x30];
	_ =	sdelay $0x4  }
0x1df: {  	[tilespmem:s25+$0x428] =	vst v12  }
0x1e0: {  	v12 =	vld [tilespmem:s11+$0x40];
	_ =	sdelay $0x3  }
.Ltmp1:
0x1e1: {  	(pc) =	sbr.rel @p1 .LBB2_5-.Ltmp1, $4  }
0x1e2: {  	[tilespmem:s25+$0x438] =	vst v12  }
0x1e3: {  	v15 =	vld [tilespmem:s11+$0x50]  }
0x1e4: {  	v14 =	vmov s26  }
0x1e5: {  	s14 =	sadd.s32 $0x200, s14;
	s3 =	smov.u32 s21;
	v13 =	vshll.u32 v14, $0x8;
	v12 =	vshll.u32 v14, $0x7  }
0x1e6: {  	_ =	sdelay $0x2  }
0x1e7: {  	[tilespmem:s25+$0x448] =	vst v15  }
0x1e8: {  	v14 =	vld.idx.msk [tilespmem:v14+s16+$0x0], $0xffff;
	_ =	sdelay $0x4  }
0x1e9: {  	v14 =	vshll.u32 v14, $0x4  }
0x1ea: {  	v15 =	vor.u32 v3, v14;
	_ =	sdelay $0x2  }
0x1eb: {  	v13 =	vand.u32 $0x3800, v13;
	v16 =	vand.u32 $0x300, v12  }
0x1ec: {  	s3 =	sadd.s32 $0x1, s26;
	v13 =	vor.u32 v16, v13  }
0x1ed: {  	v17 =	vmov s3;
	v16 =	vor.u32 v4, v13;
	v15 =	vld.idx.msk [tilespmem:v15+s1+$0x0], vm1  }
0x1ee: {  	v14 =	vor.u32 v6, v14  }
0x1ef: {  	v18 =	vor.u32 v3, v12;
	_ =	sdelay $0x2  }
0x1f0: {  	v19 =	vld.idx.msk [tilespmem:v17+s16+$0x0], $0xffff;
	[tilespmem:v16+s9+$0x0] =	vst.idx.msk vm1, v15  }
0x1f1: {  	v14 =	vld.idx.msk [tilespmem:v14+s1+$0x0], $0xf  }
0x1f2: {  	v15 =	vld.idx.msk [tilespmem:v18+s19+$0x0], vm1;
	_ =	sdelay $0x2  }
0x1f3: {  	s2 =	sadd.s32 $0x100, s2;
	s26 =	sand.u32 $0x3800, s14  }
0x1f4: {  	s4 =	sand.u32 $0x300, s2;
	s3 =	sor.u32 $0x8300, s26  }
0x1f5: {  	s4 =	sadd.s32 s4, s3;
	v14 =	vsel vm2, v14, v15  }
0x1f6: {  	s11 =	sadd.s32 $0x100, s11;
	[tilespmem:s4+$0x70] =	vst v14  }
0x1f7: {  	v14 =	vld [tilespmem:s11+$0xFFFFFF88];
	_ =	sdelay $0x4  }
0x1f8: {  	[tilespmem:s4+$0x400] =	vst v14  }
0x1f9: {  	v14 =	vld [tilespmem:s11+$0xFFFFFF98];
	_ =	sdelay $0x4  }
0x1fa: {  	[tilespmem:s4+$0x410] =	vst v14  }
0x1fb: {  	v14 =	vld [tilespmem:s11+$0xFFFFFFA8];
	_ =	sdelay $0x4  }
0x1fc: {  	[tilespmem:s4+$0x420] =	vst v14  }
0x1fd: {  	v14 =	vld [tilespmem:s11+$0xFFFFFFB8];
	_ =	sdelay $0x4  }
0x1fe: {  	[tilespmem:s4+$0x430] =	vst v14  }
0x1ff: {  	v14 =	vld [tilespmem:s11+$0xFFFFFFC8]  }
0x200: {  	v12 =	vor.u32 v5, v12;
	_ =	sdelay $0x3  }
0x201: {  	[tilespmem:s4+$0x440] =	vst v14  }
0x202: {  	v13 =	vor.u32 v7, v13;
	v14 =	vshll.u32 v19, $0x4;
	v12 =	vld.idx.msk [tilespmem:v12+s19+$0x0], $0xff  }
0x203: {  	v15 =	vor.u32 v8, v14;
	_ =	sdelay $0x1  }
0x204: {  	v16 =	vshll.u32 v17, $0x8;
	v17 =	vshll.u32 v17, $0x7  }
0x205: {  	v16 =	vand.u32 $0x3800, v16;
	v60 =	vand.u32 $0x380, v17  }
0x206: {  	v16 =	vor.u32 v60, v16;
	[tilespmem:v13+s9+$0x0] =	vst.idx.msk $0xff, v12  }
0x207: {  	v13 =	vor.u32 v9, v16;
	v12 =	vld.idx.msk [tilespmem:v15+s1+$0x0], vm3  }
0x208: {  	v14 =	vor.u32 v10, v14  }
0x209: {  	v15 =	vor.u32 v8, v17;
	_ =	sdelay $0x2  }
0x20a: {  	[tilespmem:v13+s9+$0x0] =	vst.idx.msk vm3, v12  }
0x20b: {  	v12 =	vld.idx.msk [tilespmem:v14+s1+$0x0], $0xfff  }
0x20c: {  	v13 =	vld.idx.msk [tilespmem:v15+s19+$0x0], vm3;
	_ =	sdelay $0x2  }
0x20d: {  	s2 =	sadd.s32 $0x80, s2  }
0x20e: {  	s2 =	sand.u32 $0x380, s2  }
0x20f: {  	s2 =	sadd.s32 s2, s3;
	v12 =	vsel vm4, v12, v13  }
0x210: {  	[tilespmem:s2+$0x68] =	vst v12  }
0x211: {  	v12 =	vor.u32 v11, v16;
	v13 =	vld [tilespmem:s11+$0x0];
	_ =	sdelay $0x4  }
0x212: {  	[tilespmem:v12+s9+$0x0] =	vst.idx.msk $0xffff, v13  }
0x213: {  	v12 =	vld [tilespmem:s11+$0x10];
	_ =	sdelay $0x4  }
0x214: {  	[tilespmem:s2+$0x408] =	vst v12  }
0x215: {  	v12 =	vld [tilespmem:s11+$0x20];
	_ =	sdelay $0x4  }
0x216: {  	[tilespmem:s2+$0x418] =	vst v12  }
0x217: {  	v12 =	vld [tilespmem:s11+$0x30];
	_ =	sdelay $0x4  }
0x218: {  	[tilespmem:s2+$0x428] =	vst v12  }
0x219: {  	v12 =	vld [tilespmem:s11+$0x40];
	_ =	sdelay $0x4  }
0x21a: {  	[tilespmem:s2+$0x438] =	vst v12  }
0x21b: {  	v12 =	vld [tilespmem:s11+$0x50];
	_ =	sdelay $0x4  }
0x21c: {  	s14 =	sshll.u32 s13, $0x5;
	s4 =	sadd.s32 s10, s15;
	s11 =	simm.s32 $0x0;
	[tilespmem:s2+$0x448] =	vst v12  }
0x21d: {  	[tilespmem:s16], [sflag:$0x4] =	stream.linear.gather [hbm4b:s4+s11], $0x40, $0x38;
	[tilespmem:$0x14700] =	vst v63  }
0x21e: {  	s2 =	sadd.s32 s6, s14  }
0x21f: {  	[hbm4b:s2+s11] =	stream.linear.scatter [tilespmem:s9], [sflag:$0x8], $0x4000, $0x38;
	[tilespmem:$0x14700] =	vst v63  }
0x220: {  	_ =	swait.ge [sflag:s29], $0x40  }
0x221: {  	[sflag:s29] =	ssyncset.done $0x0  }
0x222: {  	[sflag:s29] =	ssyncadd.s32 $0xFFFFFFC0  }
0x223: {  	_ =	swait.ge [sflag:s29], $0x40  }
0x224: {  	[sflag:s29] =	ssyncset.done $0x0  }
0x225: {  	s2 =	simm.s32 @!p0 $0xA;
	[sflag:s29] =	ssyncadd.s32 $0xFFFFFFC0  }
0x226: {  	_ =	swait.ge @!p0 [sflag:s2], $0x4000  }
0x227: {  	[sflag:s2] =	ssyncset.done @!p0 $0x0  }
0x228: {  	[sflag:s2] =	ssyncadd.s32 @!p0 $0xFFFFC000  }
0x229: {  	v12 =	vld [tilespmem:$0x180];
	_ =	sdelay $0x4  }
0x22a: {  	v13 =	vperm.xlane v12, v0;
	_ =	sdelay $0x1  }
0x22b: {  	v12 =	vperm.xlane v12, v2;
	v13 =	vadd.s32 v1, v13;
	_ =	sdelay $0x1  }
0x22c: {  	v12 =	vadd.s32 v1, v12;
	_ =	sdelay $0x1  }
0x22d: {  	s2 =	simm.s32 $0x0  }
0x22e: {  	[tilespmem:s23], [sflag:$0x6] =	stream.indirect_vreg.gather [hbm4b:s8+s2], $0x80, v13, vm0, $0xb8;
	[tilespmem:$0x14700] =	vst v63  }
0x22f: {  	s15 =	simm.s32 $0x10B00  }
0x230: {  	[tilespmem:s15], [sflag:$0x6] =	stream.indirect_vreg.gather [hbm4b:s8+s2], $0x80, v12, vm0, $0xb8;
	[tilespmem:$0x14700] =	vst v63  }
0x231: {  	v12 =	vld [tilespmem:$0x190];
	_ =	sdelay $0x4  }
0x232: {  	v13 =	vperm.xlane v12, v0;
	_ =	sdelay $0x1  }
0x233: {  	v12 =	vperm.xlane v12, v2;
	v13 =	vadd.s32 v1, v13;
	_ =	sdelay $0x1  }
0x234: {  	v12 =	vadd.s32 v1, v12;
	_ =	sdelay $0x1  }
0x235: {  	s21 =	simm.s32 $0x11300  }
0x236: {  	[tilespmem:s21], [sflag:$0x6] =	stream.indirect_vreg.gather [hbm4b:s8+s2], $0x80, v13, vm0, $0xb8;
	[tilespmem:$0x14700] =	vst v63  }
0x237: {  	s25 =	simm.s32 $0x11B00  }
0x238: {  	[tilespmem:s25], [sflag:$0x6] =	stream.indirect_vreg.gather [hbm4b:s8+s2], $0x80, v12, vm0, $0xb8;
	[tilespmem:$0x14700] =	vst v63  }
0x239: {  	v12 =	vld [tilespmem:$0x1A0];
	_ =	sdelay $0x4  }
0x23a: {  	v13 =	vperm.xlane v12, v0;
	_ =	sdelay $0x1  }
0x23b: {  	v12 =	vperm.xlane v12, v2;
	v13 =	vadd.s32 v1, v13;
	_ =	sdelay $0x1  }
0x23c: {  	v12 =	vadd.s32 v1, v12;
	_ =	sdelay $0x1  }
0x23d: {  	s26 =	simm.s32 $0x12300  }
0x23e: {  	[tilespmem:s26], [sflag:$0x6] =	stream.indirect_vreg.gather [hbm4b:s8+s2], $0x80, v13, vm0, $0xb8;
	[tilespmem:$0x14700] =	vst v63  }
0x23f: {  	s4 =	simm.s32 $0x12B00  }
0x240: {  	[tilespmem:s4], [sflag:$0x6] =	stream.indirect_vreg.gather [hbm4b:s8+s2], $0x80, v12, vm0, $0xb8;
	[tilespmem:$0x14700] =	vst v63  }
0x241: {  	v12 =	vld [tilespmem:$0x1B0];
	_ =	sdelay $0x4  }
0x242: {  	v13 =	vperm.xlane v12, v0;
	_ =	sdelay $0x1  }
0x243: {  	v12 =	vperm.xlane v12, v2;
	v13 =	vadd.s32 v1, v13;
	_ =	sdelay $0x1  }
0x244: {  	v12 =	vadd.s32 v1, v12;
	_ =	sdelay $0x1  }
0x245: {  	s11 =	simm.s32 $0x13300  }
0x246: {  	[tilespmem:s11], [sflag:$0x6] =	stream.indirect_vreg.gather [hbm4b:s8+s2], $0x80, v13, vm0, $0xb8;
	[tilespmem:$0x14700] =	vst v63  }
0x247: {  	s13 =	simm.s32 $0x13B00  }
0x248: {  	[tilespmem:s13], [sflag:$0x6] =	stream.indirect_vreg.gather [hbm4b:s8+s2], $0x80, v12, vm0, $0xb8;
	[tilespmem:$0x14700] =	vst v63  }
0x249: {  	s14 =	simm.s32 $0x200;
	s15 =	simm.s32 $0x40  }
0x24a: {  	[tilespmem:s19], [sflag:$0x6] =	stream.indirect.gather [hbm4b:s5+s15], $0x80, s14, s15, $0xb8;
	[tilespmem:$0x14700] =	vst v63  }
0x24b: {  	_ =	swait.ge [sflag:s20], $0x2000  }
0x24c: {  	[sflag:s20] =	ssyncset.done $0x0  }
0x24d: {  	[sflag:s20] =	ssyncadd.s32 $0xFFFFE000  }
0x24e: {  	_ =	swait.ge [sflag:s20], $0x2000  }
0x24f: {  	s21 =	rddreg [dreg:$0x1a]  }
0x250: {  	s26 =	smov.u32 s5;
	s3 =	sadd.s32 s30, s21  }
0x251: {  	[sflag:s20] =	ssyncset.done $0x0;
	s25 =	rddreg [dreg:$0x3];
	s13 =	sshrl.u32 s3, $0x3  }
0x252: {  	s4 =	rddreg [dreg:$0x6];
	[sflag:s20] =	ssyncadd.s32 $0xFFFFE000;
	s3 =	sadd.s32 s25, s13  }
0x253: {  	[tilespmem:s2], [sflag:$0x1] =	stream.linear.gather [hbm4b:s3+s2], $0x40, $0x38;
	[tilespmem:$0x14700] =	vst v63  }
0x254: {  	s11 =	simm.s32 $0x3;
	v12 =	vmov s2;
	s5 =	simm.s32 $0x80;
	s3 =	sadd.s32 s4, s13  }
0x255: {  	[tilespmem:s5], [sflag:$0x1] =	stream.linear.gather [hbm4b:s3+s2], $0x40, $0x38;
	[tilespmem:$0x14700] =	vst v63  }
0x256: {  	_ =	swait.ge [sflag:s11], $0x40  }
0x257: {  	[sflag:s11] =	ssyncset.done $0x0  }
0x258: {  	[sflag:s11] =	ssyncadd.s32 $0xFFFFFFC0  }
0x259: {  	v13 =	vld.idx.msk [tilespmem:v12+s12+$0x0], $0xffff;
	_ =	sdelay $0x4  }
0x25a: {  	v13 =	vshll.u32 v13, $0x4  }
0x25b: {  	v14 =	vor.u32 v3, v13;
	_ =	sdelay $0x1  }
0x25c: {  	v15 =	vshll.u32 v12, $0x8;
	v12 =	vshll.u32 v12, $0x7  }
0x25d: {  	v15 =	vand.u32 $0x3800, v15;
	v16 =	vand.u32 $0x300, v12  }
0x25e: {  	s14 =	simm.s32 $0x1;
	v15 =	vor.u32 v16, v15  }
0x25f: {  	v17 =	vmov s14;
	v16 =	vor.u32 v4, v15;
	v14 =	vld.idx.msk [tilespmem:v14+s1+$0x0], vm1  }
0x260: {  	v13 =	vor.u32 v6, v13  }
0x261: {  	v61 =	vor.u32 v3, v12;
	_ =	sdelay $0x2  }
0x262: {  	v62 =	vld.idx.msk [tilespmem:v17+s12+$0x0], $0xffff;
	[tilespmem:v16+s22+$0x0] =	vst.idx.msk vm1, v14  }
0x263: {  	v13 =	vld.idx.msk [tilespmem:v13+s1+$0x0], $0xf  }
0x264: {  	v14 =	vld.idx.msk [tilespmem:v61+s28+$0x0], vm1;
	_ =	sdelay $0x2  }
0x265: {  	s15 =	sand.u32 $0x3800, s2  }
0x266: {  	s21 =	sand.u32 $0x300, s2;
	s3 =	sor.u32 $0xC300, s15  }
0x267: {  	s4 =	sadd.s32 s21, s3;
	v13 =	vsel vm2, v13, v14  }
0x268: {  	s11 =	simm.s32 $0x384;
	[tilespmem:s4+$0x70] =	vst v13  }
0x269: {  	v13 =	vld [tilespmem:s11+$0xFFFFFF88];
	_ =	sdelay $0x4  }
0x26a: {  	[tilespmem:s4+$0x400] =	vst v13  }
0x26b: {  	v13 =	vld [tilespmem:s11+$0xFFFFFF98];
	_ =	sdelay $0x4  }
0x26c: {  	[tilespmem:s4+$0x410] =	vst v13  }
0x26d: {  	v13 =	vld [tilespmem:s11+$0xFFFFFFA8];
	_ =	sdelay $0x4  }
0x26e: {  	[tilespmem:s4+$0x420] =	vst v13  }
0x26f: {  	v13 =	vld [tilespmem:s11+$0xFFFFFFB8];
	_ =	sdelay $0x4  }
0x270: {  	[tilespmem:s4+$0x430] =	vst v13  }
0x271: {  	v13 =	vld [tilespmem:s11+$0xFFFFFFC8]  }
0x272: {  	v12 =	vor.u32 v5, v12;
	_ =	sdelay $0x3  }
0x273: {  	[tilespmem:s4+$0x440] =	vst v13  }
0x274: {  	v14 =	vor.u32 v7, v15;
	v13 =	vshll.u32 v62, $0x4;
	v12 =	vld.idx.msk [tilespmem:v12+s28+$0x0], $0xff  }
0x275: {  	v15 =	vor.u32 v8, v13;
	_ =	sdelay $0x1  }
0x276: {  	v16 =	vshll.u32 v17, $0x8;
	v17 =	vshll.u32 v17, $0x7  }
0x277: {  	v16 =	vand.u32 $0x3800, v16;
	v63 =	vand.u32 $0x380, v17  }
0x278: {  	v16 =	vor.u32 v63, v16;
	[tilespmem:v14+s22+$0x0] =	vst.idx.msk $0xff, v12  }
0x279: {  	v14 =	vor.u32 v9, v16;
	v12 =	vld.idx.msk [tilespmem:v15+s1+$0x0], vm3  }
0x27a: {  	v13 =	vor.u32 v10, v13  }
0x27b: {  	v15 =	vor.u32 v8, v17;
	_ =	sdelay $0x2  }
0x27c: {  	[tilespmem:v14+s22+$0x0] =	vst.idx.msk vm3, v12  }
0x27d: {  	v12 =	vld.idx.msk [tilespmem:v13+s1+$0x0], $0xfff  }
0x27e: {  	v13 =	vld.idx.msk [tilespmem:v15+s28+$0x0], vm3;
	_ =	sdelay $0x2  }
0x27f: {  	s25 =	simm.s32 $0x80  }
0x280: {  	s4 =	sand.u32 $0x380, s25  }
0x281: {  	s25 =	sadd.s32 s4, s3;
	v12 =	vsel vm4, v12, v13  }
0x282: {  	[tilespmem:s25+$0x68] =	vst v12  }
0x283: {  	v12 =	vor.u32 v11, v16;
	v13 =	vld [tilespmem:s11+$0x0];
	_ =	sdelay $0x4  }
0x284: {  	[tilespmem:v12+s22+$0x0] =	vst.idx.msk $0xffff, v13  }
0x285: {  	v12 =	vld [tilespmem:s11+$0x10];
	_ =	sdelay $0x4  }
0x286: {  	[tilespmem:s25+$0x408] =	vst v12  }
0x287: {  	v12 =	vld [tilespmem:s11+$0x20];
	_ =	sdelay $0x4  }
0x288: {  	[tilespmem:s25+$0x418] =	vst v12  }
0x289: {  	v12 =	vld [tilespmem:s11+$0x30];
	_ =	sdelay $0x4  }
0x28a: {  	[tilespmem:s25+$0x428] =	vst v12  }
0x28b: {  	v12 =	vld [tilespmem:s11+$0x40];
	_ =	sdelay $0x4  }
0x28c: {  	s15 =	simm.s32 $0x2;
	[tilespmem:s25+$0x438] =	vst v12  }
0x28d: {  	v14 =	vmov s15;
	v15 =	vld [tilespmem:s11+$0x50]  }
0x28e: {  	s14 =	simm.s32 $0x200;
	s3 =	simm.s32 $0x4;
	v13 =	vshll.u32 v14, $0x8;
	v12 =	vshll.u32 v14, $0x7  }
.LBB2_7:
0x28f: {  	s2 =	sadd.s32 $0x100, s2  }
0x290: {  	s11 =	sadd.s32 $0x100, s11;
	s4 =	smov.u32 s3;
	s21 =	sadd.s32 $0x2, s3  }
0x291: {  	p0 =	sne.s32 s3, $0x3E  }
0x292: {  	[tilespmem:s25+$0x448] =	vst v15  }
0x293: {  	v14 =	vld.idx.msk [tilespmem:v14+s12+$0x0], $0xffff;
	_ =	sdelay $0x5  }
0x294: {  	v14 =	vshll.u32 v14, $0x4  }
0x295: {  	v15 =	vor.u32 v3, v14;
	_ =	sdelay $0x3  }
0x296: {  	s3 =	sadd.s32 $0x1, s15;
	v13 =	vand.u32 $0x3800, v13;
	v16 =	vand.u32 $0x300, v12;
	s15 =	smov.u32 s4  }
0x297: {  	v17 =	vmov s3;
	v13 =	vor.u32 v16, v13;
	v15 =	vld.idx.msk [tilespmem:v15+s1+$0x0], vm1  }
0x298: {  	v16 =	vor.u32 v4, v13;
	v18 =	vshll.u32 v17, $0x8;
	v19 =	vshll.u32 v17, $0x7  }
0x299: {  	v20 =	vor.u32 v3, v12;
	v18 =	vand.u32 $0x3800, v18;
	v14 =	vor.u32 v6, v14  }
0x29a: {  	v21 =	vand.u32 $0x380, v19  }
0x29b: {  	v18 =	vor.u32 v21, v18  }
0x29c: {  	v17 =	vld.idx.msk [tilespmem:v17+s12+$0x0], $0xffff  }
0x29d: {  	[tilespmem:v16+s22+$0x0] =	vst.idx.msk vm1, v15  }
0x29e: {  	v14 =	vld.idx.msk [tilespmem:v14+s1+$0x0], $0xf  }
0x29f: {  	v15 =	vld.idx.msk [tilespmem:v20+s28+$0x0], vm1;
	_ =	sdelay $0x2  }
0x2a0: {  	s3 =	sand.u32 $0x3800, s14  }
0x2a1: {  	s4 =	sand.u32 $0x300, s2;
	s25 =	sor.u32 $0xC300, s3  }
0x2a2: {  	s3 =	sadd.s32 s4, s25  }
0x2a3: {  	v14 =	vsel vm2, v14, v15  }
0x2a4: {  	[tilespmem:s3+$0x70] =	vst v14  }
0x2a5: {  	v14 =	vld [tilespmem:s11+$0xFFFFFF88];
	_ =	sdelay $0x4  }
0x2a6: {  	[tilespmem:s3+$0x400] =	vst v14  }
0x2a7: {  	v14 =	vld [tilespmem:s11+$0xFFFFFF98];
	_ =	sdelay $0x4  }
0x2a8: {  	[tilespmem:s3+$0x410] =	vst v14  }
0x2a9: {  	v14 =	vld [tilespmem:s11+$0xFFFFFFA8];
	_ =	sdelay $0x4  }
0x2aa: {  	[tilespmem:s3+$0x420] =	vst v14  }
0x2ab: {  	v14 =	vld [tilespmem:s11+$0xFFFFFFB8];
	_ =	sdelay $0x4  }
0x2ac: {  	[tilespmem:s3+$0x430] =	vst v14  }
0x2ad: {  	v12 =	vor.u32 v5, v12;
	v14 =	vld [tilespmem:s11+$0xFFFFFFC8];
	_ =	sdelay $0x4  }
0x2ae: {  	[tilespmem:s3+$0x440] =	vst v14  }
0x2af: {  	v13 =	vor.u32 v7, v13;
	v14 =	vshll.u32 v17, $0x4;
	v12 =	vld.idx.msk [tilespmem:v12+s28+$0x0], $0xff  }
0x2b0: {  	v15 =	vor.u32 v8, v14;
	_ =	sdelay $0x4  }
0x2b1: {  	[tilespmem:v13+s22+$0x0] =	vst.idx.msk $0xff, v12  }
0x2b2: {  	v13 =	vor.u32 v9, v18;
	v12 =	vld.idx.msk [tilespmem:v15+s1+$0x0], vm3;
	_ =	sdelay $0x1  }
0x2b3: {  	v14 =	vor.u32 v10, v14;
	v15 =	vor.u32 v8, v19;
	_ =	sdelay $0x3  }
0x2b4: {  	[tilespmem:v13+s22+$0x0] =	vst.idx.msk vm3, v12  }
0x2b5: {  	v12 =	vld.idx.msk [tilespmem:v14+s1+$0x0], $0xfff  }
0x2b6: {  	v13 =	vld.idx.msk [tilespmem:v15+s28+$0x0], vm3;
	_ =	sdelay $0x1  }
0x2b7: {  	s3 =	sadd.s32 $0x80, s2  }
0x2b8: {  	s3 =	sand.u32 $0x380, s3  }
0x2b9: {  	s25 =	sadd.s32 s3, s25;
	_ =	sdelay $0x1  }
0x2ba: {  	v12 =	vsel vm4, v12, v13;
	v13 =	vor.u32 v11, v18  }
0x2bb: {  	[tilespmem:s25+$0x68] =	vst v12  }
0x2bc: {  	v12 =	vld [tilespmem:s11+$0x0];
	_ =	sdelay $0x4  }
0x2bd: {  	[tilespmem:v13+s22+$0x0] =	vst.idx.msk $0xffff, v12  }
0x2be: {  	v12 =	vld [tilespmem:s11+$0x10];
	_ =	sdelay $0x4  }
0x2bf: {  	[tilespmem:s25+$0x408] =	vst v12  }
0x2c0: {  	v12 =	vld [tilespmem:s11+$0x20];
	_ =	sdelay $0x4  }
0x2c1: {  	[tilespmem:s25+$0x418] =	vst v12  }
0x2c2: {  	v12 =	vld [tilespmem:s11+$0x30];
	_ =	sdelay $0x4  }
0x2c3: {  	[tilespmem:s25+$0x428] =	vst v12  }
0x2c4: {  	v12 =	vld [tilespmem:s11+$0x40];
	_ =	sdelay $0x3  }
.Ltmp2:
0x2c5: {  	(pc) =	sbr.rel @p0 .LBB2_7-.Ltmp2, $4  }
0x2c6: {  	[tilespmem:s25+$0x438] =	vst v12  }
0x2c7: {  	v15 =	vld [tilespmem:s11+$0x50]  }
0x2c8: {  	v14 =	vmov s15  }
0x2c9: {  	s14 =	sadd.s32 $0x200, s14;
	s3 =	smov.u32 s21;
	v13 =	vshll.u32 v14, $0x8;
	v12 =	vshll.u32 v14, $0x7  }
0x2ca: {  	_ =	sdelay $0x2  }
0x2cb: {  	[tilespmem:s25+$0x448] =	vst v15  }
0x2cc: {  	v14 =	vld.idx.msk [tilespmem:v14+s12+$0x0], $0xffff;
	_ =	sdelay $0x4  }
0x2cd: {  	v14 =	vshll.u32 v14, $0x4  }
0x2ce: {  	v15 =	vor.u32 v3, v14;
	_ =	sdelay $0x2  }
0x2cf: {  	v13 =	vand.u32 $0x3800, v13;
	v16 =	vand.u32 $0x300, v12  }
0x2d0: {  	s3 =	sadd.s32 $0x1, s15;
	v13 =	vor.u32 v16, v13  }
0x2d1: {  	v17 =	vmov s3;
	v16 =	vor.u32 v4, v13;
	v15 =	vld.idx.msk [tilespmem:v15+s1+$0x0], vm1  }
0x2d2: {  	v14 =	vor.u32 v6, v14  }
0x2d3: {  	v18 =	vor.u32 v3, v12;
	_ =	sdelay $0x2  }
0x2d4: {  	v19 =	vld.idx.msk [tilespmem:v17+s12+$0x0], $0xffff;
	[tilespmem:v16+s22+$0x0] =	vst.idx.msk vm1, v15  }
0x2d5: {  	v14 =	vld.idx.msk [tilespmem:v14+s1+$0x0], $0xf  }
0x2d6: {  	v15 =	vld.idx.msk [tilespmem:v18+s28+$0x0], vm1;
	_ =	sdelay $0x2  }
0x2d7: {  	s2 =	sadd.s32 $0x100, s2;
	s5 =	sand.u32 $0x3800, s14  }
0x2d8: {  	s4 =	sand.u32 $0x300, s2;
	s3 =	sor.u32 $0xC300, s5  }
0x2d9: {  	s4 =	sadd.s32 s4, s3;
	v14 =	vsel vm2, v14, v15  }
0x2da: {  	s11 =	sadd.s32 $0x100, s11;
	[tilespmem:s4+$0x70] =	vst v14  }
0x2db: {  	v14 =	vld [tilespmem:s11+$0xFFFFFF88];
	_ =	sdelay $0x4  }
0x2dc: {  	[tilespmem:s4+$0x400] =	vst v14  }
0x2dd: {  	v14 =	vld [tilespmem:s11+$0xFFFFFF98];
	_ =	sdelay $0x4  }
0x2de: {  	[tilespmem:s4+$0x410] =	vst v14  }
0x2df: {  	v14 =	vld [tilespmem:s11+$0xFFFFFFA8];
	_ =	sdelay $0x4  }
0x2e0: {  	[tilespmem:s4+$0x420] =	vst v14  }
0x2e1: {  	v14 =	vld [tilespmem:s11+$0xFFFFFFB8];
	_ =	sdelay $0x4  }
0x2e2: {  	[tilespmem:s4+$0x430] =	vst v14  }
0x2e3: {  	v14 =	vld [tilespmem:s11+$0xFFFFFFC8]  }
0x2e4: {  	v12 =	vor.u32 v5, v12;
	_ =	sdelay $0x3  }
0x2e5: {  	[tilespmem:s4+$0x440] =	vst v14  }
0x2e6: {  	v13 =	vor.u32 v7, v13;
	v14 =	vshll.u32 v19, $0x4;
	v12 =	vld.idx.msk [tilespmem:v12+s28+$0x0], $0xff  }
0x2e7: {  	v15 =	vor.u32 v8, v14;
	_ =	sdelay $0x1  }
0x2e8: {  	v16 =	vshll.u32 v17, $0x8;
	v17 =	vshll.u32 v17, $0x7  }
0x2e9: {  	v16 =	vand.u32 $0x3800, v16;
	v60 =	vand.u32 $0x380, v17  }
0x2ea: {  	v16 =	vor.u32 v60, v16;
	[tilespmem:v13+s22+$0x0] =	vst.idx.msk $0xff, v12  }
0x2eb: {  	v13 =	vor.u32 v9, v16;
	v12 =	vld.idx.msk [tilespmem:v15+s1+$0x0], vm3  }
0x2ec: {  	v14 =	vor.u32 v10, v14  }
0x2ed: {  	v15 =	vor.u32 v8, v17;
	_ =	sdelay $0x2  }
0x2ee: {  	[tilespmem:v13+s22+$0x0] =	vst.idx.msk vm3, v12  }
0x2ef: {  	v12 =	vld.idx.msk [tilespmem:v14+s1+$0x0], $0xfff  }
0x2f0: {  	v13 =	vld.idx.msk [tilespmem:v15+s28+$0x0], vm3;
	_ =	sdelay $0x2  }
0x2f1: {  	s2 =	sadd.s32 $0x80, s2  }
0x2f2: {  	s2 =	sand.u32 $0x380, s2  }
0x2f3: {  	s2 =	sadd.s32 s2, s3;
	v12 =	vsel vm4, v12, v13  }
0x2f4: {  	[tilespmem:s2+$0x68] =	vst v12  }
0x2f5: {  	v12 =	vor.u32 v11, v16;
	v13 =	vld [tilespmem:s11+$0x0];
	_ =	sdelay $0x4  }
0x2f6: {  	[tilespmem:v12+s22+$0x0] =	vst.idx.msk $0xffff, v13  }
0x2f7: {  	v12 =	vld [tilespmem:s11+$0x10];
	_ =	sdelay $0x4  }
0x2f8: {  	[tilespmem:s2+$0x408] =	vst v12  }
0x2f9: {  	v12 =	vld [tilespmem:s11+$0x20];
	_ =	sdelay $0x4  }
0x2fa: {  	[tilespmem:s2+$0x418] =	vst v12  }
0x2fb: {  	v12 =	vld [tilespmem:s11+$0x30];
	_ =	sdelay $0x4  }
0x2fc: {  	[tilespmem:s2+$0x428] =	vst v12  }
0x2fd: {  	v12 =	vld [tilespmem:s11+$0x40];
	_ =	sdelay $0x4  }
0x2fe: {  	[tilespmem:s2+$0x438] =	vst v12  }
0x2ff: {  	v12 =	vld [tilespmem:s11+$0x50];
	_ =	sdelay $0x4  }
0x300: {  	s13 =	sadd.s32 s10, s13;
	s15 =	simm.s32 $0x0;
	s14 =	sshll.u32 s31, $0x5;
	[tilespmem:s2+$0x448] =	vst v12  }
0x301: {  	[tilespmem:s12], [sflag:$0x3] =	stream.linear.gather [hbm4b:s13+s15], $0x40, $0x38;
	[tilespmem:$0x14700] =	vst v63  }
0x302: {  	s2 =	sadd.s32 s6, s14  }
0x303: {  	[hbm4b:s2+s15] =	stream.linear.scatter [tilespmem:s22], [sflag:$0x9], $0x4000, $0x38;
	[tilespmem:$0x14700] =	vst v63  }
0x304: {  	_ =	swait.ge [sflag:s17], $0x40  }
0x305: {  	[sflag:s17] =	ssyncset.done $0x0  }
0x306: {  	[sflag:s17] =	ssyncadd.s32 $0xFFFFFFC0  }
0x307: {  	_ =	swait.ge [sflag:s17], $0x40  }
0x308: {  	[sflag:s17] =	ssyncset.done $0x0  }
0x309: {  	s21 =	simm.s32 $0x7;
	[sflag:s17] =	ssyncadd.s32 $0xFFFFFFC0  }
0x30a: {  	_ =	swait.ge [sflag:s21], $0x4000  }
0x30b: {  	[sflag:s21] =	ssyncset.done $0x0  }
0x30c: {  	[sflag:s21] =	ssyncadd.s32 $0xFFFFC000  }
0x30d: {  	v12 =	vld [tilespmem:$0x0];
	_ =	sdelay $0x4  }
0x30e: {  	v13 =	vperm.xlane v12, v0;
	_ =	sdelay $0x1  }
0x30f: {  	v12 =	vperm.xlane v12, v2;
	v13 =	vadd.s32 v1, v13;
	_ =	sdelay $0x1  }
0x310: {  	v12 =	vadd.s32 v1, v12;
	_ =	sdelay $0x2  }
0x311: {  	[tilespmem:s18], [sflag:$0x5] =	stream.indirect_vreg.gather [hbm4b:s8+s15], $0x80, v13, vm0, $0xb8;
	[tilespmem:$0x14700] =	vst v63  }
0x312: {  	s25 =	simm.s32 $0x4B00  }
0x313: {  	[tilespmem:s25], [sflag:$0x5] =	stream.indirect_vreg.gather [hbm4b:s8+s15], $0x80, v12, vm0, $0xb8;
	[tilespmem:$0x14700] =	vst v63  }
0x314: {  	v12 =	vld [tilespmem:$0x10];
	_ =	sdelay $0x4  }
0x315: {  	v13 =	vperm.xlane v12, v0;
	_ =	sdelay $0x1  }
0x316: {  	v12 =	vperm.xlane v12, v2;
	v13 =	vadd.s32 v1, v13;
	_ =	sdelay $0x1  }
0x317: {  	v12 =	vadd.s32 v1, v12;
	_ =	sdelay $0x1  }
0x318: {  	s31 =	simm.s32 $0x5300  }
0x319: {  	[tilespmem:s31], [sflag:$0x5] =	stream.indirect_vreg.gather [hbm4b:s8+s15], $0x80, v13, vm0, $0xb8;
	[tilespmem:$0x14700] =	vst v63  }
0x31a: {  	s3 =	simm.s32 $0x5B00  }
0x31b: {  	[tilespmem:s3], [sflag:$0x5] =	stream.indirect_vreg.gather [hbm4b:s8+s15], $0x80, v12, vm0, $0xb8;
	[tilespmem:$0x14700] =	vst v63  }
0x31c: {  	v12 =	vld [tilespmem:$0x20];
	_ =	sdelay $0x4  }
0x31d: {  	v13 =	vperm.xlane v12, v0;
	_ =	sdelay $0x1  }
0x31e: {  	v12 =	vperm.xlane v12, v2;
	v13 =	vadd.s32 v1, v13;
	_ =	sdelay $0x1  }
0x31f: {  	v12 =	vadd.s32 v1, v12;
	_ =	sdelay $0x1  }
0x320: {  	s4 =	simm.s32 $0x6300  }
0x321: {  	[tilespmem:s4], [sflag:$0x5] =	stream.indirect_vreg.gather [hbm4b:s8+s15], $0x80, v13, vm0, $0xb8;
	[tilespmem:$0x14700] =	vst v63  }
0x322: {  	s5 =	simm.s32 $0x6B00  }
0x323: {  	[tilespmem:s5], [sflag:$0x5] =	stream.indirect_vreg.gather [hbm4b:s8+s15], $0x80, v12, vm0, $0xb8;
	[tilespmem:$0x14700] =	vst v63  }
0x324: {  	v12 =	vld [tilespmem:$0x30];
	_ =	sdelay $0x4  }
0x325: {  	v13 =	vperm.xlane v12, v0;
	_ =	sdelay $0x1  }
0x326: {  	v12 =	vperm.xlane v12, v2;
	v13 =	vadd.s32 v1, v13;
	_ =	sdelay $0x1  }
0x327: {  	v12 =	vadd.s32 v1, v12;
	_ =	sdelay $0x1  }
0x328: {  	s11 =	simm.s32 $0x7300  }
0x329: {  	[tilespmem:s11], [sflag:$0x5] =	stream.indirect_vreg.gather [hbm4b:s8+s15], $0x80, v13, vm0, $0xb8;
	[tilespmem:$0x14700] =	vst v63  }
0x32a: {  	s13 =	simm.s32 $0x7B00  }
0x32b: {  	[tilespmem:s13], [sflag:$0x5] =	stream.indirect_vreg.gather [hbm4b:s8+s15], $0x80, v12, vm0, $0xb8;
	[tilespmem:$0x14700] =	vst v63  }
0x32c: {  	s14 =	simm.s32 $0x80;
	s21 =	simm.s32 $0x40  }
0x32d: {  	[tilespmem:s28], [sflag:$0x5] =	stream.indirect.gather [hbm4b:s26+s21], $0x80, s14, s21, $0xb8;
	[tilespmem:$0x14700] =	vst v63  }
0x32e: {  	_ =	swait.ge [sflag:s24], $0x2000  }
0x32f: {  	[sflag:s24] =	ssyncset.done $0x0  }
0x330: {  	[sflag:s24] =	ssyncadd.s32 $0xFFFFE000  }
0x331: {  	_ =	swait.ge [sflag:s24], $0x2000  }
0x332: {  	s25 =	rddreg [dreg:$0x1b]  }
0x333: {  	s31 =	simm.s32 $0x180;
	s2 =	sadd.s32 s30, s25  }
0x334: {  	[sflag:s24] =	ssyncset.done $0x0;
	s30 =	rddreg [dreg:$0x3];
	s13 =	sshrl.u32 s2, $0x3  }
0x335: {  	s4 =	rddreg [dreg:$0x6];
	[sflag:s24] =	ssyncadd.s32 $0xFFFFE000;
	s2 =	sadd.s32 s30, s13  }
0x336: {  	[tilespmem:s31], [sflag:$0x2] =	stream.linear.gather [hbm4b:s2+s15], $0x40, $0x38;
	[tilespmem:$0x14700] =	vst v63  }
0x337: {  	s5 =	simm.s32 $0x200;
	s11 =	simm.s32 $0x4;
	v12 =	vmov s15;
	s2 =	sadd.s32 s4, s13  }
0x338: {  	[tilespmem:s5], [sflag:$0x2] =	stream.linear.gather [hbm4b:s2+s15], $0x40, $0x38;
	[tilespmem:$0x14700] =	vst v63  }
0x339: {  	_ =	swait.ge [sflag:s11], $0x40  }
0x33a: {  	[sflag:s11] =	ssyncset.done $0x0  }
0x33b: {  	[sflag:s11] =	ssyncadd.s32 $0xFFFFFFC0  }
0x33c: {  	v13 =	vld.idx.msk [tilespmem:v12+s16+$0x0], $0xffff;
	_ =	sdelay $0x4  }
0x33d: {  	v13 =	vshll.u32 v13, $0x4  }
0x33e: {  	v14 =	vor.u32 v3, v13;
	_ =	sdelay $0x1  }
0x33f: {  	v15 =	vshll.u32 v12, $0x8;
	v12 =	vshll.u32 v12, $0x7  }
0x340: {  	v15 =	vand.u32 $0x3800, v15;
	v16 =	vand.u32 $0x300, v12  }
0x341: {  	s14 =	simm.s32 $0x1;
	v15 =	vor.u32 v16, v15  }
0x342: {  	v17 =	vmov s14;
	v16 =	vor.u32 v4, v15;
	v14 =	vld.idx.msk [tilespmem:v14+s1+$0x0], vm1  }
0x343: {  	v13 =	vor.u32 v6, v13  }
0x344: {  	v61 =	vor.u32 v3, v12;
	_ =	sdelay $0x2  }
0x345: {  	v62 =	vld.idx.msk [tilespmem:v17+s16+$0x0], $0xffff;
	[tilespmem:v16+s23+$0x0] =	vst.idx.msk vm1, v14  }
0x346: {  	v13 =	vld.idx.msk [tilespmem:v13+s1+$0x0], $0xf  }
0x347: {  	v14 =	vld.idx.msk [tilespmem:v61+s19+$0x0], vm1;
	_ =	sdelay $0x2  }
0x348: {  	s21 =	sand.u32 $0x3800, s15  }
0x349: {  	s25 =	sand.u32 $0x300, s15;
	s30 =	sor.u32 $0x10300, s21  }
0x34a: {  	s3 =	sadd.s32 s25, s30;
	v13 =	vsel vm2, v13, v14  }
0x34b: {  	s2 =	simm.s32 $0x2384;
	[tilespmem:s3+$0x70] =	vst v13  }
0x34c: {  	v13 =	vld [tilespmem:s2+$0xFFFFFF88];
	_ =	sdelay $0x4  }
0x34d: {  	[tilespmem:s3+$0x400] =	vst v13  }
0x34e: {  	v13 =	vld [tilespmem:s2+$0xFFFFFF98];
	_ =	sdelay $0x4  }
0x34f: {  	[tilespmem:s3+$0x410] =	vst v13  }
0x350: {  	v13 =	vld [tilespmem:s2+$0xFFFFFFA8];
	_ =	sdelay $0x4  }
0x351: {  	[tilespmem:s3+$0x420] =	vst v13  }
0x352: {  	v13 =	vld [tilespmem:s2+$0xFFFFFFB8];
	_ =	sdelay $0x4  }
0x353: {  	[tilespmem:s3+$0x430] =	vst v13  }
0x354: {  	v13 =	vld [tilespmem:s2+$0xFFFFFFC8]  }
0x355: {  	v12 =	vor.u32 v5, v12;
	_ =	sdelay $0x3  }
0x356: {  	[tilespmem:s3+$0x440] =	vst v13  }
0x357: {  	v14 =	vor.u32 v7, v15;
	v13 =	vshll.u32 v62, $0x4;
	v12 =	vld.idx.msk [tilespmem:v12+s19+$0x0], $0xff  }
0x358: {  	v15 =	vor.u32 v8, v13;
	_ =	sdelay $0x1  }
0x359: {  	v16 =	vshll.u32 v17, $0x8;
	v17 =	vshll.u32 v17, $0x7  }
0x35a: {  	v16 =	vand.u32 $0x3800, v16;
	v63 =	vand.u32 $0x380, v17  }
0x35b: {  	v16 =	vor.u32 v63, v16;
	[tilespmem:v14+s23+$0x0] =	vst.idx.msk $0xff, v12  }
0x35c: {  	v14 =	vor.u32 v9, v16;
	v12 =	vld.idx.msk [tilespmem:v15+s1+$0x0], vm3  }
0x35d: {  	v13 =	vor.u32 v10, v13  }
0x35e: {  	v15 =	vor.u32 v8, v17;
	_ =	sdelay $0x2  }
0x35f: {  	[tilespmem:v14+s23+$0x0] =	vst.idx.msk vm3, v12  }
0x360: {  	v12 =	vld.idx.msk [tilespmem:v13+s1+$0x0], $0xfff  }
0x361: {  	v13 =	vld.idx.msk [tilespmem:v15+s19+$0x0], vm3;
	_ =	sdelay $0x2  }
0x362: {  	s31 =	simm.s32 $0x80  }
0x363: {  	s3 =	sand.u32 $0x380, s31  }
0x364: {  	s25 =	sadd.s32 s3, s30;
	v12 =	vsel vm4, v12, v13  }
0x365: {  	[tilespmem:s25+$0x68] =	vst v12  }
0x366: {  	v12 =	vor.u32 v11, v16;
	v13 =	vld [tilespmem:s2+$0x0];
	_ =	sdelay $0x4  }
0x367: {  	[tilespmem:v12+s23+$0x0] =	vst.idx.msk $0xffff, v13  }
0x368: {  	v12 =	vld [tilespmem:s2+$0x10];
	_ =	sdelay $0x4  }
0x369: {  	[tilespmem:s25+$0x408] =	vst v12  }
0x36a: {  	v12 =	vld [tilespmem:s2+$0x20];
	_ =	sdelay $0x4  }
0x36b: {  	[tilespmem:s25+$0x418] =	vst v12  }
0x36c: {  	v12 =	vld [tilespmem:s2+$0x30];
	_ =	sdelay $0x4  }
0x36d: {  	[tilespmem:s25+$0x428] =	vst v12  }
0x36e: {  	v12 =	vld [tilespmem:s2+$0x40];
	_ =	sdelay $0x4  }
0x36f: {  	s14 =	simm.s32 $0x2;
	[tilespmem:s25+$0x438] =	vst v12  }
0x370: {  	v14 =	vmov s14;
	v15 =	vld [tilespmem:s2+$0x50]  }
0x371: {  	s11 =	simm.s32 $0x200;
	s3 =	simm.s32 $0x4;
	v13 =	vshll.u32 v14, $0x8;
	v12 =	vshll.u32 v14, $0x7  }
.LBB2_9:
0x372: {  	s15 =	sadd.s32 $0x100, s15  }
0x373: {  	s2 =	sadd.s32 $0x100, s2;
	s4 =	smov.u32 s3;
	s21 =	sadd.s32 $0x2, s3  }
0x374: {  	p0 =	sne.s32 s3, $0x3E  }
0x375: {  	[tilespmem:s25+$0x448] =	vst v15  }
0x376: {  	v14 =	vld.idx.msk [tilespmem:v14+s16+$0x0], $0xffff;
	_ =	sdelay $0x5  }
0x377: {  	v14 =	vshll.u32 v14, $0x4  }
0x378: {  	v15 =	vor.u32 v3, v14;
	_ =	sdelay $0x3  }
0x379: {  	s3 =	sadd.s32 $0x1, s14;
	v13 =	vand.u32 $0x3800, v13;
	v16 =	vand.u32 $0x300, v12;
	s14 =	smov.u32 s4  }
0x37a: {  	v17 =	vmov s3;
	v13 =	vor.u32 v16, v13;
	v15 =	vld.idx.msk [tilespmem:v15+s1+$0x0], vm1  }
0x37b: {  	v16 =	vor.u32 v4, v13;
	v18 =	vshll.u32 v17, $0x8;
	v19 =	vshll.u32 v17, $0x7  }
0x37c: {  	v20 =	vor.u32 v3, v12;
	v18 =	vand.u32 $0x3800, v18;
	v14 =	vor.u32 v6, v14  }
0x37d: {  	v21 =	vand.u32 $0x380, v19  }
0x37e: {  	v18 =	vor.u32 v21, v18  }
0x37f: {  	v17 =	vld.idx.msk [tilespmem:v17+s16+$0x0], $0xffff  }
0x380: {  	[tilespmem:v16+s23+$0x0] =	vst.idx.msk vm1, v15  }
0x381: {  	v14 =	vld.idx.msk [tilespmem:v14+s1+$0x0], $0xf  }
0x382: {  	v15 =	vld.idx.msk [tilespmem:v20+s19+$0x0], vm1;
	_ =	sdelay $0x2  }
0x383: {  	s3 =	sand.u32 $0x3800, s11  }
0x384: {  	s4 =	sand.u32 $0x300, s15;
	s25 =	sor.u32 $0x10300, s3  }
0x385: {  	s3 =	sadd.s32 s4, s25  }
0x386: {  	v14 =	vsel vm2, v14, v15  }
0x387: {  	[tilespmem:s3+$0x70] =	vst v14  }
0x388: {  	v14 =	vld [tilespmem:s2+$0xFFFFFF88];
	_ =	sdelay $0x4  }
0x389: {  	[tilespmem:s3+$0x400] =	vst v14  }
0x38a: {  	v14 =	vld [tilespmem:s2+$0xFFFFFF98];
	_ =	sdelay $0x4  }
0x38b: {  	[tilespmem:s3+$0x410] =	vst v14  }
0x38c: {  	v14 =	vld [tilespmem:s2+$0xFFFFFFA8];
	_ =	sdelay $0x4  }
0x38d: {  	[tilespmem:s3+$0x420] =	vst v14  }
0x38e: {  	v14 =	vld [tilespmem:s2+$0xFFFFFFB8];
	_ =	sdelay $0x4  }
0x38f: {  	[tilespmem:s3+$0x430] =	vst v14  }
0x390: {  	v12 =	vor.u32 v5, v12;
	v14 =	vld [tilespmem:s2+$0xFFFFFFC8];
	_ =	sdelay $0x4  }
0x391: {  	[tilespmem:s3+$0x440] =	vst v14  }
0x392: {  	v13 =	vor.u32 v7, v13;
	v14 =	vshll.u32 v17, $0x4;
	v12 =	vld.idx.msk [tilespmem:v12+s19+$0x0], $0xff  }
0x393: {  	v15 =	vor.u32 v8, v14;
	_ =	sdelay $0x4  }
0x394: {  	[tilespmem:v13+s23+$0x0] =	vst.idx.msk $0xff, v12  }
0x395: {  	v13 =	vor.u32 v9, v18;
	v12 =	vld.idx.msk [tilespmem:v15+s1+$0x0], vm3;
	_ =	sdelay $0x1  }
0x396: {  	v14 =	vor.u32 v10, v14;
	v15 =	vor.u32 v8, v19;
	_ =	sdelay $0x3  }
0x397: {  	[tilespmem:v13+s23+$0x0] =	vst.idx.msk vm3, v12  }
0x398: {  	v12 =	vld.idx.msk [tilespmem:v14+s1+$0x0], $0xfff  }
0x399: {  	v13 =	vld.idx.msk [tilespmem:v15+s19+$0x0], vm3;
	_ =	sdelay $0x1  }
0x39a: {  	s3 =	sadd.s32 $0x80, s15  }
0x39b: {  	s3 =	sand.u32 $0x380, s3  }
0x39c: {  	s25 =	sadd.s32 s3, s25;
	_ =	sdelay $0x1  }
0x39d: {  	v12 =	vsel vm4, v12, v13;
	v13 =	vor.u32 v11, v18  }
0x39e: {  	[tilespmem:s25+$0x68] =	vst v12  }
0x39f: {  	v12 =	vld [tilespmem:s2+$0x0];
	_ =	sdelay $0x4  }
0x3a0: {  	[tilespmem:v13+s23+$0x0] =	vst.idx.msk $0xffff, v12  }
0x3a1: {  	v12 =	vld [tilespmem:s2+$0x10];
	_ =	sdelay $0x4  }
0x3a2: {  	[tilespmem:s25+$0x408] =	vst v12  }
0x3a3: {  	v12 =	vld [tilespmem:s2+$0x20];
	_ =	sdelay $0x4  }
0x3a4: {  	[tilespmem:s25+$0x418] =	vst v12  }
0x3a5: {  	v12 =	vld [tilespmem:s2+$0x30];
	_ =	sdelay $0x4  }
0x3a6: {  	[tilespmem:s25+$0x428] =	vst v12  }
0x3a7: {  	v12 =	vld [tilespmem:s2+$0x40];
	_ =	sdelay $0x3  }
.Ltmp3:
0x3a8: {  	(pc) =	sbr.rel @p0 .LBB2_9-.Ltmp3, $4  }
0x3a9: {  	[tilespmem:s25+$0x438] =	vst v12  }
0x3aa: {  	v15 =	vld [tilespmem:s2+$0x50]  }
0x3ab: {  	v14 =	vmov s14  }
0x3ac: {  	s11 =	sadd.s32 $0x200, s11;
	s3 =	smov.u32 s21;
	v13 =	vshll.u32 v14, $0x8;
	v12 =	vshll.u32 v14, $0x7  }
0x3ad: {  	_ =	sdelay $0x2  }
0x3ae: {  	[tilespmem:s25+$0x448] =	vst v15  }
0x3af: {  	v14 =	vld.idx.msk [tilespmem:v14+s16+$0x0], $0xffff;
	_ =	sdelay $0x4  }
0x3b0: {  	v14 =	vshll.u32 v14, $0x4  }
0x3b1: {  	v54 =	vor.u32 v3, v14;
	_ =	sdelay $0x2  }
0x3b2: {  	v13 =	vand.u32 $0x3800, v13;
	v16 =	vand.u32 $0x300, v12  }
0x3b3: {  	s3 =	sadd.s32 $0x1, s14;
	v13 =	vor.u32 v16, v13  }
0x3b4: {  	v17 =	vmov s3;
	v16 =	vor.u32 v4, v13;
	v15 =	vld.idx.msk [tilespmem:v54+s1+$0x0], vm1  }
0x3b5: {  	v14 =	vor.u32 v6, v14  }
0x3b6: {  	v18 =	vor.u32 v3, v12;
	_ =	sdelay $0x2  }
0x3b7: {  	v19 =	vld.idx.msk [tilespmem:v17+s16+$0x0], $0xffff;
	[tilespmem:v16+s23+$0x0] =	vst.idx.msk vm1, v15  }
0x3b8: {  	v14 =	vld.idx.msk [tilespmem:v14+s1+$0x0], $0xf  }
0x3b9: {  	v15 =	vld.idx.msk [tilespmem:v18+s19+$0x0], vm1;
	_ =	sdelay $0x2  }
0x3ba: {  	s4 =	sand.u32 $0x3800, s11;
	s25 =	sadd.s32 $0x100, s15  }
0x3bb: {  	s4 =	sor.u32 $0x10300, s4;
	s30 =	sand.u32 $0x300, s25  }
0x3bc: {  	s11 =	sadd.s32 s30, s4;
	v14 =	vsel vm2, v14, v15  }
0x3bd: {  	s2 =	sadd.s32 $0x100, s2;
	[tilespmem:s11+$0x70] =	vst v14  }
0x3be: {  	v14 =	vld [tilespmem:s2+$0xFFFFFF88];
	_ =	sdelay $0x4  }
0x3bf: {  	[tilespmem:s11+$0x400] =	vst v14  }
0x3c0: {  	v14 =	vld [tilespmem:s2+$0xFFFFFF98];
	_ =	sdelay $0x4  }
0x3c1: {  	[tilespmem:s11+$0x410] =	vst v14  }
0x3c2: {  	v14 =	vld [tilespmem:s2+$0xFFFFFFA8];
	_ =	sdelay $0x4  }
0x3c3: {  	[tilespmem:s11+$0x420] =	vst v14  }
0x3c4: {  	v14 =	vld [tilespmem:s2+$0xFFFFFFB8];
	_ =	sdelay $0x4  }
0x3c5: {  	[tilespmem:s11+$0x430] =	vst v14  }
0x3c6: {  	v14 =	vld [tilespmem:s2+$0xFFFFFFC8]  }
0x3c7: {  	v55 =	vor.u32 v5, v12;
	_ =	sdelay $0x3  }
0x3c8: {  	[tilespmem:s11+$0x440] =	vst v14  }
0x3c9: {  	v13 =	vor.u32 v7, v13;
	v56 =	vshll.u32 v19, $0x4;
	v12 =	vld.idx.msk [tilespmem:v55+s19+$0x0], $0xff  }
0x3ca: {  	v57 =	vor.u32 v8, v56;
	_ =	sdelay $0x1  }
0x3cb: {  	v58 =	vshll.u32 v17, $0x8;
	v17 =	vshll.u32 v17, $0x7  }
0x3cc: {  	v59 =	vand.u32 $0x380, v17;
	v16 =	vand.u32 $0x3800, v58  }
0x3cd: {  	v16 =	vor.u32 v59, v16;
	[tilespmem:v13+s23+$0x0] =	vst.idx.msk $0xff, v12  }
0x3ce: {  	v60 =	vor.u32 v9, v16;
	v12 =	vld.idx.msk [tilespmem:v57+s1+$0x0], vm3  }
0x3cf: {  	v14 =	vor.u32 v10, v56  }
0x3d0: {  	v61 =	vor.u32 v8, v17;
	_ =	sdelay $0x2  }
0x3d1: {  	[tilespmem:v60+s23+$0x0] =	vst.idx.msk vm3, v12  }
0x3d2: {  	v12 =	vld.idx.msk [tilespmem:v14+s1+$0x0], $0xfff  }
0x3d3: {  	v13 =	vld.idx.msk [tilespmem:v61+s19+$0x0], vm3;
	_ =	sdelay $0x2  }
0x3d4: {  	s3 =	sadd.s32 $0x80, s25  }
0x3d5: {  	s3 =	sand.u32 $0x380, s3  }
0x3d6: {  	s3 =	sadd.s32 s3, s4;
	v12 =	vsel vm4, v12, v13  }
0x3d7: {  	[tilespmem:s3+$0x68] =	vst v12  }
0x3d8: {  	v62 =	vor.u32 v11, v16;
	v63 =	vld [tilespmem:s2+$0x0];
	_ =	sdelay $0x4  }
0x3d9: {  	[tilespmem:v62+s23+$0x0] =	vst.idx.msk $0xffff, v63  }
0x3da: {  	v12 =	vld [tilespmem:s2+$0x10];
	_ =	sdelay $0x4  }
0x3db: {  	[tilespmem:s3+$0x408] =	vst v12  }
0x3dc: {  	v12 =	vld [tilespmem:s2+$0x20];
	_ =	sdelay $0x4  }
0x3dd: {  	[tilespmem:s3+$0x418] =	vst v12  }
0x3de: {  	v12 =	vld [tilespmem:s2+$0x30];
	_ =	sdelay $0x4  }
0x3df: {  	[tilespmem:s3+$0x428] =	vst v12  }
0x3e0: {  	v12 =	vld [tilespmem:s2+$0x40];
	_ =	sdelay $0x4  }
0x3e1: {  	[tilespmem:s3+$0x438] =	vst v12  }
0x3e2: {  	v12 =	vld [tilespmem:s2+$0x50];
	_ =	sdelay $0x1  }
0x3e3: {  	s7 =	sadd.s32 $0x1, s7  }
0x3e4: {  	p0 =	sne.s32 s7, $0x63  }
.Ltmp4:
0x3e5: {  	_ = 	snop;
	(pc) =	sbr.rel @p0 .LBB2_2-.Ltmp4, $4  }
0x3e6: {  	s31 =	sadd.s32 s10, s13;
	s5 =	simm.s32 $0x0;
	s0 =	sshll.u32 s0, $0x5;
	[tilespmem:s3+$0x448] =	vst v12  }
0x3e7: {  	[tilespmem:s16], [sflag:$0x4] =	stream.linear.gather [hbm4b:s31+s5], $0x40, $0x38;
	[tilespmem:$0x14700] =	vst v63  }
0x3e8: {  	s0 =	sadd.s32 s6, s0  }
0x3e9: {  	[hbm4b:s0+s5] =	stream.linear.scatter [tilespmem:s23], [sflag:$0xA], $0x4000, $0x38;
	[tilespmem:$0x14700] =	vst v63  }
0x3ea: {  	_ =	swait.ge [sflag:s29], $0x40  }
0x3eb: {  	[sflag:s29] =	ssyncset.done $0x0  }
0x3ec: {  	[sflag:s29] =	ssyncadd.s32 $0xFFFFFFC0  }
0x3ed: {  	_ =	swait.ge [sflag:s29], $0x40  }
0x3ee: {  	[sflag:s29] =	ssyncset.done $0x0  }
0x3ef: {  	s15 =	simm.s32 $0x8;
	[sflag:s29] =	ssyncadd.s32 $0xFFFFFFC0  }
0x3f0: {  	_ =	swait.ge [sflag:s15], $0x4000  }
0x3f1: {  	[sflag:s15] =	ssyncset.done $0x0  }
0x3f2: {  	[sflag:s15] =	ssyncadd.s32 $0xFFFFC000  }
0x3f3: {  	v12 =	vld [tilespmem:$0x180];
	_ =	sdelay $0x4  }
0x3f4: {  	v13 =	vperm.xlane v12, v0;
	_ =	sdelay $0x1  }
0x3f5: {  	v12 =	vperm.xlane v12, v2;
	v13 =	vadd.s32 v1, v13;
	_ =	sdelay $0x1  }
0x3f6: {  	v12 =	vadd.s32 v1, v12;
	_ =	sdelay $0x1  }
0x3f7: {  	s0 =	simm.s32 $0x0  }
0x3f8: {  	[tilespmem:s9], [sflag:$0x6] =	stream.indirect_vreg.gather [hbm4b:s8+s0], $0x80, v13, vm0, $0xb8;
	[tilespmem:$0x14700] =	vst v63  }
0x3f9: {  	s2 =	simm.s32 $0x8B00  }
0x3fa: {  	[tilespmem:s2], [sflag:$0x6] =	stream.indirect_vreg.gather [hbm4b:s8+s0], $0x80, v12, vm0, $0xb8;
	[tilespmem:$0x14700] =	vst v63  }
0x3fb: {  	v12 =	vld [tilespmem:$0x190];
	_ =	sdelay $0x4  }
0x3fc: {  	v13 =	vperm.xlane v12, v0;
	_ =	sdelay $0x1  }
0x3fd: {  	v12 =	vperm.xlane v12, v2;
	v13 =	vadd.s32 v1, v13;
	_ =	sdelay $0x1  }
0x3fe: {  	v12 =	vadd.s32 v1, v12;
	_ =	sdelay $0x1  }
0x3ff: {  	s14 =	simm.s32 $0x9300  }
0x400: {  	[tilespmem:s14], [sflag:$0x6] =	stream.indirect_vreg.gather [hbm4b:s8+s0], $0x80, v13, vm0, $0xb8;
	[tilespmem:$0x14700] =	vst v63  }
0x401: {  	s21 =	simm.s32 $0x9B00  }
0x402: {  	[tilespmem:s21], [sflag:$0x6] =	stream.indirect_vreg.gather [hbm4b:s8+s0], $0x80, v12, vm0, $0xb8;
	[tilespmem:$0x14700] =	vst v63  }
0x403: {  	v12 =	vld [tilespmem:$0x1A0];
	_ =	sdelay $0x4  }
0x404: {  	v13 =	vperm.xlane v12, v0;
	_ =	sdelay $0x1  }
0x405: {  	v12 =	vperm.xlane v12, v2;
	v13 =	vadd.s32 v1, v13;
	_ =	sdelay $0x1  }
0x406: {  	v12 =	vadd.s32 v1, v12;
	_ =	sdelay $0x1  }
0x407: {  	s25 =	simm.s32 $0xA300  }
0x408: {  	[tilespmem:s25], [sflag:$0x6] =	stream.indirect_vreg.gather [hbm4b:s8+s0], $0x80, v13, vm0, $0xb8;
	[tilespmem:$0x14700] =	vst v63  }
0x409: {  	s30 =	simm.s32 $0xAB00  }
0x40a: {  	[tilespmem:s30], [sflag:$0x6] =	stream.indirect_vreg.gather [hbm4b:s8+s0], $0x80, v12, vm0, $0xb8;
	[tilespmem:$0x14700] =	vst v63  }
0x40b: {  	v12 =	vld [tilespmem:$0x1B0];
	_ =	sdelay $0x4  }
0x40c: {  	v13 =	vperm.xlane v12, v0;
	_ =	sdelay $0x1  }
0x40d: {  	v12 =	vperm.xlane v12, v2;
	v13 =	vadd.s32 v1, v13;
	_ =	sdelay $0x1  }
0x40e: {  	v12 =	vadd.s32 v1, v12;
	_ =	sdelay $0x1  }
0x40f: {  	s31 =	simm.s32 $0xB300  }
0x410: {  	[tilespmem:s31], [sflag:$0x6] =	stream.indirect_vreg.gather [hbm4b:s8+s0], $0x80, v13, vm0, $0xb8;
	[tilespmem:$0x14700] =	vst v63  }
0x411: {  	s3 =	simm.s32 $0xBB00  }
0x412: {  	[tilespmem:s3], [sflag:$0x6] =	stream.indirect_vreg.gather [hbm4b:s8+s0], $0x80, v12, vm0, $0xb8;
	[tilespmem:$0x14700] =	vst v63  }
0x413: {  	s4 =	simm.s32 $0x200;
	s3 =	simm.s32 $0x40  }
0x414: {  	[tilespmem:s19], [sflag:$0x6] =	stream.indirect.gather [hbm4b:s26+s3], $0x80, s4, s3, $0xb8;
	[tilespmem:$0x14700] =	vst v63  }
0x415: {  	_ =	swait.ge [sflag:s20], $0x2000  }
0x416: {  	[sflag:s20] =	ssyncset.done $0x0  }
0x417: {  	[sflag:s20] =	ssyncadd.s32 $0xFFFFE000  }
0x418: {  	_ =	swait.ge [sflag:s20], $0x2000  }
0x419: {  	[sflag:s20] =	ssyncset.done $0x0  }
0x41a: {  	s7 =	rddreg [dreg:$0xe];
	[sflag:s20] =	ssyncadd.s32 $0xFFFFE000  }
0x41b: {  	[tilespmem:s0], [sflag:$0x1] =	stream.linear.gather [hbm4b:s7+s0], $0x40, $0x38;
	[tilespmem:$0x14700] =	vst v63  }
0x41c: {  	s13 =	simm.s32 $0x80;
	s14 =	simm.s32 $0x3;
	v12 =	vmov s0;
	s11 =	rddreg [dreg:$0xf]  }
0x41d: {  	[tilespmem:s13], [sflag:$0x1] =	stream.linear.gather [hbm4b:s11+s0], $0x40, $0x38;
	[tilespmem:$0x14700] =	vst v63  }
0x41e: {  	_ =	swait.ge [sflag:s14], $0x40  }
0x41f: {  	[sflag:s14] =	ssyncset.done $0x0  }
0x420: {  	[sflag:s14] =	ssyncadd.s32 $0xFFFFFFC0  }
0x421: {  	v13 =	vld.idx.msk [tilespmem:v12+s12+$0x0], $0xffff;
	_ =	sdelay $0x4  }
0x422: {  	v13 =	vshll.u32 v13, $0x4  }
0x423: {  	v14 =	vor.u32 v3, v13;
	_ =	sdelay $0x1  }
0x424: {  	v15 =	vshll.u32 v12, $0x8;
	v12 =	vshll.u32 v12, $0x7  }
0x425: {  	v15 =	vand.u32 $0x3800, v15;
	v16 =	vand.u32 $0x300, v12  }
0x426: {  	s21 =	simm.s32 $0x1;
	v15 =	vor.u32 v16, v15  }
0x427: {  	v17 =	vmov s21;
	v16 =	vor.u32 v4, v15;
	v14 =	vld.idx.msk [tilespmem:v14+s1+$0x0], vm1  }
0x428: {  	v13 =	vor.u32 v6, v13  }
0x429: {  	v18 =	vor.u32 v3, v12;
	_ =	sdelay $0x2  }
0x42a: {  	v19 =	vld.idx.msk [tilespmem:v17+s12+$0x0], $0xffff;
	[tilespmem:v16+s18+$0x0] =	vst.idx.msk vm1, v14  }
0x42b: {  	v13 =	vld.idx.msk [tilespmem:v13+s1+$0x0], $0xf  }
0x42c: {  	v14 =	vld.idx.msk [tilespmem:v18+s28+$0x0], vm1;
	_ =	sdelay $0x2  }
0x42d: {  	s25 =	sand.u32 $0x3800, s0  }
0x42e: {  	s30 =	sand.u32 $0x300, s0;
	s4 =	sor.u32 $0x4300, s25  }
0x42f: {  	s3 =	sadd.s32 s30, s4;
	v13 =	vsel vm2, v13, v14  }
0x430: {  	s2 =	simm.s32 $0x384;
	[tilespmem:s3+$0x70] =	vst v13  }
0x431: {  	v13 =	vld [tilespmem:s2+$0xFFFFFF88];
	_ =	sdelay $0x4  }
0x432: {  	[tilespmem:s3+$0x400] =	vst v13  }
0x433: {  	v13 =	vld [tilespmem:s2+$0xFFFFFF98];
	_ =	sdelay $0x4  }
0x434: {  	[tilespmem:s3+$0x410] =	vst v13  }
0x435: {  	v13 =	vld [tilespmem:s2+$0xFFFFFFA8];
	_ =	sdelay $0x4  }
0x436: {  	[tilespmem:s3+$0x420] =	vst v13  }
0x437: {  	v13 =	vld [tilespmem:s2+$0xFFFFFFB8];
	_ =	sdelay $0x4  }
0x438: {  	[tilespmem:s3+$0x430] =	vst v13  }
0x439: {  	v13 =	vld [tilespmem:s2+$0xFFFFFFC8]  }
0x43a: {  	v12 =	vor.u32 v5, v12;
	_ =	sdelay $0x3  }
0x43b: {  	[tilespmem:s3+$0x440] =	vst v13  }
0x43c: {  	v14 =	vor.u32 v7, v15;
	v13 =	vshll.u32 v19, $0x4;
	v12 =	vld.idx.msk [tilespmem:v12+s28+$0x0], $0xff  }
0x43d: {  	v15 =	vor.u32 v8, v13;
	_ =	sdelay $0x1  }
0x43e: {  	v16 =	vshll.u32 v17, $0x8;
	v17 =	vshll.u32 v17, $0x7  }
0x43f: {  	v16 =	vand.u32 $0x3800, v16;
	v63 =	vand.u32 $0x380, v17  }
0x440: {  	v16 =	vor.u32 v63, v16;
	[tilespmem:v14+s18+$0x0] =	vst.idx.msk $0xff, v12  }
0x441: {  	v14 =	vor.u32 v9, v16;
	v12 =	vld.idx.msk [tilespmem:v15+s1+$0x0], vm3  }
0x442: {  	v13 =	vor.u32 v10, v13  }
0x443: {  	v15 =	vor.u32 v8, v17;
	_ =	sdelay $0x2  }
0x444: {  	[tilespmem:v14+s18+$0x0] =	vst.idx.msk vm3, v12  }
0x445: {  	v12 =	vld.idx.msk [tilespmem:v13+s1+$0x0], $0xfff  }
0x446: {  	v13 =	vld.idx.msk [tilespmem:v15+s28+$0x0], vm3;
	_ =	sdelay $0x2  }
0x447: {  	s31 =	simm.s32 $0x80  }
0x448: {  	s3 =	sand.u32 $0x380, s31  }
0x449: {  	s14 =	sadd.s32 s3, s4;
	v12 =	vsel vm4, v12, v13  }
0x44a: {  	[tilespmem:s14+$0x68] =	vst v12  }
0x44b: {  	v12 =	vor.u32 v11, v16;
	v13 =	vld [tilespmem:s2+$0x0];
	_ =	sdelay $0x4  }
0x44c: {  	[tilespmem:v12+s18+$0x0] =	vst.idx.msk $0xffff, v13  }
0x44d: {  	v12 =	vld [tilespmem:s2+$0x10];
	_ =	sdelay $0x4  }
0x44e: {  	[tilespmem:s14+$0x408] =	vst v12  }
0x44f: {  	v12 =	vld [tilespmem:s2+$0x20];
	_ =	sdelay $0x4  }
0x450: {  	[tilespmem:s14+$0x418] =	vst v12  }
0x451: {  	v12 =	vld [tilespmem:s2+$0x30];
	_ =	sdelay $0x4  }
0x452: {  	[tilespmem:s14+$0x428] =	vst v12  }
0x453: {  	v12 =	vld [tilespmem:s2+$0x40];
	_ =	sdelay $0x4  }
0x454: {  	s11 =	simm.s32 $0x2;
	[tilespmem:s14+$0x438] =	vst v12  }
0x455: {  	v14 =	vmov s11;
	v15 =	vld [tilespmem:s2+$0x50]  }
0x456: {  	s7 =	simm.s32 $0x200;
	s3 =	simm.s32 $0x4;
	v13 =	vshll.u32 v14, $0x8;
	v12 =	vshll.u32 v14, $0x7  }
.LBB2_12:
0x457: {  	s0 =	sadd.s32 $0x100, s0  }
0x458: {  	s2 =	sadd.s32 $0x100, s2;
	s4 =	smov.u32 s3;
	s13 =	sadd.s32 $0x2, s3  }
0x459: {  	p0 =	sne.s32 s3, $0x3E  }
0x45a: {  	[tilespmem:s14+$0x448] =	vst v15  }
0x45b: {  	v14 =	vld.idx.msk [tilespmem:v14+s12+$0x0], $0xffff;
	_ =	sdelay $0x5  }
0x45c: {  	v14 =	vshll.u32 v14, $0x4  }
0x45d: {  	v15 =	vor.u32 v3, v14;
	_ =	sdelay $0x3  }
0x45e: {  	s3 =	sadd.s32 $0x1, s11;
	v13 =	vand.u32 $0x3800, v13;
	v16 =	vand.u32 $0x300, v12;
	s11 =	smov.u32 s4  }
0x45f: {  	v17 =	vmov s3;
	v13 =	vor.u32 v16, v13;
	v15 =	vld.idx.msk [tilespmem:v15+s1+$0x0], vm1  }
0x460: {  	v16 =	vor.u32 v4, v13;
	v18 =	vshll.u32 v17, $0x8;
	v19 =	vshll.u32 v17, $0x7  }
0x461: {  	v20 =	vor.u32 v3, v12;
	v18 =	vand.u32 $0x3800, v18;
	v14 =	vor.u32 v6, v14  }
0x462: {  	v21 =	vand.u32 $0x380, v19  }
0x463: {  	v18 =	vor.u32 v21, v18  }
0x464: {  	v17 =	vld.idx.msk [tilespmem:v17+s12+$0x0], $0xffff  }
0x465: {  	[tilespmem:v16+s18+$0x0] =	vst.idx.msk vm1, v15  }
0x466: {  	v14 =	vld.idx.msk [tilespmem:v14+s1+$0x0], $0xf  }
0x467: {  	v15 =	vld.idx.msk [tilespmem:v20+s28+$0x0], vm1;
	_ =	sdelay $0x2  }
0x468: {  	s3 =	sand.u32 $0x3800, s7  }
0x469: {  	s4 =	sand.u32 $0x300, s0;
	s14 =	sor.u32 $0x4300, s3  }
0x46a: {  	s3 =	sadd.s32 s4, s14  }
0x46b: {  	v14 =	vsel vm2, v14, v15  }
0x46c: {  	[tilespmem:s3+$0x70] =	vst v14  }
0x46d: {  	v14 =	vld [tilespmem:s2+$0xFFFFFF88];
	_ =	sdelay $0x4  }
0x46e: {  	[tilespmem:s3+$0x400] =	vst v14  }
0x46f: {  	v14 =	vld [tilespmem:s2+$0xFFFFFF98];
	_ =	sdelay $0x4  }
0x470: {  	[tilespmem:s3+$0x410] =	vst v14  }
0x471: {  	v14 =	vld [tilespmem:s2+$0xFFFFFFA8];
	_ =	sdelay $0x4  }
0x472: {  	[tilespmem:s3+$0x420] =	vst v14  }
0x473: {  	v14 =	vld [tilespmem:s2+$0xFFFFFFB8];
	_ =	sdelay $0x4  }
0x474: {  	[tilespmem:s3+$0x430] =	vst v14  }
0x475: {  	v12 =	vor.u32 v5, v12;
	v14 =	vld [tilespmem:s2+$0xFFFFFFC8];
	_ =	sdelay $0x4  }
0x476: {  	[tilespmem:s3+$0x440] =	vst v14  }
0x477: {  	v13 =	vor.u32 v7, v13;
	v14 =	vshll.u32 v17, $0x4;
	v12 =	vld.idx.msk [tilespmem:v12+s28+$0x0], $0xff  }
0x478: {  	v15 =	vor.u32 v8, v14;
	_ =	sdelay $0x4  }
0x479: {  	[tilespmem:v13+s18+$0x0] =	vst.idx.msk $0xff, v12  }
0x47a: {  	v13 =	vor.u32 v9, v18;
	v12 =	vld.idx.msk [tilespmem:v15+s1+$0x0], vm3;
	_ =	sdelay $0x1  }
0x47b: {  	v14 =	vor.u32 v10, v14;
	v15 =	vor.u32 v8, v19;
	_ =	sdelay $0x3  }
0x47c: {  	[tilespmem:v13+s18+$0x0] =	vst.idx.msk vm3, v12  }
0x47d: {  	v12 =	vld.idx.msk [tilespmem:v14+s1+$0x0], $0xfff  }
0x47e: {  	v13 =	vld.idx.msk [tilespmem:v15+s28+$0x0], vm3;
	_ =	sdelay $0x1  }
0x47f: {  	s3 =	sadd.s32 $0x80, s0  }
0x480: {  	s3 =	sand.u32 $0x380, s3  }
0x481: {  	s14 =	sadd.s32 s3, s14;
	_ =	sdelay $0x1  }
0x482: {  	v12 =	vsel vm4, v12, v13;
	v13 =	vor.u32 v11, v18  }
0x483: {  	[tilespmem:s14+$0x68] =	vst v12  }
0x484: {  	v12 =	vld [tilespmem:s2+$0x0];
	_ =	sdelay $0x4  }
0x485: {  	[tilespmem:v13+s18+$0x0] =	vst.idx.msk $0xffff, v12  }
0x486: {  	v12 =	vld [tilespmem:s2+$0x10];
	_ =	sdelay $0x4  }
0x487: {  	[tilespmem:s14+$0x408] =	vst v12  }
0x488: {  	v12 =	vld [tilespmem:s2+$0x20];
	_ =	sdelay $0x4  }
0x489: {  	[tilespmem:s14+$0x418] =	vst v12  }
0x48a: {  	v12 =	vld [tilespmem:s2+$0x30];
	_ =	sdelay $0x4  }
0x48b: {  	[tilespmem:s14+$0x428] =	vst v12  }
0x48c: {  	v12 =	vld [tilespmem:s2+$0x40];
	_ =	sdelay $0x3  }
.Ltmp5:
0x48d: {  	(pc) =	sbr.rel @p0 .LBB2_12-.Ltmp5, $4  }
0x48e: {  	[tilespmem:s14+$0x438] =	vst v12  }
0x48f: {  	v15 =	vld [tilespmem:s2+$0x50]  }
0x490: {  	v14 =	vmov s11  }
0x491: {  	s7 =	sadd.s32 $0x200, s7;
	s3 =	smov.u32 s13;
	v13 =	vshll.u32 v14, $0x8;
	v12 =	vshll.u32 v14, $0x7  }
0x492: {  	_ =	sdelay $0x2  }
0x493: {  	[tilespmem:s14+$0x448] =	vst v15  }
0x494: {  	v14 =	vld.idx.msk [tilespmem:v14+s12+$0x0], $0xffff;
	_ =	sdelay $0x4  }
0x495: {  	v14 =	vshll.u32 v14, $0x4  }
0x496: {  	v15 =	vor.u32 v3, v14;
	_ =	sdelay $0x2  }
0x497: {  	v13 =	vand.u32 $0x3800, v13;
	v16 =	vand.u32 $0x300, v12  }
0x498: {  	s3 =	sadd.s32 $0x1, s11;
	v13 =	vor.u32 v16, v13  }
0x499: {  	v17 =	vmov s3;
	v16 =	vor.u32 v4, v13;
	v15 =	vld.idx.msk [tilespmem:v15+s1+$0x0], vm1  }
0x49a: {  	v14 =	vor.u32 v6, v14  }
0x49b: {  	v18 =	vor.u32 v3, v12;
	_ =	sdelay $0x2  }
0x49c: {  	v19 =	vld.idx.msk [tilespmem:v17+s12+$0x0], $0xffff;
	[tilespmem:v16+s18+$0x0] =	vst.idx.msk vm1, v15  }
0x49d: {  	v14 =	vld.idx.msk [tilespmem:v14+s1+$0x0], $0xf  }
0x49e: {  	v15 =	vld.idx.msk [tilespmem:v18+s28+$0x0], vm1;
	_ =	sdelay $0x2  }
0x49f: {  	s0 =	sadd.s32 $0x100, s0;
	s14 =	sand.u32 $0x3800, s7  }
0x4a0: {  	s4 =	sand.u32 $0x300, s0;
	s3 =	sor.u32 $0x4300, s14  }
0x4a1: {  	s4 =	sadd.s32 s4, s3;
	v14 =	vsel vm2, v14, v15  }
0x4a2: {  	s2 =	sadd.s32 $0x100, s2;
	[tilespmem:s4+$0x70] =	vst v14  }
0x4a3: {  	v14 =	vld [tilespmem:s2+$0xFFFFFF88];
	_ =	sdelay $0x4  }
0x4a4: {  	[tilespmem:s4+$0x400] =	vst v14  }
0x4a5: {  	v14 =	vld [tilespmem:s2+$0xFFFFFF98];
	_ =	sdelay $0x4  }
0x4a6: {  	[tilespmem:s4+$0x410] =	vst v14  }
0x4a7: {  	v14 =	vld [tilespmem:s2+$0xFFFFFFA8];
	_ =	sdelay $0x4  }
0x4a8: {  	[tilespmem:s4+$0x420] =	vst v14  }
0x4a9: {  	v14 =	vld [tilespmem:s2+$0xFFFFFFB8];
	_ =	sdelay $0x4  }
0x4aa: {  	[tilespmem:s4+$0x430] =	vst v14  }
0x4ab: {  	v14 =	vld [tilespmem:s2+$0xFFFFFFC8]  }
0x4ac: {  	v12 =	vor.u32 v5, v12;
	_ =	sdelay $0x3  }
0x4ad: {  	[tilespmem:s4+$0x440] =	vst v14  }
0x4ae: {  	v13 =	vor.u32 v7, v13;
	v14 =	vshll.u32 v19, $0x4;
	v12 =	vld.idx.msk [tilespmem:v12+s28+$0x0], $0xff  }
0x4af: {  	v15 =	vor.u32 v8, v14;
	_ =	sdelay $0x1  }
0x4b0: {  	v16 =	vshll.u32 v17, $0x8;
	v17 =	vshll.u32 v17, $0x7  }
0x4b1: {  	v16 =	vand.u32 $0x3800, v16;
	v60 =	vand.u32 $0x380, v17  }
0x4b2: {  	v16 =	vor.u32 v60, v16;
	[tilespmem:v13+s18+$0x0] =	vst.idx.msk $0xff, v12  }
0x4b3: {  	v13 =	vor.u32 v9, v16;
	v12 =	vld.idx.msk [tilespmem:v15+s1+$0x0], vm3  }
0x4b4: {  	v14 =	vor.u32 v10, v14  }
0x4b5: {  	v15 =	vor.u32 v8, v17;
	_ =	sdelay $0x2  }
0x4b6: {  	[tilespmem:v13+s18+$0x0] =	vst.idx.msk vm3, v12  }
0x4b7: {  	v12 =	vld.idx.msk [tilespmem:v14+s1+$0x0], $0xfff  }
0x4b8: {  	v13 =	vld.idx.msk [tilespmem:v15+s28+$0x0], vm3;
	_ =	sdelay $0x2  }
0x4b9: {  	s0 =	sadd.s32 $0x80, s0  }
0x4ba: {  	s0 =	sand.u32 $0x380, s0  }
0x4bb: {  	s0 =	sadd.s32 s0, s3;
	v12 =	vsel vm4, v12, v13  }
0x4bc: {  	[tilespmem:s0+$0x68] =	vst v12  }
0x4bd: {  	v12 =	vor.u32 v11, v16;
	v13 =	vld [tilespmem:s2+$0x0];
	_ =	sdelay $0x4  }
0x4be: {  	[tilespmem:v12+s18+$0x0] =	vst.idx.msk $0xffff, v13  }
0x4bf: {  	v12 =	vld [tilespmem:s2+$0x10];
	_ =	sdelay $0x4  }
0x4c0: {  	[tilespmem:s0+$0x408] =	vst v12  }
0x4c1: {  	v12 =	vld [tilespmem:s2+$0x20];
	_ =	sdelay $0x4  }
0x4c2: {  	[tilespmem:s0+$0x418] =	vst v12  }
0x4c3: {  	v12 =	vld [tilespmem:s2+$0x30];
	_ =	sdelay $0x4  }
0x4c4: {  	[tilespmem:s0+$0x428] =	vst v12  }
0x4c5: {  	v12 =	vld [tilespmem:s2+$0x40];
	_ =	sdelay $0x4  }
0x4c6: {  	[tilespmem:s0+$0x438] =	vst v12  }
0x4c7: {  	v12 =	vld [tilespmem:s2+$0x50];
	_ =	sdelay $0x4  }
0x4c8: {  	s21 =	rddreg [dreg:$0x10];
	[tilespmem:s0+$0x448] =	vst v12;
	s0 =	simm.s32 $0x0  }
0x4c9: {  	[tilespmem:s12], [sflag:$0x3] =	stream.linear.gather [hbm4b:s21+s0], $0x40, $0x38;
	[tilespmem:$0x14700] =	vst v63  }
0x4ca: {  	s25 =	rddreg [dreg:$0x14]  }
0x4cb: {  	[hbm4b:s25+s0] =	stream.linear.scatter [tilespmem:s18], [sflag:$0x7], $0x4000, $0x38;
	[tilespmem:$0x14700] =	vst v63  }
0x4cc: {  	_ =	swait.ge [sflag:s17], $0x40  }
0x4cd: {  	[sflag:s17] =	ssyncset.done $0x0  }
0x4ce: {  	[sflag:s17] =	ssyncadd.s32 $0xFFFFFFC0  }
0x4cf: {  	_ =	swait.ge [sflag:s17], $0x40  }
0x4d0: {  	[sflag:s17] =	ssyncset.done $0x0  }
0x4d1: {  	s21 =	simm.s32 $0x9;
	[sflag:s17] =	ssyncadd.s32 $0xFFFFFFC0  }
0x4d2: {  	_ =	swait.ge [sflag:s21], $0x4000  }
0x4d3: {  	[sflag:s21] =	ssyncset.done $0x0  }
0x4d4: {  	[sflag:s21] =	ssyncadd.s32 $0xFFFFC000  }
0x4d5: {  	v12 =	vld [tilespmem:$0x0];
	_ =	sdelay $0x4  }
0x4d6: {  	v13 =	vperm.xlane v12, v0;
	_ =	sdelay $0x1  }
0x4d7: {  	v12 =	vperm.xlane v12, v2;
	v13 =	vadd.s32 v1, v13;
	_ =	sdelay $0x1  }
0x4d8: {  	v12 =	vadd.s32 v1, v12;
	_ =	sdelay $0x2  }
0x4d9: {  	[tilespmem:s22], [sflag:$0x5] =	stream.indirect_vreg.gather [hbm4b:s8+s0], $0x80, v13, vm0, $0xb8;
	[tilespmem:$0x14700] =	vst v63  }
0x4da: {  	s30 =	simm.s32 $0xCB00  }
0x4db: {  	[tilespmem:s30], [sflag:$0x5] =	stream.indirect_vreg.gather [hbm4b:s8+s0], $0x80, v12, vm0, $0xb8;
	[tilespmem:$0x14700] =	vst v63  }
0x4dc: {  	v12 =	vld [tilespmem:$0x10];
	_ =	sdelay $0x4  }
0x4dd: {  	v13 =	vperm.xlane v12, v0;
	_ =	sdelay $0x1  }
0x4de: {  	v12 =	vperm.xlane v12, v2;
	v13 =	vadd.s32 v1, v13;
	_ =	sdelay $0x1  }
0x4df: {  	v12 =	vadd.s32 v1, v12;
	_ =	sdelay $0x1  }
0x4e0: {  	s31 =	simm.s32 $0xD300  }
0x4e1: {  	[tilespmem:s31], [sflag:$0x5] =	stream.indirect_vreg.gather [hbm4b:s8+s0], $0x80, v13, vm0, $0xb8;
	[tilespmem:$0x14700] =	vst v63  }
0x4e2: {  	s3 =	simm.s32 $0xDB00  }
0x4e3: {  	[tilespmem:s3], [sflag:$0x5] =	stream.indirect_vreg.gather [hbm4b:s8+s0], $0x80, v12, vm0, $0xb8;
	[tilespmem:$0x14700] =	vst v63  }
0x4e4: {  	v12 =	vld [tilespmem:$0x20];
	_ =	sdelay $0x4  }
0x4e5: {  	v13 =	vperm.xlane v12, v0;
	_ =	sdelay $0x1  }
0x4e6: {  	v12 =	vperm.xlane v12, v2;
	v13 =	vadd.s32 v1, v13;
	_ =	sdelay $0x1  }
0x4e7: {  	v12 =	vadd.s32 v1, v12;
	_ =	sdelay $0x1  }
0x4e8: {  	s4 =	simm.s32 $0xE300  }
0x4e9: {  	[tilespmem:s4], [sflag:$0x5] =	stream.indirect_vreg.gather [hbm4b:s8+s0], $0x80, v13, vm0, $0xb8;
	[tilespmem:$0x14700] =	vst v63  }
0x4ea: {  	s7 =	simm.s32 $0xEB00  }
0x4eb: {  	[tilespmem:s7], [sflag:$0x5] =	stream.indirect_vreg.gather [hbm4b:s8+s0], $0x80, v12, vm0, $0xb8;
	[tilespmem:$0x14700] =	vst v63  }
0x4ec: {  	v12 =	vld [tilespmem:$0x30];
	_ =	sdelay $0x4  }
0x4ed: {  	v13 =	vperm.xlane v12, v0;
	_ =	sdelay $0x1  }
0x4ee: {  	v12 =	vperm.xlane v12, v2;
	v13 =	vadd.s32 v1, v13;
	_ =	sdelay $0x1  }
0x4ef: {  	v12 =	vadd.s32 v1, v12;
	_ =	sdelay $0x1  }
0x4f0: {  	s11 =	simm.s32 $0xF300  }
0x4f1: {  	[tilespmem:s11], [sflag:$0x5] =	stream.indirect_vreg.gather [hbm4b:s8+s0], $0x80, v13, vm0, $0xb8;
	[tilespmem:$0x14700] =	vst v63  }
0x4f2: {  	s13 =	simm.s32 $0xFB00  }
0x4f3: {  	[tilespmem:s13], [sflag:$0x5] =	stream.indirect_vreg.gather [hbm4b:s8+s0], $0x80, v12, vm0, $0xb8;
	[tilespmem:$0x14700] =	vst v63  }
0x4f4: {  	s14 =	simm.s32 $0x80;
	s25 =	simm.s32 $0x40  }
0x4f5: {  	[tilespmem:s28], [sflag:$0x5] =	stream.indirect.gather [hbm4b:s26+s25], $0x80, s14, s25, $0xb8;
	[tilespmem:$0x14700] =	vst v63  }
0x4f6: {  	_ =	swait.ge [sflag:s24], $0x2000  }
0x4f7: {  	[sflag:s24] =	ssyncset.done $0x0  }
0x4f8: {  	[sflag:s24] =	ssyncadd.s32 $0xFFFFE000  }
0x4f9: {  	_ =	swait.ge [sflag:s24], $0x2000  }
0x4fa: {  	[sflag:s24] =	ssyncset.done $0x0  }
0x4fb: {  	s31 =	simm.s32 $0x180;
	s30 =	rddreg [dreg:$0x11];
	[sflag:s24] =	ssyncadd.s32 $0xFFFFE000  }
0x4fc: {  	[tilespmem:s31], [sflag:$0x2] =	stream.linear.gather [hbm4b:s30+s0], $0x40, $0x38;
	[tilespmem:$0x14700] =	vst v63  }
0x4fd: {  	s7 =	simm.s32 $0x200;
	s11 =	simm.s32 $0x4;
	v12 =	vmov s0;
	s4 =	rddreg [dreg:$0x12]  }
0x4fe: {  	[tilespmem:s7], [sflag:$0x2] =	stream.linear.gather [hbm4b:s4+s0], $0x40, $0x38;
	[tilespmem:$0x14700] =	vst v63  }
0x4ff: {  	_ =	swait.ge [sflag:s11], $0x40  }
0x500: {  	[sflag:s11] =	ssyncset.done $0x0  }
0x501: {  	[sflag:s11] =	ssyncadd.s32 $0xFFFFFFC0  }
0x502: {  	v13 =	vld.idx.msk [tilespmem:v12+s16+$0x0], $0xffff;
	_ =	sdelay $0x4  }
0x503: {  	v13 =	vshll.u32 v13, $0x4  }
0x504: {  	v14 =	vor.u32 v3, v13;
	_ =	sdelay $0x1  }
0x505: {  	v15 =	vshll.u32 v12, $0x8;
	v12 =	vshll.u32 v12, $0x7  }
0x506: {  	v15 =	vand.u32 $0x3800, v15;
	v16 =	vand.u32 $0x300, v12  }
0x507: {  	s13 =	simm.s32 $0x1;
	v15 =	vor.u32 v16, v15  }
0x508: {  	v17 =	vmov s13;
	v16 =	vor.u32 v4, v15;
	v14 =	vld.idx.msk [tilespmem:v14+s1+$0x0], vm1  }
0x509: {  	v13 =	vor.u32 v6, v13  }
0x50a: {  	v61 =	vor.u32 v3, v12;
	_ =	sdelay $0x2  }
0x50b: {  	v62 =	vld.idx.msk [tilespmem:v17+s16+$0x0], $0xffff;
	[tilespmem:v16+s9+$0x0] =	vst.idx.msk vm1, v14  }
0x50c: {  	v13 =	vld.idx.msk [tilespmem:v13+s1+$0x0], $0xf  }
0x50d: {  	v14 =	vld.idx.msk [tilespmem:v61+s19+$0x0], vm1;
	_ =	sdelay $0x2  }
0x50e: {  	s14 =	sand.u32 $0x3800, s0  }
0x50f: {  	s25 =	sand.u32 $0x300, s0;
	s30 =	sor.u32 $0x8300, s14  }
0x510: {  	s3 =	sadd.s32 s25, s30;
	v13 =	vsel vm2, v13, v14  }
0x511: {  	s2 =	simm.s32 $0x2384;
	[tilespmem:s3+$0x70] =	vst v13  }
0x512: {  	v13 =	vld [tilespmem:s2+$0xFFFFFF88];
	_ =	sdelay $0x4  }
0x513: {  	[tilespmem:s3+$0x400] =	vst v13  }
0x514: {  	v13 =	vld [tilespmem:s2+$0xFFFFFF98];
	_ =	sdelay $0x4  }
0x515: {  	[tilespmem:s3+$0x410] =	vst v13  }
0x516: {  	v13 =	vld [tilespmem:s2+$0xFFFFFFA8];
	_ =	sdelay $0x4  }
0x517: {  	[tilespmem:s3+$0x420] =	vst v13  }
0x518: {  	v13 =	vld [tilespmem:s2+$0xFFFFFFB8];
	_ =	sdelay $0x4  }
0x519: {  	[tilespmem:s3+$0x430] =	vst v13  }
0x51a: {  	v13 =	vld [tilespmem:s2+$0xFFFFFFC8]  }
0x51b: {  	v12 =	vor.u32 v5, v12;
	_ =	sdelay $0x3  }
0x51c: {  	[tilespmem:s3+$0x440] =	vst v13  }
0x51d: {  	v14 =	vor.u32 v7, v15;
	v13 =	vshll.u32 v62, $0x4;
	v12 =	vld.idx.msk [tilespmem:v12+s19+$0x0], $0xff  }
0x51e: {  	v15 =	vor.u32 v8, v13;
	_ =	sdelay $0x1  }
0x51f: {  	v16 =	vshll.u32 v17, $0x8;
	v17 =	vshll.u32 v17, $0x7  }
0x520: {  	v16 =	vand.u32 $0x3800, v16;
	v63 =	vand.u32 $0x380, v17  }
0x521: {  	v16 =	vor.u32 v63, v16;
	[tilespmem:v14+s9+$0x0] =	vst.idx.msk $0xff, v12  }
0x522: {  	v14 =	vor.u32 v9, v16;
	v12 =	vld.idx.msk [tilespmem:v15+s1+$0x0], vm3  }
0x523: {  	v13 =	vor.u32 v10, v13  }
0x524: {  	v15 =	vor.u32 v8, v17;
	_ =	sdelay $0x2  }
0x525: {  	[tilespmem:v14+s9+$0x0] =	vst.idx.msk vm3, v12  }
0x526: {  	v12 =	vld.idx.msk [tilespmem:v13+s1+$0x0], $0xfff  }
0x527: {  	v13 =	vld.idx.msk [tilespmem:v15+s19+$0x0], vm3;
	_ =	sdelay $0x2  }
0x528: {  	s31 =	simm.s32 $0x80  }
0x529: {  	s3 =	sand.u32 $0x380, s31  }
0x52a: {  	s14 =	sadd.s32 s3, s30;
	v12 =	vsel vm4, v12, v13  }
0x52b: {  	[tilespmem:s14+$0x68] =	vst v12  }
0x52c: {  	v12 =	vor.u32 v11, v16;
	v13 =	vld [tilespmem:s2+$0x0];
	_ =	sdelay $0x4  }
0x52d: {  	[tilespmem:v12+s9+$0x0] =	vst.idx.msk $0xffff, v13  }
0x52e: {  	v12 =	vld [tilespmem:s2+$0x10];
	_ =	sdelay $0x4  }
0x52f: {  	[tilespmem:s14+$0x408] =	vst v12  }
0x530: {  	v12 =	vld [tilespmem:s2+$0x20];
	_ =	sdelay $0x4  }
0x531: {  	[tilespmem:s14+$0x418] =	vst v12  }
0x532: {  	v12 =	vld [tilespmem:s2+$0x30];
	_ =	sdelay $0x4  }
0x533: {  	[tilespmem:s14+$0x428] =	vst v12  }
0x534: {  	v12 =	vld [tilespmem:s2+$0x40];
	_ =	sdelay $0x4  }
0x535: {  	s11 =	simm.s32 $0x2;
	[tilespmem:s14+$0x438] =	vst v12  }
0x536: {  	v14 =	vmov s11;
	v15 =	vld [tilespmem:s2+$0x50]  }
0x537: {  	s25 =	simm.s32 $0xA;
	s7 =	simm.s32 $0x200;
	s3 =	simm.s32 $0x4;
	v13 =	vshll.u32 v14, $0x8;
	v12 =	vshll.u32 v14, $0x7  }
.LBB2_14:
0x538: {  	s0 =	sadd.s32 $0x100, s0  }
0x539: {  	s2 =	sadd.s32 $0x100, s2;
	s4 =	smov.u32 s3;
	s13 =	sadd.s32 $0x2, s3  }
0x53a: {  	p0 =	sne.s32 s3, $0x3E  }
0x53b: {  	[tilespmem:s14+$0x448] =	vst v15  }
0x53c: {  	v14 =	vld.idx.msk [tilespmem:v14+s16+$0x0], $0xffff;
	_ =	sdelay $0x5  }
0x53d: {  	v14 =	vshll.u32 v14, $0x4  }
0x53e: {  	v15 =	vor.u32 v3, v14;
	_ =	sdelay $0x3  }
0x53f: {  	s3 =	sadd.s32 $0x1, s11;
	v13 =	vand.u32 $0x3800, v13;
	v16 =	vand.u32 $0x300, v12;
	s11 =	smov.u32 s4  }
0x540: {  	v17 =	vmov s3;
	v13 =	vor.u32 v16, v13;
	v15 =	vld.idx.msk [tilespmem:v15+s1+$0x0], vm1  }
0x541: {  	v16 =	vor.u32 v4, v13;
	v18 =	vshll.u32 v17, $0x8;
	v19 =	vshll.u32 v17, $0x7  }
0x542: {  	v20 =	vor.u32 v3, v12;
	v18 =	vand.u32 $0x3800, v18;
	v14 =	vor.u32 v6, v14  }
0x543: {  	v21 =	vand.u32 $0x380, v19  }
0x544: {  	v18 =	vor.u32 v21, v18  }
0x545: {  	v17 =	vld.idx.msk [tilespmem:v17+s16+$0x0], $0xffff  }
0x546: {  	[tilespmem:v16+s9+$0x0] =	vst.idx.msk vm1, v15  }
0x547: {  	v14 =	vld.idx.msk [tilespmem:v14+s1+$0x0], $0xf  }
0x548: {  	v15 =	vld.idx.msk [tilespmem:v20+s19+$0x0], vm1;
	_ =	sdelay $0x2  }
0x549: {  	s3 =	sand.u32 $0x3800, s7  }
0x54a: {  	s4 =	sand.u32 $0x300, s0;
	s14 =	sor.u32 $0x8300, s3  }
0x54b: {  	s3 =	sadd.s32 s4, s14  }
0x54c: {  	v14 =	vsel vm2, v14, v15  }
0x54d: {  	[tilespmem:s3+$0x70] =	vst v14  }
0x54e: {  	v14 =	vld [tilespmem:s2+$0xFFFFFF88];
	_ =	sdelay $0x4  }
0x54f: {  	[tilespmem:s3+$0x400] =	vst v14  }
0x550: {  	v14 =	vld [tilespmem:s2+$0xFFFFFF98];
	_ =	sdelay $0x4  }
0x551: {  	[tilespmem:s3+$0x410] =	vst v14  }
0x552: {  	v14 =	vld [tilespmem:s2+$0xFFFFFFA8];
	_ =	sdelay $0x4  }
0x553: {  	[tilespmem:s3+$0x420] =	vst v14  }
0x554: {  	v14 =	vld [tilespmem:s2+$0xFFFFFFB8];
	_ =	sdelay $0x4  }
0x555: {  	[tilespmem:s3+$0x430] =	vst v14  }
0x556: {  	v12 =	vor.u32 v5, v12;
	v14 =	vld [tilespmem:s2+$0xFFFFFFC8];
	_ =	sdelay $0x4  }
0x557: {  	[tilespmem:s3+$0x440] =	vst v14  }
0x558: {  	v13 =	vor.u32 v7, v13;
	v14 =	vshll.u32 v17, $0x4;
	v12 =	vld.idx.msk [tilespmem:v12+s19+$0x0], $0xff  }
0x559: {  	v15 =	vor.u32 v8, v14;
	_ =	sdelay $0x4  }
0x55a: {  	[tilespmem:v13+s9+$0x0] =	vst.idx.msk $0xff, v12  }
0x55b: {  	v13 =	vor.u32 v9, v18;
	v12 =	vld.idx.msk [tilespmem:v15+s1+$0x0], vm3;
	_ =	sdelay $0x1  }
0x55c: {  	v14 =	vor.u32 v10, v14;
	v15 =	vor.u32 v8, v19;
	_ =	sdelay $0x3  }
0x55d: {  	[tilespmem:v13+s9+$0x0] =	vst.idx.msk vm3, v12  }
0x55e: {  	v12 =	vld.idx.msk [tilespmem:v14+s1+$0x0], $0xfff  }
0x55f: {  	v13 =	vld.idx.msk [tilespmem:v15+s19+$0x0], vm3;
	_ =	sdelay $0x1  }
0x560: {  	s3 =	sadd.s32 $0x80, s0  }
0x561: {  	s3 =	sand.u32 $0x380, s3  }
0x562: {  	s14 =	sadd.s32 s3, s14;
	_ =	sdelay $0x1  }
0x563: {  	v12 =	vsel vm4, v12, v13;
	v13 =	vor.u32 v11, v18  }
0x564: {  	[tilespmem:s14+$0x68] =	vst v12  }
0x565: {  	v12 =	vld [tilespmem:s2+$0x0];
	_ =	sdelay $0x4  }
0x566: {  	[tilespmem:v13+s9+$0x0] =	vst.idx.msk $0xffff, v12  }
0x567: {  	v12 =	vld [tilespmem:s2+$0x10];
	_ =	sdelay $0x4  }
0x568: {  	[tilespmem:s14+$0x408] =	vst v12  }
0x569: {  	v12 =	vld [tilespmem:s2+$0x20];
	_ =	sdelay $0x4  }
0x56a: {  	[tilespmem:s14+$0x418] =	vst v12  }
0x56b: {  	v12 =	vld [tilespmem:s2+$0x30];
	_ =	sdelay $0x4  }
0x56c: {  	[tilespmem:s14+$0x428] =	vst v12  }
0x56d: {  	v12 =	vld [tilespmem:s2+$0x40];
	_ =	sdelay $0x3  }
.Ltmp6:
0x56e: {  	(pc) =	sbr.rel @p0 .LBB2_14-.Ltmp6, $4  }
0x56f: {  	[tilespmem:s14+$0x438] =	vst v12  }
0x570: {  	v15 =	vld [tilespmem:s2+$0x50]  }
0x571: {  	v14 =	vmov s11  }
0x572: {  	s7 =	sadd.s32 $0x200, s7;
	s3 =	smov.u32 s13;
	v13 =	vshll.u32 v14, $0x8;
	v12 =	vshll.u32 v14, $0x7  }
0x573: {  	_ =	sdelay $0x2  }
0x574: {  	[tilespmem:s14+$0x448] =	vst v15  }
0x575: {  	v14 =	vld.idx.msk [tilespmem:v14+s16+$0x0], $0xffff;
	_ =	sdelay $0x4  }
0x576: {  	v14 =	vshll.u32 v14, $0x4  }
0x577: {  	v15 =	vor.u32 v3, v14;
	_ =	sdelay $0x2  }
0x578: {  	v13 =	vand.u32 $0x3800, v13;
	v16 =	vand.u32 $0x300, v12  }
0x579: {  	s3 =	sadd.s32 $0x1, s11;
	v13 =	vor.u32 v16, v13  }
0x57a: {  	v17 =	vmov s3;
	v16 =	vor.u32 v4, v13;
	v15 =	vld.idx.msk [tilespmem:v15+s1+$0x0], vm1  }
0x57b: {  	v14 =	vor.u32 v6, v14  }
0x57c: {  	v18 =	vor.u32 v3, v12;
	_ =	sdelay $0x2  }
0x57d: {  	v19 =	vld.idx.msk [tilespmem:v17+s16+$0x0], $0xffff;
	[tilespmem:v16+s9+$0x0] =	vst.idx.msk vm1, v15  }
0x57e: {  	v14 =	vld.idx.msk [tilespmem:v14+s1+$0x0], $0xf  }
0x57f: {  	v15 =	vld.idx.msk [tilespmem:v18+s19+$0x0], vm1;
	_ =	sdelay $0x2  }
0x580: {  	s0 =	sadd.s32 $0x100, s0;
	s30 =	sand.u32 $0x3800, s7  }
0x581: {  	s4 =	sand.u32 $0x300, s0;
	s3 =	sor.u32 $0x8300, s30  }
0x582: {  	s4 =	sadd.s32 s4, s3;
	v14 =	vsel vm2, v14, v15  }
0x583: {  	s2 =	sadd.s32 $0x100, s2;
	[tilespmem:s4+$0x70] =	vst v14  }
0x584: {  	v14 =	vld [tilespmem:s2+$0xFFFFFF88];
	_ =	sdelay $0x4  }
0x585: {  	[tilespmem:s4+$0x400] =	vst v14  }
0x586: {  	v14 =	vld [tilespmem:s2+$0xFFFFFF98];
	_ =	sdelay $0x4  }
0x587: {  	[tilespmem:s4+$0x410] =	vst v14  }
0x588: {  	v14 =	vld [tilespmem:s2+$0xFFFFFFA8];
	_ =	sdelay $0x4  }
0x589: {  	[tilespmem:s4+$0x420] =	vst v14  }
0x58a: {  	v14 =	vld [tilespmem:s2+$0xFFFFFFB8];
	_ =	sdelay $0x4  }
0x58b: {  	[tilespmem:s4+$0x430] =	vst v14  }
0x58c: {  	v14 =	vld [tilespmem:s2+$0xFFFFFFC8]  }
0x58d: {  	v12 =	vor.u32 v5, v12;
	_ =	sdelay $0x3  }
0x58e: {  	[tilespmem:s4+$0x440] =	vst v14  }
0x58f: {  	v13 =	vor.u32 v7, v13;
	v14 =	vshll.u32 v19, $0x4;
	v12 =	vld.idx.msk [tilespmem:v12+s19+$0x0], $0xff  }
0x590: {  	v15 =	vor.u32 v8, v14;
	_ =	sdelay $0x1  }
0x591: {  	v16 =	vshll.u32 v17, $0x8;
	v17 =	vshll.u32 v17, $0x7  }
0x592: {  	v16 =	vand.u32 $0x3800, v16;
	v60 =	vand.u32 $0x380, v17  }
0x593: {  	v16 =	vor.u32 v60, v16;
	[tilespmem:v13+s9+$0x0] =	vst.idx.msk $0xff, v12  }
0x594: {  	v13 =	vor.u32 v9, v16;
	v12 =	vld.idx.msk [tilespmem:v15+s1+$0x0], vm3  }
0x595: {  	v14 =	vor.u32 v10, v14  }
0x596: {  	v15 =	vor.u32 v8, v17;
	_ =	sdelay $0x2  }
0x597: {  	[tilespmem:v13+s9+$0x0] =	vst.idx.msk vm3, v12  }
0x598: {  	v12 =	vld.idx.msk [tilespmem:v14+s1+$0x0], $0xfff  }
0x599: {  	v13 =	vld.idx.msk [tilespmem:v15+s19+$0x0], vm3;
	_ =	sdelay $0x2  }
0x59a: {  	s0 =	sadd.s32 $0x80, s0  }
0x59b: {  	s0 =	sand.u32 $0x380, s0  }
0x59c: {  	s0 =	sadd.s32 s0, s3;
	v12 =	vsel vm4, v12, v13  }
0x59d: {  	[tilespmem:s0+$0x68] =	vst v12  }
0x59e: {  	v12 =	vor.u32 v11, v16;
	v13 =	vld [tilespmem:s2+$0x0];
	_ =	sdelay $0x4  }
0x59f: {  	[tilespmem:v12+s9+$0x0] =	vst.idx.msk $0xffff, v13  }
0x5a0: {  	v12 =	vld [tilespmem:s2+$0x10];
	_ =	sdelay $0x4  }
0x5a1: {  	[tilespmem:s0+$0x408] =	vst v12  }
0x5a2: {  	v12 =	vld [tilespmem:s2+$0x20];
	_ =	sdelay $0x4  }
0x5a3: {  	[tilespmem:s0+$0x418] =	vst v12  }
0x5a4: {  	v12 =	vld [tilespmem:s2+$0x30];
	_ =	sdelay $0x4  }
0x5a5: {  	[tilespmem:s0+$0x428] =	vst v12  }
0x5a6: {  	v12 =	vld [tilespmem:s2+$0x40];
	_ =	sdelay $0x4  }
0x5a7: {  	[tilespmem:s0+$0x438] =	vst v12  }
0x5a8: {  	v12 =	vld [tilespmem:s2+$0x50];
	_ =	sdelay $0x4  }
0x5a9: {  	s31 =	rddreg [dreg:$0x13];
	[tilespmem:s0+$0x448] =	vst v12;
	s0 =	simm.s32 $0x0  }
0x5aa: {  	[tilespmem:s16], [sflag:$0x4] =	stream.linear.gather [hbm4b:s31+s0], $0x40, $0x38;
	[tilespmem:$0x14700] =	vst v63  }
0x5ab: {  	s3 =	rddreg [dreg:$0x15]  }
0x5ac: {  	[hbm4b:s3+s0] =	stream.linear.scatter [tilespmem:s9], [sflag:$0x8], $0x4000, $0x38;
	[tilespmem:$0x14700] =	vst v63  }
0x5ad: {  	_ =	swait.ge [sflag:s29], $0x40  }
0x5ae: {  	[sflag:s29] =	ssyncset.done $0x0  }
0x5af: {  	[sflag:s29] =	ssyncadd.s32 $0xFFFFFFC0  }
0x5b0: {  	_ =	swait.ge [sflag:s29], $0x40  }
0x5b1: {  	[sflag:s29] =	ssyncset.done $0x0  }
0x5b2: {  	[sflag:s29] =	ssyncadd.s32 $0xFFFFFFC0  }
0x5b3: {  	_ =	swait.ge [sflag:s25], $0x4000  }
0x5b4: {  	[sflag:s25] =	ssyncset.done $0x0  }
0x5b5: {  	[sflag:s25] =	ssyncadd.s32 $0xFFFFC000  }
0x5b6: {  	v12 =	vld [tilespmem:$0x180];
	_ =	sdelay $0x4  }
0x5b7: {  	v13 =	vperm.xlane v12, v0;
	_ =	sdelay $0x1  }
0x5b8: {  	v12 =	vperm.xlane v12, v2;
	v13 =	vadd.s32 v1, v13;
	_ =	sdelay $0x1  }
0x5b9: {  	v12 =	vadd.s32 v1, v12;
	_ =	sdelay $0x2  }
0x5ba: {  	[tilespmem:s23], [sflag:$0x6] =	stream.indirect_vreg.gather [hbm4b:s8+s0], $0x80, v13, vm0, $0xb8;
	[tilespmem:$0x14700] =	vst v63  }
0x5bb: {  	s4 =	simm.s32 $0x10B00  }
0x5bc: {  	[tilespmem:s4], [sflag:$0x6] =	stream.indirect_vreg.gather [hbm4b:s8+s0], $0x80, v12, vm0, $0xb8;
	[tilespmem:$0x14700] =	vst v63  }
0x5bd: {  	v12 =	vld [tilespmem:$0x190];
	_ =	sdelay $0x4  }
0x5be: {  	v13 =	vperm.xlane v12, v0;
	_ =	sdelay $0x1  }
0x5bf: {  	v12 =	vperm.xlane v12, v2;
	v13 =	vadd.s32 v1, v13;
	_ =	sdelay $0x1  }
0x5c0: {  	v12 =	vadd.s32 v1, v12;
	_ =	sdelay $0x1  }
0x5c1: {  	s7 =	simm.s32 $0x11300  }
0x5c2: {  	[tilespmem:s7], [sflag:$0x6] =	stream.indirect_vreg.gather [hbm4b:s8+s0], $0x80, v13, vm0, $0xb8;
	[tilespmem:$0x14700] =	vst v63  }
0x5c3: {  	s11 =	simm.s32 $0x11B00  }
0x5c4: {  	[tilespmem:s11], [sflag:$0x6] =	stream.indirect_vreg.gather [hbm4b:s8+s0], $0x80, v12, vm0, $0xb8;
	[tilespmem:$0x14700] =	vst v63  }
0x5c5: {  	v12 =	vld [tilespmem:$0x1A0];
	_ =	sdelay $0x4  }
0x5c6: {  	v13 =	vperm.xlane v12, v0;
	_ =	sdelay $0x1  }
0x5c7: {  	v12 =	vperm.xlane v12, v2;
	v13 =	vadd.s32 v1, v13;
	_ =	sdelay $0x1  }
0x5c8: {  	v12 =	vadd.s32 v1, v12;
	_ =	sdelay $0x1  }
0x5c9: {  	s13 =	simm.s32 $0x12300  }
0x5ca: {  	[tilespmem:s13], [sflag:$0x6] =	stream.indirect_vreg.gather [hbm4b:s8+s0], $0x80, v13, vm0, $0xb8;
	[tilespmem:$0x14700] =	vst v63  }
0x5cb: {  	s14 =	simm.s32 $0x12B00  }
0x5cc: {  	[tilespmem:s14], [sflag:$0x6] =	stream.indirect_vreg.gather [hbm4b:s8+s0], $0x80, v12, vm0, $0xb8;
	[tilespmem:$0x14700] =	vst v63  }
0x5cd: {  	v12 =	vld [tilespmem:$0x1B0];
	_ =	sdelay $0x4  }
0x5ce: {  	v13 =	vperm.xlane v12, v0;
	_ =	sdelay $0x1  }
0x5cf: {  	v12 =	vperm.xlane v12, v2;
	v13 =	vadd.s32 v1, v13;
	_ =	sdelay $0x1  }
0x5d0: {  	v12 =	vadd.s32 v1, v12;
	_ =	sdelay $0x1  }
0x5d1: {  	s30 =	simm.s32 $0x13300  }
0x5d2: {  	[tilespmem:s30], [sflag:$0x6] =	stream.indirect_vreg.gather [hbm4b:s8+s0], $0x80, v13, vm0, $0xb8;
	[tilespmem:$0x14700] =	vst v63  }
0x5d3: {  	s31 =	simm.s32 $0x13B00  }
0x5d4: {  	[tilespmem:s31], [sflag:$0x6] =	stream.indirect_vreg.gather [hbm4b:s8+s0], $0x80, v12, vm0, $0xb8;
	[tilespmem:$0x14700] =	vst v63  }
0x5d5: {  	s3 =	simm.s32 $0x200;
	s4 =	simm.s32 $0x40  }
0x5d6: {  	[tilespmem:s19], [sflag:$0x6] =	stream.indirect.gather [hbm4b:s26+s4], $0x80, s3, s4, $0xb8;
	[tilespmem:$0x14700] =	vst v63  }
0x5d7: {  	_ =	swait.ge [sflag:s20], $0x2000  }
0x5d8: {  	[sflag:s20] =	ssyncset.done $0x0  }
0x5d9: {  	[sflag:s20] =	ssyncadd.s32 $0xFFFFE000  }
0x5da: {  	_ =	swait.ge [sflag:s20], $0x2000  }
0x5db: {  	v12 =	vmov s0;
	[sflag:s20] =	ssyncset.done $0x0  }
0x5dc: {  	s7 =	simm.s32 $0x3;
	[sflag:s20] =	ssyncadd.s32 $0xFFFFE000  }
0x5dd: {  	_ =	swait.ge [sflag:s7], $0x40  }
0x5de: {  	[sflag:s7] =	ssyncset.done $0x0  }
0x5df: {  	[sflag:s7] =	ssyncadd.s32 $0xFFFFFFC0  }
0x5e0: {  	v13 =	vld.idx.msk [tilespmem:v12+s12+$0x0], $0xffff;
	_ =	sdelay $0x4  }
0x5e1: {  	v13 =	vshll.u32 v13, $0x4  }
0x5e2: {  	v14 =	vor.u32 v3, v13;
	_ =	sdelay $0x1  }
0x5e3: {  	v15 =	vshll.u32 v12, $0x8;
	v12 =	vshll.u32 v12, $0x7  }
0x5e4: {  	v15 =	vand.u32 $0x3800, v15;
	v16 =	vand.u32 $0x300, v12  }
0x5e5: {  	s11 =	simm.s32 $0x1;
	v15 =	vor.u32 v16, v15  }
0x5e6: {  	v17 =	vmov s11;
	v16 =	vor.u32 v4, v15;
	v14 =	vld.idx.msk [tilespmem:v14+s1+$0x0], vm1  }
0x5e7: {  	v13 =	vor.u32 v6, v13  }
0x5e8: {  	v61 =	vor.u32 v3, v12;
	_ =	sdelay $0x2  }
0x5e9: {  	v62 =	vld.idx.msk [tilespmem:v17+s12+$0x0], $0xffff;
	[tilespmem:v16+s22+$0x0] =	vst.idx.msk vm1, v14  }
0x5ea: {  	v13 =	vld.idx.msk [tilespmem:v13+s1+$0x0], $0xf  }
0x5eb: {  	v14 =	vld.idx.msk [tilespmem:v61+s28+$0x0], vm1;
	_ =	sdelay $0x2  }
0x5ec: {  	s13 =	sand.u32 $0x3800, s0  }
0x5ed: {  	s14 =	sand.u32 $0x300, s0;
	s30 =	sor.u32 $0xC300, s13  }
0x5ee: {  	s3 =	sadd.s32 s14, s30;
	v13 =	vsel vm2, v13, v14  }
0x5ef: {  	s2 =	simm.s32 $0x384;
	[tilespmem:s3+$0x70] =	vst v13  }
0x5f0: {  	v13 =	vld [tilespmem:s2+$0xFFFFFF88];
	_ =	sdelay $0x4  }
0x5f1: {  	[tilespmem:s3+$0x400] =	vst v13  }
0x5f2: {  	v13 =	vld [tilespmem:s2+$0xFFFFFF98];
	_ =	sdelay $0x4  }
0x5f3: {  	[tilespmem:s3+$0x410] =	vst v13  }
0x5f4: {  	v13 =	vld [tilespmem:s2+$0xFFFFFFA8];
	_ =	sdelay $0x4  }
0x5f5: {  	[tilespmem:s3+$0x420] =	vst v13  }
0x5f6: {  	v13 =	vld [tilespmem:s2+$0xFFFFFFB8];
	_ =	sdelay $0x4  }
0x5f7: {  	[tilespmem:s3+$0x430] =	vst v13  }
0x5f8: {  	v13 =	vld [tilespmem:s2+$0xFFFFFFC8]  }
0x5f9: {  	v12 =	vor.u32 v5, v12;
	_ =	sdelay $0x3  }
0x5fa: {  	[tilespmem:s3+$0x440] =	vst v13  }
0x5fb: {  	v14 =	vor.u32 v7, v15;
	v13 =	vshll.u32 v62, $0x4;
	v12 =	vld.idx.msk [tilespmem:v12+s28+$0x0], $0xff  }
0x5fc: {  	v15 =	vor.u32 v8, v13;
	_ =	sdelay $0x1  }
0x5fd: {  	v16 =	vshll.u32 v17, $0x8;
	v17 =	vshll.u32 v17, $0x7  }
0x5fe: {  	v16 =	vand.u32 $0x3800, v16;
	v63 =	vand.u32 $0x380, v17  }
0x5ff: {  	v16 =	vor.u32 v63, v16;
	[tilespmem:v14+s22+$0x0] =	vst.idx.msk $0xff, v12  }
0x600: {  	v14 =	vor.u32 v9, v16;
	v12 =	vld.idx.msk [tilespmem:v15+s1+$0x0], vm3  }
0x601: {  	v13 =	vor.u32 v10, v13  }
0x602: {  	v15 =	vor.u32 v8, v17;
	_ =	sdelay $0x2  }
0x603: {  	[tilespmem:v14+s22+$0x0] =	vst.idx.msk vm3, v12  }
0x604: {  	v12 =	vld.idx.msk [tilespmem:v13+s1+$0x0], $0xfff  }
0x605: {  	v13 =	vld.idx.msk [tilespmem:v15+s28+$0x0], vm3;
	_ =	sdelay $0x2  }
0x606: {  	s31 =	simm.s32 $0x80  }
0x607: {  	s3 =	sand.u32 $0x380, s31  }
0x608: {  	s14 =	sadd.s32 s3, s30;
	v12 =	vsel vm4, v12, v13  }
0x609: {  	[tilespmem:s14+$0x68] =	vst v12  }
0x60a: {  	v12 =	vor.u32 v11, v16;
	v13 =	vld [tilespmem:s2+$0x0];
	_ =	sdelay $0x4  }
0x60b: {  	[tilespmem:v12+s22+$0x0] =	vst.idx.msk $0xffff, v13  }
0x60c: {  	v12 =	vld [tilespmem:s2+$0x10];
	_ =	sdelay $0x4  }
0x60d: {  	[tilespmem:s14+$0x408] =	vst v12  }
0x60e: {  	v12 =	vld [tilespmem:s2+$0x20];
	_ =	sdelay $0x4  }
0x60f: {  	[tilespmem:s14+$0x418] =	vst v12  }
0x610: {  	v12 =	vld [tilespmem:s2+$0x30];
	_ =	sdelay $0x4  }
0x611: {  	[tilespmem:s14+$0x428] =	vst v12  }
0x612: {  	v12 =	vld [tilespmem:s2+$0x40];
	_ =	sdelay $0x4  }
0x613: {  	s11 =	simm.s32 $0x2;
	[tilespmem:s14+$0x438] =	vst v12  }
0x614: {  	v14 =	vmov s11;
	v15 =	vld [tilespmem:s2+$0x50]  }
0x615: {  	s7 =	simm.s32 $0x200;
	s3 =	simm.s32 $0x4;
	v13 =	vshll.u32 v14, $0x8;
	v12 =	vshll.u32 v14, $0x7  }
.LBB2_16:
0x616: {  	s0 =	sadd.s32 $0x100, s0  }
0x617: {  	s2 =	sadd.s32 $0x100, s2;
	s4 =	smov.u32 s3;
	s13 =	sadd.s32 $0x2, s3  }
0x618: {  	p0 =	sne.s32 s3, $0x3E  }
0x619: {  	[tilespmem:s14+$0x448] =	vst v15  }
0x61a: {  	v14 =	vld.idx.msk [tilespmem:v14+s12+$0x0], $0xffff;
	_ =	sdelay $0x5  }
0x61b: {  	v14 =	vshll.u32 v14, $0x4  }
0x61c: {  	v15 =	vor.u32 v3, v14;
	_ =	sdelay $0x3  }
0x61d: {  	s3 =	sadd.s32 $0x1, s11;
	v13 =	vand.u32 $0x3800, v13;
	v16 =	vand.u32 $0x300, v12;
	s11 =	smov.u32 s4  }
0x61e: {  	v17 =	vmov s3;
	v13 =	vor.u32 v16, v13;
	v15 =	vld.idx.msk [tilespmem:v15+s1+$0x0], vm1  }
0x61f: {  	v16 =	vor.u32 v4, v13;
	v18 =	vshll.u32 v17, $0x8;
	v19 =	vshll.u32 v17, $0x7  }
0x620: {  	v20 =	vor.u32 v3, v12;
	v18 =	vand.u32 $0x3800, v18;
	v14 =	vor.u32 v6, v14  }
0x621: {  	v21 =	vand.u32 $0x380, v19  }
0x622: {  	v18 =	vor.u32 v21, v18  }
0x623: {  	v17 =	vld.idx.msk [tilespmem:v17+s12+$0x0], $0xffff  }
0x624: {  	[tilespmem:v16+s22+$0x0] =	vst.idx.msk vm1, v15  }
0x625: {  	v14 =	vld.idx.msk [tilespmem:v14+s1+$0x0], $0xf  }
0x626: {  	v15 =	vld.idx.msk [tilespmem:v20+s28+$0x0], vm1;
	_ =	sdelay $0x2  }
0x627: {  	s3 =	sand.u32 $0x3800, s7  }
0x628: {  	s4 =	sand.u32 $0x300, s0;
	s14 =	sor.u32 $0xC300, s3  }
0x629: {  	s3 =	sadd.s32 s4, s14  }
0x62a: {  	v14 =	vsel vm2, v14, v15  }
0x62b: {  	[tilespmem:s3+$0x70] =	vst v14  }
0x62c: {  	v14 =	vld [tilespmem:s2+$0xFFFFFF88];
	_ =	sdelay $0x4  }
0x62d: {  	[tilespmem:s3+$0x400] =	vst v14  }
0x62e: {  	v14 =	vld [tilespmem:s2+$0xFFFFFF98];
	_ =	sdelay $0x4  }
0x62f: {  	[tilespmem:s3+$0x410] =	vst v14  }
0x630: {  	v14 =	vld [tilespmem:s2+$0xFFFFFFA8];
	_ =	sdelay $0x4  }
0x631: {  	[tilespmem:s3+$0x420] =	vst v14  }
0x632: {  	v14 =	vld [tilespmem:s2+$0xFFFFFFB8];
	_ =	sdelay $0x4  }
0x633: {  	[tilespmem:s3+$0x430] =	vst v14  }
0x634: {  	v12 =	vor.u32 v5, v12;
	v14 =	vld [tilespmem:s2+$0xFFFFFFC8];
	_ =	sdelay $0x4  }
0x635: {  	[tilespmem:s3+$0x440] =	vst v14  }
0x636: {  	v13 =	vor.u32 v7, v13;
	v14 =	vshll.u32 v17, $0x4;
	v12 =	vld.idx.msk [tilespmem:v12+s28+$0x0], $0xff  }
0x637: {  	v15 =	vor.u32 v8, v14;
	_ =	sdelay $0x4  }
0x638: {  	[tilespmem:v13+s22+$0x0] =	vst.idx.msk $0xff, v12  }
0x639: {  	v13 =	vor.u32 v9, v18;
	v12 =	vld.idx.msk [tilespmem:v15+s1+$0x0], vm3;
	_ =	sdelay $0x1  }
0x63a: {  	v14 =	vor.u32 v10, v14;
	v15 =	vor.u32 v8, v19;
	_ =	sdelay $0x3  }
0x63b: {  	[tilespmem:v13+s22+$0x0] =	vst.idx.msk vm3, v12  }
0x63c: {  	v12 =	vld.idx.msk [tilespmem:v14+s1+$0x0], $0xfff  }
0x63d: {  	v13 =	vld.idx.msk [tilespmem:v15+s28+$0x0], vm3;
	_ =	sdelay $0x1  }
0x63e: {  	s3 =	sadd.s32 $0x80, s0  }
0x63f: {  	s3 =	sand.u32 $0x380, s3  }
0x640: {  	s14 =	sadd.s32 s3, s14;
	_ =	sdelay $0x1  }
0x641: {  	v12 =	vsel vm4, v12, v13;
	v13 =	vor.u32 v11, v18  }
0x642: {  	[tilespmem:s14+$0x68] =	vst v12  }
0x643: {  	v12 =	vld [tilespmem:s2+$0x0];
	_ =	sdelay $0x4  }
0x644: {  	[tilespmem:v13+s22+$0x0] =	vst.idx.msk $0xffff, v12  }
0x645: {  	v12 =	vld [tilespmem:s2+$0x10];
	_ =	sdelay $0x4  }
0x646: {  	[tilespmem:s14+$0x408] =	vst v12  }
0x647: {  	v12 =	vld [tilespmem:s2+$0x20];
	_ =	sdelay $0x4  }
0x648: {  	[tilespmem:s14+$0x418] =	vst v12  }
0x649: {  	v12 =	vld [tilespmem:s2+$0x30];
	_ =	sdelay $0x4  }
0x64a: {  	[tilespmem:s14+$0x428] =	vst v12  }
0x64b: {  	v12 =	vld [tilespmem:s2+$0x40];
	_ =	sdelay $0x3  }
.Ltmp7:
0x64c: {  	(pc) =	sbr.rel @p0 .LBB2_16-.Ltmp7, $4  }
0x64d: {  	[tilespmem:s14+$0x438] =	vst v12  }
0x64e: {  	v15 =	vld [tilespmem:s2+$0x50]  }
0x64f: {  	v14 =	vmov s11  }
0x650: {  	s7 =	sadd.s32 $0x200, s7;
	s3 =	smov.u32 s13;
	v13 =	vshll.u32 v14, $0x8;
	v12 =	vshll.u32 v14, $0x7  }
0x651: {  	_ =	sdelay $0x2  }
0x652: {  	[tilespmem:s14+$0x448] =	vst v15  }
0x653: {  	v14 =	vld.idx.msk [tilespmem:v14+s12+$0x0], $0xffff;
	_ =	sdelay $0x4  }
0x654: {  	v14 =	vshll.u32 v14, $0x4  }
0x655: {  	v15 =	vor.u32 v3, v14;
	_ =	sdelay $0x2  }
0x656: {  	v13 =	vand.u32 $0x3800, v13;
	v16 =	vand.u32 $0x300, v12  }
0x657: {  	s3 =	sadd.s32 $0x1, s11;
	v13 =	vor.u32 v16, v13  }
0x658: {  	v17 =	vmov s3;
	v16 =	vor.u32 v4, v13;
	v15 =	vld.idx.msk [tilespmem:v15+s1+$0x0], vm1  }
0x659: {  	v14 =	vor.u32 v6, v14  }
0x65a: {  	v18 =	vor.u32 v3, v12;
	_ =	sdelay $0x2  }
0x65b: {  	v19 =	vld.idx.msk [tilespmem:v17+s12+$0x0], $0xffff;
	[tilespmem:v16+s22+$0x0] =	vst.idx.msk vm1, v15  }
0x65c: {  	v14 =	vld.idx.msk [tilespmem:v14+s1+$0x0], $0xf  }
0x65d: {  	v15 =	vld.idx.msk [tilespmem:v18+s28+$0x0], vm1;
	_ =	sdelay $0x2  }
0x65e: {  	s0 =	sadd.s32 $0x100, s0;
	s31 =	sand.u32 $0x3800, s7  }
0x65f: {  	s4 =	sand.u32 $0x300, s0;
	s3 =	sor.u32 $0xC300, s31  }
0x660: {  	s4 =	sadd.s32 s4, s3;
	v14 =	vsel vm2, v14, v15  }
0x661: {  	s2 =	sadd.s32 $0x100, s2;
	[tilespmem:s4+$0x70] =	vst v14  }
0x662: {  	v14 =	vld [tilespmem:s2+$0xFFFFFF88];
	_ =	sdelay $0x4  }
0x663: {  	[tilespmem:s4+$0x400] =	vst v14  }
0x664: {  	v14 =	vld [tilespmem:s2+$0xFFFFFF98];
	_ =	sdelay $0x4  }
0x665: {  	[tilespmem:s4+$0x410] =	vst v14  }
0x666: {  	v14 =	vld [tilespmem:s2+$0xFFFFFFA8];
	_ =	sdelay $0x4  }
0x667: {  	[tilespmem:s4+$0x420] =	vst v14  }
0x668: {  	v14 =	vld [tilespmem:s2+$0xFFFFFFB8];
	_ =	sdelay $0x4  }
0x669: {  	[tilespmem:s4+$0x430] =	vst v14  }
0x66a: {  	v14 =	vld [tilespmem:s2+$0xFFFFFFC8]  }
0x66b: {  	v12 =	vor.u32 v5, v12;
	_ =	sdelay $0x3  }
0x66c: {  	[tilespmem:s4+$0x440] =	vst v14  }
0x66d: {  	v13 =	vor.u32 v7, v13;
	v14 =	vshll.u32 v19, $0x4;
	v12 =	vld.idx.msk [tilespmem:v12+s28+$0x0], $0xff  }
0x66e: {  	v15 =	vor.u32 v8, v14;
	_ =	sdelay $0x1  }
0x66f: {  	v16 =	vshll.u32 v17, $0x8;
	v17 =	vshll.u32 v17, $0x7  }
0x670: {  	v16 =	vand.u32 $0x3800, v16;
	v60 =	vand.u32 $0x380, v17  }
0x671: {  	v16 =	vor.u32 v60, v16;
	[tilespmem:v13+s22+$0x0] =	vst.idx.msk $0xff, v12  }
0x672: {  	v13 =	vor.u32 v9, v16;
	v12 =	vld.idx.msk [tilespmem:v15+s1+$0x0], vm3  }
0x673: {  	v14 =	vor.u32 v10, v14  }
0x674: {  	v15 =	vor.u32 v8, v17;
	_ =	sdelay $0x2  }
0x675: {  	[tilespmem:v13+s22+$0x0] =	vst.idx.msk vm3, v12  }
0x676: {  	v12 =	vld.idx.msk [tilespmem:v14+s1+$0x0], $0xfff  }
0x677: {  	v13 =	vld.idx.msk [tilespmem:v15+s28+$0x0], vm3;
	_ =	sdelay $0x2  }
0x678: {  	s0 =	sadd.s32 $0x80, s0  }
0x679: {  	s0 =	sand.u32 $0x380, s0  }
0x67a: {  	s0 =	sadd.s32 s0, s3;
	v12 =	vsel vm4, v12, v13  }
0x67b: {  	[tilespmem:s0+$0x68] =	vst v12  }
0x67c: {  	v12 =	vor.u32 v11, v16;
	v13 =	vld [tilespmem:s2+$0x0];
	_ =	sdelay $0x4  }
0x67d: {  	[tilespmem:v12+s22+$0x0] =	vst.idx.msk $0xffff, v13  }
0x67e: {  	v12 =	vld [tilespmem:s2+$0x10];
	_ =	sdelay $0x4  }
0x67f: {  	[tilespmem:s0+$0x408] =	vst v12  }
0x680: {  	v12 =	vld [tilespmem:s2+$0x20];
	_ =	sdelay $0x4  }
0x681: {  	[tilespmem:s0+$0x418] =	vst v12  }
0x682: {  	v12 =	vld [tilespmem:s2+$0x30];
	_ =	sdelay $0x4  }
0x683: {  	[tilespmem:s0+$0x428] =	vst v12  }
0x684: {  	v12 =	vld [tilespmem:s2+$0x40];
	_ =	sdelay $0x4  }
0x685: {  	[tilespmem:s0+$0x438] =	vst v12  }
0x686: {  	v12 =	vld [tilespmem:s2+$0x50];
	_ =	sdelay $0x4  }
0x687: {  	s4 =	rddreg [dreg:$0x16];
	[tilespmem:s0+$0x448] =	vst v12;
	s0 =	simm.s32 $0x0  }
0x688: {  	[hbm4b:s4+s0] =	stream.linear.scatter [tilespmem:s22], [sflag:$0x9], $0x4000, $0x38;
	[tilespmem:$0x14700] =	vst v63  }
0x689: {  	_ =	swait.ge [sflag:s24], $0x2000  }
0x68a: {  	[sflag:s24] =	ssyncset.done $0x0  }
0x68b: {  	[sflag:s24] =	ssyncadd.s32 $0xFFFFE000  }
0x68c: {  	_ =	swait.ge [sflag:s24], $0x2000  }
0x68d: {  	v12 =	vmov s0;
	[sflag:s24] =	ssyncset.done $0x0  }
0x68e: {  	s7 =	simm.s32 $0x4;
	[sflag:s24] =	ssyncadd.s32 $0xFFFFE000  }
0x68f: {  	_ =	swait.ge [sflag:s7], $0x40  }
0x690: {  	[sflag:s7] =	ssyncset.done $0x0  }
0x691: {  	[sflag:s7] =	ssyncadd.s32 $0xFFFFFFC0  }
0x692: {  	v13 =	vld.idx.msk [tilespmem:v12+s16+$0x0], $0xffff;
	_ =	sdelay $0x4  }
0x693: {  	v13 =	vshll.u32 v13, $0x4  }
0x694: {  	v14 =	vor.u32 v3, v13;
	_ =	sdelay $0x1  }
0x695: {  	v15 =	vshll.u32 v12, $0x8;
	v12 =	vshll.u32 v12, $0x7  }
0x696: {  	v15 =	vand.u32 $0x3800, v15;
	v16 =	vand.u32 $0x300, v12  }
0x697: {  	s11 =	simm.s32 $0x1;
	v15 =	vor.u32 v16, v15  }
0x698: {  	v17 =	vmov s11;
	v16 =	vor.u32 v4, v15;
	v14 =	vld.idx.msk [tilespmem:v14+s1+$0x0], vm1  }
0x699: {  	v13 =	vor.u32 v6, v13  }
0x69a: {  	v61 =	vor.u32 v3, v12;
	_ =	sdelay $0x2  }
0x69b: {  	v62 =	vld.idx.msk [tilespmem:v17+s16+$0x0], $0xffff;
	[tilespmem:v16+s23+$0x0] =	vst.idx.msk vm1, v14  }
0x69c: {  	v13 =	vld.idx.msk [tilespmem:v13+s1+$0x0], $0xf  }
0x69d: {  	v14 =	vld.idx.msk [tilespmem:v61+s19+$0x0], vm1;
	_ =	sdelay $0x2  }
0x69e: {  	s13 =	sand.u32 $0x3800, s0  }
0x69f: {  	s14 =	sand.u32 $0x300, s0;
	s30 =	sor.u32 $0x10300, s13  }
0x6a0: {  	s3 =	sadd.s32 s14, s30;
	v13 =	vsel vm2, v13, v14  }
0x6a1: {  	s2 =	simm.s32 $0x2384;
	[tilespmem:s3+$0x70] =	vst v13  }
0x6a2: {  	v13 =	vld [tilespmem:s2+$0xFFFFFF88];
	_ =	sdelay $0x4  }
0x6a3: {  	[tilespmem:s3+$0x400] =	vst v13  }
0x6a4: {  	v13 =	vld [tilespmem:s2+$0xFFFFFF98];
	_ =	sdelay $0x4  }
0x6a5: {  	[tilespmem:s3+$0x410] =	vst v13  }
0x6a6: {  	v13 =	vld [tilespmem:s2+$0xFFFFFFA8];
	_ =	sdelay $0x4  }
0x6a7: {  	[tilespmem:s3+$0x420] =	vst v13  }
0x6a8: {  	v13 =	vld [tilespmem:s2+$0xFFFFFFB8];
	_ =	sdelay $0x4  }
0x6a9: {  	[tilespmem:s3+$0x430] =	vst v13  }
0x6aa: {  	v13 =	vld [tilespmem:s2+$0xFFFFFFC8]  }
0x6ab: {  	v12 =	vor.u32 v5, v12;
	_ =	sdelay $0x3  }
0x6ac: {  	[tilespmem:s3+$0x440] =	vst v13  }
0x6ad: {  	v14 =	vor.u32 v7, v15;
	v13 =	vshll.u32 v62, $0x4;
	v12 =	vld.idx.msk [tilespmem:v12+s19+$0x0], $0xff  }
0x6ae: {  	v15 =	vor.u32 v8, v13;
	_ =	sdelay $0x1  }
0x6af: {  	v16 =	vshll.u32 v17, $0x8;
	v17 =	vshll.u32 v17, $0x7  }
0x6b0: {  	v16 =	vand.u32 $0x3800, v16;
	v63 =	vand.u32 $0x380, v17  }
0x6b1: {  	v16 =	vor.u32 v63, v16;
	[tilespmem:v14+s23+$0x0] =	vst.idx.msk $0xff, v12  }
0x6b2: {  	v14 =	vor.u32 v9, v16;
	v12 =	vld.idx.msk [tilespmem:v15+s1+$0x0], vm3  }
0x6b3: {  	v13 =	vor.u32 v10, v13  }
0x6b4: {  	v15 =	vor.u32 v8, v17;
	_ =	sdelay $0x2  }
0x6b5: {  	[tilespmem:v14+s23+$0x0] =	vst.idx.msk vm3, v12  }
0x6b6: {  	v12 =	vld.idx.msk [tilespmem:v13+s1+$0x0], $0xfff  }
0x6b7: {  	v13 =	vld.idx.msk [tilespmem:v15+s19+$0x0], vm3;
	_ =	sdelay $0x2  }
0x6b8: {  	s31 =	simm.s32 $0x80  }
0x6b9: {  	s3 =	sand.u32 $0x380, s31  }
0x6ba: {  	s14 =	sadd.s32 s3, s30;
	v12 =	vsel vm4, v12, v13  }
0x6bb: {  	[tilespmem:s14+$0x68] =	vst v12  }
0x6bc: {  	v12 =	vor.u32 v11, v16;
	v13 =	vld [tilespmem:s2+$0x0];
	_ =	sdelay $0x4  }
0x6bd: {  	[tilespmem:v12+s23+$0x0] =	vst.idx.msk $0xffff, v13  }
0x6be: {  	v12 =	vld [tilespmem:s2+$0x10];
	_ =	sdelay $0x4  }
0x6bf: {  	[tilespmem:s14+$0x408] =	vst v12  }
0x6c0: {  	v12 =	vld [tilespmem:s2+$0x20];
	_ =	sdelay $0x4  }
0x6c1: {  	[tilespmem:s14+$0x418] =	vst v12  }
0x6c2: {  	v12 =	vld [tilespmem:s2+$0x30];
	_ =	sdelay $0x4  }
0x6c3: {  	[tilespmem:s14+$0x428] =	vst v12  }
0x6c4: {  	v12 =	vld [tilespmem:s2+$0x40];
	_ =	sdelay $0x4  }
0x6c5: {  	s11 =	simm.s32 $0x2;
	[tilespmem:s14+$0x438] =	vst v12  }
0x6c6: {  	v14 =	vmov s11;
	v15 =	vld [tilespmem:s2+$0x50]  }
0x6c7: {  	s7 =	simm.s32 $0x200;
	s3 =	simm.s32 $0x4;
	v13 =	vshll.u32 v14, $0x8;
	v12 =	vshll.u32 v14, $0x7  }
.LBB2_18:
0x6c8: {  	s0 =	sadd.s32 $0x100, s0  }
0x6c9: {  	s2 =	sadd.s32 $0x100, s2;
	s4 =	smov.u32 s3;
	s13 =	sadd.s32 $0x2, s3  }
0x6ca: {  	p0 =	sne.s32 s3, $0x3E  }
0x6cb: {  	[tilespmem:s14+$0x448] =	vst v15  }
0x6cc: {  	v14 =	vld.idx.msk [tilespmem:v14+s16+$0x0], $0xffff;
	_ =	sdelay $0x5  }
0x6cd: {  	v14 =	vshll.u32 v14, $0x4  }
0x6ce: {  	v15 =	vor.u32 v3, v14;
	_ =	sdelay $0x3  }
0x6cf: {  	s3 =	sadd.s32 $0x1, s11;
	v13 =	vand.u32 $0x3800, v13;
	v16 =	vand.u32 $0x300, v12;
	s11 =	smov.u32 s4  }
0x6d0: {  	v17 =	vmov s3;
	v13 =	vor.u32 v16, v13;
	v15 =	vld.idx.msk [tilespmem:v15+s1+$0x0], vm1  }
0x6d1: {  	v16 =	vor.u32 v4, v13;
	v18 =	vshll.u32 v17, $0x8;
	v19 =	vshll.u32 v17, $0x7  }
0x6d2: {  	v20 =	vor.u32 v3, v12;
	v18 =	vand.u32 $0x3800, v18;
	v14 =	vor.u32 v6, v14  }
0x6d3: {  	v21 =	vand.u32 $0x380, v19  }
0x6d4: {  	v18 =	vor.u32 v21, v18  }
0x6d5: {  	v17 =	vld.idx.msk [tilespmem:v17+s16+$0x0], $0xffff  }
0x6d6: {  	[tilespmem:v16+s23+$0x0] =	vst.idx.msk vm1, v15  }
0x6d7: {  	v14 =	vld.idx.msk [tilespmem:v14+s1+$0x0], $0xf  }
0x6d8: {  	v15 =	vld.idx.msk [tilespmem:v20+s19+$0x0], vm1;
	_ =	sdelay $0x2  }
0x6d9: {  	s3 =	sand.u32 $0x3800, s7  }
0x6da: {  	s4 =	sand.u32 $0x300, s0;
	s14 =	sor.u32 $0x10300, s3  }
0x6db: {  	s3 =	sadd.s32 s4, s14  }
0x6dc: {  	v14 =	vsel vm2, v14, v15  }
0x6dd: {  	[tilespmem:s3+$0x70] =	vst v14  }
0x6de: {  	v14 =	vld [tilespmem:s2+$0xFFFFFF88];
	_ =	sdelay $0x4  }
0x6df: {  	[tilespmem:s3+$0x400] =	vst v14  }
0x6e0: {  	v14 =	vld [tilespmem:s2+$0xFFFFFF98];
	_ =	sdelay $0x4  }
0x6e1: {  	[tilespmem:s3+$0x410] =	vst v14  }
0x6e2: {  	v14 =	vld [tilespmem:s2+$0xFFFFFFA8];
	_ =	sdelay $0x4  }
0x6e3: {  	[tilespmem:s3+$0x420] =	vst v14  }
0x6e4: {  	v14 =	vld [tilespmem:s2+$0xFFFFFFB8];
	_ =	sdelay $0x4  }
0x6e5: {  	[tilespmem:s3+$0x430] =	vst v14  }
0x6e6: {  	v12 =	vor.u32 v5, v12;
	v14 =	vld [tilespmem:s2+$0xFFFFFFC8];
	_ =	sdelay $0x4  }
0x6e7: {  	[tilespmem:s3+$0x440] =	vst v14  }
0x6e8: {  	v13 =	vor.u32 v7, v13;
	v14 =	vshll.u32 v17, $0x4;
	v12 =	vld.idx.msk [tilespmem:v12+s19+$0x0], $0xff  }
0x6e9: {  	v15 =	vor.u32 v8, v14;
	_ =	sdelay $0x4  }
0x6ea: {  	[tilespmem:v13+s23+$0x0] =	vst.idx.msk $0xff, v12  }
0x6eb: {  	v13 =	vor.u32 v9, v18;
	v12 =	vld.idx.msk [tilespmem:v15+s1+$0x0], vm3;
	_ =	sdelay $0x1  }
0x6ec: {  	v14 =	vor.u32 v10, v14;
	v15 =	vor.u32 v8, v19;
	_ =	sdelay $0x3  }
0x6ed: {  	[tilespmem:v13+s23+$0x0] =	vst.idx.msk vm3, v12  }
0x6ee: {  	v12 =	vld.idx.msk [tilespmem:v14+s1+$0x0], $0xfff  }
0x6ef: {  	v13 =	vld.idx.msk [tilespmem:v15+s19+$0x0], vm3;
	_ =	sdelay $0x1  }
0x6f0: {  	s3 =	sadd.s32 $0x80, s0  }
0x6f1: {  	s3 =	sand.u32 $0x380, s3  }
0x6f2: {  	s14 =	sadd.s32 s3, s14;
	_ =	sdelay $0x1  }
0x6f3: {  	v12 =	vsel vm4, v12, v13;
	v13 =	vor.u32 v11, v18  }
0x6f4: {  	[tilespmem:s14+$0x68] =	vst v12  }
0x6f5: {  	v12 =	vld [tilespmem:s2+$0x0];
	_ =	sdelay $0x4  }
0x6f6: {  	[tilespmem:v13+s23+$0x0] =	vst.idx.msk $0xffff, v12  }
0x6f7: {  	v12 =	vld [tilespmem:s2+$0x10];
	_ =	sdelay $0x4  }
0x6f8: {  	[tilespmem:s14+$0x408] =	vst v12  }
0x6f9: {  	v12 =	vld [tilespmem:s2+$0x20];
	_ =	sdelay $0x4  }
0x6fa: {  	[tilespmem:s14+$0x418] =	vst v12  }
0x6fb: {  	v12 =	vld [tilespmem:s2+$0x30];
	_ =	sdelay $0x4  }
0x6fc: {  	[tilespmem:s14+$0x428] =	vst v12  }
0x6fd: {  	v12 =	vld [tilespmem:s2+$0x40];
	_ =	sdelay $0x3  }
.Ltmp8:
0x6fe: {  	(pc) =	sbr.rel @p0 .LBB2_18-.Ltmp8, $4  }
0x6ff: {  	[tilespmem:s14+$0x438] =	vst v12  }
0x700: {  	v15 =	vld [tilespmem:s2+$0x50]  }
0x701: {  	v14 =	vmov s11  }
0x702: {  	s7 =	sadd.s32 $0x200, s7;
	s3 =	smov.u32 s13;
	v13 =	vshll.u32 v14, $0x8;
	v12 =	vshll.u32 v14, $0x7  }
0x703: {  	_ =	sdelay $0x2  }
0x704: {  	[tilespmem:s14+$0x448] =	vst v15  }
0x705: {  	v14 =	vld.idx.msk [tilespmem:v14+s16+$0x0], $0xffff;
	_ =	sdelay $0x4  }
0x706: {  	v14 =	vshll.u32 v14, $0x4  }
0x707: {  	v54 =	vor.u32 v3, v14;
	_ =	sdelay $0x2  }
0x708: {  	v13 =	vand.u32 $0x3800, v13;
	v16 =	vand.u32 $0x300, v12  }
0x709: {  	s3 =	sadd.s32 $0x1, s11;
	v13 =	vor.u32 v16, v13  }
0x70a: {  	v17 =	vmov s3;
	v16 =	vor.u32 v4, v13;
	v15 =	vld.idx.msk [tilespmem:v54+s1+$0x0], vm1  }
0x70b: {  	v14 =	vor.u32 v6, v14  }
0x70c: {  	v18 =	vor.u32 v3, v12;
	_ =	sdelay $0x2  }
0x70d: {  	v19 =	vld.idx.msk [tilespmem:v17+s16+$0x0], $0xffff;
	[tilespmem:v16+s23+$0x0] =	vst.idx.msk vm1, v15  }
0x70e: {  	v14 =	vld.idx.msk [tilespmem:v14+s1+$0x0], $0xf  }
0x70f: {  	v15 =	vld.idx.msk [tilespmem:v18+s19+$0x0], vm1;
	_ =	sdelay $0x2  }
0x710: {  	s0 =	sadd.s32 $0x100, s0;
	s11 =	sand.u32 $0x3800, s7  }
0x711: {  	s4 =	sand.u32 $0x300, s0;
	s3 =	sor.u32 $0x10300, s11  }
0x712: {  	s4 =	sadd.s32 s4, s3;
	v14 =	vsel vm2, v14, v15  }
0x713: {  	s2 =	sadd.s32 $0x100, s2;
	[tilespmem:s4+$0x70] =	vst v14  }
0x714: {  	v14 =	vld [tilespmem:s2+$0xFFFFFF88];
	_ =	sdelay $0x4  }
0x715: {  	[tilespmem:s4+$0x400] =	vst v14  }
0x716: {  	v14 =	vld [tilespmem:s2+$0xFFFFFF98];
	_ =	sdelay $0x4  }
0x717: {  	[tilespmem:s4+$0x410] =	vst v14  }
0x718: {  	v14 =	vld [tilespmem:s2+$0xFFFFFFA8];
	_ =	sdelay $0x4  }
0x719: {  	[tilespmem:s4+$0x420] =	vst v14  }
0x71a: {  	v14 =	vld [tilespmem:s2+$0xFFFFFFB8];
	_ =	sdelay $0x4  }
0x71b: {  	[tilespmem:s4+$0x430] =	vst v14  }
0x71c: {  	v14 =	vld [tilespmem:s2+$0xFFFFFFC8]  }
0x71d: {  	v55 =	vor.u32 v5, v12;
	_ =	sdelay $0x3  }
0x71e: {  	[tilespmem:s4+$0x440] =	vst v14  }
0x71f: {  	v13 =	vor.u32 v7, v13;
	v56 =	vshll.u32 v19, $0x4;
	v12 =	vld.idx.msk [tilespmem:v55+s19+$0x0], $0xff  }
0x720: {  	v57 =	vor.u32 v8, v56;
	_ =	sdelay $0x1  }
0x721: {  	v58 =	vshll.u32 v17, $0x8;
	v17 =	vshll.u32 v17, $0x7  }
0x722: {  	v59 =	vand.u32 $0x380, v17;
	v16 =	vand.u32 $0x3800, v58  }
0x723: {  	v16 =	vor.u32 v59, v16;
	[tilespmem:v13+s23+$0x0] =	vst.idx.msk $0xff, v12  }
0x724: {  	v60 =	vor.u32 v9, v16;
	v12 =	vld.idx.msk [tilespmem:v57+s1+$0x0], vm3  }
0x725: {  	v14 =	vor.u32 v10, v56  }
0x726: {  	v61 =	vor.u32 v8, v17;
	_ =	sdelay $0x2  }
0x727: {  	[tilespmem:v60+s23+$0x0] =	vst.idx.msk vm3, v12  }
0x728: {  	v12 =	vld.idx.msk [tilespmem:v14+s1+$0x0], $0xfff  }
0x729: {  	v13 =	vld.idx.msk [tilespmem:v61+s19+$0x0], vm3;
	_ =	sdelay $0x2  }
0x72a: {  	s0 =	sadd.s32 $0x80, s0  }
0x72b: {  	s0 =	sand.u32 $0x380, s0  }
0x72c: {  	s0 =	sadd.s32 s0, s3;
	v12 =	vsel vm4, v12, v13  }
0x72d: {  	[tilespmem:s0+$0x68] =	vst v12  }
0x72e: {  	v62 =	vor.u32 v11, v16;
	v63 =	vld [tilespmem:s2+$0x0];
	_ =	sdelay $0x4  }
0x72f: {  	[tilespmem:v62+s23+$0x0] =	vst.idx.msk $0xffff, v63  }
0x730: {  	v12 =	vld [tilespmem:s2+$0x10];
	_ =	sdelay $0x4  }
0x731: {  	[tilespmem:s0+$0x408] =	vst v12  }
0x732: {  	v12 =	vld [tilespmem:s2+$0x20];
	_ =	sdelay $0x4  }
0x733: {  	[tilespmem:s0+$0x418] =	vst v12  }
0x734: {  	v12 =	vld [tilespmem:s2+$0x30];
	_ =	sdelay $0x4  }
0x735: {  	[tilespmem:s0+$0x428] =	vst v12  }
0x736: {  	v12 =	vld [tilespmem:s2+$0x40];
	_ =	sdelay $0x4  }
0x737: {  	[tilespmem:s0+$0x438] =	vst v12  }
0x738: {  	v12 =	vld [tilespmem:s2+$0x50];
	_ =	sdelay $0x4  }
0x739: {  	s13 =	rddreg [dreg:$0x17];
	s14 =	simm.s32 $0x7;
	[tilespmem:s0+$0x448] =	vst v12  }
0x73a: {  	[hbm4b:s13+s5] =	stream.linear.scatter [tilespmem:s23], [sflag:$0xA], $0x4000, $0x38;
	[tilespmem:$0x14700] =	vst v63  }
0x73b: {  	_ =	swait.ge [sflag:s14], $0x4000  }
0x73c: {  	[sflag:s14] =	ssyncset.done $0x0  }
0x73d: {  	[sflag:s14] =	ssyncadd.s32 $0xFFFFC000  }
0x73e: {  	_ =	swait.ge [sflag:s15], $0x4000  }
0x73f: {  	[sflag:s15] =	ssyncset.done $0x0  }
0x740: {  	[sflag:s15] =	ssyncadd.s32 $0xFFFFC000  }
0x741: {  	_ =	swait.ge [sflag:s21], $0x4000  }
0x742: {  	[sflag:s21] =	ssyncset.done $0x0  }
0x743: {  	[sflag:s21] =	ssyncadd.s32 $0xFFFFC000  }
0x744: {  	_ =	swait.ge [sflag:s25], $0x4000  }
0x745: {  	s30 =	rddreg [dreg:$0x1c]  }
0x746: {  	s31 =	rddreg [dreg:$0x18];
	s2 =	sadd.s32 $0x1, s30  }
0x747: {  	p0 =	sne.s32 s2, s31  }
.Ltmp9:
0x748: {  	_ = 	snop;
	(pc) =	sbr.rel @p0 .LBB2_1-.Ltmp9, $3  }
0x749: {  	_ =	sdelay $0x1  }
0x74a: {  	[sflag:s25] =	ssyncset.done $0x0  }
0x74b: {  	[sflag:s25] =	ssyncadd.s32 $0xFFFFC000  }
0x74c: {  	_ =	sfence.sel $0x180000  }
0x74d: {  	[bflag:$0x0] =	sbarrier.arrive $0xFFFF  }
0x74e: {  	_ =	strace $0x90000047  }
0x74f: {  	s0 =	stileid.u32;
	[bflag:$0x2] =	sbarrier.arrive $0xFFFF  }
0x750: {  	p0 =	sne.s32 s0, $0x0;
	s0 =	rddreg [dreg:$0x2]  }
0x751: {  	s0 =	sadd.s32 @!p0 $0x100000, s0  }
0x752: {  	[sflag:s0] =	ssyncadd.tile.s32 @!p0 $0x1;
	_ =	shalt  }
.Lfunc_end2:
_tile_overlayer_lowered:
.L_overlay_start_2:
0x753: {  	(tag) =	ssettag $0x2  }
0x754: {  	s0 =	rddreg [dreg:$0x0];
	s2 =	stileid.u32  }
0x755: {  	s1 =	rddreg [dreg:$0x1];
	p0 =	sne.s32 s2, $0x0  }
0x756: {  	s3 =	rddreg [dreg:$0x2];
	[bflag:$0x3] =	sbarrier.arrive $0xFFFF;
	s2 =	simm.s32 @!p0 $0x1C0B  }
0x757: {  	[timem:s3], [sflag:s2] =	dma.local @!p0 [hbm:s0], s1  }
0x758: {  	s0 =	simm.s32 @!p0 $0xB  }
0x759: {  	_ =	swait.ge @!p0 [sflag:s0], s1  }
0x75a: {  	s1 =	ssub.s32 @!p0 $0x0, s1;
	[sflag:s0] =	ssyncset.done @!p0 $0x0  }
0x75b: {  	[sflag:s0] =	ssyncadd.s32 @!p0 s1  }
0x75c: {  	[bflag:$0x3] =	sbarrier.arrive $0xFFFF  }
0x75d: {  	_ =	shalt  }

// kernel: sparse-core-data-format-call.cloned.1.call-start
scs
called_computation_lowered:
.L_overlay_start_0:
0x0: {  	s2 =	sld [smem:$0x3FD9]  }
0x1: {  	s3 =	sld [smem:$0x3FFE];
	_ =	sdelay $0x1  }
0x2: {  	s1 =	srdreg.scid  }
0x3: {  	s0 =	sand.u32 $0x1, s1  }
0x4: {  	s18 =	sshll.u32 s0, $0xA;
	s2 =	sadd.s32 s3, s2  }
0x5: {  	s2 =	sadd.s32 s2, s18  }
0x6: {  	[smem:$0x3FC2] =	sst s2  }
0x7: {  	_ = 	snop  }
0x8: {  	s2 =	sld [smem:$0x3FD0];
	(tm) =	ssettm $0x1  }
0x9: {  	s19 =	sld [smem:$0x3FFB];
	_ =	sdelay $0x3  }
0xa: {  	_ =	strace s19  }
0xb: {  	s3 =	sld [smem:$0x3FFC];
	_ =	sdelay $0x3  }
0xc: {  	_ =	strace s3  }
0xd: {  	s3 =	sld [smem:$0x3FFD];
	_ =	sdelay $0x3  }
0xe: {  	_ =	strace s3  }
0xf: {  	_ =	strace $0x8FFFFFFF  }
0x10: {  	s20 =	sld [smem:$0x3FDB];
	_ =	sdelay $0x1  }
0x11: {  	s4 =	simm.s32 $_scs_section_size  }
0x12: {  	s5 =	simm.s32 $_size__tile_overlayer_lowered;
	s6 =	simm.s32 $_tile_overlayer_lowered  }
0x13: {  	s23 =	simm.s32 $0x1BFF;
	s22 =	sshll.u32 s6, $0x1;
	s3 =	sadd.s32 s4, s20  }
0x14: {  	s7 =	simm.s32 $0x0;
	s21 =	sshll.u32 s5, $0x1;
	s5 =	sadd.s32 s22, s3  }
0x15: {  	[timem:s7], [sflag:s23] =	dma.local [hbm:s5], s21  }
0x16: {  	_ =	swait.ge [sflag:s23], s21  }
0x17: {  	s4 =	ssub.s32 $0x0, s21;
	[sflag:s23] =	ssyncset.done $0x0  }
0x18: {  	[sflag:s23] =	ssyncadd.s32 s4;
	_ =	sdelay $0x1  }
0x19: {  	s24 =	simm.s32 $0x1B8B  }
0x1a: {  	_ =	swait.ge [sflag:s24], $0x1  }
0x1b: {  	[sflag:s24] =	ssyncset.done $0x0  }
0x1c: {  	s26 =	simm.s32 $0x1B8E;
	s25 =	sld [smem:$0x3FFE];
	[sflag:s24] =	ssyncadd.s32 $0xFFFFFFFF  }
0x1d: {  	s27 =	simm.s32 $execute0_lowered;
	[smem:$0x3FD2] =	sst s26  }
0x1e: {  	s5 =	sshll.u32 s27, $0x1;
	_ =	strace $0x80000049;
	[dreg:$0x1] =	wrdreg $0xFFFFFFFF  }
0x1f: {  	s28 =	simm.s32 $_size_execute0_lowered;
	s3 =	sadd.s32 s3, s5;
	[dreg:$0x0] =	wrdreg $0x0  }
0x20: {  	s5 =	sshll.u32 s28, $0x1;
	[dreg:$0x2] =	wrdreg s3  }
0x21: {  	[dreg:$0x3] =	wrdreg s5  }
0x22: {  	[dreg:$0x4] =	wrdreg $0xC0  }
0x23: {  	_ =	task [dreg:s7], $0x5FFFF  }
0x24: {  	[dreg:$0x1] =	wrdreg $0xFFFFFFFF  }
0x25: {  	[dreg:$0x0] =	wrdreg $0x60  }
0x26: {  	[dreg:$0x2] =	wrdreg s25  }
0x27: {  	[dreg:$0x3] =	wrdreg s2  }
0x28: {  	[dreg:$0x4] =	wrdreg $0x9  }
0x29: {  	_ =	task.clear_ibuf [dreg:s7], $0x5FFFF;
	_ =	strace $0x90000049  }
0x2a: {  	s29 =	simm.s32 $0x9;
	_ =	strace $0x8000004B  }
0x2b: {  	_ =	swait.ge [sflag:s29], $0x1  }
0x2c: {  	[sflag:s29] =	ssyncadd.s32 $0xFFFFFFFF  }
0x2d: {  	_ =	strace $0x9000004B  }
0x2e: {  	_ =	sfence  }
0x2f: {  	s30 =	sld [smem:$0x0];
	_ =	sdelay $0x2  }
0x30: {  	s31 =	sshll.u32 s1, $0xD;
	s1 =	sshrl.u32 s1, $0x2  }
0x31: {  	s3 =	sand.u32 $0x4000, s31;
	s1 =	sadd.s32 s1, s30  }
0x32: {  	s0 =	sor.u32 s3, s0;
	s1 =	sshll.u32 s1, $0x11  }
0x33: {  	s0 =	sor.u32 s1, s0  }
0x34: {  	s0 =	sadd.s32 $0x8F2B, s0  }
0x35: {  	[sflag:s0] =	ssyncadd.remote.s32 $0x1  }
0x36: {  	_ =	sfence.sel $0xFFFF  }
0x37: {  	[dreg:$0x0] =	wrdreg $0xFFFFFFFF;
	(pc) =	sbr.abs _section_cstart, $3  }
0x38: {  	[dreg:$0x1] =	wrdreg $0xFFFFFFFF  }
0x39: {  	_ =	task.clear_ibuf [dreg:s7], $0x2FFFF;
	_ =	strace $0x9FFFFFFF  }
0x3a: {  	(tm) =	ssettm $0x7FFFFFFF  }
0x3b: {  	_ =	shalt  }
tec
execute0_lowered:
.L_overlay_start_1:
0x0: {  	(tag) =	ssettag $0x1  }
0x1: {  	s0 =	srdreg.scid;
	s6 =	rddreg [dreg:$0x0]  }
0x2: {  	s3 =	rddreg [dreg:$0x1];
	s1 =	sshll.u32 s0, $0x4  }
0x3: {  	s5 =	simm.s32 $0x1;
	s0 =	stileid.u32;
	s1 =	sand.u32 $0x10, s1  }
0x4: {  	s31 =	simm.s32 $0x2;
	s16 =	simm.s32 $0x0;
	s1 =	sor.u32 s0, s1  }
0x5: {  	s8 =	simm.s32 $0x8000;
	s18 =	simm.s32 $0x0;
	s2 =	sshll.u32 s1, $0x7  }
0x6: {  	s17 =	simm.s32 $0x0;
	s9 =	simm.s32 $0x0;
	s4 =	ssub.s32 $0x1000, s2  }
0x7: {  	s10 =	simm.s32 $0x0;
	s11 =	simm.s32 $0x0;
	s30 =	sand.u32 $0xF80, s4  }
0x8: {  	s12 =	simm.s32 $0x0;
	s13 =	simm.s32 $0x0;
	p0 =	sne.s32 s30, $0x0  }
.Ltmp0:
0x9: {  	s7 =	sshrl.u32 s4, $0xC;
	s5 =	simm.s32 @!p0 $0x0;
	(pc) =	sbr.rel .LBB1_1-.Ltmp0, $4  }
0xa: {  	s15 =	simm.s32 $0x0;
	s1 =	rddreg [dreg:$0x2];
	s5 =	sadd.s32 s5, s7  }
0xb: {  	_ =	strace $0x8000004A;
	s4 =	simm.s32 $0x1;
	s5 =	smul.u32 $0x190, s5  }
0xc: {  	s6 =	sadd.s32 $0x359200, s6;
	s14 =	smov.u32 s2;
	[sflag:s4] =	ssyncpa.u1 $0x0  }
0xd: {  	[sflag:s31] =	ssyncpa.u1 $0x0;
	p0 =	por $0x0, $0x0;
	s7 =	sor.u32 $0x1, s5  }
.LBB1_4:
0xe: {  	s23 =	sshra.s32 s23, $0x2;
	s30 =	sshll.u32 s9, $0xC  }
0xf: {  	p1 =	sgt.s32 s10, $0xC7;
	s24 =	smov.u32 s10;
	s25 =	sshra.s32 s10, $0x1F  }
0x10: {  	s26 =	sshll.u32 s11, $0x3;
	s28 =	smov.u32 s11;
	s29 =	sshra.s32 s11, $0x1F  }
0x11: {  	s22 =	sadd.s32 s23, s22;
	s24 =	simm.s32 @!p1 $0xC7;
	s25 =	sand.u32 s25, s10  }
0x12: {  	s23 =	sand.u32 $0xFFFF8000, s30;
	s27 =	sand.u32 $0xFFFFFC00, s26;
	p1 =	sgt.s32 s9, $0x58  }
0x13: {  	s31 =	sand.u32 s29, s11;
	s29 =	sshll.u32 s9, $0x7;
	s30 =	sshra.s32 s9, $0x1F  }
0x14: {  	[tilespmem:s21+$0x2040 ss:$0x81] =	vst.msk $0xffff, v4;
	s24 =	ssub.s32 s24, s25;
	s23 =	sadd.s32 s27, s23;
	s27 =	smov.u32 s9  }
0x15: {  	[tilespmem:s21+$0x2850 ss:$0x81] =	vst.msk $0xffff, v3;
	s29 =	sand.u32 $0x380, s29;
	s25 =	sadd.s32 $0xFFFFFF39, s24;
	s27 =	simm.s32 @!p1 $0x58  }
0x16: {  	v5 =	vld [tilespmem:s20+$0xFFFFFFD0];
	[tilespmem:s21+$0x3060 ss:$0x81] =	vst.msk $0xffff, v2;
	p1 =	sgt.s32 s11, $0xF80;
	s23 =	sshrl.u32 s23, $0xC;
	s24 =	ssub.s32 $0xC8, s24  }
0x17: {  	v58 =	vld [tilespmem:s20+$0xFFFFFFE0];
	[tilespmem:s21+$0x0 ss:$0x81] =	vst.msk $0xffff, v1;
	s28 =	simm.s32 @!p1 $0xF80;
	p1 =	sgt.s32 s25, $0x0;
	s21 =	smulhi.u32 $0x12F684C, s23  }
0x18: {  	v59 =	vld [tilespmem:s20+$0xFFFFFFF0];
	s25 =	ssub.s32 s28, s31;
	s28 =	sand.u32 s30, s9;
	s24 =	simm.s32 @p1 $0x0  }
0x19: {  	v60 =	vld [tilespmem:s20+$0x0];
	s27 =	ssub.s32 s27, s28;
	s31 =	sadd.s32 $0xFFFFF080, s25;
	s25 =	ssub.s32 $0x1000, s25  }
0x1a: {  	v61 =	vld [tilespmem:s20+$0x10];
	[tilespmem:s22+$0x3870 ss:$0x81] =	vst.msk $0xffff, v0;
	s21 =	smul.u32 $0xD8, s21;
	s28 =	sand.u32 $0x7, s11;
	p1 =	sgt.s32 s31, $0x7F  }
0x1b: {  	v62 =	vld [tilespmem:s20+$0x20];
	[tilespmem:s22+$0x810 ss:$0x81] =	vst.msk $0xffff, v5;
	s30 =	sadd.s32 $0xFFFFFFA8, s27;
	s31 =	sand.u32 $0x78, s11;
	s25 =	simm.s32 @p1 $0x0  }
0x1c: {  	v63 =	vld [tilespmem:s20+$0xFFFFFFC0];
	[tilespmem:s22+$0x1020 ss:$0x81] =	vst.msk $0xffff, v58;
	p1 =	sgt.s32 s30, $0x7F;
	s30 =	sand.u32 $0xC00, s26;
	s24 =	smul.u32 s25, s24  }
0x1d: {  	[tilespmem:s22+$0x1830 ss:$0x81] =	vst.msk $0xffff, v59;
	s26 =	ssub.s32 $0xD8, s27;
	s20 =	sor.u32 s31, s30;
	s31 =	smul.u32 $0x1B000, s10  }
0x1e: {  	[tilespmem:s22+$0x2040 ss:$0x81] =	vst.msk $0xffff, v60;
	s21 =	ssub.s32 s23, s21;
	s26 =	simm.s32 @p1 $0x0;
	s20 =	sor.u32 s29, s20  }
0x1f: {  	[tilespmem:s22+$0x2850 ss:$0x81] =	vst.msk $0xffff, v61;
	s26 =	smul.u32 s26, s24;
	s20 =	sshrl.u32 s20, $0x3;
	s27 =	sadd.s32 s3, s31  }
0x20: {  	[tilespmem:s22+$0x3060 ss:$0x81] =	vst.msk $0xffff, v62;
	s21 =	sshll.u32 s21, $0x9;
	s29 =	sshll.u32 s28, $0x12;
	s20 =	sadd.s32 s20, s27  }
0x21: {  	[tilespmem:s22+$0x0 ss:$0x81] =	vst.msk $0xffff, v63;
	s31 =	sor.u32 $0x400, s29;
	s30 =	sand.u32 $0x3FFFFFFF, s26;
	s20 =	sadd.s32 s21, s20  }
0x22: {  	[hbm4b:s20+s31] =	stream.strided.scatter [tilespmem:s19], [sflag:$0x2], s30, s8, s31, $0x20;
	[tilespmem:$0x10100] =	vst v63  }
.LBB1_5:
0x23: {  	p1 =	slt.u32 s15, $0x2  }
0x24: {  	p2 =	sgt.s32 @!p1 s18, $0xC7  }
0x25: {  	s19 =	smov.u32 s18;
	s20 =	sshra.s32 @!p1 s18, $0x1F;
	p2 =	por !p2, p1  }
0x26: {  	s18 =	sand.u32 @!p1 s20, s18;
	s19 =	simm.s32 @p2 $0xC7  }
0x27: {  	p3 =	sgt.s32 @!p1 s16, $0x58;
	s18 =	ssub.s32 @!p1 s19, s18  }
0x28: {  	p4 =	sgt.s32 @!p1 s17, $0xF80;
	s21 =	sshra.s32 @!p1 s17, $0x1F;
	s19 =	sadd.s32 @!p1 $0xFFFFFF39, s18  }
0x29: {  	s20 =	smov.u32 s16;
	p2 =	sgt.s32 @!p1 s19, $0x0;
	s19 =	sshra.s32 @!p1 s16, $0x1F  }
0x2a: {  	p4 =	por !p4, p1;
	s16 =	sand.u32 @!p1 s19, s16;
	s19 =	smov.u32 s17  }
0x2b: {  	p3 =	por !p3, p1;
	s17 =	sand.u32 @!p1 s21, s17;
	s19 =	simm.s32 @p4 $0xF80  }
0x2c: {  	s20 =	simm.s32 @p3 $0x58;
	s18 =	ssub.s32 @!p1 $0xC8, s18;
	s17 =	ssub.s32 @!p1 s19, s17  }
0x2d: {  	p2 =	por !p2, p1;
	s16 =	ssub.s32 @!p1 s20, s16;
	s20 =	sadd.s32 @!p1 $0xFFFFF080, s17  }
0x2e: {  	s18 =	simm.s32 @!p2 $0x0;
	p3 =	sgt.s32 @!p1 s20, $0x7F  }
0x2f: {  	s19 =	sadd.s32 @!p1 $0xFFFFFFA8, s16;
	s17 =	ssub.s32 @!p1 $0x1000, s17;
	p3 =	por !p3, p1  }
0x30: {  	p2 =	sgt.s32 @!p1 s19, $0x7F;
	s19 =	sadd.s32 $0x80, s12;
	s17 =	simm.s32 @!p3 $0x0  }
0x31: {  	p3 =	sgt.s32 s19, $0xD7;
	s17 =	smul.u32 @!p1 s17, s18;
	s18 =	simm.s32 $0x1  }
0x32: {  	s16 =	ssub.s32 @!p1 $0xD8, s16;
	p2 =	por !p2, p1;
	s18 =	simm.s32 @!p3 $0x0  }
0x33: {  	s21 =	smov.u32 s14;
	s16 =	simm.s32 @!p2 $0x0;
	s20 =	sadd.s32 s18, s13  }
0x34: {  	s16 =	smul.u32 @!p1 s16, s17;
	s17 =	sadd.s32 $0x1000, s14;
	p2 =	sgt.s32 s20, $0xC7  }
0x35: {  	p0 =	por !p0, !p0;
	s22 =	simm.s32 @!p1 $0x2;
	s21 =	smov.u32 @p2 s17  }
0x36: {  	s19 =	simm.s32 @p3 $0x0;
	s20 =	simm.s32 @p2 $0x0;
	p2 =	sgt.s32 s21, $0xFFF  }
0x37: {  	s18 =	smov.u32 s10;
	s21 =	smov.u32 @p2 s2;
	p2 =	sne.s32 s15, s7  }
.Ltmp1:
0x38: {  	s10 =	smov.u32 s13;
	s16 =	sand.u32 @!p1 $0x3FFFFFFF, s16;
	(pc) =	sbr.rel @!p2 .LBB1_6-.Ltmp1, $4  }
0x39: {  	s17 =	smov.u32 s11;
	s11 =	smov.u32 s14;
	_ =	swait.ge @!p1 [sflag:s22], s16  }
0x3a: {  	s23 =	ssub.s32 @!p1 $0x0, s16;
	s16 =	smov.u32 s9;
	s9 =	smov.u32 s12  }
0x3b: {  	s12 =	smov.u32 s19;
	s13 =	smov.u32 s20;
	[sflag:s22] =	ssyncset.done @!p1 $0x0  }
0x3c: {  	s15 =	sadd.s32 $0x1, s15;
	[sflag:s22] =	ssyncadd.s32 @!p1 s23;
	s14 =	smov.u32 s21  }
.LBB1_1:
0x3d: {  	p1 =	sge.u32 s15, s5  }
0x3e: {  	s19 =	sshll.u32 @!p1 s13, $0x8;
	s20 =	sshll.u32 @!p1 s12, $0x3  }
0x3f: {  	s21 =	sshll.u32 @!p1 s13, $0x7;
	s19 =	sand.u32 @!p1 $0xFFFFF800, s19;
	s20 =	sand.u32 @!p1 $0xFFFFFC00, s20  }
0x40: {  	s19 =	sadd.s32 @!p1 s19, s20;
	s20 =	sand.u32 @!p1 $0x300, s21  }
0x41: {  	s19 =	sor.u32 @!p1 s20, s19  }
0x42: {  	s19 =	sshrl.u32 @!p1 s19, $0x8  }
0x43: {  	s31 =	sadd.s32 $0xFFFFFFFF, s15;
	s20 =	smulhi.u32 @!p1 $0x147AE15, s19  }
0x44: {  	s22 =	sxor.u32 @!p1 $0xFFFFFFFF, s15;
	s23 =	sand.u32 @!p1 $0x78, s12;
	s24 =	smul.u32 @!p1 $0x1900, s14  }
0x45: {  	s22 =	sshll.u32 @!p1 s22, $0xE;
	s21 =	sand.u32 @!p1 $0x80, s21;
	s20 =	smul.u32 @!p1 $0xC8, s20  }
0x46: {  	s22 =	sand.u32 @!p1 $0x4000, s22;
	s21 =	sor.u32 @!p1 s23, s21;
	s23 =	sand.u32 @!p1 $0x7, s12  }
0x47: {  	s19 =	ssub.s32 @!p1 s19, s20;
	s20 =	sshrl.u32 @!p1 s21, $0x3;
	s21 =	sadd.s32 @!p1 s6, s24  }
0x48: {  	s19 =	sshll.u32 @!p1 s19, $0x5;
	s20 =	sadd.s32 @!p1 s20, s21;
	s21 =	sshll.u32 @!p1 s23, $0x12  }
0x49: {  	s19 =	sadd.s32 @!p1 s19, s20;
	s20 =	sor.u32 @!p1 $0x80, s21;
	s21 =	simm.s32 @!p1 $0xC800  }
0x4a: {  	[tilespmem:s22], [sflag:$0x1] =	stream.strided.gather @!p1 [hbm4b:s19+s20], $0x4000, s21, s20, $0x38;
	[tilespmem:$0x10100] =	vst v63  }
0x4b: {  	p1 =	sge.u32 s31, s5  }
.Ltmp2:
0x4c: {  	_ = 	snop;
	(pc) =	sbr.rel @p1 .LBB1_5-.Ltmp2, $1  }
0x4d: {  	_ =	sdelay $0x3  }
0x4e: {  	s19 =	simm.s32 $0x1  }
0x4f: {  	_ =	swait.ge [sflag:s4], $0x4000;
	s19 =	simm.s32 @!p0 $0x0  }
0x50: {  	[sflag:s4] =	ssyncset.done $0x0;
	s20 =	sshll.u32 s19, $0xE  }
0x51: {  	[sflag:s4] =	ssyncadd.s32 $0xFFFFC000;
	s20 =	sor.u32 $0x40, s20  }
0x52: {  	s19 =	smul.u32 $0x10200, s19;
	v0 =	vld [tilespmem:s20+$0x30]  }
0x53: {  	v1 =	vld [tilespmem:s20+$0xFFFFFFD0]  }
0x54: {  	s19 =	sshrl.u32 s19, $0x2;
	v5 =	vld [tilespmem:s20+$0xFFFFFFE0]  }
0x55: {  	v6 =	vld [tilespmem:s20+$0xFFFFFFF0];
	s22 =	sor.u32 $0x8000, s19  }
0x56: {  	s31 =	sand.u32 $0x1, s15;
	v4 =	vld [tilespmem:s20+$0x0];
	s21 =	sadd.s32 $0x0, s22  }
0x57: {  	v3 =	vld [tilespmem:s20+$0x10];
	s19 =	smul.u32 $0x10200, s31;
	[tilespmem:s21+$0x3870 ss:$0x81] =	vst.msk $0xffff, v0  }
0x58: {  	v2 =	vld [tilespmem:s20+$0x20];
	[tilespmem:s21+$0x810 ss:$0x81] =	vst.msk $0xffff, v1  }
0x59: {  	s19 =	sshrl.u32 s19, $0x2;
	v1 =	vld [tilespmem:s20+$0xFFFFFFC0];
	[tilespmem:s21+$0x1020 ss:$0x81] =	vst.msk $0xffff, v5;
	s20 =	sadd.s32 $0x80, s20  }
0x5a: {  	s23 =	simm.s32 $0x4;
	s24 =	simm.s32 $0x8;
	s19 =	sor.u32 $0x8000, s19;
	[tilespmem:s21+$0x1830 ss:$0x81] =	vst.msk $0xffff, v6;
	v0 =	vld [tilespmem:s20+$0x30]  }
.LBB1_3:
0x5b: {  	p1 =	sne.s32 s24, $0x1FC;
	v5 =	vld [tilespmem:s20+$0xFFFFFFD0];
	[tilespmem:s21+$0x2040 ss:$0x81] =	vst.msk $0xffff, v4  }
0x5c: {  	v6 =	vld [tilespmem:s20+$0xFFFFFFE0];
	[tilespmem:s21+$0x2850 ss:$0x81] =	vst.msk $0xffff, v3  }
0x5d: {  	s25 =	sshra.s32 s23, $0x2;
	s23 =	smov.u32 s24;
	v7 =	vld [tilespmem:s20+$0xFFFFFFF0];
	[tilespmem:s21+$0x3060 ss:$0x81] =	vst.msk $0xffff, v2  }
.Ltmp3:
0x5e: {  	v4 =	vld [tilespmem:s20+$0x0];
	[tilespmem:s21+$0x0 ss:$0x81] =	vst.msk $0xffff, v1;
	s21 =	sadd.s32 s25, s22;
	(pc) =	sbr.rel @p1 .LBB1_3-.Ltmp3, $4  }
0x5f: {  	v3 =	vld [tilespmem:s20+$0x10];
	[tilespmem:s21+$0x3870 ss:$0x81] =	vst.msk $0xffff, v0  }
0x60: {  	[tilespmem:s21+$0x810 ss:$0x81] =	vst.msk $0xffff, v5;
	v2 =	vld [tilespmem:s20+$0x20]  }
0x61: {  	v1 =	vld [tilespmem:s20+$0xFFFFFFC0];
	[tilespmem:s21+$0x1020 ss:$0x81] =	vst.msk $0xffff, v6;
	s20 =	sadd.s32 $0x80, s20  }
0x62: {  	s24 =	sadd.s32 $0x4, s24;
	v0 =	vld [tilespmem:s20+$0x30];
	[tilespmem:s21+$0x1830 ss:$0x81] =	vst.msk $0xffff, v7  }
.Ltmp4:
0x63: {  	_ = 	snop;
	(pc) =	sbr.rel .LBB1_4-.Ltmp4, $1  }
0x64: {  	_ =	sdelay $0x3  }
.LBB1_6:
0x65: {  	_ =	sfence.sel $0x180000  }
0x66: {  	s2 =	simm.s32 $0x1;
	[bflag:$0x0] =	sbarrier.arrive $0xFFFF  }
0x67: {  	s31 =	simm.s32 $0x2;
	[sflag:s2] =	ssyncpa.u1 $0x1  }
0x68: {  	[sflag:s31] =	ssyncpa.u1 $0x1  }
0x69: {  	p0 =	sne.s32 s0, $0x0;
	_ =	strace $0x9000004A  }
0x6a: {  	s0 =	sadd.s32 @!p0 $0x100000, s1;
	[bflag:$0x2] =	sbarrier.arrive $0xFFFF  }
0x6b: {  	[sflag:s0] =	ssyncadd.tile.s32 @!p0 $0x1;
	_ =	shalt  }
.Lfunc_end1:
_tile_overlayer_lowered:
.L_overlay_start_2:
0x6c: {  	(tag) =	ssettag $0x2  }
0x6d: {  	s0 =	rddreg [dreg:$0x0];
	s2 =	stileid.u32  }
0x6e: {  	s1 =	rddreg [dreg:$0x1];
	p0 =	sne.s32 s2, $0x0  }
0x6f: {  	s3 =	rddreg [dreg:$0x2];
	[bflag:$0x3] =	sbarrier.arrive $0xFFFF;
	s2 =	simm.s32 @!p0 $0x1C01  }
0x70: {  	[timem:s3], [sflag:s2] =	dma.local @!p0 [hbm:s0], s1  }
0x71: {  	s0 =	simm.s32 @!p0 $0x1  }
0x72: {  	_ =	swait.ge @!p0 [sflag:s0], s1  }
0x73: {  	s1 =	ssub.s32 @!p0 $0x0, s1;
	[sflag:s0] =	ssyncset.done @!p0 $0x0  }
0x74: {  	[sflag:s0] =	ssyncadd.s32 @!p0 s1  }
0x75: {  	[bflag:$0x3] =	sbarrier.arrive $0xFFFF  }
0x76: {  	_ =	shalt  }

</sc_bundles>
